<compile_context>
chip_gen: v7x
topology: tpu7x:2x2x1
jax: 0.10.2.dev20260603
libtpu: 0.0.44.dev20260713+nightly
codegen_flags: <defaults>
</compile_context>

<pallas_src>
import functools

import jax
import jax.numpy as jnp
from jax import lax
from jax.experimental import pallas as pl
from jax.experimental.pallas import tpu as pltpu
from jax.experimental.pallas import tpu_sc as plsc

N = 10000
E = 160000
H = 256
B = 1024
R = 64
V = 50000
T = 4

NC = 2
NS = 16
NW = NC * NS

NP = 10240
TOK_PAD = NP * T
E_PAD = 163840
HH = H // 2
BLK = 1024

F32 = jnp.float32


def _dot_nt(a, b):
    return lax.dot_general(a, b, (((1,), (1,)), ((), ())),
                           preferred_element_type=F32)


def _dot_nn(a, b):
    return lax.dot_general(a, b, (((1,), (0,)), ((), ())),
                           preferred_element_type=F32)


@functools.lru_cache(maxsize=None)
def _mesh():
    return plsc.VectorSubcoreMesh(core_axis_name="c", subcore_axis_name="s",
                                  num_cores=NC, num_subcores=NS)


TCH = TOK_PAD // NW // 128


def _k1_body(tok_idx, wemb, nf_out, idx_v, buf_a, buf_b, nfb_a, nfb_b,
             semg_a, semg_b, semw_a, semw_b):
    wid = lax.axis_index("s") * NC + lax.axis_index("c")
    base = wid * (TOK_PAD // NW)
    nf_base = wid * 320
    pltpu.sync_copy(tok_idx.at[pl.ds(base, TOK_PAD // NW)], idx_v)

    def gather(c, buf, semg):
        pltpu.async_copy(wemb.at[idx_v.at[pl.ds(c * 128, 128)]], buf, semg)

    def compute(buf, nfb):
        def node(n, carry2):
            r = n * 4
            for l in range(H // 16):
                sl = pl.ds(l * 16, 16)
                acc = (buf[r, sl] + buf[r + 1, sl]) + (buf[r + 2, sl] + buf[r + 3, sl])
                nfb[n, sl] = acc * 0.25
            return carry2

        lax.fori_loop(0, 32, node, 0)

    gather(0, buf_a, semg_a)

    def pair(k, carry):
        c = k * 2
        gather(c + 1, buf_b, semg_b)
        pltpu.make_async_copy(wemb.at[idx_v.at[pl.ds(0, 128)]], buf_a, semg_a).wait()

        @pl.when(k > 0)
        def _():
            pltpu.make_async_copy(nfb_a, nf_out.at[pl.ds(0, 32)], semw_a).wait()
        compute(buf_a, nfb_a)
        pltpu.async_copy(nfb_a, nf_out.at[pl.ds(nf_base + c * 32, 32)], semw_a)

        @pl.when(c + 2 < TCH)
        def _():
            gather(c + 2, buf_a, semg_a)
        pltpu.make_async_copy(wemb.at[idx_v.at[pl.ds(0, 128)]], buf_b, semg_b).wait()

        @pl.when(k > 0)
        def _():
            pltpu.make_async_copy(nfb_b, nf_out.at[pl.ds(0, 32)], semw_b).wait()
        compute(buf_b, nfb_b)
        pltpu.async_copy(nfb_b, nf_out.at[pl.ds(nf_base + (c + 1) * 32, 32)], semw_b)
        return carry

    lax.fori_loop(0, TCH // 2, pair, 0)
    pltpu.make_async_copy(nfb_a, nf_out.at[pl.ds(0, 32)], semw_a).wait()
    pltpu.make_async_copy(nfb_b, nf_out.at[pl.ds(0, 32)], semw_b).wait()


@functools.lru_cache(maxsize=None)
def _k1_kernel():
    return pl.kernel(
        _k1_body,
        out_type=jax.ShapeDtypeStruct((NP, H), F32),
        mesh=_mesh(),
        scratch_types=[
            pltpu.VMEM((TOK_PAD // NW,), jnp.int32),
            pltpu.VMEM((128, H), F32),
            pltpu.VMEM((128, H), F32),
            pltpu.VMEM((32, H), F32),
            pltpu.VMEM((32, H), F32),
            pltpu.SemaphoreType.DMA,
            pltpu.SemaphoreType.DMA,
            pltpu.SemaphoreType.DMA,
            pltpu.SemaphoreType.DMA,
        ],
    )


def _k1_call(tok_idx, wemb):
    return _k1_kernel()(tok_idx, wemb)


def _k2_body(nf_in, wmsg, wh, bh, x1a_o, x1b_o, gh_o):
    nf = nf_in[...]
    x1 = _dot_nn(nf, wmsg[...])
    x1a_o[...] = x1[:, :HH]
    x1b_o[...] = x1[:, HH:]
    gh_o[...] = _dot_nt(nf, wh[...]) + bh[...]


def _k2_call(nf, W_msg, Wh, bh_row):
    grid = (NP // BLK,)
    return pl.pallas_call(
        _k2_body,
        grid=grid,
        in_specs=[
            pl.BlockSpec((BLK, H), lambda i: (i, 0)),
            pl.BlockSpec((H, H), lambda i: (0, 0)),
            pl.BlockSpec((3 * H, H), lambda i: (0, 0)),
            pl.BlockSpec((1, 3 * H), lambda i: (0, 0)),
        ],
        out_specs=[
            pl.BlockSpec((BLK, HH), lambda i: (i, 0)),
            pl.BlockSpec((BLK, HH), lambda i: (i, 0)),
            pl.BlockSpec((BLK, 3 * H), lambda i: (i, 0)),
        ],
        out_shape=[
            jax.ShapeDtypeStruct((NP, HH), F32),
            jax.ShapeDtypeStruct((NP, HH), F32),
            jax.ShapeDtypeStruct((NP, 3 * H), F32),
        ],
    )(nf, W_msg, Wh, bh_row)


CH_W = (E_PAD // NS) // 128


SLAB = NP + 128
ROWS_Z = SLAB // NS
ROWS_W = NP // NS


def _k3_body(src2, dst2, x1a, x1b, zrows, agg_a, agg_b,
             idx_s, idx_d, ib0, rows0, semg, sems, shared):
    cid = lax.axis_index("c")
    sid = lax.axis_index("s")

    row_base = sid * CH_W
    pltpu.sync_copy(src2.at[pl.ds(row_base, CH_W)], idx_s)
    pltpu.sync_copy(dst2.at[pl.ds(row_base, CH_W)], idx_d)
    pltpu.sync_copy(zrows, shared.at[pl.ds(sid * ROWS_Z, ROWS_Z)])
    plsc.subcore_barrier()

    def run(table, out_ref):
        def step(j, carry):
            @pl.when(j > 0)
            def _():
                pltpu.make_async_copy(rows0, shared.at[ib0], sems).wait()
            for l in range(8):
                ib0[pl.ds(l * 16, 16)] = idx_d[j, pl.ds(l * 16, 16)]
            pltpu.async_copy(table.at[idx_s.at[j]], rows0, semg).wait()
            pltpu.async_copy(rows0, shared.at[ib0], sems, add=True)
            return carry

        lax.fori_loop(0, CH_W, step, 0)
        pltpu.make_async_copy(rows0, shared.at[ib0], sems).wait()
        plsc.subcore_barrier()
        pltpu.sync_copy(shared.at[pl.ds(sid * ROWS_W, ROWS_W)],
                        out_ref.at[pl.ds(sid * ROWS_W, ROWS_W)])

    @pl.when(cid == 0)
    def _():
        run(x1a, agg_a)

    @pl.when(cid == 1)
    def _():
        run(x1b, agg_b)


@functools.lru_cache(maxsize=None)
def _k3_kernel():
    return pl.kernel(
        _k3_body,
        out_type=[
            jax.ShapeDtypeStruct((NP, HH), F32),
            jax.ShapeDtypeStruct((NP, HH), F32),
        ],
        mesh=_mesh(),
        scratch_types=[
            pltpu.VMEM((CH_W, 128), jnp.int32),
            pltpu.VMEM((CH_W, 128), jnp.int32),
            pltpu.VMEM((128,), jnp.int32),
            pltpu.VMEM((128, HH), F32),
            pltpu.SemaphoreType.DMA,
            pltpu.SemaphoreType.DMA,
            pltpu.VMEM_SHARED((SLAB, HH), F32),
        ],
    )


def _k3_call(src2, dst2, x1a, x1b, zrows):
    return _k3_kernel()(src2, dst2, x1a, x1b, zrows)


def _k4_body(agg_a, agg_b, gh, nf, wi, bi, h_o, sums_o):
    i = pl.program_id(0)
    agg = jnp.concatenate([agg_a[...], agg_b[...]], axis=1)
    gi = _dot_nt(agg, wi[...]) + bi[...]
    ghv = gh[...]
    r = jax.nn.sigmoid(gi[:, 0:H] + ghv[:, 0:H])
    z = jax.nn.sigmoid(gi[:, H:2 * H] + ghv[:, H:2 * H])
    n = jnp.tanh(gi[:, 2 * H:] + r * ghv[:, 2 * H:])
    h = (1.0 - z) * n + z * nf[...]
    h_o[...] = h
    row = lax.broadcasted_iota(jnp.int32, (BLK, 1), 0) + i * BLK
    hm = jnp.where(row < N, h, 0.0)
    s = jnp.sum(hm, axis=0, keepdims=True)
    ss = jnp.sum(hm * hm, axis=0, keepdims=True)
    pack = jnp.concatenate([s, ss, jnp.zeros((6, H), dtype=F32)], axis=0)

    @pl.when(i == 0)
    def _():
        sums_o[...] = pack

    @pl.when(i > 0)
    def _():
        sums_o[...] = sums_o[...] + pack


def _k4_call(agg_a, agg_b, gh, nf, Wi, bi_row):
    grid = (NP // BLK,)
    return pl.pallas_call(
        _k4_body,
        grid=grid,
        in_specs=[
            pl.BlockSpec((BLK, HH), lambda i: (i, 0)),
            pl.BlockSpec((BLK, HH), lambda i: (i, 0)),
            pl.BlockSpec((BLK, 3 * H), lambda i: (i, 0)),
            pl.BlockSpec((BLK, H), lambda i: (i, 0)),
            pl.BlockSpec((3 * H, H), lambda i: (0, 0)),
            pl.BlockSpec((1, 3 * H), lambda i: (0, 0)),
        ],
        out_specs=[
            pl.BlockSpec((BLK, H), lambda i: (i, 0)),
            pl.BlockSpec((8, H), lambda i: (0, 0)),
        ],
        out_shape=[
            jax.ShapeDtypeStruct((NP, H), F32),
            jax.ShapeDtypeStruct((8, H), F32),
        ],
    )(agg_a, agg_b, gh, nf, Wi, bi_row)


def _k5_body(e1_idx, rel_idx, h, rel_emb, he, re, idx_v, rows_v, sem):
    wid = lax.axis_index("s") * NC + lax.axis_index("c")
    per = B // NW
    base = wid * per
    pltpu.sync_copy(e1_idx.at[pl.ds(base, per)], idx_v)
    pltpu.async_copy(h.at[idx_v], rows_v, sem).wait()
    pltpu.sync_copy(rows_v, he.at[pl.ds(base, per)])
    pltpu.sync_copy(rel_idx.at[pl.ds(base, per)], idx_v)
    pltpu.async_copy(rel_emb.at[idx_v], rows_v, sem).wait()
    pltpu.sync_copy(rows_v, re.at[pl.ds(base, per)])


@functools.lru_cache(maxsize=None)
def _k5_kernel():
    return pl.kernel(
        _k5_body,
        out_type=[
            jax.ShapeDtypeStruct((B, H), F32),
            jax.ShapeDtypeStruct((B, H), F32),
        ],
        mesh=_mesh(),
        scratch_types=[
            pltpu.VMEM((B // NW,), jnp.int32),
            pltpu.VMEM((B // NW, H), F32),
            pltpu.SemaphoreType.DMA,
        ],
    )


def _k5_call(e1_idx, rel_idx, h, rel_emb):
    return _k5_kernel()(e1_idx, rel_idx, h, rel_emb)


def _k6_body(he, re, sums, gamma, beta, h, e2, logits_o, loss_o):
    i = pl.program_id(0)
    ng = pl.num_programs(0)
    inv_n = 1.0 / N
    mean = sums[0:1, :] * inv_n
    var = sums[1:2, :] * inv_n - mean * mean
    sc = lax.rsqrt(var + 1e-5) * gamma[...]
    q = ((he[...] - mean) * sc + beta[...]) * re[...]
    hb = (h[...] - mean) * sc + beta[...]
    lg = jax.nn.sigmoid(_dot_nt(q, hb))
    logits_o[...] = lg
    p = jnp.clip(lg, 1e-7, 1.0 - 1e-7)
    e2v = e2[...]
    col = lax.broadcasted_iota(jnp.int32, (1, BLK), 1) + i * BLK
    term = e2v * jnp.log(p) + (1.0 - e2v) * jnp.log(1.0 - p)
    part = jnp.sum(jnp.where(col < N, term, 0.0))

    @pl.when(i == 0)
    def _():
        loss_o[0, 0] = part

    @pl.when(i > 0)
    def _():
        loss_o[0, 0] = loss_o[0, 0] + part

    @pl.when(i == ng - 1)
    def _():
        loss_o[0, 0] = loss_o[0, 0] * (-1.0 / (B * N))


def _k6_call(he, re, sums, gamma_row, beta_row, h, e2_pad):
    grid = (NP // BLK,)
    return pl.pallas_call(
        _k6_body,
        grid=grid,
        in_specs=[
            pl.BlockSpec((B, H), lambda i: (0, 0)),
            pl.BlockSpec((B, H), lambda i: (0, 0)),
            pl.BlockSpec((8, H), lambda i: (0, 0)),
            pl.BlockSpec((1, H), lambda i: (0, 0)),
            pl.BlockSpec((1, H), lambda i: (0, 0)),
            pl.BlockSpec((BLK, H), lambda i: (i, 0)),
            pl.BlockSpec((B, BLK), lambda i: (0, i)),
        ],
        out_specs=[
            pl.BlockSpec((B, BLK), lambda i: (0, i)),
            pl.BlockSpec(memory_space=pltpu.SMEM),
        ],
        out_shape=[
            jax.ShapeDtypeStruct((B, NP), F32),
            jax.ShapeDtypeStruct((1, 1), F32),
        ],
    )(he, re, sums, gamma_row, beta_row, h, e2_pad)


def kernel(node_token_idx, edge_index, e1, rel, e2_multi, word_emb,
           W_msg, Wi, Wh, bi, bh, bn_gamma, bn_beta, rel_emb):
    tok_flat = jnp.concatenate(
        [node_token_idx.reshape(-1),
         jnp.zeros((TOK_PAD - N * T,), jnp.int32)])
    src2 = jnp.concatenate(
        [edge_index[0], jnp.zeros((E_PAD - E,), jnp.int32)]).reshape(-1, 128)
    dst2 = jnp.concatenate(
        [edge_index[1], jnp.full((E_PAD - E,), NP, jnp.int32)]).reshape(-1, 128)

    nf = _k1_call(tok_flat, word_emb)

    x1a, x1b, gh = _k2_call(nf, W_msg, Wh, bh.reshape(1, 3 * H))

    zrows = jnp.zeros((ROWS_Z, HH), F32)
    agg_a, agg_b = _k3_call(src2, dst2, x1a, x1b, zrows)

    h, sums = _k4_call(agg_a, agg_b, gh, nf, Wi, bi.reshape(1, 3 * H))

    he, re = _k5_call(e1[:, 0], rel[:, 0], h, rel_emb)

    logits_pad, loss = _k6_call(he, re, sums, bn_gamma.reshape(1, H),
                                bn_beta.reshape(1, H), h, e2_multi)
    return logits_pad[:, :N], loss[0, 0]

# --- scband reference (transcript-rebuilt; emitter-appended) ---
"""Pipeline reference for scband-graph2-dist-mult-66022237274477 (READ-ONLY COPY).

The authoritative reference and input builder live on the scoring server;
editing this copy changes nothing except your own understanding.
"""

import jax, jax.numpy as jnp
import numpy as np

N = 10000
E = 160000
H = 256
B = 1024
R = 64
V = 50000
T = 4

def setup_inputs(seed: int = 0):
    key = jax.random.key(seed)
    ks = jax.random.split(key, 16)
    node_token_idx = jax.random.randint(ks[0], (N, T), 0, V)
    edge_index = jax.random.randint(ks[1], (2, E), 0, N)
    e1 = jax.random.randint(ks[2], (B, 1), 0, N)
    rel = jax.random.randint(ks[3], (B, 1), 0, R)
    e2_multi = (jax.random.uniform(ks[4], (B, N)) < 0.01).astype(jnp.float32)
    word_emb = jax.random.normal(ks[5], (V, H), dtype=jnp.float32) * 0.02
    W_msg = jax.random.normal(ks[6], (H, H), dtype=jnp.float32) / np.sqrt(H)
    Wi = jax.random.normal(ks[7], (3 * H, H), dtype=jnp.float32) / np.sqrt(H)
    Wh = jax.random.normal(ks[8], (3 * H, H), dtype=jnp.float32) / np.sqrt(H)
    bi = jnp.zeros((3 * H,), dtype=jnp.float32)
    bh = jnp.zeros((3 * H,), dtype=jnp.float32)
    bn_gamma = jnp.ones((H,), dtype=jnp.float32)
    bn_beta = jnp.zeros((H,), dtype=jnp.float32)
    rel_emb = jax.random.normal(ks[9], (R, H), dtype=jnp.float32) * 0.02
    return {"node_token_idx": node_token_idx, "edge_index": edge_index, "e1": e1, "rel": rel,
            "e2_multi": e2_multi, "word_emb": word_emb, "W_msg": W_msg, "Wi": Wi, "Wh": Wh,
            "bi": bi, "bh": bh, "bn_gamma": bn_gamma, "bn_beta": bn_beta, "rel_emb": rel_emb}

def reference(node_token_idx, edge_index, e1, rel, e2_multi, word_emb, W_msg, Wi, Wh, bi, bh, bn_gamma, bn_beta, rel_emb):
    # EmbeddingConstruction (w2v + mean over node tokens)
    node_feat = jnp.take(word_emb, node_token_idx, axis=0).mean(axis=1)  # [N, H]
    # GGNN, 1 layer, uni-direction: scatter-add message passing + GRU cell update
    src = edge_index[0]
    dst = edge_index[1]
    msg = jnp.take(node_feat, src, axis=0) @ W_msg  # [E, H]
    agg = jnp.zeros_like(node_feat).at[dst].add(msg)  # [N, H]
    gi = agg @ Wi.T + bi
    gh = node_feat @ Wh.T + bh
    i_r, i_z, i_n = jnp.split(gi, 3, axis=1)
    h_r, h_z, h_n = jnp.split(gh, 3, axis=1)
    r = jax.nn.sigmoid(i_r + h_r)
    z = jax.nn.sigmoid(i_z + h_z)
    n = jnp.tanh(i_n + r * h_n)
    h = (1.0 - z) * n + z * node_feat  # [N, H]
    # BatchNorm1d (training-mode batch statistics over the node dimension)
    mean = h.mean(axis=0)
    var = h.var(axis=0)
    h_bn = (h - mean) / jnp.sqrt(var + 1e-5) * bn_gamma + bn_beta
    # DistMult (rel_emb_from_gnn=False): score each (e1, rel) pair against all entities
    e1_emb = jnp.take(h_bn, e1[:, 0], axis=0)  # [B, H]
    r_emb = jnp.take(rel_emb, rel[:, 0], axis=0)  # [B, H]
    logits = jax.nn.sigmoid((e1_emb * r_emb) @ h_bn.T)  # [B, N]
    # BCELoss
    p = jnp.clip(logits, 1e-7, 1.0 - 1e-7)
    loss = -jnp.mean(e2_multi * jnp.log(p) + (1.0 - e2_multi) * jnp.log(1.0 - p))
    return logits, loss

if __name__ == "__main__":
    import jax
    _d = setup_inputs()
    print(jax.jit(kernel)(*tuple(_d.values())))

</pallas_src>

<mosaic_0001>
#map = affine_map<(d0, d1) -> (0, 0)>
module attributes {stable_mosaic.version = 14 : i64} {
  func.func @_k3_body(%arg0: i32, %arg1: i32, %arg2: memref<1280x128xi32, #tpu.memory_space<hbm>>, %arg3: memref<1280x128xi32, #tpu.memory_space<hbm>>, %arg4: memref<10240x128xf32, #tpu.memory_space<hbm>>, %arg5: memref<10240x128xf32, #tpu.memory_space<hbm>>, %arg6: memref<648x128xf32, #tpu.memory_space<hbm>>, %arg7: memref<10240x128xf32, #tpu.memory_space<hbm>>, %arg8: memref<10240x128xf32, #tpu.memory_space<hbm>>, %arg9: memref<80x128xi32, #tpu.memory_space<vmem>>, %arg10: memref<80x128xi32, #tpu.memory_space<vmem>>, %arg11: memref<128xi32, #tpu.memory_space<vmem>>, %arg12: memref<128x128xf32, #tpu.memory_space<vmem>>, %arg13: memref<!tpu.dma_semaphore, #tpu.memory_space<semaphore_mem>>, %arg14: memref<!tpu.dma_semaphore, #tpu.memory_space<semaphore_mem>>, %arg15: memref<10368x128xf32, #tpu.memory_space<vmem_shared>>) attributes {dimension_semantics = [#tpu.dimension_semantics<core_parallel>, #tpu.dimension_semantics<subcore_parallel>], iteration_bounds = array<i64: 2, 16>, scalar_prefetch = 0 : i64, scratch_operands = 7 : i64, tpu.core_type = #tpu.core_type<sc_vector_subcore>, window_params = [{transform_indices = #map}, {transform_indices = #map}, {transform_indices = #map}, {transform_indices = #map}, {transform_indices = #map}, {transform_indices = #map}, {transform_indices = #map}]} {
    %mul3A = arith.constant 80 : i32
    %mul3A_0 = arith.muli %arg1, %mul3A : i32
    "tpu.region"() ({
      %run_scoped3A = tpu.sem_alloc : memref<!tpu.dma_semaphore, #tpu.memory_space<semaphore_mem>>
      %dma_start3A = arith.constant 0 : i32
      %dma_start3A_10 = tpu.memref_slice %arg2[%mul3A_0, %dma_start3A] : memref<1280x128xi32, #tpu.memory_space<hbm>> -> memref<80x128xi32, #tpu.memory_space<hbm>>
      %dma_start3A_11 = arith.constant 0 : i32
      %dma_start3A_12 = tpu.memref_slice %arg2[%mul3A_0, %dma_start3A_11] : memref<1280x128xi32, #tpu.memory_space<hbm>> -> memref<80x128xi32, #tpu.memory_space<hbm>>
      tpu.enqueue_dma source(%dma_start3A_12 : memref<80x128xi32, #tpu.memory_space<hbm>>) target(%arg9 : memref<80x128xi32, #tpu.memory_space<vmem>>) target_semaphore(%run_scoped3A : memref<!tpu.dma_semaphore, #tpu.memory_space<semaphore_mem>>)
      %dma_wait3A = arith.constant 0 : i32
      %dma_wait3A_13 = tpu.memref_slice %arg2[%mul3A_0, %dma_wait3A] : memref<1280x128xi32, #tpu.memory_space<hbm>> -> memref<80x128xi32, #tpu.memory_space<hbm>>
      %dma_wait3A_14 = arith.constant 0 : i32
      %dma_wait3A_15 = tpu.memref_slice %arg2[%mul3A_0, %dma_wait3A_14] : memref<1280x128xi32, #tpu.memory_space<hbm>> -> memref<80x128xi32, #tpu.memory_space<hbm>>
      tpu.wait_dma2 semaphore(%run_scoped3A : memref<!tpu.dma_semaphore, #tpu.memory_space<semaphore_mem>>) src(%dma_wait3A_15 : memref<80x128xi32, #tpu.memory_space<hbm>>) dst(%arg9 : memref<80x128xi32, #tpu.memory_space<vmem>>)
      tpu.yield
    }) : () -> ()
    "tpu.region"() ({
      %run_scoped3A = tpu.sem_alloc : memref<!tpu.dma_semaphore, #tpu.memory_space<semaphore_mem>>
      %dma_start3A = arith.constant 0 : i32
      %dma_start3A_10 = tpu.memref_slice %arg3[%mul3A_0, %dma_start3A] : memref<1280x128xi32, #tpu.memory_space<hbm>> -> memref<80x128xi32, #tpu.memory_space<hbm>>
      %dma_start3A_11 = arith.constant 0 : i32
      %dma_start3A_12 = tpu.memref_slice %arg3[%mul3A_0, %dma_start3A_11] : memref<1280x128xi32, #tpu.memory_space<hbm>> -> memref<80x128xi32, #tpu.memory_space<hbm>>
      tpu.enqueue_dma source(%dma_start3A_12 : memref<80x128xi32, #tpu.memory_space<hbm>>) target(%arg10 : memref<80x128xi32, #tpu.memory_space<vmem>>) target_semaphore(%run_scoped3A : memref<!tpu.dma_semaphore, #tpu.memory_space<semaphore_mem>>)
      %dma_wait3A = arith.constant 0 : i32
      %dma_wait3A_13 = tpu.memref_slice %arg3[%mul3A_0, %dma_wait3A] : memref<1280x128xi32, #tpu.memory_space<hbm>> -> memref<80x128xi32, #tpu.memory_space<hbm>>
      %dma_wait3A_14 = arith.constant 0 : i32
      %dma_wait3A_15 = tpu.memref_slice %arg3[%mul3A_0, %dma_wait3A_14] : memref<1280x128xi32, #tpu.memory_space<hbm>> -> memref<80x128xi32, #tpu.memory_space<hbm>>
      tpu.wait_dma2 semaphore(%run_scoped3A : memref<!tpu.dma_semaphore, #tpu.memory_space<semaphore_mem>>) src(%dma_wait3A_15 : memref<80x128xi32, #tpu.memory_space<hbm>>) dst(%arg10 : memref<80x128xi32, #tpu.memory_space<vmem>>)
      tpu.yield
    }) : () -> ()
    %mul3A_1 = arith.constant 648 : i32
    %mul3A_2 = arith.muli %arg1, %mul3A_1 : i32
    "tpu.region"() ({
      %run_scoped3A = tpu.sem_alloc : memref<!tpu.dma_semaphore, #tpu.memory_space<semaphore_mem>>
      %dma_start3A = arith.constant 0 : i32
      %dma_start3A_10 = tpu.memref_slice %arg15[%mul3A_2, %dma_start3A] : memref<10368x128xf32, #tpu.memory_space<vmem_shared>> -> memref<648x128xf32, #tpu.memory_space<vmem_shared>>
      tpu.enqueue_dma source(%arg6 : memref<648x128xf32, #tpu.memory_space<hbm>>) target(%dma_start3A_10 : memref<648x128xf32, #tpu.memory_space<vmem_shared>>) target_semaphore(%run_scoped3A : memref<!tpu.dma_semaphore, #tpu.memory_space<semaphore_mem>>)
      %dma_wait3A = arith.constant 0 : i32
      %dma_wait3A_11 = tpu.memref_slice %arg15[%mul3A_2, %dma_wait3A] : memref<10368x128xf32, #tpu.memory_space<vmem_shared>> -> memref<648x128xf32, #tpu.memory_space<vmem_shared>>
      tpu.wait_dma2 semaphore(%run_scoped3A : memref<!tpu.dma_semaphore, #tpu.memory_space<semaphore_mem>>) src(%arg6 : memref<648x128xf32, #tpu.memory_space<hbm>>) dst(%dma_wait3A_11 : memref<648x128xf32, #tpu.memory_space<vmem_shared>>)
      tpu.yield
    }) : () -> ()
    %barrier3A = arith.constant 0 : index
    tpu.barrier barrier_id(%barrier3A)
    %eq3A = arith.constant 0 : i32
    %eq3A_3 = arith.cmpi eq, %arg0, %eq3A : i32
    %convert_element_type3A = arith.extui %eq3A_3 : i1 to i32
    %cond3A = arith.constant 0 : i32
    %cond3A_4 = arith.cmpi ne, %convert_element_type3A, %cond3A : i32
    scf.if %cond3A_4 {
      %scan3A = arith.constant 0 : i32
      %scan3A_10 = arith.constant 0 : i32
      %scan3A_11 = arith.constant 80 : i32
      %scan3A_12 = arith.addi %scan3A_10, %scan3A_11 : i32
      %scan3A_13 = arith.constant 1 : i32
      scf.for %scan3A_22 = %scan3A_10 to %scan3A_12 step %scan3A_13  : i32 {
        %gt3A = arith.constant 0 : i32
        %gt3A_23 = arith.cmpi sgt, %scan3A_22, %gt3A : i32
        %convert_element_type3A_24 = arith.extui %gt3A_23 : i1 to i32
        %cond3A_25 = arith.constant 0 : i32
        %cond3A_26 = arith.cmpi ne, %convert_element_type3A_24, %cond3A_25 : i32
        scf.if %cond3A_26 {
          %dma_wait3A_103 = arith.constant 0 : i32
          %dma_wait3A_104 = arith.constant 0 : i32
          %dma_wait3A_105 = tpu.memref_slice %arg15[%dma_wait3A_103, %dma_wait3A_104] : memref<10368x128xf32, #tpu.memory_space<vmem_shared>> -> memref<10368x128xf32, #tpu.memory_space<vmem_shared>>
          tpu.wait_indirect_dma semaphore(%arg14 : memref<!tpu.dma_semaphore, #tpu.memory_space<semaphore_mem>>) src(%arg12 : memref<128x128xf32, #tpu.memory_space<vmem>>) dst(%dma_wait3A_105 : memref<10368x128xf32, #tpu.memory_space<vmem_shared>>)
        } else {
        }
        %get3A = arith.index_cast %scan3A_22 : i32 to index
        %get3A_27 = arith.constant 0 : index
        %get3A_28 = tpu.vector_load %arg10[%get3A, %get3A_27] {strides = array<i32>} : memref<80x128xi32, #tpu.memory_space<vmem>>, vector<1x16xi32>,
        %get3A_29 = vector.shape_cast %get3A_28 : vector<1x16xi32> to vector<16xi32>
        %swap3A = arith.constant 0 : index
        %swap3A_30 = tpu.vector_load %arg11[%swap3A] {strides = array<i32>} : memref<128xi32, #tpu.memory_space<vmem>>, vector<16xi32>,
        %swap3A_31 = vector.shape_cast %swap3A_30 : vector<16xi32> to vector<16xi32>
        %swap3A_32 = vector.shape_cast %get3A_29 : vector<16xi32> to vector<16xi32>
        tpu.vector_store %arg11[%swap3A], %swap3A_32 {strides = array<i32>} : memref<128xi32, #tpu.memory_space<vmem>>, vector<16xi32>,
        %get3A_33 = arith.index_cast %scan3A_22 : i32 to index
        %get3A_34 = arith.constant 16 : index
        %get3A_35 = tpu.vector_load %arg10[%get3A_33, %get3A_34] {strides = array<i32>} : memref<80x128xi32, #tpu.memory_space<vmem>>, vector<1x16xi32>,
        %get3A_36 = vector.shape_cast %get3A_35 : vector<1x16xi32> to vector<16xi32>
        %swap3A_37 = arith.constant 16 : index
        %swap3A_38 = tpu.vector_load %arg11[%swap3A_37] {strides = array<i32>} : memref<128xi32, #tpu.memory_space<vmem>>, vector<16xi32>,
        %swap3A_39 = vector.shape_cast %swap3A_38 : vector<16xi32> to vector<16xi32>
        %swap3A_40 = vector.shape_cast %get3A_36 : vector<16xi32> to vector<16xi32>
        tpu.vector_store %arg11[%swap3A_37], %swap3A_40 {strides = array<i32>} : memref<128xi32, #tpu.memory_space<vmem>>, vector<16xi32>,
        %get3A_41 = arith.index_cast %scan3A_22 : i32 to index
        %get3A_42 = arith.constant 32 : index
        %get3A_43 = tpu.vector_load %arg10[%get3A_41, %get3A_42] {strides = array<i32>} : memref<80x128xi32, #tpu.memory_space<vmem>>, vector<1x16xi32>,
        %get3A_44 = vector.shape_cast %get3A_43 : vector<1x16xi32> to vector<16xi32>
        %swap3A_45 = arith.constant 32 : index
        %swap3A_46 = tpu.vector_load %arg11[%swap3A_45] {strides = array<i32>} : memref<128xi32, #tpu.memory_space<vmem>>, vector<16xi32>,
        %swap3A_47 = vector.shape_cast %swap3A_46 : vector<16xi32> to vector<16xi32>
        %swap3A_48 = vector.shape_cast %get3A_44 : vector<16xi32> to vector<16xi32>
        tpu.vector_store %arg11[%swap3A_45], %swap3A_48 {strides = array<i32>} : memref<128xi32, #tpu.memory_space<vmem>>, vector<16xi32>,
        %get3A_49 = arith.index_cast %scan3A_22 : i32 to index
        %get3A_50 = arith.constant 48 : index
        %get3A_51 = tpu.vector_load %arg10[%get3A_49, %get3A_50] {strides = array<i32>} : memref<80x128xi32, #tpu.memory_space<vmem>>, vector<1x16xi32>,
        %get3A_52 = vector.shape_cast %get3A_51 : vector<1x16xi32> to vector<16xi32>
        %swap3A_53 = arith.constant 48 : index
        %swap3A_54 = tpu.vector_load %arg11[%swap3A_53] {strides = array<i32>} : memref<128xi32, #tpu.memory_space<vmem>>, vector<16xi32>,
        %swap3A_55 = vector.shape_cast %swap3A_54 : vector<16xi32> to vector<16xi32>
        %swap3A_56 = vector.shape_cast %get3A_52 : vector<16xi32> to vector<16xi32>
        tpu.vector_store %arg11[%swap3A_53], %swap3A_56 {strides = array<i32>} : memref<128xi32, #tpu.memory_space<vmem>>, vector<16xi32>,
        %get3A_57 = arith.index_cast %scan3A_22 : i32 to index
        %get3A_58 = arith.constant 64 : index
        %get3A_59 = tpu.vector_load %arg10[%get3A_57, %get3A_58] {strides = array<i32>} : memref<80x128xi32, #tpu.memory_space<vmem>>, vector<1x16xi32>,
        %get3A_60 = vector.shape_cast %get3A_59 : vector<1x16xi32> to vector<16xi32>
        %swap3A_61 = arith.constant 64 : index
        %swap3A_62 = tpu.vector_load %arg11[%swap3A_61] {strides = array<i32>} : memref<128xi32, #tpu.memory_space<vmem>>, vector<16xi32>,
        %swap3A_63 = vector.shape_cast %swap3A_62 : vector<16xi32> to vector<16xi32>
        %swap3A_64 = vector.shape_cast %get3A_60 : vector<16xi32> to vector<16xi32>
        tpu.vector_store %arg11[%swap3A_61], %swap3A_64 {strides = array<i32>} : memref<128xi32, #tpu.memory_space<vmem>>, vector<16xi32>,
        %get3A_65 = arith.index_cast %scan3A_22 : i32 to index
        %get3A_66 = arith.constant 80 : index
        %get3A_67 = tpu.vector_load %arg10[%get3A_65, %get3A_66] {strides = array<i32>} : memref<80x128xi32, #tpu.memory_space<vmem>>, vector<1x16xi32>,
        %get3A_68 = vector.shape_cast %get3A_67 : vector<1x16xi32> to vector<16xi32>
        %swap3A_69 = arith.constant 80 : index
        %swap3A_70 = tpu.vector_load %arg11[%swap3A_69] {strides = array<i32>} : memref<128xi32, #tpu.memory_space<vmem>>, vector<16xi32>,
        %swap3A_71 = vector.shape_cast %swap3A_70 : vector<16xi32> to vector<16xi32>
        %swap3A_72 = vector.shape_cast %get3A_68 : vector<16xi32> to vector<16xi32>
        tpu.vector_store %arg11[%swap3A_69], %swap3A_72 {strides = array<i32>} : memref<128xi32, #tpu.memory_space<vmem>>, vector<16xi32>,
        %get3A_73 = arith.index_cast %scan3A_22 : i32 to index
        %get3A_74 = arith.constant 96 : index
        %get3A_75 = tpu.vector_load %arg10[%get3A_73, %get3A_74] {strides = array<i32>} : memref<80x128xi32, #tpu.memory_space<vmem>>, vector<1x16xi32>,
        %get3A_76 = vector.shape_cast %get3A_75 : vector<1x16xi32> to vector<16xi32>
        %swap3A_77 = arith.constant 96 : index
        %swap3A_78 = tpu.vector_load %arg11[%swap3A_77] {strides = array<i32>} : memref<128xi32, #tpu.memory_space<vmem>>, vector<16xi32>,
        %swap3A_79 = vector.shape_cast %swap3A_78 : vector<16xi32> to vector<16xi32>
        %swap3A_80 = vector.shape_cast %get3A_76 : vector<16xi32> to vector<16xi32>
        tpu.vector_store %arg11[%swap3A_77], %swap3A_80 {strides = array<i32>} : memref<128xi32, #tpu.memory_space<vmem>>, vector<16xi32>,
        %get3A_81 = arith.index_cast %scan3A_22 : i32 to index
        %get3A_82 = arith.constant 112 : index
        %get3A_83 = tpu.vector_load %arg10[%get3A_81, %get3A_82] {strides = array<i32>} : memref<80x128xi32, #tpu.memory_space<vmem>>, vector<1x16xi32>,
        %get3A_84 = vector.shape_cast %get3A_83 : vector<1x16xi32> to vector<16xi32>
        %swap3A_85 = arith.constant 112 : index
        %swap3A_86 = tpu.vector_load %arg11[%swap3A_85] {strides = array<i32>} : memref<128xi32, #tpu.memory_space<vmem>>, vector<16xi32>,
        %swap3A_87 = vector.shape_cast %swap3A_86 : vector<16xi32> to vector<16xi32>
        %swap3A_88 = vector.shape_cast %get3A_84 : vector<16xi32> to vector<16xi32>
        tpu.vector_store %arg11[%swap3A_85], %swap3A_88 {strides = array<i32>} : memref<128xi32, #tpu.memory_space<vmem>>, vector<16xi32>,
        %dma_start3A = arith.constant 0 : i32
        %dma_start3A_89 = tpu.memref_slice %arg9[%scan3A_22, %dma_start3A] : memref<80x128xi32, #tpu.memory_space<vmem>> -> memref<1x128xi32, #tpu.memory_space<vmem>>
        %dma_start3A_90 = tpu.memref_squeeze %dma_start3A_89 : memref<1x128xi32, #tpu.memory_space<vmem>> -> memref<128xi32, #tpu.memory_space<vmem>>
        %dma_start3A_91 = arith.constant 0 : i32
        %dma_start3A_92 = arith.constant 0 : i32
        %dma_start3A_93 = tpu.memref_slice %arg4[%dma_start3A_91, %dma_start3A_92] : memref<10240x128xf32, #tpu.memory_space<hbm>> -> memref<10240x128xf32, #tpu.memory_space<hbm>>
        tpu.enqueue_indirect_dma source(%dma_start3A_93 : memref<10240x128xf32, #tpu.memory_space<hbm>>) target(%arg12 : memref<128x128xf32, #tpu.memory_space<vmem>>) offsets(%dma_start3A_90 : memref<128xi32, #tpu.memory_space<vmem>>) semaphore(%arg13 : memref<!tpu.dma_semaphore, #tpu.memory_space<semaphore_mem>>)
        %dma_wait3A_94 = arith.constant 0 : i32
        %dma_wait3A_95 = tpu.memref_slice %arg9[%scan3A_22, %dma_wait3A_94] : memref<80x128xi32, #tpu.memory_space<vmem>> -> memref<1x128xi32, #tpu.memory_space<vmem>>
        %dma_wait3A_96 = tpu.memref_squeeze %dma_wait3A_95 : memref<1x128xi32, #tpu.memory_space<vmem>> -> memref<128xi32, #tpu.memory_space<vmem>>
        %dma_wait3A_97 = arith.constant 0 : i32
        %dma_wait3A_98 = arith.constant 0 : i32
        %dma_wait3A_99 = tpu.memref_slice %arg4[%dma_wait3A_97, %dma_wait3A_98] : memref<10240x128xf32, #tpu.memory_space<hbm>> -> memref<10240x128xf32, #tpu.memory_space<hbm>>
        tpu.wait_indirect_dma semaphore(%arg13 : memref<!tpu.dma_semaphore, #tpu.memory_space<semaphore_mem>>) src(%dma_wait3A_99 : memref<10240x128xf32, #tpu.memory_space<hbm>>) dst(%arg12 : memref<128x128xf32, #tpu.memory_space<vmem>>)
        %dma_start3A_100 = arith.constant 0 : i32
        %dma_start3A_101 = arith.constant 0 : i32
        %dma_start3A_102 = tpu.memref_slice %arg15[%dma_start3A_100, %dma_start3A_101] : memref<10368x128xf32, #tpu.memory_space<vmem_shared>> -> memref<10368x128xf32, #tpu.memory_space<vmem_shared>>
        tpu.enqueue_indirect_dma source(%arg12 : memref<128x128xf32, #tpu.memory_space<vmem>>) target(%dma_start3A_102 : memref<10368x128xf32, #tpu.memory_space<vmem_shared>>) offsets(%arg11 : memref<128xi32, #tpu.memory_space<vmem>>) semaphore(%arg14 : memref<!tpu.dma_semaphore, #tpu.memory_space<semaphore_mem>>) {add = true}
      }
      %scan3A_14 = arith.constant 80 : i32
      %dma_wait3A = arith.constant 0 : i32
      %dma_wait3A_15 = arith.constant 0 : i32
      %dma_wait3A_16 = tpu.memref_slice %arg15[%dma_wait3A, %dma_wait3A_15] : memref<10368x128xf32, #tpu.memory_space<vmem_shared>> -> memref<10368x128xf32, #tpu.memory_space<vmem_shared>>
      tpu.wait_indirect_dma semaphore(%arg14 : memref<!tpu.dma_semaphore, #tpu.memory_space<semaphore_mem>>) src(%arg12 : memref<128x128xf32, #tpu.memory_space<vmem>>) dst(%dma_wait3A_16 : memref<10368x128xf32, #tpu.memory_space<vmem_shared>>)
      %barrier3A_17 = arith.constant 0 : index
      tpu.barrier barrier_id(%barrier3A_17)
      %mul3A_18 = arith.constant 640 : i32
      %mul3A_19 = arith.muli %arg1, %mul3A_18 : i32
      %mul3A_20 = arith.constant 640 : i32
      %mul3A_21 = arith.muli %arg1, %mul3A_20 : i32
      "tpu.region"() ({
        %run_scoped3A = tpu.sem_alloc : memref<!tpu.dma_semaphore, #tpu.memory_space<semaphore_mem>>
        %dma_start3A = arith.constant 0 : i32
        %dma_start3A_22 = tpu.memref_slice %arg7[%mul3A_21, %dma_start3A] : memref<10240x128xf32, #tpu.memory_space<hbm>> -> memref<640x128xf32, #tpu.memory_space<hbm>>
        %dma_start3A_23 = arith.constant 0 : i32
        %dma_start3A_24 = tpu.memref_slice %arg15[%mul3A_19, %dma_start3A_23] : memref<10368x128xf32, #tpu.memory_space<vmem_shared>> -> memref<640x128xf32, #tpu.memory_space<vmem_shared>>
        tpu.enqueue_dma source(%dma_start3A_24 : memref<640x128xf32, #tpu.memory_space<vmem_shared>>) target(%dma_start3A_22 : memref<640x128xf32, #tpu.memory_space<hbm>>) target_semaphore(%run_scoped3A : memref<!tpu.dma_semaphore, #tpu.memory_space<semaphore_mem>>)
        %dma_wait3A_25 = arith.constant 0 : i32
        %dma_wait3A_26 = tpu.memref_slice %arg7[%mul3A_21, %dma_wait3A_25] : memref<10240x128xf32, #tpu.memory_space<hbm>> -> memref<640x128xf32, #tpu.memory_space<hbm>>
        %dma_wait3A_27 = arith.constant 0 : i32
        %dma_wait3A_28 = tpu.memref_slice %arg15[%mul3A_19, %dma_wait3A_27] : memref<10368x128xf32, #tpu.memory_space<vmem_shared>> -> memref<640x128xf32, #tpu.memory_space<vmem_shared>>
        tpu.wait_dma2 semaphore(%run_scoped3A : memref<!tpu.dma_semaphore, #tpu.memory_space<semaphore_mem>>) src(%dma_wait3A_28 : memref<640x128xf32, #tpu.memory_space<vmem_shared>>) dst(%dma_wait3A_26 : memref<640x128xf32, #tpu.memory_space<hbm>>)
        tpu.yield
      }) : () -> ()
    } else {
    }
    %eq3A_5 = arith.constant 1 : i32
    %eq3A_6 = arith.cmpi eq, %arg0, %eq3A_5 : i32
    %convert_element_type3A_7 = arith.extui %eq3A_6 : i1 to i32
    %cond3A_8 = arith.constant 0 : i32
    %cond3A_9 = arith.cmpi ne, %convert_element_type3A_7, %cond3A_8 : i32
    scf.if %cond3A_9 {
      %scan3A = arith.constant 0 : i32
      %scan3A_10 = arith.constant 0 : i32
      %scan3A_11 = arith.constant 80 : i32
      %scan3A_12 = arith.addi %scan3A_10, %scan3A_11 : i32
      %scan3A_13 = arith.constant 1 : i32
      scf.for %scan3A_22 = %scan3A_10 to %scan3A_12 step %scan3A_13  : i32 {
        %gt3A = arith.constant 0 : i32
        %gt3A_23 = arith.cmpi sgt, %scan3A_22, %gt3A : i32
        %convert_element_type3A_24 = arith.extui %gt3A_23 : i1 to i32
        %cond3A_25 = arith.constant 0 : i32
        %cond3A_26 = arith.cmpi ne, %convert_element_type3A_24, %cond3A_25 : i32
        scf.if %cond3A_26 {
          %dma_wait3A_103 = arith.constant 0 : i32
          %dma_wait3A_104 = arith.constant 0 : i32
          %dma_wait3A_105 = tpu.memref_slice %arg15[%dma_wait3A_103, %dma_wait3A_104] : memref<10368x128xf32, #tpu.memory_space<vmem_shared>> -> memref<10368x128xf32, #tpu.memory_space<vmem_shared>>
          tpu.wait_indirect_dma semaphore(%arg14 : memref<!tpu.dma_semaphore, #tpu.memory_space<semaphore_mem>>) src(%arg12 : memref<128x128xf32, #tpu.memory_space<vmem>>) dst(%dma_wait3A_105 : memref<10368x128xf32, #tpu.memory_space<vmem_shared>>)
        } else {
        }
        %get3A = arith.index_cast %scan3A_22 : i32 to index
        %get3A_27 = arith.constant 0 : index
        %get3A_28 = tpu.vector_load %arg10[%get3A, %get3A_27] {strides = array<i32>} : memref<80x128xi32, #tpu.memory_space<vmem>>, vector<1x16xi32>,
        %get3A_29 = vector.shape_cast %get3A_28 : vector<1x16xi32> to vector<16xi32>
        %swap3A = arith.constant 0 : index
        %swap3A_30 = tpu.vector_load %arg11[%swap3A] {strides = array<i32>} : memref<128xi32, #tpu.memory_space<vmem>>, vector<16xi32>,
        %swap3A_31 = vector.shape_cast %swap3A_30 : vector<16xi32> to vector<16xi32>
        %swap3A_32 = vector.shape_cast %get3A_29 : vector<16xi32> to vector<16xi32>
        tpu.vector_store %arg11[%swap3A], %swap3A_32 {strides = array<i32>} : memref<128xi32, #tpu.memory_space<vmem>>, vector<16xi32>,
        %get3A_33 = arith.index_cast %scan3A_22 : i32 to index
        %get3A_34 = arith.constant 16 : index
        %get3A_35 = tpu.vector_load %arg10[%get3A_33, %get3A_34] {strides = array<i32>} : memref<80x128xi32, #tpu.memory_space<vmem>>, vector<1x16xi32>,
        %get3A_36 = vector.shape_cast %get3A_35 : vector<1x16xi32> to vector<16xi32>
        %swap3A_37 = arith.constant 16 : index
        %swap3A_38 = tpu.vector_load %arg11[%swap3A_37] {strides = array<i32>} : memref<128xi32, #tpu.memory_space<vmem>>, vector<16xi32>,
        %swap3A_39 = vector.shape_cast %swap3A_38 : vector<16xi32> to vector<16xi32>
        %swap3A_40 = vector.shape_cast %get3A_36 : vector<16xi32> to vector<16xi32>
        tpu.vector_store %arg11[%swap3A_37], %swap3A_40 {strides = array<i32>} : memref<128xi32, #tpu.memory_space<vmem>>, vector<16xi32>,
        %get3A_41 = arith.index_cast %scan3A_22 : i32 to index
        %get3A_42 = arith.constant 32 : index
        %get3A_43 = tpu.vector_load %arg10[%get3A_41, %get3A_42] {strides = array<i32>} : memref<80x128xi32, #tpu.memory_space<vmem>>, vector<1x16xi32>,
        %get3A_44 = vector.shape_cast %get3A_43 : vector<1x16xi32> to vector<16xi32>
        %swap3A_45 = arith.constant 32 : index
        %swap3A_46 = tpu.vector_load %arg11[%swap3A_45] {strides = array<i32>} : memref<128xi32, #tpu.memory_space<vmem>>, vector<16xi32>,
        %swap3A_47 = vector.shape_cast %swap3A_46 : vector<16xi32> to vector<16xi32>
        %swap3A_48 = vector.shape_cast %get3A_44 : vector<16xi32> to vector<16xi32>
        tpu.vector_store %arg11[%swap3A_45], %swap3A_48 {strides = array<i32>} : memref<128xi32, #tpu.memory_space<vmem>>, vector<16xi32>,
        %get3A_49 = arith.index_cast %scan3A_22 : i32 to index
        %get3A_50 = arith.constant 48 : index
        %get3A_51 = tpu.vector_load %arg10[%get3A_49, %get3A_50] {strides = array<i32>} : memref<80x128xi32, #tpu.memory_space<vmem>>, vector<1x16xi32>,
        %get3A_52 = vector.shape_cast %get3A_51 : vector<1x16xi32> to vector<16xi32>
        %swap3A_53 = arith.constant 48 : index
        %swap3A_54 = tpu.vector_load %arg11[%swap3A_53] {strides = array<i32>} : memref<128xi32, #tpu.memory_space<vmem>>, vector<16xi32>,
        %swap3A_55 = vector.shape_cast %swap3A_54 : vector<16xi32> to vector<16xi32>
        %swap3A_56 = vector.shape_cast %get3A_52 : vector<16xi32> to vector<16xi32>
        tpu.vector_store %arg11[%swap3A_53], %swap3A_56 {strides = array<i32>} : memref<128xi32, #tpu.memory_space<vmem>>, vector<16xi32>,
        %get3A_57 = arith.index_cast %scan3A_22 : i32 to index
        %get3A_58 = arith.constant 64 : index
        %get3A_59 = tpu.vector_load %arg10[%get3A_57, %get3A_58] {strides = array<i32>} : memref<80x128xi32, #tpu.memory_space<vmem>>, vector<1x16xi32>,
        %get3A_60 = vector.shape_cast %get3A_59 : vector<1x16xi32> to vector<16xi32>
        %swap3A_61 = arith.constant 64 : index
        %swap3A_62 = tpu.vector_load %arg11[%swap3A_61] {strides = array<i32>} : memref<128xi32, #tpu.memory_space<vmem>>, vector<16xi32>,
        %swap3A_63 = vector.shape_cast %swap3A_62 : vector<16xi32> to vector<16xi32>
        %swap3A_64 = vector.shape_cast %get3A_60 : vector<16xi32> to vector<16xi32>
        tpu.vector_store %arg11[%swap3A_61], %swap3A_64 {strides = array<i32>} : memref<128xi32, #tpu.memory_space<vmem>>, vector<16xi32>,
        %get3A_65 = arith.index_cast %scan3A_22 : i32 to index
        %get3A_66 = arith.constant 80 : index
        %get3A_67 = tpu.vector_load %arg10[%get3A_65, %get3A_66] {strides = array<i32>} : memref<80x128xi32, #tpu.memory_space<vmem>>, vector<1x16xi32>,
        %get3A_68 = vector.shape_cast %get3A_67 : vector<1x16xi32> to vector<16xi32>
        %swap3A_69 = arith.constant 80 : index
        %swap3A_70 = tpu.vector_load %arg11[%swap3A_69] {strides = array<i32>} : memref<128xi32, #tpu.memory_space<vmem>>, vector<16xi32>,
        %swap3A_71 = vector.shape_cast %swap3A_70 : vector<16xi32> to vector<16xi32>
        %swap3A_72 = vector.shape_cast %get3A_68 : vector<16xi32> to vector<16xi32>
        tpu.vector_store %arg11[%swap3A_69], %swap3A_72 {strides = array<i32>} : memref<128xi32, #tpu.memory_space<vmem>>, vector<16xi32>,
        %get3A_73 = arith.index_cast %scan3A_22 : i32 to index
        %get3A_74 = arith.constant 96 : index
        %get3A_75 = tpu.vector_load %arg10[%get3A_73, %get3A_74] {strides = array<i32>} : memref<80x128xi32, #tpu.memory_space<vmem>>, vector<1x16xi32>,
        %get3A_76 = vector.shape_cast %get3A_75 : vector<1x16xi32> to vector<16xi32>
        %swap3A_77 = arith.constant 96 : index
        %swap3A_78 = tpu.vector_load %arg11[%swap3A_77] {strides = array<i32>} : memref<128xi32, #tpu.memory_space<vmem>>, vector<16xi32>,
        %swap3A_79 = vector.shape_cast %swap3A_78 : vector<16xi32> to vector<16xi32>
        %swap3A_80 = vector.shape_cast %get3A_76 : vector<16xi32> to vector<16xi32>
        tpu.vector_store %arg11[%swap3A_77], %swap3A_80 {strides = array<i32>} : memref<128xi32, #tpu.memory_space<vmem>>, vector<16xi32>,
        %get3A_81 = arith.index_cast %scan3A_22 : i32 to index
        %get3A_82 = arith.constant 112 : index
        %get3A_83 = tpu.vector_load %arg10[%get3A_81, %get3A_82] {strides = array<i32>} : memref<80x128xi32, #tpu.memory_space<vmem>>, vector<1x16xi32>,
        %get3A_84 = vector.shape_cast %get3A_83 : vector<1x16xi32> to vector<16xi32>
        %swap3A_85 = arith.constant 112 : index
        %swap3A_86 = tpu.vector_load %arg11[%swap3A_85] {strides = array<i32>} : memref<128xi32, #tpu.memory_space<vmem>>, vector<16xi32>,
        %swap3A_87 = vector.shape_cast %swap3A_86 : vector<16xi32> to vector<16xi32>
        %swap3A_88 = vector.shape_cast %get3A_84 : vector<16xi32> to vector<16xi32>
        tpu.vector_store %arg11[%swap3A_85], %swap3A_88 {strides = array<i32>} : memref<128xi32, #tpu.memory_space<vmem>>, vector<16xi32>,
        %dma_start3A = arith.constant 0 : i32
        %dma_start3A_89 = tpu.memref_slice %arg9[%scan3A_22, %dma_start3A] : memref<80x128xi32, #tpu.memory_space<vmem>> -> memref<1x128xi32, #tpu.memory_space<vmem>>
        %dma_start3A_90 = tpu.memref_squeeze %dma_start3A_89 : memref<1x128xi32, #tpu.memory_space<vmem>> -> memref<128xi32, #tpu.memory_space<vmem>>
        %dma_start3A_91 = arith.constant 0 : i32
        %dma_start3A_92 = arith.constant 0 : i32
        %dma_start3A_93 = tpu.memref_slice %arg5[%dma_start3A_91, %dma_start3A_92] : memref<10240x128xf32, #tpu.memory_space<hbm>> -> memref<10240x128xf32, #tpu.memory_space<hbm>>
        tpu.enqueue_indirect_dma source(%dma_start3A_93 : memref<10240x128xf32, #tpu.memory_space<hbm>>) target(%arg12 : memref<128x128xf32, #tpu.memory_space<vmem>>) offsets(%dma_start3A_90 : memref<128xi32, #tpu.memory_space<vmem>>) semaphore(%arg13 : memref<!tpu.dma_semaphore, #tpu.memory_space<semaphore_mem>>)
        %dma_wait3A_94 = arith.constant 0 : i32
        %dma_wait3A_95 = tpu.memref_slice %arg9[%scan3A_22, %dma_wait3A_94] : memref<80x128xi32, #tpu.memory_space<vmem>> -> memref<1x128xi32, #tpu.memory_space<vmem>>
        %dma_wait3A_96 = tpu.memref_squeeze %dma_wait3A_95 : memref<1x128xi32, #tpu.memory_space<vmem>> -> memref<128xi32, #tpu.memory_space<vmem>>
        %dma_wait3A_97 = arith.constant 0 : i32
        %dma_wait3A_98 = arith.constant 0 : i32
        %dma_wait3A_99 = tpu.memref_slice %arg5[%dma_wait3A_97, %dma_wait3A_98] : memref<10240x128xf32, #tpu.memory_space<hbm>> -> memref<10240x128xf32, #tpu.memory_space<hbm>>
        tpu.wait_indirect_dma semaphore(%arg13 : memref<!tpu.dma_semaphore, #tpu.memory_space<semaphore_mem>>) src(%dma_wait3A_99 : memref<10240x128xf32, #tpu.memory_space<hbm>>) dst(%arg12 : memref<128x128xf32, #tpu.memory_space<vmem>>)
        %dma_start3A_100 = arith.constant 0 : i32
        %dma_start3A_101 = arith.constant 0 : i32
        %dma_start3A_102 = tpu.memref_slice %arg15[%dma_start3A_100, %dma_start3A_101] : memref<10368x128xf32, #tpu.memory_space<vmem_shared>> -> memref<10368x128xf32, #tpu.memory_space<vmem_shared>>
        tpu.enqueue_indirect_dma source(%arg12 : memref<128x128xf32, #tpu.memory_space<vmem>>) target(%dma_start3A_102 : memref<10368x128xf32, #tpu.memory_space<vmem_shared>>) offsets(%arg11 : memref<128xi32, #tpu.memory_space<vmem>>) semaphore(%arg14 : memref<!tpu.dma_semaphore, #tpu.memory_space<semaphore_mem>>) {add = true}
      }
      %scan3A_14 = arith.constant 80 : i32
      %dma_wait3A = arith.constant 0 : i32
      %dma_wait3A_15 = arith.constant 0 : i32
      %dma_wait3A_16 = tpu.memref_slice %arg15[%dma_wait3A, %dma_wait3A_15] : memref<10368x128xf32, #tpu.memory_space<vmem_shared>> -> memref<10368x128xf32, #tpu.memory_space<vmem_shared>>
      tpu.wait_indirect_dma semaphore(%arg14 : memref<!tpu.dma_semaphore, #tpu.memory_space<semaphore_mem>>) src(%arg12 : memref<128x128xf32, #tpu.memory_space<vmem>>) dst(%dma_wait3A_16 : memref<10368x128xf32, #tpu.memory_space<vmem_shared>>)
      %barrier3A_17 = arith.constant 0 : index
      tpu.barrier barrier_id(%barrier3A_17)
      %mul3A_18 = arith.constant 640 : i32
      %mul3A_19 = arith.muli %arg1, %mul3A_18 : i32
      %mul3A_20 = arith.constant 640 : i32
      %mul3A_21 = arith.muli %arg1, %mul3A_20 : i32
      "tpu.region"() ({
        %run_scoped3A = tpu.sem_alloc : memref<!tpu.dma_semaphore, #tpu.memory_space<semaphore_mem>>
        %dma_start3A = arith.constant 0 : i32
        %dma_start3A_22 = tpu.memref_slice %arg8[%mul3A_21, %dma_start3A] : memref<10240x128xf32, #tpu.memory_space<hbm>> -> memref<640x128xf32, #tpu.memory_space<hbm>>
        %dma_start3A_23 = arith.constant 0 : i32
        %dma_start3A_24 = tpu.memref_slice %arg15[%mul3A_19, %dma_start3A_23] : memref<10368x128xf32, #tpu.memory_space<vmem_shared>> -> memref<640x128xf32, #tpu.memory_space<vmem_shared>>
        tpu.enqueue_dma source(%dma_start3A_24 : memref<640x128xf32, #tpu.memory_space<vmem_shared>>) target(%dma_start3A_22 : memref<640x128xf32, #tpu.memory_space<hbm>>) target_semaphore(%run_scoped3A : memref<!tpu.dma_semaphore, #tpu.memory_space<semaphore_mem>>)
        %dma_wait3A_25 = arith.constant 0 : i32
        %dma_wait3A_26 = tpu.memref_slice %arg8[%mul3A_21, %dma_wait3A_25] : memref<10240x128xf32, #tpu.memory_space<hbm>> -> memref<640x128xf32, #tpu.memory_space<hbm>>
        %dma_wait3A_27 = arith.constant 0 : i32
        %dma_wait3A_28 = tpu.memref_slice %arg15[%mul3A_19, %dma_wait3A_27] : memref<10368x128xf32, #tpu.memory_space<vmem_shared>> -> memref<640x128xf32, #tpu.memory_space<vmem_shared>>
        tpu.wait_dma2 semaphore(%run_scoped3A : memref<!tpu.dma_semaphore, #tpu.memory_space<semaphore_mem>>) src(%dma_wait3A_28 : memref<640x128xf32, #tpu.memory_space<vmem_shared>>) dst(%dma_wait3A_26 : memref<640x128xf32, #tpu.memory_space<hbm>>)
        tpu.yield
      }) : () -> ()
    } else {
    }
    return
  }
}

#map = affine_map<(d0, d1) -> (0)>
#map1 = affine_map<(d0, d1) -> (0, 0)>
module attributes {stable_mosaic.version = 14 : i64} {
  func.func @_k5_body(%arg0: i32, %arg1: i32, %arg2: memref<1024xi32, #tpu.memory_space<hbm>>, %arg3: memref<1024xi32, #tpu.memory_space<hbm>>, %arg4: memref<10240x256xf32, #tpu.memory_space<hbm>>, %arg5: memref<64x256xf32, #tpu.memory_space<hbm>>, %arg6: memref<1024x256xf32, #tpu.memory_space<hbm>>, %arg7: memref<1024x256xf32, #tpu.memory_space<hbm>>, %arg8: memref<32xi32, #tpu.memory_space<vmem>>, %arg9: memref<32x256xf32, #tpu.memory_space<vmem>>, %arg10: memref<!tpu.dma_semaphore, #tpu.memory_space<semaphore_mem>>) attributes {dimension_semantics = [#tpu.dimension_semantics<core_parallel>, #tpu.dimension_semantics<subcore_parallel>], iteration_bounds = array<i64: 2, 16>, scalar_prefetch = 0 : i64, scratch_operands = 3 : i64, tpu.core_type = #tpu.core_type<sc_vector_subcore>, window_params = [{transform_indices = #map}, {transform_indices = #map}, {transform_indices = #map1}, {transform_indices = #map1}, {transform_indices = #map1}, {transform_indices = #map1}]} {
    %mul3A = arith.constant 2 : i32
    %mul3A_0 = arith.muli %arg1, %mul3A : i32
    %add3A = arith.addi %mul3A_0, %arg0 : i32
    %mul3A_1 = arith.constant 32 : i32
    %mul3A_2 = arith.muli %add3A, %mul3A_1 : i32
    "tpu.region"() ({
      %run_scoped3A = tpu.sem_alloc : memref<!tpu.dma_semaphore, #tpu.memory_space<semaphore_mem>>
      %dma_start3A_13 = tpu.memref_slice %arg2[%mul3A_2] : memref<1024xi32, #tpu.memory_space<hbm>> -> memref<32xi32, #tpu.memory_space<hbm>>
      %dma_start3A_14 = tpu.memref_slice %arg2[%mul3A_2] : memref<1024xi32, #tpu.memory_space<hbm>> -> memref<32xi32, #tpu.memory_space<hbm>>
      tpu.enqueue_dma source(%dma_start3A_14 : memref<32xi32, #tpu.memory_space<hbm>>) target(%arg8 : memref<32xi32, #tpu.memory_space<vmem>>) target_semaphore(%run_scoped3A : memref<!tpu.dma_semaphore, #tpu.memory_space<semaphore_mem>>)
      %dma_wait3A_15 = tpu.memref_slice %arg2[%mul3A_2] : memref<1024xi32, #tpu.memory_space<hbm>> -> memref<32xi32, #tpu.memory_space<hbm>>
      %dma_wait3A_16 = tpu.memref_slice %arg2[%mul3A_2] : memref<1024xi32, #tpu.memory_space<hbm>> -> memref<32xi32, #tpu.memory_space<hbm>>
      tpu.wait_dma2 semaphore(%run_scoped3A : memref<!tpu.dma_semaphore, #tpu.memory_space<semaphore_mem>>) src(%dma_wait3A_16 : memref<32xi32, #tpu.memory_space<hbm>>) dst(%arg8 : memref<32xi32, #tpu.memory_space<vmem>>)
      tpu.yield
    }) : () -> ()
    %dma_start3A = arith.constant 0 : i32
    %dma_start3A_3 = arith.constant 0 : i32
    %dma_start3A_4 = tpu.memref_slice %arg4[%dma_start3A, %dma_start3A_3] : memref<10240x256xf32, #tpu.memory_space<hbm>> -> memref<10240x256xf32, #tpu.memory_space<hbm>>
    tpu.enqueue_indirect_dma source(%dma_start3A_4 : memref<10240x256xf32, #tpu.memory_space<hbm>>) target(%arg9 : memref<32x256xf32, #tpu.memory_space<vmem>>) offsets(%arg8 : memref<32xi32, #tpu.memory_space<vmem>>) semaphore(%arg10 : memref<!tpu.dma_semaphore, #tpu.memory_space<semaphore_mem>>)
    %dma_wait3A = arith.constant 0 : i32
    %dma_wait3A_5 = arith.constant 0 : i32
    %dma_wait3A_6 = tpu.memref_slice %arg4[%dma_wait3A, %dma_wait3A_5] : memref<10240x256xf32, #tpu.memory_space<hbm>> -> memref<10240x256xf32, #tpu.memory_space<hbm>>
    tpu.wait_indirect_dma semaphore(%arg10 : memref<!tpu.dma_semaphore, #tpu.memory_space<semaphore_mem>>) src(%dma_wait3A_6 : memref<10240x256xf32, #tpu.memory_space<hbm>>) dst(%arg9 : memref<32x256xf32, #tpu.memory_space<vmem>>)
    "tpu.region"() ({
      %run_scoped3A = tpu.sem_alloc : memref<!tpu.dma_semaphore, #tpu.memory_space<semaphore_mem>>
      %dma_start3A_13 = arith.constant 0 : i32
      %dma_start3A_14 = tpu.memref_slice %arg6[%mul3A_2, %dma_start3A_13] : memref<1024x256xf32, #tpu.memory_space<hbm>> -> memref<32x256xf32, #tpu.memory_space<hbm>>
      %dma_start3A_15 = arith.constant 0 : i32
      %dma_start3A_16 = tpu.memref_slice %arg6[%mul3A_2, %dma_start3A_15] : memref<1024x256xf32, #tpu.memory_space<hbm>> -> memref<32x256xf32, #tpu.memory_space<hbm>>
      tpu.enqueue_dma source(%arg9 : memref<32x256xf32, #tpu.memory_space<vmem>>) target(%dma_start3A_16 : memref<32x256xf32, #tpu.memory_space<hbm>>) target_semaphore(%run_scoped3A : memref<!tpu.dma_semaphore, #tpu.memory_space<semaphore_mem>>)
      %dma_wait3A_17 = arith.constant 0 : i32
      %dma_wait3A_18 = tpu.memref_slice %arg6[%mul3A_2, %dma_wait3A_17] : memref<1024x256xf32, #tpu.memory_space<hbm>> -> memref<32x256xf32, #tpu.memory_space<hbm>>
      %dma_wait3A_19 = arith.constant 0 : i32
      %dma_wait3A_20 = tpu.memref_slice %arg6[%mul3A_2, %dma_wait3A_19] : memref<1024x256xf32, #tpu.memory_space<hbm>> -> memref<32x256xf32, #tpu.memory_space<hbm>>
      tpu.wait_dma2 semaphore(%run_scoped3A : memref<!tpu.dma_semaphore, #tpu.memory_space<semaphore_mem>>) src(%arg9 : memref<32x256xf32, #tpu.memory_space<vmem>>) dst(%dma_wait3A_20 : memref<32x256xf32, #tpu.memory_space<hbm>>)
      tpu.yield
    }) : () -> ()
    "tpu.region"() ({
      %run_scoped3A = tpu.sem_alloc : memref<!tpu.dma_semaphore, #tpu.memory_space<semaphore_mem>>
      %dma_start3A_13 = tpu.memref_slice %arg3[%mul3A_2] : memref<1024xi32, #tpu.memory_space<hbm>> -> memref<32xi32, #tpu.memory_space<hbm>>
      %dma_start3A_14 = tpu.memref_slice %arg3[%mul3A_2] : memref<1024xi32, #tpu.memory_space<hbm>> -> memref<32xi32, #tpu.memory_space<hbm>>
      tpu.enqueue_dma source(%dma_start3A_14 : memref<32xi32, #tpu.memory_space<hbm>>) target(%arg8 : memref<32xi32, #tpu.memory_space<vmem>>) target_semaphore(%run_scoped3A : memref<!tpu.dma_semaphore, #tpu.memory_space<semaphore_mem>>)
      %dma_wait3A_15 = tpu.memref_slice %arg3[%mul3A_2] : memref<1024xi32, #tpu.memory_space<hbm>> -> memref<32xi32, #tpu.memory_space<hbm>>
      %dma_wait3A_16 = tpu.memref_slice %arg3[%mul3A_2] : memref<1024xi32, #tpu.memory_space<hbm>> -> memref<32xi32, #tpu.memory_space<hbm>>
      tpu.wait_dma2 semaphore(%run_scoped3A : memref<!tpu.dma_semaphore, #tpu.memory_space<semaphore_mem>>) src(%dma_wait3A_16 : memref<32xi32, #tpu.memory_space<hbm>>) dst(%arg8 : memref<32xi32, #tpu.memory_space<vmem>>)
      tpu.yield
    }) : () -> ()
    %dma_start3A_7 = arith.constant 0 : i32
    %dma_start3A_8 = arith.constant 0 : i32
    %dma_start3A_9 = tpu.memref_slice %arg5[%dma_start3A_7, %dma_start3A_8] : memref<64x256xf32, #tpu.memory_space<hbm>> -> memref<64x256xf32, #tpu.memory_space<hbm>>
    tpu.enqueue_indirect_dma source(%dma_start3A_9 : memref<64x256xf32, #tpu.memory_space<hbm>>) target(%arg9 : memref<32x256xf32, #tpu.memory_space<vmem>>) offsets(%arg8 : memref<32xi32, #tpu.memory_space<vmem>>) semaphore(%arg10 : memref<!tpu.dma_semaphore, #tpu.memory_space<semaphore_mem>>)
    %dma_wait3A_10 = arith.constant 0 : i32
    %dma_wait3A_11 = arith.constant 0 : i32
    %dma_wait3A_12 = tpu.memref_slice %arg5[%dma_wait3A_10, %dma_wait3A_11] : memref<64x256xf32, #tpu.memory_space<hbm>> -> memref<64x256xf32, #tpu.memory_space<hbm>>
    tpu.wait_indirect_dma semaphore(%arg10 : memref<!tpu.dma_semaphore, #tpu.memory_space<semaphore_mem>>) src(%dma_wait3A_12 : memref<64x256xf32, #tpu.memory_space<hbm>>) dst(%arg9 : memref<32x256xf32, #tpu.memory_space<vmem>>)
    "tpu.region"() ({
      %run_scoped3A = tpu.sem_alloc : memref<!tpu.dma_semaphore, #tpu.memory_space<semaphore_mem>>
      %dma_start3A_13 = arith.constant 0 : i32
      %dma_start3A_14 = tpu.memref_slice %arg7[%mul3A_2, %dma_start3A_13] : memref<1024x256xf32, #tpu.memory_space<hbm>> -> memref<32x256xf32, #tpu.memory_space<hbm>>
      %dma_start3A_15 = arith.constant 0 : i32
      %dma_start3A_16 = tpu.memref_slice %arg7[%mul3A_2, %dma_start3A_15] : memref<1024x256xf32, #tpu.memory_space<hbm>> -> memref<32x256xf32, #tpu.memory_space<hbm>>
      tpu.enqueue_dma source(%arg9 : memref<32x256xf32, #tpu.memory_space<vmem>>) target(%dma_start3A_16 : memref<32x256xf32, #tpu.memory_space<hbm>>) target_semaphore(%run_scoped3A : memref<!tpu.dma_semaphore, #tpu.memory_space<semaphore_mem>>)
      %dma_wait3A_17 = arith.constant 0 : i32
      %dma_wait3A_18 = tpu.memref_slice %arg7[%mul3A_2, %dma_wait3A_17] : memref<1024x256xf32, #tpu.memory_space<hbm>> -> memref<32x256xf32, #tpu.memory_space<hbm>>
      %dma_wait3A_19 = arith.constant 0 : i32
      %dma_wait3A_20 = tpu.memref_slice %arg7[%mul3A_2, %dma_wait3A_19] : memref<1024x256xf32, #tpu.memory_space<hbm>> -> memref<32x256xf32, #tpu.memory_space<hbm>>
      tpu.wait_dma2 semaphore(%run_scoped3A : memref<!tpu.dma_semaphore, #tpu.memory_space<semaphore_mem>>) src(%arg9 : memref<32x256xf32, #tpu.memory_space<vmem>>) dst(%dma_wait3A_20 : memref<32x256xf32, #tpu.memory_space<hbm>>)
      tpu.yield
    }) : () -> ()
    return
  }
}

#map = affine_map<(d0, d1) -> (0)>
#map1 = affine_map<(d0, d1) -> (0, 0)>
module attributes {stable_mosaic.version = 14 : i64} {
  func.func @_k1_body(%arg0: i32, %arg1: i32, %arg2: memref<40960xi32, #tpu.memory_space<hbm>>, %arg3: memref<50000x256xf32, #tpu.memory_space<hbm>>, %arg4: memref<10240x256xf32, #tpu.memory_space<hbm>>, %arg5: memref<1280xi32, #tpu.memory_space<vmem>>, %arg6: memref<128x256xf32, #tpu.memory_space<vmem>>, %arg7: memref<128x256xf32, #tpu.memory_space<vmem>>, %arg8: memref<32x256xf32, #tpu.memory_space<vmem>>, %arg9: memref<32x256xf32, #tpu.memory_space<vmem>>, %arg10: memref<!tpu.dma_semaphore, #tpu.memory_space<semaphore_mem>>, %arg11: memref<!tpu.dma_semaphore, #tpu.memory_space<semaphore_mem>>, %arg12: memref<!tpu.dma_semaphore, #tpu.memory_space<semaphore_mem>>, %arg13: memref<!tpu.dma_semaphore, #tpu.memory_space<semaphore_mem>>) attributes {dimension_semantics = [#tpu.dimension_semantics<core_parallel>, #tpu.dimension_semantics<subcore_parallel>], iteration_bounds = array<i64: 2, 16>, scalar_prefetch = 0 : i64, scratch_operands = 9 : i64, tpu.core_type = #tpu.core_type<sc_vector_subcore>, window_params = [{transform_indices = #map}, {transform_indices = #map1}, {transform_indices = #map1}]} {
    %mul3A = arith.constant 2 : i32
    %mul3A_0 = arith.muli %arg1, %mul3A : i32
    %add3A = arith.addi %mul3A_0, %arg0 : i32
    %mul3A_1 = arith.constant 1280 : i32
    %mul3A_2 = arith.muli %add3A, %mul3A_1 : i32
    %mul3A_3 = arith.constant 320 : i32
    %mul3A_4 = arith.muli %add3A, %mul3A_3 : i32
    "tpu.region"() ({
      %run_scoped3A = tpu.sem_alloc : memref<!tpu.dma_semaphore, #tpu.memory_space<semaphore_mem>>
      %dma_start3A_25 = tpu.memref_slice %arg2[%mul3A_2] : memref<40960xi32, #tpu.memory_space<hbm>> -> memref<1280xi32, #tpu.memory_space<hbm>>
      %dma_start3A_26 = tpu.memref_slice %arg2[%mul3A_2] : memref<40960xi32, #tpu.memory_space<hbm>> -> memref<1280xi32, #tpu.memory_space<hbm>>
      tpu.enqueue_dma source(%dma_start3A_26 : memref<1280xi32, #tpu.memory_space<hbm>>) target(%arg5 : memref<1280xi32, #tpu.memory_space<vmem>>) target_semaphore(%run_scoped3A : memref<!tpu.dma_semaphore, #tpu.memory_space<semaphore_mem>>)
      %dma_wait3A_27 = tpu.memref_slice %arg2[%mul3A_2] : memref<40960xi32, #tpu.memory_space<hbm>> -> memref<1280xi32, #tpu.memory_space<hbm>>
      %dma_wait3A_28 = tpu.memref_slice %arg2[%mul3A_2] : memref<40960xi32, #tpu.memory_space<hbm>> -> memref<1280xi32, #tpu.memory_space<hbm>>
      tpu.wait_dma2 semaphore(%run_scoped3A : memref<!tpu.dma_semaphore, #tpu.memory_space<semaphore_mem>>) src(%dma_wait3A_28 : memref<1280xi32, #tpu.memory_space<hbm>>) dst(%arg5 : memref<1280xi32, #tpu.memory_space<vmem>>)
      tpu.yield
    }) : () -> ()
    %dma_start3A = arith.constant 0 : i32
    %dma_start3A_5 = tpu.memref_slice %arg5[%dma_start3A] : memref<1280xi32, #tpu.memory_space<vmem>> -> memref<128xi32, #tpu.memory_space<vmem>>
    %dma_start3A_6 = arith.constant 0 : i32
    %dma_start3A_7 = arith.constant 0 : i32
    %dma_start3A_8 = tpu.memref_slice %arg3[%dma_start3A_6, %dma_start3A_7] : memref<50000x256xf32, #tpu.memory_space<hbm>> -> memref<50000x256xf32, #tpu.memory_space<hbm>>
    tpu.enqueue_indirect_dma source(%dma_start3A_8 : memref<50000x256xf32, #tpu.memory_space<hbm>>) target(%arg6 : memref<128x256xf32, #tpu.memory_space<vmem>>) offsets(%dma_start3A_5 : memref<128xi32, #tpu.memory_space<vmem>>) semaphore(%arg10 : memref<!tpu.dma_semaphore, #tpu.memory_space<semaphore_mem>>)
    %scan3A = arith.constant 0 : i32
    %scan3A_9 = arith.constant 0 : i32
    %scan3A_10 = arith.constant 5 : i32
    %scan3A_11 = arith.addi %scan3A_9, %scan3A_10 : i32
    %scan3A_12 = arith.constant 1 : i32
    scf.for %scan3A_25 = %scan3A_9 to %scan3A_11 step %scan3A_12  : i32 {
      %mul3A_26 = arith.constant 2 : i32
      %mul3A_27 = arith.muli %scan3A_25, %mul3A_26 : i32
      %add3A_28 = arith.constant 1 : i32
      %add3A_29 = arith.addi %mul3A_27, %add3A_28 : i32
      %mul3A_30 = arith.constant 128 : i32
      %mul3A_31 = arith.muli %add3A_29, %mul3A_30 : i32
      %dma_start3A_32 = tpu.memref_slice %arg5[%mul3A_31] : memref<1280xi32, #tpu.memory_space<vmem>> -> memref<128xi32, #tpu.memory_space<vmem>>
      %dma_start3A_33 = arith.constant 0 : i32
      %dma_start3A_34 = arith.constant 0 : i32
      %dma_start3A_35 = tpu.memref_slice %arg3[%dma_start3A_33, %dma_start3A_34] : memref<50000x256xf32, #tpu.memory_space<hbm>> -> memref<50000x256xf32, #tpu.memory_space<hbm>>
      tpu.enqueue_indirect_dma source(%dma_start3A_35 : memref<50000x256xf32, #tpu.memory_space<hbm>>) target(%arg7 : memref<128x256xf32, #tpu.memory_space<vmem>>) offsets(%dma_start3A_32 : memref<128xi32, #tpu.memory_space<vmem>>) semaphore(%arg11 : memref<!tpu.dma_semaphore, #tpu.memory_space<semaphore_mem>>)
      %dma_wait3A_36 = arith.constant 0 : i32
      %dma_wait3A_37 = tpu.memref_slice %arg5[%dma_wait3A_36] : memref<1280xi32, #tpu.memory_space<vmem>> -> memref<128xi32, #tpu.memory_space<vmem>>
      %dma_wait3A_38 = arith.constant 0 : i32
      %dma_wait3A_39 = arith.constant 0 : i32
      %dma_wait3A_40 = tpu.memref_slice %arg3[%dma_wait3A_38, %dma_wait3A_39] : memref<50000x256xf32, #tpu.memory_space<hbm>> -> memref<50000x256xf32, #tpu.memory_space<hbm>>
      tpu.wait_indirect_dma semaphore(%arg10 : memref<!tpu.dma_semaphore, #tpu.memory_space<semaphore_mem>>) src(%dma_wait3A_40 : memref<50000x256xf32, #tpu.memory_space<hbm>>) dst(%arg6 : memref<128x256xf32, #tpu.memory_space<vmem>>)
      %gt3A = arith.constant 0 : i32
      %gt3A_41 = arith.cmpi sgt, %scan3A_25, %gt3A : i32
      %convert_element_type3A = arith.extui %gt3A_41 : i1 to i32
      %cond3A = arith.constant 0 : i32
      %cond3A_42 = arith.cmpi ne, %convert_element_type3A, %cond3A : i32
      scf.if %cond3A_42 {
        %dma_wait3A_87 = arith.constant 0 : i32
        %dma_wait3A_88 = arith.constant 0 : i32
        %dma_wait3A_89 = tpu.memref_slice %arg4[%dma_wait3A_87, %dma_wait3A_88] : memref<10240x256xf32, #tpu.memory_space<hbm>> -> memref<32x256xf32, #tpu.memory_space<hbm>>
        %dma_wait3A_90 = arith.constant 0 : i32
        %dma_wait3A_91 = arith.constant 0 : i32
        %dma_wait3A_92 = tpu.memref_slice %arg4[%dma_wait3A_90, %dma_wait3A_91] : memref<10240x256xf32, #tpu.memory_space<hbm>> -> memref<32x256xf32, #tpu.memory_space<hbm>>
        tpu.wait_dma2 semaphore(%arg12 : memref<!tpu.dma_semaphore, #tpu.memory_space<semaphore_mem>>) src(%arg8 : memref<32x256xf32, #tpu.memory_space<vmem>>) dst(%dma_wait3A_92 : memref<32x256xf32, #tpu.memory_space<hbm>>)
      } else {
      }
      %scan3A_43 = arith.constant 0 : i32
      %scan3A_44 = arith.constant 0 : i32
      %scan3A_45 = arith.constant 32 : i32
      %scan3A_46 = arith.addi %scan3A_44, %scan3A_45 : i32
      %scan3A_47 = arith.constant 1 : i32
      scf.for %scan3A_87 = %scan3A_44 to %scan3A_46 step %scan3A_47  : i32 {
        %mul3A_88 = arith.constant 4 : i32
        %mul3A_89 = arith.muli %scan3A_87, %mul3A_88 : i32
        %get3A = arith.index_cast %mul3A_89 : i32 to index
        %get3A_90 = arith.constant 0 : index
        %get3A_91 = tpu.vector_load %arg6[%get3A, %get3A_90] {strides = array<i32>} : memref<128x256xf32, #tpu.memory_space<vmem>>, vector<1x16xf32>,
        %get3A_92 = vector.shape_cast %get3A_91 : vector<1x16xf32> to vector<16xf32>
        %add3A_93 = arith.constant 1 : i32
        %add3A_94 = arith.addi %mul3A_89, %add3A_93 : i32
        %get3A_95 = arith.index_cast %add3A_94 : i32 to index
        %get3A_96 = arith.constant 0 : index
        %get3A_97 = tpu.vector_load %arg6[%get3A_95, %get3A_96] {strides = array<i32>} : memref<128x256xf32, #tpu.memory_space<vmem>>, vector<1x16xf32>,
        %get3A_98 = vector.shape_cast %get3A_97 : vector<1x16xf32> to vector<16xf32>
        %add3A_99 = arith.addf %get3A_92, %get3A_98 : vector<16xf32>
        %add3A_100 = arith.constant 2 : i32
        %add3A_101 = arith.addi %mul3A_89, %add3A_100 : i32
        %get3A_102 = arith.index_cast %add3A_101 : i32 to index
        %get3A_103 = arith.constant 0 : index
        %get3A_104 = tpu.vector_load %arg6[%get3A_102, %get3A_103] {strides = array<i32>} : memref<128x256xf32, #tpu.memory_space<vmem>>, vector<1x16xf32>,
        %get3A_105 = vector.shape_cast %get3A_104 : vector<1x16xf32> to vector<16xf32>
        %add3A_106 = arith.constant 3 : i32
        %add3A_107 = arith.addi %mul3A_89, %add3A_106 : i32
        %get3A_108 = arith.index_cast %add3A_107 : i32 to index
        %get3A_109 = arith.constant 0 : index
        %get3A_110 = tpu.vector_load %arg6[%get3A_108, %get3A_109] {strides = array<i32>} : memref<128x256xf32, #tpu.memory_space<vmem>>, vector<1x16xf32>,
        %get3A_111 = vector.shape_cast %get3A_110 : vector<1x16xf32> to vector<16xf32>
        %add3A_112 = arith.addf %get3A_105, %get3A_111 : vector<16xf32>
        %add3A_113 = arith.addf %add3A_99, %add3A_112 : vector<16xf32>
        %mul3A_114 = arith.constant 2.500000e-01 : f32
        %mul3A_115 = vector.broadcast %mul3A_114 : f32 to vector<16xf32>
        %mul3A_116 = arith.mulf %add3A_113, %mul3A_115 : vector<16xf32>
        %swap3A = arith.index_cast %scan3A_87 : i32 to index
        %swap3A_117 = arith.constant 0 : index
        %swap3A_118 = tpu.vector_load %arg8[%swap3A, %swap3A_117] {strides = array<i32>} : memref<32x256xf32, #tpu.memory_space<vmem>>, vector<1x16xf32>,
        %swap3A_119 = vector.shape_cast %swap3A_118 : vector<1x16xf32> to vector<16xf32>
        %swap3A_120 = vector.shape_cast %mul3A_116 : vector<16xf32> to vector<1x16xf32>
        tpu.vector_store %arg8[%swap3A, %swap3A_117], %swap3A_120 {strides = array<i32>} : memref<32x256xf32, #tpu.memory_space<vmem>>, vector<1x16xf32>,
        %get3A_121 = arith.index_cast %mul3A_89 : i32 to index
        %get3A_122 = arith.constant 16 : index
        %get3A_123 = tpu.vector_load %arg6[%get3A_121, %get3A_122] {strides = array<i32>} : memref<128x256xf32, #tpu.memory_space<vmem>>, vector<1x16xf32>,
        %get3A_124 = vector.shape_cast %get3A_123 : vector<1x16xf32> to vector<16xf32>
        %add3A_125 = arith.constant 1 : i32
        %add3A_126 = arith.addi %mul3A_89, %add3A_125 : i32
        %get3A_127 = arith.index_cast %add3A_126 : i32 to index
        %get3A_128 = arith.constant 16 : index
        %get3A_129 = tpu.vector_load %arg6[%get3A_127, %get3A_128] {strides = array<i32>} : memref<128x256xf32, #tpu.memory_space<vmem>>, vector<1x16xf32>,
        %get3A_130 = vector.shape_cast %get3A_129 : vector<1x16xf32> to vector<16xf32>
        %add3A_131 = arith.addf %get3A_124, %get3A_130 : vector<16xf32>
        %add3A_132 = arith.constant 2 : i32
        %add3A_133 = arith.addi %mul3A_89, %add3A_132 : i32
        %get3A_134 = arith.index_cast %add3A_133 : i32 to index
        %get3A_135 = arith.constant 16 : index
        %get3A_136 = tpu.vector_load %arg6[%get3A_134, %get3A_135] {strides = array<i32>} : memref<128x256xf32, #tpu.memory_space<vmem>>, vector<1x16xf32>,
        %get3A_137 = vector.shape_cast %get3A_136 : vector<1x16xf32> to vector<16xf32>
        %add3A_138 = arith.constant 3 : i32
        %add3A_139 = arith.addi %mul3A_89, %add3A_138 : i32
        %get3A_140 = arith.index_cast %add3A_139 : i32 to index
        %get3A_141 = arith.constant 16 : index
        %get3A_142 = tpu.vector_load %arg6[%get3A_140, %get3A_141] {strides = array<i32>} : memref<128x256xf32, #tpu.memory_space<vmem>>, vector<1x16xf32>,
        %get3A_143 = vector.shape_cast %get3A_142 : vector<1x16xf32> to vector<16xf32>
        %add3A_144 = arith.addf %get3A_137, %get3A_143 : vector<16xf32>
        %add3A_145 = arith.addf %add3A_131, %add3A_144 : vector<16xf32>
        %mul3A_146 = arith.constant 2.500000e-01 : f32
        %mul3A_147 = vector.broadcast %mul3A_146 : f32 to vector<16xf32>
        %mul3A_148 = arith.mulf %add3A_145, %mul3A_147 : vector<16xf32>
        %swap3A_149 = arith.index_cast %scan3A_87 : i32 to index
        %swap3A_150 = arith.constant 16 : index
        %swap3A_151 = tpu.vector_load %arg8[%swap3A_149, %swap3A_150] {strides = array<i32>} : memref<32x256xf32, #tpu.memory_space<vmem>>, vector<1x16xf32>,
        %swap3A_152 = vector.shape_cast %swap3A_151 : vector<1x16xf32> to vector<16xf32>
        %swap3A_153 = vector.shape_cast %mul3A_148 : vector<16xf32> to vector<1x16xf32>
        tpu.vector_store %arg8[%swap3A_149, %swap3A_150], %swap3A_153 {strides = array<i32>} : memref<32x256xf32, #tpu.memory_space<vmem>>, vector<1x16xf32>,
        %get3A_154 = arith.index_cast %mul3A_89 : i32 to index
        %get3A_155 = arith.constant 32 : index
        %get3A_156 = tpu.vector_load %arg6[%get3A_154, %get3A_155] {strides = array<i32>} : memref<128x256xf32, #tpu.memory_space<vmem>>, vector<1x16xf32>,
        %get3A_157 = vector.shape_cast %get3A_156 : vector<1x16xf32> to vector<16xf32>
        %add3A_158 = arith.constant 1 : i32
        %add3A_159 = arith.addi %mul3A_89, %add3A_158 : i32
        %get3A_160 = arith.index_cast %add3A_159 : i32 to index
        %get3A_161 = arith.constant 32 : index
        %get3A_162 = tpu.vector_load %arg6[%get3A_160, %get3A_161] {strides = array<i32>} : memref<128x256xf32, #tpu.memory_space<vmem>>, vector<1x16xf32>,
        %get3A_163 = vector.shape_cast %get3A_162 : vector<1x16xf32> to vector<16xf32>
        %add3A_164 = arith.addf %get3A_157, %get3A_163 : vector<16xf32>
        %add3A_165 = arith.constant 2 : i32
        %add3A_166 = arith.addi %mul3A_89, %add3A_165 : i32
        %get3A_167 = arith.index_cast %add3A_166 : i32 to index
        %get3A_168 = arith.constant 32 : index
        %get3A_169 = tpu.vector_load %arg6[%get3A_167, %get3A_168] {strides = array<i32>} : memref<128x256xf32, #tpu.memory_space<vmem>>, vector<1x16xf32>,
        %get3A_170 = vector.shape_cast %get3A_169 : vector<1x16xf32> to vector<16xf32>
        %add3A_171 = arith.constant 3 : i32
        %add3A_172 = arith.addi %mul3A_89, %add3A_171 : i32
        %get3A_173 = arith.index_cast %add3A_172 : i32 to index
        %get3A_174 = arith.constant 32 : index
        %get3A_175 = tpu.vector_load %arg6[%get3A_173, %get3A_174] {strides = array<i32>} : memref<128x256xf32, #tpu.memory_space<vmem>>, vector<1x16xf32>,
        %get3A_176 = vector.shape_cast %get3A_175 : vector<1x16xf32> to vector<16xf32>
        %add3A_177 = arith.addf %get3A_170, %get3A_176 : vector<16xf32>
        %add3A_178 = arith.addf %add3A_164, %add3A_177 : vector<16xf32>
        %mul3A_179 = arith.constant 2.500000e-01 : f32
        %mul3A_180 = vector.broadcast %mul3A_179 : f32 to vector<16xf32>
        %mul3A_181 = arith.mulf %add3A_178, %mul3A_180 : vector<16xf32>
        %swap3A_182 = arith.index_cast %scan3A_87 : i32 to index
        %swap3A_183 = arith.constant 32 : index
        %swap3A_184 = tpu.vector_load %arg8[%swap3A_182, %swap3A_183] {strides = array<i32>} : memref<32x256xf32, #tpu.memory_space<vmem>>, vector<1x16xf32>,
        %swap3A_185 = vector.shape_cast %swap3A_184 : vector<1x16xf32> to vector<16xf32>
        %swap3A_186 = vector.shape_cast %mul3A_181 : vector<16xf32> to vector<1x16xf32>
        tpu.vector_store %arg8[%swap3A_182, %swap3A_183], %swap3A_186 {strides = array<i32>} : memref<32x256xf32, #tpu.memory_space<vmem>>, vector<1x16xf32>,
        %get3A_187 = arith.index_cast %mul3A_89 : i32 to index
        %get3A_188 = arith.constant 48 : index
        %get3A_189 = tpu.vector_load %arg6[%get3A_187, %get3A_188] {strides = array<i32>} : memref<128x256xf32, #tpu.memory_space<vmem>>, vector<1x16xf32>,
        %get3A_190 = vector.shape_cast %get3A_189 : vector<1x16xf32> to vector<16xf32>
        %add3A_191 = arith.constant 1 : i32
        %add3A_192 = arith.addi %mul3A_89, %add3A_191 : i32
        %get3A_193 = arith.index_cast %add3A_192 : i32 to index
        %get3A_194 = arith.constant 48 : index
        %get3A_195 = tpu.vector_load %arg6[%get3A_193, %get3A_194] {strides = array<i32>} : memref<128x256xf32, #tpu.memory_space<vmem>>, vector<1x16xf32>,
        %get3A_196 = vector.shape_cast %get3A_195 : vector<1x16xf32> to vector<16xf32>
        %add3A_197 = arith.addf %get3A_190, %get3A_196 : vector<16xf32>
        %add3A_198 = arith.constant 2 : i32
        %add3A_199 = arith.addi %mul3A_89, %add3A_198 : i32
        %get3A_200 = arith.index_cast %add3A_199 : i32 to index
        %get3A_201 = arith.constant 48 : index
        %get3A_202 = tpu.vector_load %arg6[%get3A_200, %get3A_201] {strides = array<i32>} : memref<128x256xf32, #tpu.memory_space<vmem>>, vector<1x16xf32>,
        %get3A_203 = vector.shape_cast %get3A_202 : vector<1x16xf32> to vector<16xf32>
        %add3A_204 = arith.constant 3 : i32
        %add3A_205 = arith.addi %mul3A_89, %add3A_204 : i32
        %get3A_206 = arith.index_cast %add3A_205 : i32 to index
        %get3A_207 = arith.constant 48 : index
        %get3A_208 = tpu.vector_load %arg6[%get3A_206, %get3A_207] {strides = array<i32>} : memref<128x256xf32, #tpu.memory_space<vmem>>, vector<1x16xf32>,
        %get3A_209 = vector.shape_cast %get3A_208 : vector<1x16xf32> to vector<16xf32>
        %add3A_210 = arith.addf %get3A_203, %get3A_209 : vector<16xf32>
        %add3A_211 = arith.addf %add3A_197, %add3A_210 : vector<16xf32>
        %mul3A_212 = arith.constant 2.500000e-01 : f32
        %mul3A_213 = vector.broadcast %mul3A_212 : f32 to vector<16xf32>
        %mul3A_214 = arith.mulf %add3A_211, %mul3A_213 : vector<16xf32>
        %swap3A_215 = arith.index_cast %scan3A_87 : i32 to index
        %swap3A_216 = arith.constant 48 : index
        %swap3A_217 = tpu.vector_load %arg8[%swap3A_215, %swap3A_216] {strides = array<i32>} : memref<32x256xf32, #tpu.memory_space<vmem>>, vector<1x16xf32>,
        %swap3A_218 = vector.shape_cast %swap3A_217 : vector<1x16xf32> to vector<16xf32>
        %swap3A_219 = vector.shape_cast %mul3A_214 : vector<16xf32> to vector<1x16xf32>
        tpu.vector_store %arg8[%swap3A_215, %swap3A_216], %swap3A_219 {strides = array<i32>} : memref<32x256xf32, #tpu.memory_space<vmem>>, vector<1x16xf32>,
        %get3A_220 = arith.index_cast %mul3A_89 : i32 to index
        %get3A_221 = arith.constant 64 : index
        %get3A_222 = tpu.vector_load %arg6[%get3A_220, %get3A_221] {strides = array<i32>} : memref<128x256xf32, #tpu.memory_space<vmem>>, vector<1x16xf32>,
        %get3A_223 = vector.shape_cast %get3A_222 : vector<1x16xf32> to vector<16xf32>
        %add3A_224 = arith.constant 1 : i32
        %add3A_225 = arith.addi %mul3A_89, %add3A_224 : i32
        %get3A_226 = arith.index_cast %add3A_225 : i32 to index
        %get3A_227 = arith.constant 64 : index
        %get3A_228 = tpu.vector_load %arg6[%get3A_226, %get3A_227] {strides = array<i32>} : memref<128x256xf32, #tpu.memory_space<vmem>>, vector<1x16xf32>,
        %get3A_229 = vector.shape_cast %get3A_228 : vector<1x16xf32> to vector<16xf32>
        %add3A_230 = arith.addf %get3A_223, %get3A_229 : vector<16xf32>
        %add3A_231 = arith.constant 2 : i32
        %add3A_232 = arith.addi %mul3A_89, %add3A_231 : i32
        %get3A_233 = arith.index_cast %add3A_232 : i32 to index
        %get3A_234 = arith.constant 64 : index
        %get3A_235 = tpu.vector_load %arg6[%get3A_233, %get3A_234] {strides = array<i32>} : memref<128x256xf32, #tpu.memory_space<vmem>>, vector<1x16xf32>,
        %get3A_236 = vector.shape_cast %get3A_235 : vector<1x16xf32> to vector<16xf32>
        %add3A_237 = arith.constant 3 : i32
        %add3A_238 = arith.addi %mul3A_89, %add3A_237 : i32
        %get3A_239 = arith.index_cast %add3A_238 : i32 to index
        %get3A_240 = arith.constant 64 : index
        %get3A_241 = tpu.vector_load %arg6[%get3A_239, %get3A_240] {strides = array<i32>} : memref<128x256xf32, #tpu.memory_space<vmem>>, vector<1x16xf32>,
        %get3A_242 = vector.shape_cast %get3A_241 : vector<1x16xf32> to vector<16xf32>
        %add3A_243 = arith.addf %get3A_236, %get3A_242 : vector<16xf32>
        %add3A_244 = arith.addf %add3A_230, %add3A_243 : vector<16xf32>
        %mul3A_245 = arith.constant 2.500000e-01 : f32
        %mul3A_246 = vector.broadcast %mul3A_245 : f32 to vector<16xf32>
        %mul3A_247 = arith.mulf %add3A_244, %mul3A_246 : vector<16xf32>
        %swap3A_248 = arith.index_cast %scan3A_87 : i32 to index
        %swap3A_249 = arith.constant 64 : index
        %swap3A_250 = tpu.vector_load %arg8[%swap3A_248, %swap3A_249] {strides = array<i32>} : memref<32x256xf32, #tpu.memory_space<vmem>>, vector<1x16xf32>,
        %swap3A_251 = vector.shape_cast %swap3A_250 : vector<1x16xf32> to vector<16xf32>
        %swap3A_252 = vector.shape_cast %mul3A_247 : vector<16xf32> to vector<1x16xf32>
        tpu.vector_store %arg8[%swap3A_248, %swap3A_249], %swap3A_252 {strides = array<i32>} : memref<32x256xf32, #tpu.memory_space<vmem>>, vector<1x16xf32>,
        %get3A_253 = arith.index_cast %mul3A_89 : i32 to index
        %get3A_254 = arith.constant 80 : index
        %get3A_255 = tpu.vector_load %arg6[%get3A_253, %get3A_254] {strides = array<i32>} : memref<128x256xf32, #tpu.memory_space<vmem>>, vector<1x16xf32>,
        %get3A_256 = vector.shape_cast %get3A_255 : vector<1x16xf32> to vector<16xf32>
        %add3A_257 = arith.constant 1 : i32
        %add3A_258 = arith.addi %mul3A_89, %add3A_257 : i32
        %get3A_259 = arith.index_cast %add3A_258 : i32 to index
        %get3A_260 = arith.constant 80 : index
        %get3A_261 = tpu.vector_load %arg6[%get3A_259, %get3A_260] {strides = array<i32>} : memref<128x256xf32, #tpu.memory_space<vmem>>, vector<1x16xf32>,
        %get3A_262 = vector.shape_cast %get3A_261 : vector<1x16xf32> to vector<16xf32>
        %add3A_263 = arith.addf %get3A_256, %get3A_262 : vector<16xf32>
        %add3A_264 = arith.constant 2 : i32
        %add3A_265 = arith.addi %mul3A_89, %add3A_264 : i32
        %get3A_266 = arith.index_cast %add3A_265 : i32 to index
        %get3A_267 = arith.constant 80 : index
        %get3A_268 = tpu.vector_load %arg6[%get3A_266, %get3A_267] {strides = array<i32>} : memref<128x256xf32, #tpu.memory_space<vmem>>, vector<1x16xf32>,
        %get3A_269 = vector.shape_cast %get3A_268 : vector<1x16xf32> to vector<16xf32>
        %add3A_270 = arith.constant 3 : i32
        %add3A_271 = arith.addi %mul3A_89, %add3A_270 : i32
        %get3A_272 = arith.index_cast %add3A_271 : i32 to index
        %get3A_273 = arith.constant 80 : index
        %get3A_274 = tpu.vector_load %arg6[%get3A_272, %get3A_273] {strides = array<i32>} : memref<128x256xf32, #tpu.memory_space<vmem>>, vector<1x16xf32>,
        %get3A_275 = vector.shape_cast %get3A_274 : vector<1x16xf32> to vector<16xf32>
        %add3A_276 = arith.addf %get3A_269, %get3A_275 : vector<16xf32>
        %add3A_277 = arith.addf %add3A_263, %add3A_276 : vector<16xf32>
        %mul3A_278 = arith.constant 2.500000e-01 : f32
        %mul3A_279 = vector.broadcast %mul3A_278 : f32 to vector<16xf32>
        %mul3A_280 = arith.mulf %add3A_277, %mul3A_279 : vector<16xf32>
        %swap3A_281 = arith.index_cast %scan3A_87 : i32 to index
        %swap3A_282 = arith.constant 80 : index
        %swap3A_283 = tpu.vector_load %arg8[%swap3A_281, %swap3A_282] {strides = array<i32>} : memref<32x256xf32, #tpu.memory_space<vmem>>, vector<1x16xf32>,
        %swap3A_284 = vector.shape_cast %swap3A_283 : vector<1x16xf32> to vector<16xf32>
        %swap3A_285 = vector.shape_cast %mul3A_280 : vector<16xf32> to vector<1x16xf32>
        tpu.vector_store %arg8[%swap3A_281, %swap3A_282], %swap3A_285 {strides = array<i32>} : memref<32x256xf32, #tpu.memory_space<vmem>>, vector<1x16xf32>,
        %get3A_286 = arith.index_cast %mul3A_89 : i32 to index
        %get3A_287 = arith.constant 96 : index
        %get3A_288 = tpu.vector_load %arg6[%get3A_286, %get3A_287] {strides = array<i32>} : memref<128x256xf32, #tpu.memory_space<vmem>>, vector<1x16xf32>,
        %get3A_289 = vector.shape_cast %get3A_288 : vector<1x16xf32> to vector<16xf32>
        %add3A_290 = arith.constant 1 : i32
        %add3A_291 = arith.addi %mul3A_89, %add3A_290 : i32
        %get3A_292 = arith.index_cast %add3A_291 : i32 to index
        %get3A_293 = arith.constant 96 : index
        %get3A_294 = tpu.vector_load %arg6[%get3A_292, %get3A_293] {strides = array<i32>} : memref<128x256xf32, #tpu.memory_space<vmem>>, vector<1x16xf32>,
        %get3A_295 = vector.shape_cast %get3A_294 : vector<1x16xf32> to vector<16xf32>
        %add3A_296 = arith.addf %get3A_289, %get3A_295 : vector<16xf32>
        %add3A_297 = arith.constant 2 : i32
        %add3A_298 = arith.addi %mul3A_89, %add3A_297 : i32
        %get3A_299 = arith.index_cast %add3A_298 : i32 to index
        %get3A_300 = arith.constant 96 : index
        %get3A_301 = tpu.vector_load %arg6[%get3A_299, %get3A_300] {strides = array<i32>} : memref<128x256xf32, #tpu.memory_space<vmem>>, vector<1x16xf32>,
        %get3A_302 = vector.shape_cast %get3A_301 : vector<1x16xf32> to vector<16xf32>
        %add3A_303 = arith.constant 3 : i32
        %add3A_304 = arith.addi %mul3A_89, %add3A_303 : i32
        %get3A_305 = arith.index_cast %add3A_304 : i32 to index
        %get3A_306 = arith.constant 96 : index
        %get3A_307 = tpu.vector_load %arg6[%get3A_305, %get3A_306] {strides = array<i32>} : memref<128x256xf32, #tpu.memory_space<vmem>>, vector<1x16xf32>,
        %get3A_308 = vector.shape_cast %get3A_307 : vector<1x16xf32> to vector<16xf32>
        %add3A_309 = arith.addf %get3A_302, %get3A_308 : vector<16xf32>
        %add3A_310 = arith.addf %add3A_296, %add3A_309 : vector<16xf32>
        %mul3A_311 = arith.constant 2.500000e-01 : f32
        %mul3A_312 = vector.broadcast %mul3A_311 : f32 to vector<16xf32>
        %mul3A_313 = arith.mulf %add3A_310, %mul3A_312 : vector<16xf32>
        %swap3A_314 = arith.index_cast %scan3A_87 : i32 to index
        %swap3A_315 = arith.constant 96 : index
        %swap3A_316 = tpu.vector_load %arg8[%swap3A_314, %swap3A_315] {strides = array<i32>} : memref<32x256xf32, #tpu.memory_space<vmem>>, vector<1x16xf32>,
        %swap3A_317 = vector.shape_cast %swap3A_316 : vector<1x16xf32> to vector<16xf32>
        %swap3A_318 = vector.shape_cast %mul3A_313 : vector<16xf32> to vector<1x16xf32>
        tpu.vector_store %arg8[%swap3A_314, %swap3A_315], %swap3A_318 {strides = array<i32>} : memref<32x256xf32, #tpu.memory_space<vmem>>, vector<1x16xf32>,
        %get3A_319 = arith.index_cast %mul3A_89 : i32 to index
        %get3A_320 = arith.constant 112 : index
        %get3A_321 = tpu.vector_load %arg6[%get3A_319, %get3A_320] {strides = array<i32>} : memref<128x256xf32, #tpu.memory_space<vmem>>, vector<1x16xf32>,
        %get3A_322 = vector.shape_cast %get3A_321 : vector<1x16xf32> to vector<16xf32>
        %add3A_323 = arith.constant 1 : i32
        %add3A_324 = arith.addi %mul3A_89, %add3A_323 : i32
        %get3A_325 = arith.index_cast %add3A_324 : i32 to index
        %get3A_326 = arith.constant 112 : index
        %get3A_327 = tpu.vector_load %arg6[%get3A_325, %get3A_326] {strides = array<i32>} : memref<128x256xf32, #tpu.memory_space<vmem>>, vector<1x16xf32>,
        %get3A_328 = vector.shape_cast %get3A_327 : vector<1x16xf32> to vector<16xf32>
        %add3A_329 = arith.addf %get3A_322, %get3A_328 : vector<16xf32>
        %add3A_330 = arith.constant 2 : i32
        %add3A_331 = arith.addi %mul3A_89, %add3A_330 : i32
        %get3A_332 = arith.index_cast %add3A_331 : i32 to index
        %get3A_333 = arith.constant 112 : index
        %get3A_334 = tpu.vector_load %arg6[%get3A_332, %get3A_333] {strides = array<i32>} : memref<128x256xf32, #tpu.memory_space<vmem>>, vector<1x16xf32>,
        %get3A_335 = vector.shape_cast %get3A_334 : vector<1x16xf32> to vector<16xf32>
        %add3A_336 = arith.constant 3 : i32
        %add3A_337 = arith.addi %mul3A_89, %add3A_336 : i32
        %get3A_338 = arith.index_cast %add3A_337 : i32 to index
        %get3A_339 = arith.constant 112 : index
        %get3A_340 = tpu.vector_load %arg6[%get3A_338, %get3A_339] {strides = array<i32>} : memref<128x256xf32, #tpu.memory_space<vmem>>, vector<1x16xf32>,
        %get3A_341 = vector.shape_cast %get3A_340 : vector<1x16xf32> to vector<16xf32>
        %add3A_342 = arith.addf %get3A_335, %get3A_341 : vector<16xf32>
        %add3A_343 = arith.addf %add3A_329, %add3A_342 : vector<16xf32>
        %mul3A_344 = arith.constant 2.500000e-01 : f32
        %mul3A_345 = vector.broadcast %mul3A_344 : f32 to vector<16xf32>
        %mul3A_346 = arith.mulf %add3A_343, %mul3A_345 : vector<16xf32>
        %swap3A_347 = arith.index_cast %scan3A_87 : i32 to index
        %swap3A_348 = arith.constant 112 : index
        %swap3A_349 = tpu.vector_load %arg8[%swap3A_347, %swap3A_348] {strides = array<i32>} : memref<32x256xf32, #tpu.memory_space<vmem>>, vector<1x16xf32>,
        %swap3A_350 = vector.shape_cast %swap3A_349 : vector<1x16xf32> to vector<16xf32>
        %swap3A_351 = vector.shape_cast %mul3A_346 : vector<16xf32> to vector<1x16xf32>
        tpu.vector_store %arg8[%swap3A_347, %swap3A_348], %swap3A_351 {strides = array<i32>} : memref<32x256xf32, #tpu.memory_space<vmem>>, vector<1x16xf32>,
        %get3A_352 = arith.index_cast %mul3A_89 : i32 to index
        %get3A_353 = arith.constant 128 : index
        %get3A_354 = tpu.vector_load %arg6[%get3A_352, %get3A_353] {strides = array<i32>} : memref<128x256xf32, #tpu.memory_space<vmem>>, vector<1x16xf32>,
        %get3A_355 = vector.shape_cast %get3A_354 : vector<1x16xf32> to vector<16xf32>
        %add3A_356 = arith.constant 1 : i32
        %add3A_357 = arith.addi %mul3A_89, %add3A_356 : i32
        %get3A_358 = arith.index_cast %add3A_357 : i32 to index
        %get3A_359 = arith.constant 128 : index
        %get3A_360 = tpu.vector_load %arg6[%get3A_358, %get3A_359] {strides = array<i32>} : memref<128x256xf32, #tpu.memory_space<vmem>>, vector<1x16xf32>,
        %get3A_361 = vector.shape_cast %get3A_360 : vector<1x16xf32> to vector<16xf32>
        %add3A_362 = arith.addf %get3A_355, %get3A_361 : vector<16xf32>
        %add3A_363 = arith.constant 2 : i32
        %add3A_364 = arith.addi %mul3A_89, %add3A_363 : i32
        %get3A_365 = arith.index_cast %add3A_364 : i32 to index
        %get3A_366 = arith.constant 128 : index
        %get3A_367 = tpu.vector_load %arg6[%get3A_365, %get3A_366] {strides = array<i32>} : memref<128x256xf32, #tpu.memory_space<vmem>>, vector<1x16xf32>,
        %get3A_368 = vector.shape_cast %get3A_367 : vector<1x16xf32> to vector<16xf32>
        %add3A_369 = arith.constant 3 : i32
        %add3A_370 = arith.addi %mul3A_89, %add3A_369 : i32
        %get3A_371 = arith.index_cast %add3A_370 : i32 to index
        %get3A_372 = arith.constant 128 : index
        %get3A_373 = tpu.vector_load %arg6[%get3A_371, %get3A_372] {strides = array<i32>} : memref<128x256xf32, #tpu.memory_space<vmem>>, vector<1x16xf32>,
        %get3A_374 = vector.shape_cast %get3A_373 : vector<1x16xf32> to vector<16xf32>
        %add3A_375 = arith.addf %get3A_368, %get3A_374 : vector<16xf32>
        %add3A_376 = arith.addf %add3A_362, %add3A_375 : vector<16xf32>
        %mul3A_377 = arith.constant 2.500000e-01 : f32
        %mul3A_378 = vector.broadcast %mul3A_377 : f32 to vector<16xf32>
        %mul3A_379 = arith.mulf %add3A_376, %mul3A_378 : vector<16xf32>
        %swap3A_380 = arith.index_cast %scan3A_87 : i32 to index
        %swap3A_381 = arith.constant 128 : index
        %swap3A_382 = tpu.vector_load %arg8[%swap3A_380, %swap3A_381] {strides = array<i32>} : memref<32x256xf32, #tpu.memory_space<vmem>>, vector<1x16xf32>,
        %swap3A_383 = vector.shape_cast %swap3A_382 : vector<1x16xf32> to vector<16xf32>
        %swap3A_384 = vector.shape_cast %mul3A_379 : vector<16xf32> to vector<1x16xf32>
        tpu.vector_store %arg8[%swap3A_380, %swap3A_381], %swap3A_384 {strides = array<i32>} : memref<32x256xf32, #tpu.memory_space<vmem>>, vector<1x16xf32>,
        %get3A_385 = arith.index_cast %mul3A_89 : i32 to index
        %get3A_386 = arith.constant 144 : index
        %get3A_387 = tpu.vector_load %arg6[%get3A_385, %get3A_386] {strides = array<i32>} : memref<128x256xf32, #tpu.memory_space<vmem>>, vector<1x16xf32>,
        %get3A_388 = vector.shape_cast %get3A_387 : vector<1x16xf32> to vector<16xf32>
        %add3A_389 = arith.constant 1 : i32
        %add3A_390 = arith.addi %mul3A_89, %add3A_389 : i32
        %get3A_391 = arith.index_cast %add3A_390 : i32 to index
        %get3A_392 = arith.constant 144 : index
        %get3A_393 = tpu.vector_load %arg6[%get3A_391, %get3A_392] {strides = array<i32>} : memref<128x256xf32, #tpu.memory_space<vmem>>, vector<1x16xf32>,
        %get3A_394 = vector.shape_cast %get3A_393 : vector<1x16xf32> to vector<16xf32>
        %add3A_395 = arith.addf %get3A_388, %get3A_394 : vector<16xf32>
        %add3A_396 = arith.constant 2 : i32
        %add3A_397 = arith.addi %mul3A_89, %add3A_396 : i32
        %get3A_398 = arith.index_cast %add3A_397 : i32 to index
        %get3A_399 = arith.constant 144 : index
        %get3A_400 = tpu.vector_load %arg6[%get3A_398, %get3A_399] {strides = array<i32>} : memref<128x256xf32, #tpu.memory_space<vmem>>, vector<1x16xf32>,
        %get3A_401 = vector.shape_cast %get3A_400 : vector<1x16xf32> to vector<16xf32>
        %add3A_402 = arith.constant 3 : i32
        %add3A_403 = arith.addi %mul3A_89, %add3A_402 : i32
        %get3A_404 = arith.index_cast %add3A_403 : i32 to index
        %get3A_405 = arith.constant 144 : index
        %get3A_406 = tpu.vector_load %arg6[%get3A_404, %get3A_405] {strides = array<i32>} : memref<128x256xf32, #tpu.memory_space<vmem>>, vector<1x16xf32>,
        %get3A_407 = vector.shape_cast %get3A_406 : vector<1x16xf32> to vector<16xf32>
        %add3A_408 = arith.addf %get3A_401, %get3A_407 : vector<16xf32>
        %add3A_409 = arith.addf %add3A_395, %add3A_408 : vector<16xf32>
        %mul3A_410 = arith.constant 2.500000e-01 : f32
        %mul3A_411 = vector.broadcast %mul3A_410 : f32 to vector<16xf32>
        %mul3A_412 = arith.mulf %add3A_409, %mul3A_411 : vector<16xf32>
        %swap3A_413 = arith.index_cast %scan3A_87 : i32 to index
        %swap3A_414 = arith.constant 144 : index
        %swap3A_415 = tpu.vector_load %arg8[%swap3A_413, %swap3A_414] {strides = array<i32>} : memref<32x256xf32, #tpu.memory_space<vmem>>, vector<1x16xf32>,
        %swap3A_416 = vector.shape_cast %swap3A_415 : vector<1x16xf32> to vector<16xf32>
        %swap3A_417 = vector.shape_cast %mul3A_412 : vector<16xf32> to vector<1x16xf32>
        tpu.vector_store %arg8[%swap3A_413, %swap3A_414], %swap3A_417 {strides = array<i32>} : memref<32x256xf32, #tpu.memory_space<vmem>>, vector<1x16xf32>,
        %get3A_418 = arith.index_cast %mul3A_89 : i32 to index
        %get3A_419 = arith.constant 160 : index
        %get3A_420 = tpu.vector_load %arg6[%get3A_418, %get3A_419] {strides = array<i32>} : memref<128x256xf32, #tpu.memory_space<vmem>>, vector<1x16xf32>,
        %get3A_421 = vector.shape_cast %get3A_420 : vector<1x16xf32> to vector<16xf32>
        %add3A_422 = arith.constant 1 : i32
        %add3A_423 = arith.addi %mul3A_89, %add3A_422 : i32
        %get3A_424 = arith.index_cast %add3A_423 : i32 to index
        %get3A_425 = arith.constant 160 : index
        %get3A_426 = tpu.vector_load %arg6[%get3A_424, %get3A_425] {strides = array<i32>} : memref<128x256xf32, #tpu.memory_space<vmem>>, vector<1x16xf32>,
        %get3A_427 = vector.shape_cast %get3A_426 : vector<1x16xf32> to vector<16xf32>
        %add3A_428 = arith.addf %get3A_421, %get3A_427 : vector<16xf32>
        %add3A_429 = arith.constant 2 : i32
        %add3A_430 = arith.addi %mul3A_89, %add3A_429 : i32
        %get3A_431 = arith.index_cast %add3A_430 : i32 to index
        %get3A_432 = arith.constant 160 : index
        %get3A_433 = tpu.vector_load %arg6[%get3A_431, %get3A_432] {strides = array<i32>} : memref<128x256xf32, #tpu.memory_space<vmem>>, vector<1x16xf32>,
        %get3A_434 = vector.shape_cast %get3A_433 : vector<1x16xf32> to vector<16xf32>
        %add3A_435 = arith.constant 3 : i32
        %add3A_436 = arith.addi %mul3A_89, %add3A_435 : i32
        %get3A_437 = arith.index_cast %add3A_436 : i32 to index
        %get3A_438 = arith.constant 160 : index
        %get3A_439 = tpu.vector_load %arg6[%get3A_437, %get3A_438] {strides = array<i32>} : memref<128x256xf32, #tpu.memory_space<vmem>>, vector<1x16xf32>,
        %get3A_440 = vector.shape_cast %get3A_439 : vector<1x16xf32> to vector<16xf32>
        %add3A_441 = arith.addf %get3A_434, %get3A_440 : vector<16xf32>
        %add3A_442 = arith.addf %add3A_428, %add3A_441 : vector<16xf32>
        %mul3A_443 = arith.constant 2.500000e-01 : f32
        %mul3A_444 = vector.broadcast %mul3A_443 : f32 to vector<16xf32>
        %mul3A_445 = arith.mulf %add3A_442, %mul3A_444 : vector<16xf32>
        %swap3A_446 = arith.index_cast %scan3A_87 : i32 to index
        %swap3A_447 = arith.constant 160 : index
        %swap3A_448 = tpu.vector_load %arg8[%swap3A_446, %swap3A_447] {strides = array<i32>} : memref<32x256xf32, #tpu.memory_space<vmem>>, vector<1x16xf32>,
        %swap3A_449 = vector.shape_cast %swap3A_448 : vector<1x16xf32> to vector<16xf32>
        %swap3A_450 = vector.shape_cast %mul3A_445 : vector<16xf32> to vector<1x16xf32>
        tpu.vector_store %arg8[%swap3A_446, %swap3A_447], %swap3A_450 {strides = array<i32>} : memref<32x256xf32, #tpu.memory_space<vmem>>, vector<1x16xf32>,
        %get3A_451 = arith.index_cast %mul3A_89 : i32 to index
        %get3A_452 = arith.constant 176 : index
        %get3A_453 = tpu.vector_load %arg6[%get3A_451, %get3A_452] {strides = array<i32>} : memref<128x256xf32, #tpu.memory_space<vmem>>, vector<1x16xf32>,
        %get3A_454 = vector.shape_cast %get3A_453 : vector<1x16xf32> to vector<16xf32>
        %add3A_455 = arith.constant 1 : i32
        %add3A_456 = arith.addi %mul3A_89, %add3A_455 : i32
        %get3A_457 = arith.index_cast %add3A_456 : i32 to index
        %get3A_458 = arith.constant 176 : index
        %get3A_459 = tpu.vector_load %arg6[%get3A_457, %get3A_458] {strides = array<i32>} : memref<128x256xf32, #tpu.memory_space<vmem>>, vector<1x16xf32>,
        %get3A_460 = vector.shape_cast %get3A_459 : vector<1x16xf32> to vector<16xf32>
        %add3A_461 = arith.addf %get3A_454, %get3A_460 : vector<16xf32>
        %add3A_462 = arith.constant 2 : i32
        %add3A_463 = arith.addi %mul3A_89, %add3A_462 : i32
        %get3A_464 = arith.index_cast %add3A_463 : i32 to index
        %get3A_465 = arith.constant 176 : index
        %get3A_466 = tpu.vector_load %arg6[%get3A_464, %get3A_465] {strides = array<i32>} : memref<128x256xf32, #tpu.memory_space<vmem>>, vector<1x16xf32>,
        %get3A_467 = vector.shape_cast %get3A_466 : vector<1x16xf32> to vector<16xf32>
        %add3A_468 = arith.constant 3 : i32
        %add3A_469 = arith.addi %mul3A_89, %add3A_468 : i32
        %get3A_470 = arith.index_cast %add3A_469 : i32 to index
        %get3A_471 = arith.constant 176 : index
        %get3A_472 = tpu.vector_load %arg6[%get3A_470, %get3A_471] {strides = array<i32>} : memref<128x256xf32, #tpu.memory_space<vmem>>, vector<1x16xf32>,
        %get3A_473 = vector.shape_cast %get3A_472 : vector<1x16xf32> to vector<16xf32>
        %add3A_474 = arith.addf %get3A_467, %get3A_473 : vector<16xf32>
        %add3A_475 = arith.addf %add3A_461, %add3A_474 : vector<16xf32>
        %mul3A_476 = arith.constant 2.500000e-01 : f32
        %mul3A_477 = vector.broadcast %mul3A_476 : f32 to vector<16xf32>
        %mul3A_478 = arith.mulf %add3A_475, %mul3A_477 : vector<16xf32>
        %swap3A_479 = arith.index_cast %scan3A_87 : i32 to index
        %swap3A_480 = arith.constant 176 : index
        %swap3A_481 = tpu.vector_load %arg8[%swap3A_479, %swap3A_480] {strides = array<i32>} : memref<32x256xf32, #tpu.memory_space<vmem>>, vector<1x16xf32>,
        %swap3A_482 = vector.shape_cast %swap3A_481 : vector<1x16xf32> to vector<16xf32>
        %swap3A_483 = vector.shape_cast %mul3A_478 : vector<16xf32> to vector<1x16xf32>
        tpu.vector_store %arg8[%swap3A_479, %swap3A_480], %swap3A_483 {strides = array<i32>} : memref<32x256xf32, #tpu.memory_space<vmem>>, vector<1x16xf32>,
        %get3A_484 = arith.index_cast %mul3A_89 : i32 to index
        %get3A_485 = arith.constant 192 : index
        %get3A_486 = tpu.vector_load %arg6[%get3A_484, %get3A_485] {strides = array<i32>} : memref<128x256xf32, #tpu.memory_space<vmem>>, vector<1x16xf32>,
        %get3A_487 = vector.shape_cast %get3A_486 : vector<1x16xf32> to vector<16xf32>
        %add3A_488 = arith.constant 1 : i32
        %add3A_489 = arith.addi %mul3A_89, %add3A_488 : i32
        %get3A_490 = arith.index_cast %add3A_489 : i32 to index
        %get3A_491 = arith.constant 192 : index
        %get3A_492 = tpu.vector_load %arg6[%get3A_490, %get3A_491] {strides = array<i32>} : memref<128x256xf32, #tpu.memory_space<vmem>>, vector<1x16xf32>,
        %get3A_493 = vector.shape_cast %get3A_492 : vector<1x16xf32> to vector<16xf32>
        %add3A_494 = arith.addf %get3A_487, %get3A_493 : vector<16xf32>
        %add3A_495 = arith.constant 2 : i32
        %add3A_496 = arith.addi %mul3A_89, %add3A_495 : i32
        %get3A_497 = arith.index_cast %add3A_496 : i32 to index
        %get3A_498 = arith.constant 192 : index
        %get3A_499 = tpu.vector_load %arg6[%get3A_497, %get3A_498] {strides = array<i32>} : memref<128x256xf32, #tpu.memory_space<vmem>>, vector<1x16xf32>,
        %get3A_500 = vector.shape_cast %get3A_499 : vector<1x16xf32> to vector<16xf32>
        %add3A_501 = arith.constant 3 : i32
        %add3A_502 = arith.addi %mul3A_89, %add3A_501 : i32
        %get3A_503 = arith.index_cast %add3A_502 : i32 to index
        %get3A_504 = arith.constant 192 : index
        %get3A_505 = tpu.vector_load %arg6[%get3A_503, %get3A_504] {strides = array<i32>} : memref<128x256xf32, #tpu.memory_space<vmem>>, vector<1x16xf32>,
        %get3A_506 = vector.shape_cast %get3A_505 : vector<1x16xf32> to vector<16xf32>
        %add3A_507 = arith.addf %get3A_500, %get3A_506 : vector<16xf32>
        %add3A_508 = arith.addf %add3A_494, %add3A_507 : vector<16xf32>
        %mul3A_509 = arith.constant 2.500000e-01 : f32
        %mul3A_510 = vector.broadcast %mul3A_509 : f32 to vector<16xf32>
        %mul3A_511 = arith.mulf %add3A_508, %mul3A_510 : vector<16xf32>
        %swap3A_512 = arith.index_cast %scan3A_87 : i32 to index
        %swap3A_513 = arith.constant 192 : index
        %swap3A_514 = tpu.vector_load %arg8[%swap3A_512, %swap3A_513] {strides = array<i32>} : memref<32x256xf32, #tpu.memory_space<vmem>>, vector<1x16xf32>,
        %swap3A_515 = vector.shape_cast %swap3A_514 : vector<1x16xf32> to vector<16xf32>
        %swap3A_516 = vector.shape_cast %mul3A_511 : vector<16xf32> to vector<1x16xf32>
        tpu.vector_store %arg8[%swap3A_512, %swap3A_513], %swap3A_516 {strides = array<i32>} : memref<32x256xf32, #tpu.memory_space<vmem>>, vector<1x16xf32>,
        %get3A_517 = arith.index_cast %mul3A_89 : i32 to index
        %get3A_518 = arith.constant 208 : index
        %get3A_519 = tpu.vector_load %arg6[%get3A_517, %get3A_518] {strides = array<i32>} : memref<128x256xf32, #tpu.memory_space<vmem>>, vector<1x16xf32>,
        %get3A_520 = vector.shape_cast %get3A_519 : vector<1x16xf32> to vector<16xf32>
        %add3A_521 = arith.constant 1 : i32
        %add3A_522 = arith.addi %mul3A_89, %add3A_521 : i32
        %get3A_523 = arith.index_cast %add3A_522 : i32 to index
        %get3A_524 = arith.constant 208 : index
        %get3A_525 = tpu.vector_load %arg6[%get3A_523, %get3A_524] {strides = array<i32>} : memref<128x256xf32, #tpu.memory_space<vmem>>, vector<1x16xf32>,
        %get3A_526 = vector.shape_cast %get3A_525 : vector<1x16xf32> to vector<16xf32>
        %add3A_527 = arith.addf %get3A_520, %get3A_526 : vector<16xf32>
        %add3A_528 = arith.constant 2 : i32
        %add3A_529 = arith.addi %mul3A_89, %add3A_528 : i32
        %get3A_530 = arith.index_cast %add3A_529 : i32 to index
        %get3A_531 = arith.constant 208 : index
        %get3A_532 = tpu.vector_load %arg6[%get3A_530, %get3A_531] {strides = array<i32>} : memref<128x256xf32, #tpu.memory_space<vmem>>, vector<1x16xf32>,
        %get3A_533 = vector.shape_cast %get3A_532 : vector<1x16xf32> to vector<16xf32>
        %add3A_534 = arith.constant 3 : i32
        %add3A_535 = arith.addi %mul3A_89, %add3A_534 : i32
        %get3A_536 = arith.index_cast %add3A_535 : i32 to index
        %get3A_537 = arith.constant 208 : index
        %get3A_538 = tpu.vector_load %arg6[%get3A_536, %get3A_537] {strides = array<i32>} : memref<128x256xf32, #tpu.memory_space<vmem>>, vector<1x16xf32>,
        %get3A_539 = vector.shape_cast %get3A_538 : vector<1x16xf32> to vector<16xf32>
        %add3A_540 = arith.addf %get3A_533, %get3A_539 : vector<16xf32>
        %add3A_541 = arith.addf %add3A_527, %add3A_540 : vector<16xf32>
        %mul3A_542 = arith.constant 2.500000e-01 : f32
        %mul3A_543 = vector.broadcast %mul3A_542 : f32 to vector<16xf32>
        %mul3A_544 = arith.mulf %add3A_541, %mul3A_543 : vector<16xf32>
        %swap3A_545 = arith.index_cast %scan3A_87 : i32 to index
        %swap3A_546 = arith.constant 208 : index
        %swap3A_547 = tpu.vector_load %arg8[%swap3A_545, %swap3A_546] {strides = array<i32>} : memref<32x256xf32, #tpu.memory_space<vmem>>, vector<1x16xf32>,
        %swap3A_548 = vector.shape_cast %swap3A_547 : vector<1x16xf32> to vector<16xf32>
        %swap3A_549 = vector.shape_cast %mul3A_544 : vector<16xf32> to vector<1x16xf32>
        tpu.vector_store %arg8[%swap3A_545, %swap3A_546], %swap3A_549 {strides = array<i32>} : memref<32x256xf32, #tpu.memory_space<vmem>>, vector<1x16xf32>,
        %get3A_550 = arith.index_cast %mul3A_89 : i32 to index
        %get3A_551 = arith.constant 224 : index
        %get3A_552 = tpu.vector_load %arg6[%get3A_550, %get3A_551] {strides = array<i32>} : memref<128x256xf32, #tpu.memory_space<vmem>>, vector<1x16xf32>,
        %get3A_553 = vector.shape_cast %get3A_552 : vector<1x16xf32> to vector<16xf32>
        %add3A_554 = arith.constant 1 : i32
        %add3A_555 = arith.addi %mul3A_89, %add3A_554 : i32
        %get3A_556 = arith.index_cast %add3A_555 : i32 to index
        %get3A_557 = arith.constant 224 : index
        %get3A_558 = tpu.vector_load %arg6[%get3A_556, %get3A_557] {strides = array<i32>} : memref<128x256xf32, #tpu.memory_space<vmem>>, vector<1x16xf32>,
        %get3A_559 = vector.shape_cast %get3A_558 : vector<1x16xf32> to vector<16xf32>
        %add3A_560 = arith.addf %get3A_553, %get3A_559 : vector<16xf32>
        %add3A_561 = arith.constant 2 : i32
        %add3A_562 = arith.addi %mul3A_89, %add3A_561 : i32
        %get3A_563 = arith.index_cast %add3A_562 : i32 to index
        %get3A_564 = arith.constant 224 : index
        %get3A_565 = tpu.vector_load %arg6[%get3A_563, %get3A_564] {strides = array<i32>} : memref<128x256xf32, #tpu.memory_space<vmem>>, vector<1x16xf32>,
        %get3A_566 = vector.shape_cast %get3A_565 : vector<1x16xf32> to vector<16xf32>
        %add3A_567 = arith.constant 3 : i32
        %add3A_568 = arith.addi %mul3A_89, %add3A_567 : i32
        %get3A_569 = arith.index_cast %add3A_568 : i32 to index
        %get3A_570 = arith.constant 224 : index
        %get3A_571 = tpu.vector_load %arg6[%get3A_569, %get3A_570] {strides = array<i32>} : memref<128x256xf32, #tpu.memory_space<vmem>>, vector<1x16xf32>,
        %get3A_572 = vector.shape_cast %get3A_571 : vector<1x16xf32> to vector<16xf32>
        %add3A_573 = arith.addf %get3A_566, %get3A_572 : vector<16xf32>
        %add3A_574 = arith.addf %add3A_560, %add3A_573 : vector<16xf32>
        %mul3A_575 = arith.constant 2.500000e-01 : f32
        %mul3A_576 = vector.broadcast %mul3A_575 : f32 to vector<16xf32>
        %mul3A_577 = arith.mulf %add3A_574, %mul3A_576 : vector<16xf32>
        %swap3A_578 = arith.index_cast %scan3A_87 : i32 to index
        %swap3A_579 = arith.constant 224 : index
        %swap3A_580 = tpu.vector_load %arg8[%swap3A_578, %swap3A_579] {strides = array<i32>} : memref<32x256xf32, #tpu.memory_space<vmem>>, vector<1x16xf32>,
        %swap3A_581 = vector.shape_cast %swap3A_580 : vector<1x16xf32> to vector<16xf32>
        %swap3A_582 = vector.shape_cast %mul3A_577 : vector<16xf32> to vector<1x16xf32>
        tpu.vector_store %arg8[%swap3A_578, %swap3A_579], %swap3A_582 {strides = array<i32>} : memref<32x256xf32, #tpu.memory_space<vmem>>, vector<1x16xf32>,
        %get3A_583 = arith.index_cast %mul3A_89 : i32 to index
        %get3A_584 = arith.constant 240 : index
        %get3A_585 = tpu.vector_load %arg6[%get3A_583, %get3A_584] {strides = array<i32>} : memref<128x256xf32, #tpu.memory_space<vmem>>, vector<1x16xf32>,
        %get3A_586 = vector.shape_cast %get3A_585 : vector<1x16xf32> to vector<16xf32>
        %add3A_587 = arith.constant 1 : i32
        %add3A_588 = arith.addi %mul3A_89, %add3A_587 : i32
        %get3A_589 = arith.index_cast %add3A_588 : i32 to index
        %get3A_590 = arith.constant 240 : index
        %get3A_591 = tpu.vector_load %arg6[%get3A_589, %get3A_590] {strides = array<i32>} : memref<128x256xf32, #tpu.memory_space<vmem>>, vector<1x16xf32>,
        %get3A_592 = vector.shape_cast %get3A_591 : vector<1x16xf32> to vector<16xf32>
        %add3A_593 = arith.addf %get3A_586, %get3A_592 : vector<16xf32>
        %add3A_594 = arith.constant 2 : i32
        %add3A_595 = arith.addi %mul3A_89, %add3A_594 : i32
        %get3A_596 = arith.index_cast %add3A_595 : i32 to index
        %get3A_597 = arith.constant 240 : index
        %get3A_598 = tpu.vector_load %arg6[%get3A_596, %get3A_597] {strides = array<i32>} : memref<128x256xf32, #tpu.memory_space<vmem>>, vector<1x16xf32>,
        %get3A_599 = vector.shape_cast %get3A_598 : vector<1x16xf32> to vector<16xf32>
        %add3A_600 = arith.constant 3 : i32
        %add3A_601 = arith.addi %mul3A_89, %add3A_600 : i32
        %get3A_602 = arith.index_cast %add3A_601 : i32 to index
        %get3A_603 = arith.constant 240 : index
        %get3A_604 = tpu.vector_load %arg6[%get3A_602, %get3A_603] {strides = array<i32>} : memref<128x256xf32, #tpu.memory_space<vmem>>, vector<1x16xf32>,
        %get3A_605 = vector.shape_cast %get3A_604 : vector<1x16xf32> to vector<16xf32>
        %add3A_606 = arith.addf %get3A_599, %get3A_605 : vector<16xf32>
        %add3A_607 = arith.addf %add3A_593, %add3A_606 : vector<16xf32>
        %mul3A_608 = arith.constant 2.500000e-01 : f32
        %mul3A_609 = vector.broadcast %mul3A_608 : f32 to vector<16xf32>
        %mul3A_610 = arith.mulf %add3A_607, %mul3A_609 : vector<16xf32>
        %swap3A_611 = arith.index_cast %scan3A_87 : i32 to index
        %swap3A_612 = arith.constant 240 : index
        %swap3A_613 = tpu.vector_load %arg8[%swap3A_611, %swap3A_612] {strides = array<i32>} : memref<32x256xf32, #tpu.memory_space<vmem>>, vector<1x16xf32>,
        %swap3A_614 = vector.shape_cast %swap3A_613 : vector<1x16xf32> to vector<16xf32>
        %swap3A_615 = vector.shape_cast %mul3A_610 : vector<16xf32> to vector<1x16xf32>
        tpu.vector_store %arg8[%swap3A_611, %swap3A_612], %swap3A_615 {strides = array<i32>} : memref<32x256xf32, #tpu.memory_space<vmem>>, vector<1x16xf32>,
      }
      %scan3A_48 = arith.constant 32 : i32
      %mul3A_49 = arith.constant 32 : i32
      %mul3A_50 = arith.muli %mul3A_27, %mul3A_49 : i32
      %add3A_51 = arith.addi %mul3A_4, %mul3A_50 : i32
      %dma_start3A_52 = arith.constant 0 : i32
      %dma_start3A_53 = tpu.memref_slice %arg4[%add3A_51, %dma_start3A_52] : memref<10240x256xf32, #tpu.memory_space<hbm>> -> memref<32x256xf32, #tpu.memory_space<hbm>>
      %dma_start3A_54 = arith.constant 0 : i32
      %dma_start3A_55 = tpu.memref_slice %arg4[%add3A_51, %dma_start3A_54] : memref<10240x256xf32, #tpu.memory_space<hbm>> -> memref<32x256xf32, #tpu.memory_space<hbm>>
      tpu.enqueue_dma source(%arg8 : memref<32x256xf32, #tpu.memory_space<vmem>>) target(%dma_start3A_55 : memref<32x256xf32, #tpu.memory_space<hbm>>) target_semaphore(%arg12 : memref<!tpu.dma_semaphore, #tpu.memory_space<semaphore_mem>>)
      %add3A_56 = arith.constant 2 : i32
      %add3A_57 = arith.addi %mul3A_27, %add3A_56 : i32
      %lt3A = arith.constant 10 : i32
      %lt3A_58 = arith.cmpi slt, %add3A_57, %lt3A : i32
      %convert_element_type3A_59 = arith.extui %lt3A_58 : i1 to i32
      %cond3A_60 = arith.constant 0 : i32
      %cond3A_61 = arith.cmpi ne, %convert_element_type3A_59, %cond3A_60 : i32
      scf.if %cond3A_61 {
        %add3A_87 = arith.constant 2 : i32
        %add3A_88 = arith.addi %mul3A_27, %add3A_87 : i32
        %mul3A_89 = arith.constant 128 : i32
        %mul3A_90 = arith.muli %add3A_88, %mul3A_89 : i32
        %dma_start3A_91 = tpu.memref_slice %arg5[%mul3A_90] : memref<1280xi32, #tpu.memory_space<vmem>> -> memref<128xi32, #tpu.memory_space<vmem>>
        %dma_start3A_92 = arith.constant 0 : i32
        %dma_start3A_93 = arith.constant 0 : i32
        %dma_start3A_94 = tpu.memref_slice %arg3[%dma_start3A_92, %dma_start3A_93] : memref<50000x256xf32, #tpu.memory_space<hbm>> -> memref<50000x256xf32, #tpu.memory_space<hbm>>
        tpu.enqueue_indirect_dma source(%dma_start3A_94 : memref<50000x256xf32, #tpu.memory_space<hbm>>) target(%arg6 : memref<128x256xf32, #tpu.memory_space<vmem>>) offsets(%dma_start3A_91 : memref<128xi32, #tpu.memory_space<vmem>>) semaphore(%arg10 : memref<!tpu.dma_semaphore, #tpu.memory_space<semaphore_mem>>)
      } else {
      }
      %dma_wait3A_62 = arith.constant 0 : i32
      %dma_wait3A_63 = tpu.memref_slice %arg5[%dma_wait3A_62] : memref<1280xi32, #tpu.memory_space<vmem>> -> memref<128xi32, #tpu.memory_space<vmem>>
      %dma_wait3A_64 = arith.constant 0 : i32
      %dma_wait3A_65 = arith.constant 0 : i32
      %dma_wait3A_66 = tpu.memref_slice %arg3[%dma_wait3A_64, %dma_wait3A_65] : memref<50000x256xf32, #tpu.memory_space<hbm>> -> memref<50000x256xf32, #tpu.memory_space<hbm>>
      tpu.wait_indirect_dma semaphore(%arg11 : memref<!tpu.dma_semaphore, #tpu.memory_space<semaphore_mem>>) src(%dma_wait3A_66 : memref<50000x256xf32, #tpu.memory_space<hbm>>) dst(%arg7 : memref<128x256xf32, #tpu.memory_space<vmem>>)
      %gt3A_67 = arith.constant 0 : i32
      %gt3A_68 = arith.cmpi sgt, %scan3A_25, %gt3A_67 : i32
      %convert_element_type3A_69 = arith.extui %gt3A_68 : i1 to i32
      %cond3A_70 = arith.constant 0 : i32
      %cond3A_71 = arith.cmpi ne, %convert_element_type3A_69, %cond3A_70 : i32
      scf.if %cond3A_71 {
        %dma_wait3A_87 = arith.constant 0 : i32
        %dma_wait3A_88 = arith.constant 0 : i32
        %dma_wait3A_89 = tpu.memref_slice %arg4[%dma_wait3A_87, %dma_wait3A_88] : memref<10240x256xf32, #tpu.memory_space<hbm>> -> memref<32x256xf32, #tpu.memory_space<hbm>>
        %dma_wait3A_90 = arith.constant 0 : i32
        %dma_wait3A_91 = arith.constant 0 : i32
        %dma_wait3A_92 = tpu.memref_slice %arg4[%dma_wait3A_90, %dma_wait3A_91] : memref<10240x256xf32, #tpu.memory_space<hbm>> -> memref<32x256xf32, #tpu.memory_space<hbm>>
        tpu.wait_dma2 semaphore(%arg13 : memref<!tpu.dma_semaphore, #tpu.memory_space<semaphore_mem>>) src(%arg9 : memref<32x256xf32, #tpu.memory_space<vmem>>) dst(%dma_wait3A_92 : memref<32x256xf32, #tpu.memory_space<hbm>>)
      } else {
      }
      %scan3A_72 = arith.constant 0 : i32
      %scan3A_73 = arith.constant 0 : i32
      %scan3A_74 = arith.constant 32 : i32
      %scan3A_75 = arith.addi %scan3A_73, %scan3A_74 : i32
      %scan3A_76 = arith.constant 1 : i32
      scf.for %scan3A_87 = %scan3A_73 to %scan3A_75 step %scan3A_76  : i32 {
        %mul3A_88 = arith.constant 4 : i32
        %mul3A_89 = arith.muli %scan3A_87, %mul3A_88 : i32
        %get3A = arith.index_cast %mul3A_89 : i32 to index
        %get3A_90 = arith.constant 0 : index
        %get3A_91 = tpu.vector_load %arg7[%get3A, %get3A_90] {strides = array<i32>} : memref<128x256xf32, #tpu.memory_space<vmem>>, vector<1x16xf32>,
        %get3A_92 = vector.shape_cast %get3A_91 : vector<1x16xf32> to vector<16xf32>
        %add3A_93 = arith.constant 1 : i32
        %add3A_94 = arith.addi %mul3A_89, %add3A_93 : i32
        %get3A_95 = arith.index_cast %add3A_94 : i32 to index
        %get3A_96 = arith.constant 0 : index
        %get3A_97 = tpu.vector_load %arg7[%get3A_95, %get3A_96] {strides = array<i32>} : memref<128x256xf32, #tpu.memory_space<vmem>>, vector<1x16xf32>,
        %get3A_98 = vector.shape_cast %get3A_97 : vector<1x16xf32> to vector<16xf32>
        %add3A_99 = arith.addf %get3A_92, %get3A_98 : vector<16xf32>
        %add3A_100 = arith.constant 2 : i32
        %add3A_101 = arith.addi %mul3A_89, %add3A_100 : i32
        %get3A_102 = arith.index_cast %add3A_101 : i32 to index
        %get3A_103 = arith.constant 0 : index
        %get3A_104 = tpu.vector_load %arg7[%get3A_102, %get3A_103] {strides = array<i32>} : memref<128x256xf32, #tpu.memory_space<vmem>>, vector<1x16xf32>,
        %get3A_105 = vector.shape_cast %get3A_104 : vector<1x16xf32> to vector<16xf32>
        %add3A_106 = arith.constant 3 : i32
        %add3A_107 = arith.addi %mul3A_89, %add3A_106 : i32
        %get3A_108 = arith.index_cast %add3A_107 : i32 to index
        %get3A_109 = arith.constant 0 : index
        %get3A_110 = tpu.vector_load %arg7[%get3A_108, %get3A_109] {strides = array<i32>} : memref<128x256xf32, #tpu.memory_space<vmem>>, vector<1x16xf32>,
        %get3A_111 = vector.shape_cast %get3A_110 : vector<1x16xf32> to vector<16xf32>
        %add3A_112 = arith.addf %get3A_105, %get3A_111 : vector<16xf32>
        %add3A_113 = arith.addf %add3A_99, %add3A_112 : vector<16xf32>
        %mul3A_114 = arith.constant 2.500000e-01 : f32
        %mul3A_115 = vector.broadcast %mul3A_114 : f32 to vector<16xf32>
        %mul3A_116 = arith.mulf %add3A_113, %mul3A_115 : vector<16xf32>
        %swap3A = arith.index_cast %scan3A_87 : i32 to index
        %swap3A_117 = arith.constant 0 : index
        %swap3A_118 = tpu.vector_load %arg9[%swap3A, %swap3A_117] {strides = array<i32>} : memref<32x256xf32, #tpu.memory_space<vmem>>, vector<1x16xf32>,
        %swap3A_119 = vector.shape_cast %swap3A_118 : vector<1x16xf32> to vector<16xf32>
        %swap3A_120 = vector.shape_cast %mul3A_116 : vector<16xf32> to vector<1x16xf32>
        tpu.vector_store %arg9[%swap3A, %swap3A_117], %swap3A_120 {strides = array<i32>} : memref<32x256xf32, #tpu.memory_space<vmem>>, vector<1x16xf32>,
        %get3A_121 = arith.index_cast %mul3A_89 : i32 to index
        %get3A_122 = arith.constant 16 : index
        %get3A_123 = tpu.vector_load %arg7[%get3A_121, %get3A_122] {strides = array<i32>} : memref<128x256xf32, #tpu.memory_space<vmem>>, vector<1x16xf32>,
        %get3A_124 = vector.shape_cast %get3A_123 : vector<1x16xf32> to vector<16xf32>
        %add3A_125 = arith.constant 1 : i32
        %add3A_126 = arith.addi %mul3A_89, %add3A_125 : i32
        %get3A_127 = arith.index_cast %add3A_126 : i32 to index
        %get3A_128 = arith.constant 16 : index
        %get3A_129 = tpu.vector_load %arg7[%get3A_127, %get3A_128] {strides = array<i32>} : memref<128x256xf32, #tpu.memory_space<vmem>>, vector<1x16xf32>,
        %get3A_130 = vector.shape_cast %get3A_129 : vector<1x16xf32> to vector<16xf32>
        %add3A_131 = arith.addf %get3A_124, %get3A_130 : vector<16xf32>
        %add3A_132 = arith.constant 2 : i32
        %add3A_133 = arith.addi %mul3A_89, %add3A_132 : i32
        %get3A_134 = arith.index_cast %add3A_133 : i32 to index
        %get3A_135 = arith.constant 16 : index
        %get3A_136 = tpu.vector_load %arg7[%get3A_134, %get3A_135] {strides = array<i32>} : memref<128x256xf32, #tpu.memory_space<vmem>>, vector<1x16xf32>,
        %get3A_137 = vector.shape_cast %get3A_136 : vector<1x16xf32> to vector<16xf32>
        %add3A_138 = arith.constant 3 : i32
        %add3A_139 = arith.addi %mul3A_89, %add3A_138 : i32
        %get3A_140 = arith.index_cast %add3A_139 : i32 to index
        %get3A_141 = arith.constant 16 : index
        %get3A_142 = tpu.vector_load %arg7[%get3A_140, %get3A_141] {strides = array<i32>} : memref<128x256xf32, #tpu.memory_space<vmem>>, vector<1x16xf32>,
        %get3A_143 = vector.shape_cast %get3A_142 : vector<1x16xf32> to vector<16xf32>
        %add3A_144 = arith.addf %get3A_137, %get3A_143 : vector<16xf32>
        %add3A_145 = arith.addf %add3A_131, %add3A_144 : vector<16xf32>
        %mul3A_146 = arith.constant 2.500000e-01 : f32
        %mul3A_147 = vector.broadcast %mul3A_146 : f32 to vector<16xf32>
        %mul3A_148 = arith.mulf %add3A_145, %mul3A_147 : vector<16xf32>
        %swap3A_149 = arith.index_cast %scan3A_87 : i32 to index
        %swap3A_150 = arith.constant 16 : index
        %swap3A_151 = tpu.vector_load %arg9[%swap3A_149, %swap3A_150] {strides = array<i32>} : memref<32x256xf32, #tpu.memory_space<vmem>>, vector<1x16xf32>,
        %swap3A_152 = vector.shape_cast %swap3A_151 : vector<1x16xf32> to vector<16xf32>
        %swap3A_153 = vector.shape_cast %mul3A_148 : vector<16xf32> to vector<1x16xf32>
        tpu.vector_store %arg9[%swap3A_149, %swap3A_150], %swap3A_153 {strides = array<i32>} : memref<32x256xf32, #tpu.memory_space<vmem>>, vector<1x16xf32>,
        %get3A_154 = arith.index_cast %mul3A_89 : i32 to index
        %get3A_155 = arith.constant 32 : index
        %get3A_156 = tpu.vector_load %arg7[%get3A_154, %get3A_155] {strides = array<i32>} : memref<128x256xf32, #tpu.memory_space<vmem>>, vector<1x16xf32>,
        %get3A_157 = vector.shape_cast %get3A_156 : vector<1x16xf32> to vector<16xf32>
        %add3A_158 = arith.constant 1 : i32
        %add3A_159 = arith.addi %mul3A_89, %add3A_158 : i32
        %get3A_160 = arith.index_cast %add3A_159 : i32 to index
        %get3A_161 = arith.constant 32 : index
        %get3A_162 = tpu.vector_load %arg7[%get3A_160, %get3A_161] {strides = array<i32>} : memref<128x256xf32, #tpu.memory_space<vmem>>, vector<1x16xf32>,
        %get3A_163 = vector.shape_cast %get3A_162 : vector<1x16xf32> to vector<16xf32>
        %add3A_164 = arith.addf %get3A_157, %get3A_163 : vector<16xf32>
        %add3A_165 = arith.constant 2 : i32
        %add3A_166 = arith.addi %mul3A_89, %add3A_165 : i32
        %get3A_167 = arith.index_cast %add3A_166 : i32 to index
        %get3A_168 = arith.constant 32 : index
        %get3A_169 = tpu.vector_load %arg7[%get3A_167, %get3A_168] {strides = array<i32>} : memref<128x256xf32, #tpu.memory_space<vmem>>, vector<1x16xf32>,
        %get3A_170 = vector.shape_cast %get3A_169 : vector<1x16xf32> to vector<16xf32>
        %add3A_171 = arith.constant 3 : i32
        %add3A_172 = arith.addi %mul3A_89, %add3A_171 : i32
        %get3A_173 = arith.index_cast %add3A_172 : i32 to index
        %get3A_174 = arith.constant 32 : index
        %get3A_175 = tpu.vector_load %arg7[%get3A_173, %get3A_174] {strides = array<i32>} : memref<128x256xf32, #tpu.memory_space<vmem>>, vector<1x16xf32>,
        %get3A_176 = vector.shape_cast %get3A_175 : vector<1x16xf32> to vector<16xf32>
        %add3A_177 = arith.addf %get3A_170, %get3A_176 : vector<16xf32>
        %add3A_178 = arith.addf %add3A_164, %add3A_177 : vector<16xf32>
        %mul3A_179 = arith.constant 2.500000e-01 : f32
        %mul3A_180 = vector.broadcast %mul3A_179 : f32 to vector<16xf32>
        %mul3A_181 = arith.mulf %add3A_178, %mul3A_180 : vector<16xf32>
        %swap3A_182 = arith.index_cast %scan3A_87 : i32 to index
        %swap3A_183 = arith.constant 32 : index
        %swap3A_184 = tpu.vector_load %arg9[%swap3A_182, %swap3A_183] {strides = array<i32>} : memref<32x256xf32, #tpu.memory_space<vmem>>, vector<1x16xf32>,
        %swap3A_185 = vector.shape_cast %swap3A_184 : vector<1x16xf32> to vector<16xf32>
        %swap3A_186 = vector.shape_cast %mul3A_181 : vector<16xf32> to vector<1x16xf32>
        tpu.vector_store %arg9[%swap3A_182, %swap3A_183], %swap3A_186 {strides = array<i32>} : memref<32x256xf32, #tpu.memory_space<vmem>>, vector<1x16xf32>,
        %get3A_187 = arith.index_cast %mul3A_89 : i32 to index
        %get3A_188 = arith.constant 48 : index
        %get3A_189 = tpu.vector_load %arg7[%get3A_187, %get3A_188] {strides = array<i32>} : memref<128x256xf32, #tpu.memory_space<vmem>>, vector<1x16xf32>,
        %get3A_190 = vector.shape_cast %get3A_189 : vector<1x16xf32> to vector<16xf32>
        %add3A_191 = arith.constant 1 : i32
        %add3A_192 = arith.addi %mul3A_89, %add3A_191 : i32
        %get3A_193 = arith.index_cast %add3A_192 : i32 to index
        %get3A_194 = arith.constant 48 : index
        %get3A_195 = tpu.vector_load %arg7[%get3A_193, %get3A_194] {strides = array<i32>} : memref<128x256xf32, #tpu.memory_space<vmem>>, vector<1x16xf32>,
        %get3A_196 = vector.shape_cast %get3A_195 : vector<1x16xf32> to vector<16xf32>
        %add3A_197 = arith.addf %get3A_190, %get3A_196 : vector<16xf32>
        %add3A_198 = arith.constant 2 : i32
        %add3A_199 = arith.addi %mul3A_89, %add3A_198 : i32
        %get3A_200 = arith.index_cast %add3A_199 : i32 to index
        %get3A_201 = arith.constant 48 : index
        %get3A_202 = tpu.vector_load %arg7[%get3A_200, %get3A_201] {strides = array<i32>} : memref<128x256xf32, #tpu.memory_space<vmem>>, vector<1x16xf32>,
        %get3A_203 = vector.shape_cast %get3A_202 : vector<1x16xf32> to vector<16xf32>
        %add3A_204 = arith.constant 3 : i32
        %add3A_205 = arith.addi %mul3A_89, %add3A_204 : i32
        %get3A_206 = arith.index_cast %add3A_205 : i32 to index
        %get3A_207 = arith.constant 48 : index
        %get3A_208 = tpu.vector_load %arg7[%get3A_206, %get3A_207] {strides = array<i32>} : memref<128x256xf32, #tpu.memory_space<vmem>>, vector<1x16xf32>,
        %get3A_209 = vector.shape_cast %get3A_208 : vector<1x16xf32> to vector<16xf32>
        %add3A_210 = arith.addf %get3A_203, %get3A_209 : vector<16xf32>
        %add3A_211 = arith.addf %add3A_197, %add3A_210 : vector<16xf32>
        %mul3A_212 = arith.constant 2.500000e-01 : f32
        %mul3A_213 = vector.broadcast %mul3A_212 : f32 to vector<16xf32>
        %mul3A_214 = arith.mulf %add3A_211, %mul3A_213 : vector<16xf32>
        %swap3A_215 = arith.index_cast %scan3A_87 : i32 to index
        %swap3A_216 = arith.constant 48 : index
        %swap3A_217 = tpu.vector_load %arg9[%swap3A_215, %swap3A_216] {strides = array<i32>} : memref<32x256xf32, #tpu.memory_space<vmem>>, vector<1x16xf32>,
        %swap3A_218 = vector.shape_cast %swap3A_217 : vector<1x16xf32> to vector<16xf32>
        %swap3A_219 = vector.shape_cast %mul3A_214 : vector<16xf32> to vector<1x16xf32>
        tpu.vector_store %arg9[%swap3A_215, %swap3A_216], %swap3A_219 {strides = array<i32>} : memref<32x256xf32, #tpu.memory_space<vmem>>, vector<1x16xf32>,
        %get3A_220 = arith.index_cast %mul3A_89 : i32 to index
        %get3A_221 = arith.constant 64 : index
        %get3A_222 = tpu.vector_load %arg7[%get3A_220, %get3A_221] {strides = array<i32>} : memref<128x256xf32, #tpu.memory_space<vmem>>, vector<1x16xf32>,
        %get3A_223 = vector.shape_cast %get3A_222 : vector<1x16xf32> to vector<16xf32>
        %add3A_224 = arith.constant 1 : i32
        %add3A_225 = arith.addi %mul3A_89, %add3A_224 : i32
        %get3A_226 = arith.index_cast %add3A_225 : i32 to index
        %get3A_227 = arith.constant 64 : index
        %get3A_228 = tpu.vector_load %arg7[%get3A_226, %get3A_227] {strides = array<i32>} : memref<128x256xf32, #tpu.memory_space<vmem>>, vector<1x16xf32>,
        %get3A_229 = vector.shape_cast %get3A_228 : vector<1x16xf32> to vector<16xf32>
        %add3A_230 = arith.addf %get3A_223, %get3A_229 : vector<16xf32>
        %add3A_231 = arith.constant 2 : i32
        %add3A_232 = arith.addi %mul3A_89, %add3A_231 : i32
        %get3A_233 = arith.index_cast %add3A_232 : i32 to index
        %get3A_234 = arith.constant 64 : index
        %get3A_235 = tpu.vector_load %arg7[%get3A_233, %get3A_234] {strides = array<i32>} : memref<128x256xf32, #tpu.memory_space<vmem>>, vector<1x16xf32>,
        %get3A_236 = vector.shape_cast %get3A_235 : vector<1x16xf32> to vector<16xf32>
        %add3A_237 = arith.constant 3 : i32
        %add3A_238 = arith.addi %mul3A_89, %add3A_237 : i32
        %get3A_239 = arith.index_cast %add3A_238 : i32 to index
        %get3A_240 = arith.constant 64 : index
        %get3A_241 = tpu.vector_load %arg7[%get3A_239, %get3A_240] {strides = array<i32>} : memref<128x256xf32, #tpu.memory_space<vmem>>, vector<1x16xf32>,
        %get3A_242 = vector.shape_cast %get3A_241 : vector<1x16xf32> to vector<16xf32>
        %add3A_243 = arith.addf %get3A_236, %get3A_242 : vector<16xf32>
        %add3A_244 = arith.addf %add3A_230, %add3A_243 : vector<16xf32>
        %mul3A_245 = arith.constant 2.500000e-01 : f32
        %mul3A_246 = vector.broadcast %mul3A_245 : f32 to vector<16xf32>
        %mul3A_247 = arith.mulf %add3A_244, %mul3A_246 : vector<16xf32>
        %swap3A_248 = arith.index_cast %scan3A_87 : i32 to index
        %swap3A_249 = arith.constant 64 : index
        %swap3A_250 = tpu.vector_load %arg9[%swap3A_248, %swap3A_249] {strides = array<i32>} : memref<32x256xf32, #tpu.memory_space<vmem>>, vector<1x16xf32>,
        %swap3A_251 = vector.shape_cast %swap3A_250 : vector<1x16xf32> to vector<16xf32>
        %swap3A_252 = vector.shape_cast %mul3A_247 : vector<16xf32> to vector<1x16xf32>
        tpu.vector_store %arg9[%swap3A_248, %swap3A_249], %swap3A_252 {strides = array<i32>} : memref<32x256xf32, #tpu.memory_space<vmem>>, vector<1x16xf32>,
        %get3A_253 = arith.index_cast %mul3A_89 : i32 to index
        %get3A_254 = arith.constant 80 : index
        %get3A_255 = tpu.vector_load %arg7[%get3A_253, %get3A_254] {strides = array<i32>} : memref<128x256xf32, #tpu.memory_space<vmem>>, vector<1x16xf32>,
        %get3A_256 = vector.shape_cast %get3A_255 : vector<1x16xf32> to vector<16xf32>
        %add3A_257 = arith.constant 1 : i32
        %add3A_258 = arith.addi %mul3A_89, %add3A_257 : i32
        %get3A_259 = arith.index_cast %add3A_258 : i32 to index
        %get3A_260 = arith.constant 80 : index
        %get3A_261 = tpu.vector_load %arg7[%get3A_259, %get3A_260] {strides = array<i32>} : memref<128x256xf32, #tpu.memory_space<vmem>>, vector<1x16xf32>,
        %get3A_262 = vector.shape_cast %get3A_261 : vector<1x16xf32> to vector<16xf32>
        %add3A_263 = arith.addf %get3A_256, %get3A_262 : vector<16xf32>
        %add3A_264 = arith.constant 2 : i32
        %add3A_265 = arith.addi %mul3A_89, %add3A_264 : i32
        %get3A_266 = arith.index_cast %add3A_265 : i32 to index
        %get3A_267 = arith.constant 80 : index
        %get3A_268 = tpu.vector_load %arg7[%get3A_266, %get3A_267] {strides = array<i32>} : memref<128x256xf32, #tpu.memory_space<vmem>>, vector<1x16xf32>,
        %get3A_269 = vector.shape_cast %get3A_268 : vector<1x16xf32> to vector<16xf32>
        %add3A_270 = arith.constant 3 : i32
        %add3A_271 = arith.addi %mul3A_89, %add3A_270 : i32
        %get3A_272 = arith.index_cast %add3A_271 : i32 to index
        %get3A_273 = arith.constant 80 : index
        %get3A_274 = tpu.vector_load %arg7[%get3A_272, %get3A_273] {strides = array<i32>} : memref<128x256xf32, #tpu.memory_space<vmem>>, vector<1x16xf32>,
        %get3A_275 = vector.shape_cast %get3A_274 : vector<1x16xf32> to vector<16xf32>
        %add3A_276 = arith.addf %get3A_269, %get3A_275 : vector<16xf32>
        %add3A_277 = arith.addf %add3A_263, %add3A_276 : vector<16xf32>
        %mul3A_278 = arith.constant 2.500000e-01 : f32
        %mul3A_279 = vector.broadcast %mul3A_278 : f32 to vector<16xf32>
        %mul3A_280 = arith.mulf %add3A_277, %mul3A_279 : vector<16xf32>
        %swap3A_281 = arith.index_cast %scan3A_87 : i32 to index
        %swap3A_282 = arith.constant 80 : index
        %swap3A_283 = tpu.vector_load %arg9[%swap3A_281, %swap3A_282] {strides = array<i32>} : memref<32x256xf32, #tpu.memory_space<vmem>>, vector<1x16xf32>,
        %swap3A_284 = vector.shape_cast %swap3A_283 : vector<1x16xf32> to vector<16xf32>
        %swap3A_285 = vector.shape_cast %mul3A_280 : vector<16xf32> to vector<1x16xf32>
        tpu.vector_store %arg9[%swap3A_281, %swap3A_282], %swap3A_285 {strides = array<i32>} : memref<32x256xf32, #tpu.memory_space<vmem>>, vector<1x16xf32>,
        %get3A_286 = arith.index_cast %mul3A_89 : i32 to index
        %get3A_287 = arith.constant 96 : index
        %get3A_288 = tpu.vector_load %arg7[%get3A_286, %get3A_287] {strides = array<i32>} : memref<128x256xf32, #tpu.memory_space<vmem>>, vector<1x16xf32>,
        %get3A_289 = vector.shape_cast %get3A_288 : vector<1x16xf32> to vector<16xf32>
        %add3A_290 = arith.constant 1 : i32
        %add3A_291 = arith.addi %mul3A_89, %add3A_290 : i32
        %get3A_292 = arith.index_cast %add3A_291 : i32 to index
        %get3A_293 = arith.constant 96 : index
        %get3A_294 = tpu.vector_load %arg7[%get3A_292, %get3A_293] {strides = array<i32>} : memref<128x256xf32, #tpu.memory_space<vmem>>, vector<1x16xf32>,
        %get3A_295 = vector.shape_cast %get3A_294 : vector<1x16xf32> to vector<16xf32>
        %add3A_296 = arith.addf %get3A_289, %get3A_295 : vector<16xf32>
        %add3A_297 = arith.constant 2 : i32
        %add3A_298 = arith.addi %mul3A_89, %add3A_297 : i32
        %get3A_299 = arith.index_cast %add3A_298 : i32 to index
        %get3A_300 = arith.constant 96 : index
        %get3A_301 = tpu.vector_load %arg7[%get3A_299, %get3A_300] {strides = array<i32>} : memref<128x256xf32, #tpu.memory_space<vmem>>, vector<1x16xf32>,
        %get3A_302 = vector.shape_cast %get3A_301 : vector<1x16xf32> to vector<16xf32>
        %add3A_303 = arith.constant 3 : i32
        %add3A_304 = arith.addi %mul3A_89, %add3A_303 : i32
        %get3A_305 = arith.index_cast %add3A_304 : i32 to index
        %get3A_306 = arith.constant 96 : index
        %get3A_307 = tpu.vector_load %arg7[%get3A_305, %get3A_306] {strides = array<i32>} : memref<128x256xf32, #tpu.memory_space<vmem>>, vector<1x16xf32>,
        %get3A_308 = vector.shape_cast %get3A_307 : vector<1x16xf32> to vector<16xf32>
        %add3A_309 = arith.addf %get3A_302, %get3A_308 : vector<16xf32>
        %add3A_310 = arith.addf %add3A_296, %add3A_309 : vector<16xf32>
        %mul3A_311 = arith.constant 2.500000e-01 : f32
        %mul3A_312 = vector.broadcast %mul3A_311 : f32 to vector<16xf32>
        %mul3A_313 = arith.mulf %add3A_310, %mul3A_312 : vector<16xf32>
        %swap3A_314 = arith.index_cast %scan3A_87 : i32 to index
        %swap3A_315 = arith.constant 96 : index
        %swap3A_316 = tpu.vector_load %arg9[%swap3A_314, %swap3A_315] {strides = array<i32>} : memref<32x256xf32, #tpu.memory_space<vmem>>, vector<1x16xf32>,
        %swap3A_317 = vector.shape_cast %swap3A_316 : vector<1x16xf32> to vector<16xf32>
        %swap3A_318 = vector.shape_cast %mul3A_313 : vector<16xf32> to vector<1x16xf32>
        tpu.vector_store %arg9[%swap3A_314, %swap3A_315], %swap3A_318 {strides = array<i32>} : memref<32x256xf32, #tpu.memory_space<vmem>>, vector<1x16xf32>,
        %get3A_319 = arith.index_cast %mul3A_89 : i32 to index
        %get3A_320 = arith.constant 112 : index
        %get3A_321 = tpu.vector_load %arg7[%get3A_319, %get3A_320] {strides = array<i32>} : memref<128x256xf32, #tpu.memory_space<vmem>>, vector<1x16xf32>,
        %get3A_322 = vector.shape_cast %get3A_321 : vector<1x16xf32> to vector<16xf32>
        %add3A_323 = arith.constant 1 : i32
        %add3A_324 = arith.addi %mul3A_89, %add3A_323 : i32
        %get3A_325 = arith.index_cast %add3A_324 : i32 to index
        %get3A_326 = arith.constant 112 : index
        %get3A_327 = tpu.vector_load %arg7[%get3A_325, %get3A_326] {strides = array<i32>} : memref<128x256xf32, #tpu.memory_space<vmem>>, vector<1x16xf32>,
        %get3A_328 = vector.shape_cast %get3A_327 : vector<1x16xf32> to vector<16xf32>
        %add3A_329 = arith.addf %get3A_322, %get3A_328 : vector<16xf32>
        %add3A_330 = arith.constant 2 : i32
        %add3A_331 = arith.addi %mul3A_89, %add3A_330 : i32
        %get3A_332 = arith.index_cast %add3A_331 : i32 to index
        %get3A_333 = arith.constant 112 : index
        %get3A_334 = tpu.vector_load %arg7[%get3A_332, %get3A_333] {strides = array<i32>} : memref<128x256xf32, #tpu.memory_space<vmem>>, vector<1x16xf32>,
        %get3A_335 = vector.shape_cast %get3A_334 : vector<1x16xf32> to vector<16xf32>
        %add3A_336 = arith.constant 3 : i32
        %add3A_337 = arith.addi %mul3A_89, %add3A_336 : i32
        %get3A_338 = arith.index_cast %add3A_337 : i32 to index
        %get3A_339 = arith.constant 112 : index
        %get3A_340 = tpu.vector_load %arg7[%get3A_338, %get3A_339] {strides = array<i32>} : memref<128x256xf32, #tpu.memory_space<vmem>>, vector<1x16xf32>,
        %get3A_341 = vector.shape_cast %get3A_340 : vector<1x16xf32> to vector<16xf32>
        %add3A_342 = arith.addf %get3A_335, %get3A_341 : vector<16xf32>
        %add3A_343 = arith.addf %add3A_329, %add3A_342 : vector<16xf32>
        %mul3A_344 = arith.constant 2.500000e-01 : f32
        %mul3A_345 = vector.broadcast %mul3A_344 : f32 to vector<16xf32>
        %mul3A_346 = arith.mulf %add3A_343, %mul3A_345 : vector<16xf32>
        %swap3A_347 = arith.index_cast %scan3A_87 : i32 to index
        %swap3A_348 = arith.constant 112 : index
        %swap3A_349 = tpu.vector_load %arg9[%swap3A_347, %swap3A_348] {strides = array<i32>} : memref<32x256xf32, #tpu.memory_space<vmem>>, vector<1x16xf32>,
        %swap3A_350 = vector.shape_cast %swap3A_349 : vector<1x16xf32> to vector<16xf32>
        %swap3A_351 = vector.shape_cast %mul3A_346 : vector<16xf32> to vector<1x16xf32>
        tpu.vector_store %arg9[%swap3A_347, %swap3A_348], %swap3A_351 {strides = array<i32>} : memref<32x256xf32, #tpu.memory_space<vmem>>, vector<1x16xf32>,
        %get3A_352 = arith.index_cast %mul3A_89 : i32 to index
        %get3A_353 = arith.constant 128 : index
        %get3A_354 = tpu.vector_load %arg7[%get3A_352, %get3A_353] {strides = array<i32>} : memref<128x256xf32, #tpu.memory_space<vmem>>, vector<1x16xf32>,
        %get3A_355 = vector.shape_cast %get3A_354 : vector<1x16xf32> to vector<16xf32>
        %add3A_356 = arith.constant 1 : i32
        %add3A_357 = arith.addi %mul3A_89, %add3A_356 : i32
        %get3A_358 = arith.index_cast %add3A_357 : i32 to index
        %get3A_359 = arith.constant 128 : index
        %get3A_360 = tpu.vector_load %arg7[%get3A_358, %get3A_359] {strides = array<i32>} : memref<128x256xf32, #tpu.memory_space<vmem>>, vector<1x16xf32>,
        %get3A_361 = vector.shape_cast %get3A_360 : vector<1x16xf32> to vector<16xf32>
        %add3A_362 = arith.addf %get3A_355, %get3A_361 : vector<16xf32>
        %add3A_363 = arith.constant 2 : i32
        %add3A_364 = arith.addi %mul3A_89, %add3A_363 : i32
        %get3A_365 = arith.index_cast %add3A_364 : i32 to index
        %get3A_366 = arith.constant 128 : index
        %get3A_367 = tpu.vector_load %arg7[%get3A_365, %get3A_366] {strides = array<i32>} : memref<128x256xf32, #tpu.memory_space<vmem>>, vector<1x16xf32>,
        %get3A_368 = vector.shape_cast %get3A_367 : vector<1x16xf32> to vector<16xf32>
        %add3A_369 = arith.constant 3 : i32
        %add3A_370 = arith.addi %mul3A_89, %add3A_369 : i32
        %get3A_371 = arith.index_cast %add3A_370 : i32 to index
        %get3A_372 = arith.constant 128 : index
        %get3A_373 = tpu.vector_load %arg7[%get3A_371, %get3A_372] {strides = array<i32>} : memref<128x256xf32, #tpu.memory_space<vmem>>, vector<1x16xf32>,
        %get3A_374 = vector.shape_cast %get3A_373 : vector<1x16xf32> to vector<16xf32>
        %add3A_375 = arith.addf %get3A_368, %get3A_374 : vector<16xf32>
        %add3A_376 = arith.addf %add3A_362, %add3A_375 : vector<16xf32>
        %mul3A_377 = arith.constant 2.500000e-01 : f32
        %mul3A_378 = vector.broadcast %mul3A_377 : f32 to vector<16xf32>
        %mul3A_379 = arith.mulf %add3A_376, %mul3A_378 : vector<16xf32>
        %swap3A_380 = arith.index_cast %scan3A_87 : i32 to index
        %swap3A_381 = arith.constant 128 : index
        %swap3A_382 = tpu.vector_load %arg9[%swap3A_380, %swap3A_381] {strides = array<i32>} : memref<32x256xf32, #tpu.memory_space<vmem>>, vector<1x16xf32>,
        %swap3A_383 = vector.shape_cast %swap3A_382 : vector<1x16xf32> to vector<16xf32>
        %swap3A_384 = vector.shape_cast %mul3A_379 : vector<16xf32> to vector<1x16xf32>
        tpu.vector_store %arg9[%swap3A_380, %swap3A_381], %swap3A_384 {strides = array<i32>} : memref<32x256xf32, #tpu.memory_space<vmem>>, vector<1x16xf32>,
        %get3A_385 = arith.index_cast %mul3A_89 : i32 to index
        %get3A_386 = arith.constant 144 : index
        %get3A_387 = tpu.vector_load %arg7[%get3A_385, %get3A_386] {strides = array<i32>} : memref<128x256xf32, #tpu.memory_space<vmem>>, vector<1x16xf32>,
        %get3A_388 = vector.shape_cast %get3A_387 : vector<1x16xf32> to vector<16xf32>
        %add3A_389 = arith.constant 1 : i32
        %add3A_390 = arith.addi %mul3A_89, %add3A_389 : i32
        %get3A_391 = arith.index_cast %add3A_390 : i32 to index
        %get3A_392 = arith.constant 144 : index
        %get3A_393 = tpu.vector_load %arg7[%get3A_391, %get3A_392] {strides = array<i32>} : memref<128x256xf32, #tpu.memory_space<vmem>>, vector<1x16xf32>,
        %get3A_394 = vector.shape_cast %get3A_393 : vector<1x16xf32> to vector<16xf32>
        %add3A_395 = arith.addf %get3A_388, %get3A_394 : vector<16xf32>
        %add3A_396 = arith.constant 2 : i32
        %add3A_397 = arith.addi %mul3A_89, %add3A_396 : i32
        %get3A_398 = arith.index_cast %add3A_397 : i32 to index
        %get3A_399 = arith.constant 144 : index
        %get3A_400 = tpu.vector_load %arg7[%get3A_398, %get3A_399] {strides = array<i32>} : memref<128x256xf32, #tpu.memory_space<vmem>>, vector<1x16xf32>,
        %get3A_401 = vector.shape_cast %get3A_400 : vector<1x16xf32> to vector<16xf32>
        %add3A_402 = arith.constant 3 : i32
        %add3A_403 = arith.addi %mul3A_89, %add3A_402 : i32
        %get3A_404 = arith.index_cast %add3A_403 : i32 to index
        %get3A_405 = arith.constant 144 : index
        %get3A_406 = tpu.vector_load %arg7[%get3A_404, %get3A_405] {strides = array<i32>} : memref<128x256xf32, #tpu.memory_space<vmem>>, vector<1x16xf32>,
        %get3A_407 = vector.shape_cast %get3A_406 : vector<1x16xf32> to vector<16xf32>
        %add3A_408 = arith.addf %get3A_401, %get3A_407 : vector<16xf32>
        %add3A_409 = arith.addf %add3A_395, %add3A_408 : vector<16xf32>
        %mul3A_410 = arith.constant 2.500000e-01 : f32
        %mul3A_411 = vector.broadcast %mul3A_410 : f32 to vector<16xf32>
        %mul3A_412 = arith.mulf %add3A_409, %mul3A_411 : vector<16xf32>
        %swap3A_413 = arith.index_cast %scan3A_87 : i32 to index
        %swap3A_414 = arith.constant 144 : index
        %swap3A_415 = tpu.vector_load %arg9[%swap3A_413, %swap3A_414] {strides = array<i32>} : memref<32x256xf32, #tpu.memory_space<vmem>>, vector<1x16xf32>,
        %swap3A_416 = vector.shape_cast %swap3A_415 : vector<1x16xf32> to vector<16xf32>
        %swap3A_417 = vector.shape_cast %mul3A_412 : vector<16xf32> to vector<1x16xf32>
        tpu.vector_store %arg9[%swap3A_413, %swap3A_414], %swap3A_417 {strides = array<i32>} : memref<32x256xf32, #tpu.memory_space<vmem>>, vector<1x16xf32>,
        %get3A_418 = arith.index_cast %mul3A_89 : i32 to index
        %get3A_419 = arith.constant 160 : index
        %get3A_420 = tpu.vector_load %arg7[%get3A_418, %get3A_419] {strides = array<i32>} : memref<128x256xf32, #tpu.memory_space<vmem>>, vector<1x16xf32>,
        %get3A_421 = vector.shape_cast %get3A_420 : vector<1x16xf32> to vector<16xf32>
        %add3A_422 = arith.constant 1 : i32
        %add3A_423 = arith.addi %mul3A_89, %add3A_422 : i32
        %get3A_424 = arith.index_cast %add3A_423 : i32 to index
        %get3A_425 = arith.constant 160 : index
        %get3A_426 = tpu.vector_load %arg7[%get3A_424, %get3A_425] {strides = array<i32>} : memref<128x256xf32, #tpu.memory_space<vmem>>, vector<1x16xf32>,
        %get3A_427 = vector.shape_cast %get3A_426 : vector<1x16xf32> to vector<16xf32>
        %add3A_428 = arith.addf %get3A_421, %get3A_427 : vector<16xf32>
        %add3A_429 = arith.constant 2 : i32
        %add3A_430 = arith.addi %mul3A_89, %add3A_429 : i32
        %get3A_431 = arith.index_cast %add3A_430 : i32 to index
        %get3A_432 = arith.constant 160 : index
        %get3A_433 = tpu.vector_load %arg7[%get3A_431, %get3A_432] {strides = array<i32>} : memref<128x256xf32, #tpu.memory_space<vmem>>, vector<1x16xf32>,
        %get3A_434 = vector.shape_cast %get3A_433 : vector<1x16xf32> to vector<16xf32>
        %add3A_435 = arith.constant 3 : i32
        %add3A_436 = arith.addi %mul3A_89, %add3A_435 : i32
        %get3A_437 = arith.index_cast %add3A_436 : i32 to index
        %get3A_438 = arith.constant 160 : index
        %get3A_439 = tpu.vector_load %arg7[%get3A_437, %get3A_438] {strides = array<i32>} : memref<128x256xf32, #tpu.memory_space<vmem>>, vector<1x16xf32>,
        %get3A_440 = vector.shape_cast %get3A_439 : vector<1x16xf32> to vector<16xf32>
        %add3A_441 = arith.addf %get3A_434, %get3A_440 : vector<16xf32>
        %add3A_442 = arith.addf %add3A_428, %add3A_441 : vector<16xf32>
        %mul3A_443 = arith.constant 2.500000e-01 : f32
        %mul3A_444 = vector.broadcast %mul3A_443 : f32 to vector<16xf32>
        %mul3A_445 = arith.mulf %add3A_442, %mul3A_444 : vector<16xf32>
        %swap3A_446 = arith.index_cast %scan3A_87 : i32 to index
        %swap3A_447 = arith.constant 160 : index
        %swap3A_448 = tpu.vector_load %arg9[%swap3A_446, %swap3A_447] {strides = array<i32>} : memref<32x256xf32, #tpu.memory_space<vmem>>, vector<1x16xf32>,
        %swap3A_449 = vector.shape_cast %swap3A_448 : vector<1x16xf32> to vector<16xf32>
        %swap3A_450 = vector.shape_cast %mul3A_445 : vector<16xf32> to vector<1x16xf32>
        tpu.vector_store %arg9[%swap3A_446, %swap3A_447], %swap3A_450 {strides = array<i32>} : memref<32x256xf32, #tpu.memory_space<vmem>>, vector<1x16xf32>,
        %get3A_451 = arith.index_cast %mul3A_89 : i32 to index
        %get3A_452 = arith.constant 176 : index
        %get3A_453 = tpu.vector_load %arg7[%get3A_451, %get3A_452] {strides = array<i32>} : memref<128x256xf32, #tpu.memory_space<vmem>>, vector<1x16xf32>,
        %get3A_454 = vector.shape_cast %get3A_453 : vector<1x16xf32> to vector<16xf32>
        %add3A_455 = arith.constant 1 : i32
        %add3A_456 = arith.addi %mul3A_89, %add3A_455 : i32
        %get3A_457 = arith.index_cast %add3A_456 : i32 to index
        %get3A_458 = arith.constant 176 : index
        %get3A_459 = tpu.vector_load %arg7[%get3A_457, %get3A_458] {strides = array<i32>} : memref<128x256xf32, #tpu.memory_space<vmem>>, vector<1x16xf32>,
        %get3A_460 = vector.shape_cast %get3A_459 : vector<1x16xf32> to vector<16xf32>
        %add3A_461 = arith.addf %get3A_454, %get3A_460 : vector<16xf32>
        %add3A_462 = arith.constant 2 : i32
        %add3A_463 = arith.addi %mul3A_89, %add3A_462 : i32
        %get3A_464 = arith.index_cast %add3A_463 : i32 to index
        %get3A_465 = arith.constant 176 : index
        %get3A_466 = tpu.vector_load %arg7[%get3A_464, %get3A_465] {strides = array<i32>} : memref<128x256xf32, #tpu.memory_space<vmem>>, vector<1x16xf32>,
        %get3A_467 = vector.shape_cast %get3A_466 : vector<1x16xf32> to vector<16xf32>
        %add3A_468 = arith.constant 3 : i32
        %add3A_469 = arith.addi %mul3A_89, %add3A_468 : i32
        %get3A_470 = arith.index_cast %add3A_469 : i32 to index
        %get3A_471 = arith.constant 176 : index
        %get3A_472 = tpu.vector_load %arg7[%get3A_470, %get3A_471] {strides = array<i32>} : memref<128x256xf32, #tpu.memory_space<vmem>>, vector<1x16xf32>,
        %get3A_473 = vector.shape_cast %get3A_472 : vector<1x16xf32> to vector<16xf32>
        %add3A_474 = arith.addf %get3A_467, %get3A_473 : vector<16xf32>
        %add3A_475 = arith.addf %add3A_461, %add3A_474 : vector<16xf32>
        %mul3A_476 = arith.constant 2.500000e-01 : f32
        %mul3A_477 = vector.broadcast %mul3A_476 : f32 to vector<16xf32>
        %mul3A_478 = arith.mulf %add3A_475, %mul3A_477 : vector<16xf32>
        %swap3A_479 = arith.index_cast %scan3A_87 : i32 to index
        %swap3A_480 = arith.constant 176 : index
        %swap3A_481 = tpu.vector_load %arg9[%swap3A_479, %swap3A_480] {strides = array<i32>} : memref<32x256xf32, #tpu.memory_space<vmem>>, vector<1x16xf32>,
        %swap3A_482 = vector.shape_cast %swap3A_481 : vector<1x16xf32> to vector<16xf32>
        %swap3A_483 = vector.shape_cast %mul3A_478 : vector<16xf32> to vector<1x16xf32>
        tpu.vector_store %arg9[%swap3A_479, %swap3A_480], %swap3A_483 {strides = array<i32>} : memref<32x256xf32, #tpu.memory_space<vmem>>, vector<1x16xf32>,
        %get3A_484 = arith.index_cast %mul3A_89 : i32 to index
        %get3A_485 = arith.constant 192 : index
        %get3A_486 = tpu.vector_load %arg7[%get3A_484, %get3A_485] {strides = array<i32>} : memref<128x256xf32, #tpu.memory_space<vmem>>, vector<1x16xf32>,
        %get3A_487 = vector.shape_cast %get3A_486 : vector<1x16xf32> to vector<16xf32>
        %add3A_488 = arith.constant 1 : i32
        %add3A_489 = arith.addi %mul3A_89, %add3A_488 : i32
        %get3A_490 = arith.index_cast %add3A_489 : i32 to index
        %get3A_491 = arith.constant 192 : index
        %get3A_492 = tpu.vector_load %arg7[%get3A_490, %get3A_491] {strides = array<i32>} : memref<128x256xf32, #tpu.memory_space<vmem>>, vector<1x16xf32>,
        %get3A_493 = vector.shape_cast %get3A_492 : vector<1x16xf32> to vector<16xf32>
        %add3A_494 = arith.addf %get3A_487, %get3A_493 : vector<16xf32>
        %add3A_495 = arith.constant 2 : i32
        %add3A_496 = arith.addi %mul3A_89, %add3A_495 : i32
        %get3A_497 = arith.index_cast %add3A_496 : i32 to index
        %get3A_498 = arith.constant 192 : index
        %get3A_499 = tpu.vector_load %arg7[%get3A_497, %get3A_498] {strides = array<i32>} : memref<128x256xf32, #tpu.memory_space<vmem>>, vector<1x16xf32>,
        %get3A_500 = vector.shape_cast %get3A_499 : vector<1x16xf32> to vector<16xf32>
        %add3A_501 = arith.constant 3 : i32
        %add3A_502 = arith.addi %mul3A_89, %add3A_501 : i32
        %get3A_503 = arith.index_cast %add3A_502 : i32 to index
        %get3A_504 = arith.constant 192 : index
        %get3A_505 = tpu.vector_load %arg7[%get3A_503, %get3A_504] {strides = array<i32>} : memref<128x256xf32, #tpu.memory_space<vmem>>, vector<1x16xf32>,
        %get3A_506 = vector.shape_cast %get3A_505 : vector<1x16xf32> to vector<16xf32>
        %add3A_507 = arith.addf %get3A_500, %get3A_506 : vector<16xf32>
        %add3A_508 = arith.addf %add3A_494, %add3A_507 : vector<16xf32>
        %mul3A_509 = arith.constant 2.500000e-01 : f32
        %mul3A_510 = vector.broadcast %mul3A_509 : f32 to vector<16xf32>
        %mul3A_511 = arith.mulf %add3A_508, %mul3A_510 : vector<16xf32>
        %swap3A_512 = arith.index_cast %scan3A_87 : i32 to index
        %swap3A_513 = arith.constant 192 : index
        %swap3A_514 = tpu.vector_load %arg9[%swap3A_512, %swap3A_513] {strides = array<i32>} : memref<32x256xf32, #tpu.memory_space<vmem>>, vector<1x16xf32>,
        %swap3A_515 = vector.shape_cast %swap3A_514 : vector<1x16xf32> to vector<16xf32>
        %swap3A_516 = vector.shape_cast %mul3A_511 : vector<16xf32> to vector<1x16xf32>
        tpu.vector_store %arg9[%swap3A_512, %swap3A_513], %swap3A_516 {strides = array<i32>} : memref<32x256xf32, #tpu.memory_space<vmem>>, vector<1x16xf32>,
        %get3A_517 = arith.index_cast %mul3A_89 : i32 to index
        %get3A_518 = arith.constant 208 : index
        %get3A_519 = tpu.vector_load %arg7[%get3A_517, %get3A_518] {strides = array<i32>} : memref<128x256xf32, #tpu.memory_space<vmem>>, vector<1x16xf32>,
        %get3A_520 = vector.shape_cast %get3A_519 : vector<1x16xf32> to vector<16xf32>
        %add3A_521 = arith.constant 1 : i32
        %add3A_522 = arith.addi %mul3A_89, %add3A_521 : i32
        %get3A_523 = arith.index_cast %add3A_522 : i32 to index
        %get3A_524 = arith.constant 208 : index
        %get3A_525 = tpu.vector_load %arg7[%get3A_523, %get3A_524] {strides = array<i32>} : memref<128x256xf32, #tpu.memory_space<vmem>>, vector<1x16xf32>,
        %get3A_526 = vector.shape_cast %get3A_525 : vector<1x16xf32> to vector<16xf32>
        %add3A_527 = arith.addf %get3A_520, %get3A_526 : vector<16xf32>
        %add3A_528 = arith.constant 2 : i32
        %add3A_529 = arith.addi %mul3A_89, %add3A_528 : i32
        %get3A_530 = arith.index_cast %add3A_529 : i32 to index
        %get3A_531 = arith.constant 208 : index
        %get3A_532 = tpu.vector_load %arg7[%get3A_530, %get3A_531] {strides = array<i32>} : memref<128x256xf32, #tpu.memory_space<vmem>>, vector<1x16xf32>,
        %get3A_533 = vector.shape_cast %get3A_532 : vector<1x16xf32> to vector<16xf32>
        %add3A_534 = arith.constant 3 : i32
        %add3A_535 = arith.addi %mul3A_89, %add3A_534 : i32
        %get3A_536 = arith.index_cast %add3A_535 : i32 to index
        %get3A_537 = arith.constant 208 : index
        %get3A_538 = tpu.vector_load %arg7[%get3A_536, %get3A_537] {strides = array<i32>} : memref<128x256xf32, #tpu.memory_space<vmem>>, vector<1x16xf32>,
        %get3A_539 = vector.shape_cast %get3A_538 : vector<1x16xf32> to vector<16xf32>
        %add3A_540 = arith.addf %get3A_533, %get3A_539 : vector<16xf32>
        %add3A_541 = arith.addf %add3A_527, %add3A_540 : vector<16xf32>
        %mul3A_542 = arith.constant 2.500000e-01 : f32
        %mul3A_543 = vector.broadcast %mul3A_542 : f32 to vector<16xf32>
        %mul3A_544 = arith.mulf %add3A_541, %mul3A_543 : vector<16xf32>
        %swap3A_545 = arith.index_cast %scan3A_87 : i32 to index
        %swap3A_546 = arith.constant 208 : index
        %swap3A_547 = tpu.vector_load %arg9[%swap3A_545, %swap3A_546] {strides = array<i32>} : memref<32x256xf32, #tpu.memory_space<vmem>>, vector<1x16xf32>,
        %swap3A_548 = vector.shape_cast %swap3A_547 : vector<1x16xf32> to vector<16xf32>
        %swap3A_549 = vector.shape_cast %mul3A_544 : vector<16xf32> to vector<1x16xf32>
        tpu.vector_store %arg9[%swap3A_545, %swap3A_546], %swap3A_549 {strides = array<i32>} : memref<32x256xf32, #tpu.memory_space<vmem>>, vector<1x16xf32>,
        %get3A_550 = arith.index_cast %mul3A_89 : i32 to index
        %get3A_551 = arith.constant 224 : index
        %get3A_552 = tpu.vector_load %arg7[%get3A_550, %get3A_551] {strides = array<i32>} : memref<128x256xf32, #tpu.memory_space<vmem>>, vector<1x16xf32>,
        %get3A_553 = vector.shape_cast %get3A_552 : vector<1x16xf32> to vector<16xf32>
        %add3A_554 = arith.constant 1 : i32
        %add3A_555 = arith.addi %mul3A_89, %add3A_554 : i32
        %get3A_556 = arith.index_cast %add3A_555 : i32 to index
        %get3A_557 = arith.constant 224 : index
        %get3A_558 = tpu.vector_load %arg7[%get3A_556, %get3A_557] {strides = array<i32>} : memref<128x256xf32, #tpu.memory_space<vmem>>, vector<1x16xf32>,
        %get3A_559 = vector.shape_cast %get3A_558 : vector<1x16xf32> to vector<16xf32>
        %add3A_560 = arith.addf %get3A_553, %get3A_559 : vector<16xf32>
        %add3A_561 = arith.constant 2 : i32
        %add3A_562 = arith.addi %mul3A_89, %add3A_561 : i32
        %get3A_563 = arith.index_cast %add3A_562 : i32 to index
        %get3A_564 = arith.constant 224 : index
        %get3A_565 = tpu.vector_load %arg7[%get3A_563, %get3A_564] {strides = array<i32>} : memref<128x256xf32, #tpu.memory_space<vmem>>, vector<1x16xf32>,
        %get3A_566 = vector.shape_cast %get3A_565 : vector<1x16xf32> to vector<16xf32>
        %add3A_567 = arith.constant 3 : i32
        %add3A_568 = arith.addi %mul3A_89, %add3A_567 : i32
        %get3A_569 = arith.index_cast %add3A_568 : i32 to index
        %get3A_570 = arith.constant 224 : index
        %get3A_571 = tpu.vector_load %arg7[%get3A_569, %get3A_570] {strides = array<i32>} : memref<128x256xf32, #tpu.memory_space<vmem>>, vector<1x16xf32>,
        %get3A_572 = vector.shape_cast %get3A_571 : vector<1x16xf32> to vector<16xf32>
        %add3A_573 = arith.addf %get3A_566, %get3A_572 : vector<16xf32>
        %add3A_574 = arith.addf %add3A_560, %add3A_573 : vector<16xf32>
        %mul3A_575 = arith.constant 2.500000e-01 : f32
        %mul3A_576 = vector.broadcast %mul3A_575 : f32 to vector<16xf32>
        %mul3A_577 = arith.mulf %add3A_574, %mul3A_576 : vector<16xf32>
        %swap3A_578 = arith.index_cast %scan3A_87 : i32 to index
        %swap3A_579 = arith.constant 224 : index
        %swap3A_580 = tpu.vector_load %arg9[%swap3A_578, %swap3A_579] {strides = array<i32>} : memref<32x256xf32, #tpu.memory_space<vmem>>, vector<1x16xf32>,
        %swap3A_581 = vector.shape_cast %swap3A_580 : vector<1x16xf32> to vector<16xf32>
        %swap3A_582 = vector.shape_cast %mul3A_577 : vector<16xf32> to vector<1x16xf32>
        tpu.vector_store %arg9[%swap3A_578, %swap3A_579], %swap3A_582 {strides = array<i32>} : memref<32x256xf32, #tpu.memory_space<vmem>>, vector<1x16xf32>,
        %get3A_583 = arith.index_cast %mul3A_89 : i32 to index
        %get3A_584 = arith.constant 240 : index
        %get3A_585 = tpu.vector_load %arg7[%get3A_583, %get3A_584] {strides = array<i32>} : memref<128x256xf32, #tpu.memory_space<vmem>>, vector<1x16xf32>,
        %get3A_586 = vector.shape_cast %get3A_585 : vector<1x16xf32> to vector<16xf32>
        %add3A_587 = arith.constant 1 : i32
        %add3A_588 = arith.addi %mul3A_89, %add3A_587 : i32
        %get3A_589 = arith.index_cast %add3A_588 : i32 to index
        %get3A_590 = arith.constant 240 : index
        %get3A_591 = tpu.vector_load %arg7[%get3A_589, %get3A_590] {strides = array<i32>} : memref<128x256xf32, #tpu.memory_space<vmem>>, vector<1x16xf32>,
        %get3A_592 = vector.shape_cast %get3A_591 : vector<1x16xf32> to vector<16xf32>
        %add3A_593 = arith.addf %get3A_586, %get3A_592 : vector<16xf32>
        %add3A_594 = arith.constant 2 : i32
        %add3A_595 = arith.addi %mul3A_89, %add3A_594 : i32
        %get3A_596 = arith.index_cast %add3A_595 : i32 to index
        %get3A_597 = arith.constant 240 : index
        %get3A_598 = tpu.vector_load %arg7[%get3A_596, %get3A_597] {strides = array<i32>} : memref<128x256xf32, #tpu.memory_space<vmem>>, vector<1x16xf32>,
        %get3A_599 = vector.shape_cast %get3A_598 : vector<1x16xf32> to vector<16xf32>
        %add3A_600 = arith.constant 3 : i32
        %add3A_601 = arith.addi %mul3A_89, %add3A_600 : i32
        %get3A_602 = arith.index_cast %add3A_601 : i32 to index
        %get3A_603 = arith.constant 240 : index
        %get3A_604 = tpu.vector_load %arg7[%get3A_602, %get3A_603] {strides = array<i32>} : memref<128x256xf32, #tpu.memory_space<vmem>>, vector<1x16xf32>,
        %get3A_605 = vector.shape_cast %get3A_604 : vector<1x16xf32> to vector<16xf32>
        %add3A_606 = arith.addf %get3A_599, %get3A_605 : vector<16xf32>
        %add3A_607 = arith.addf %add3A_593, %add3A_606 : vector<16xf32>
        %mul3A_608 = arith.constant 2.500000e-01 : f32
        %mul3A_609 = vector.broadcast %mul3A_608 : f32 to vector<16xf32>
        %mul3A_610 = arith.mulf %add3A_607, %mul3A_609 : vector<16xf32>
        %swap3A_611 = arith.index_cast %scan3A_87 : i32 to index
        %swap3A_612 = arith.constant 240 : index
        %swap3A_613 = tpu.vector_load %arg9[%swap3A_611, %swap3A_612] {strides = array<i32>} : memref<32x256xf32, #tpu.memory_space<vmem>>, vector<1x16xf32>,
        %swap3A_614 = vector.shape_cast %swap3A_613 : vector<1x16xf32> to vector<16xf32>
        %swap3A_615 = vector.shape_cast %mul3A_610 : vector<16xf32> to vector<1x16xf32>
        tpu.vector_store %arg9[%swap3A_611, %swap3A_612], %swap3A_615 {strides = array<i32>} : memref<32x256xf32, #tpu.memory_space<vmem>>, vector<1x16xf32>,
      }
      %scan3A_77 = arith.constant 32 : i32
      %add3A_78 = arith.constant 1 : i32
      %add3A_79 = arith.addi %mul3A_27, %add3A_78 : i32
      %mul3A_80 = arith.constant 32 : i32
      %mul3A_81 = arith.muli %add3A_79, %mul3A_80 : i32
      %add3A_82 = arith.addi %mul3A_4, %mul3A_81 : i32
      %dma_start3A_83 = arith.constant 0 : i32
      %dma_start3A_84 = tpu.memref_slice %arg4[%add3A_82, %dma_start3A_83] : memref<10240x256xf32, #tpu.memory_space<hbm>> -> memref<32x256xf32, #tpu.memory_space<hbm>>
      %dma_start3A_85 = arith.constant 0 : i32
      %dma_start3A_86 = tpu.memref_slice %arg4[%add3A_82, %dma_start3A_85] : memref<10240x256xf32, #tpu.memory_space<hbm>> -> memref<32x256xf32, #tpu.memory_space<hbm>>
      tpu.enqueue_dma source(%arg9 : memref<32x256xf32, #tpu.memory_space<vmem>>) target(%dma_start3A_86 : memref<32x256xf32, #tpu.memory_space<hbm>>) target_semaphore(%arg13 : memref<!tpu.dma_semaphore, #tpu.memory_space<semaphore_mem>>)
    }
    %scan3A_13 = arith.constant 5 : i32
    %dma_wait3A = arith.constant 0 : i32
    %dma_wait3A_14 = arith.constant 0 : i32
    %dma_wait3A_15 = tpu.memref_slice %arg4[%dma_wait3A, %dma_wait3A_14] : memref<10240x256xf32, #tpu.memory_space<hbm>> -> memref<32x256xf32, #tpu.memory_space<hbm>>
    %dma_wait3A_16 = arith.constant 0 : i32
    %dma_wait3A_17 = arith.constant 0 : i32
    %dma_wait3A_18 = tpu.memref_slice %arg4[%dma_wait3A_16, %dma_wait3A_17] : memref<10240x256xf32, #tpu.memory_space<hbm>> -> memref<32x256xf32, #tpu.memory_space<hbm>>
    tpu.wait_dma2 semaphore(%arg12 : memref<!tpu.dma_semaphore, #tpu.memory_space<semaphore_mem>>) src(%arg8 : memref<32x256xf32, #tpu.memory_space<vmem>>) dst(%dma_wait3A_18 : memref<32x256xf32, #tpu.memory_space<hbm>>)
    %dma_wait3A_19 = arith.constant 0 : i32
    %dma_wait3A_20 = arith.constant 0 : i32
    %dma_wait3A_21 = tpu.memref_slice %arg4[%dma_wait3A_19, %dma_wait3A_20] : memref<10240x256xf32, #tpu.memory_space<hbm>> -> memref<32x256xf32, #tpu.memory_space<hbm>>
    %dma_wait3A_22 = arith.constant 0 : i32
    %dma_wait3A_23 = arith.constant 0 : i32
    %dma_wait3A_24 = tpu.memref_slice %arg4[%dma_wait3A_22, %dma_wait3A_23] : memref<10240x256xf32, #tpu.memory_space<hbm>> -> memref<32x256xf32, #tpu.memory_space<hbm>>
    tpu.wait_dma2 semaphore(%arg13 : memref<!tpu.dma_semaphore, #tpu.memory_space<semaphore_mem>>) src(%arg9 : memref<32x256xf32, #tpu.memory_space<vmem>>) dst(%dma_wait3A_24 : memref<32x256xf32, #tpu.memory_space<hbm>>)
    return
  }
}

module attributes {stable_mosaic.version = 14 : i64} {
  func.func @_k2_body(%arg0: i32, %arg1: memref<1024x256xf32, #tpu.memory_space<vmem>>, %arg2: memref<256x256xf32, #tpu.memory_space<vmem>>, %arg3: memref<768x256xf32, #tpu.memory_space<vmem>>, %arg4: memref<1x768xf32, #tpu.memory_space<vmem>>, %arg5: memref<1024x128xf32, #tpu.memory_space<vmem>>, %arg6: memref<1024x128xf32, #tpu.memory_space<vmem>>, %arg7: memref<1024x768xf32, #tpu.memory_space<vmem>>) attributes {dimension_semantics = [#tpu.dimension_semantics<arbitrary>], iteration_bounds = array<i64: 10>, scalar_prefetch = 0 : i64, scratch_operands = 0 : i64, tpu.core_type = #tpu.core_type<tc>, window_params = [{transform_indices = @transform_0, window_bounds = array<i64: 1024, 256>}, {pipeline_mode = #tpu.pipeline_mode<synchronous>, transform_indices = @transform_1, window_bounds = array<i64: 256, 256>}, {pipeline_mode = #tpu.pipeline_mode<synchronous>, transform_indices = @transform_2, window_bounds = array<i64: 768, 256>}, {pipeline_mode = #tpu.pipeline_mode<synchronous>, transform_indices = @transform_3, window_bounds = array<i64: 1, 768>}, {transform_indices = @transform_4, window_bounds = array<i64: 1024, 128>}, {transform_indices = @transform_5, window_bounds = array<i64: 1024, 128>}, {transform_indices = @transform_6, window_bounds = array<i64: 1024, 768>}]} {
    %get3A = arith.constant 0 : index
    %get3A_0 = arith.constant 0 : index
    %get3A_1 = vector.load %arg1[%get3A, %get3A_0] : memref<1024x256xf32, #tpu.memory_space<vmem>>, vector<1024x256xf32>
    %get3A_2 = arith.constant 0 : index
    %get3A_3 = arith.constant 0 : index
    %get3A_4 = vector.load %arg2[%get3A_2, %get3A_3] : memref<256x256xf32, #tpu.memory_space<vmem>>, vector<256x256xf32>
    %dot_general3A = arith.constant dense<0.000000e+00> : vector<1024x256xf32>
    %dot_general3A_5 = tpu.matmul %get3A_1, %get3A_4, %dot_general3A {dimension_numbers = #tpu.dot_dimension_numbers<[1], [0], [0], [1], [0, 0, 1, 1], [], []>, transpose_lhs_hint = false} : vector<1024x256xf32>, vector<256x256xf32>, vector<1024x256xf32> -> vector<1024x256xf32>
    %slice3A = vector.extract_strided_slice %dot_general3A_5 {offsets = [0, 0], sizes = [1024, 128], strides = [1, 1]} : vector<1024x256xf32> to vector<1024x128xf32>
    %swap3A = arith.constant 0 : index
    %swap3A_6 = arith.constant 0 : index
    %swap3A_7 = vector.load %arg5[%swap3A, %swap3A_6] : memref<1024x128xf32, #tpu.memory_space<vmem>>, vector<1024x128xf32>
    tpu.vector_store %arg5[%swap3A, %swap3A_6], %slice3A {strides = array<i32>} : memref<1024x128xf32, #tpu.memory_space<vmem>>, vector<1024x128xf32>,
    %slice3A_8 = vector.extract_strided_slice %dot_general3A_5 {offsets = [0, 128], sizes = [1024, 128], strides = [1, 1]} : vector<1024x256xf32> to vector<1024x128xf32>
    %swap3A_9 = arith.constant 0 : index
    %swap3A_10 = arith.constant 0 : index
    %swap3A_11 = vector.load %arg6[%swap3A_9, %swap3A_10] : memref<1024x128xf32, #tpu.memory_space<vmem>>, vector<1024x128xf32>
    tpu.vector_store %arg6[%swap3A_9, %swap3A_10], %slice3A_8 {strides = array<i32>} : memref<1024x128xf32, #tpu.memory_space<vmem>>, vector<1024x128xf32>,
    %get3A_12 = arith.constant 0 : index
    %get3A_13 = arith.constant 0 : index
    %get3A_14 = vector.load %arg3[%get3A_12, %get3A_13] : memref<768x256xf32, #tpu.memory_space<vmem>>, vector<768x256xf32>
    %dot_general3A_15 = arith.constant dense<0.000000e+00> : vector<1024x768xf32>
    %dot_general3A_16 = tpu.matmul %get3A_1, %get3A_14, %dot_general3A_15 {dimension_numbers = #tpu.dot_dimension_numbers<[1], [1], [0], [0], [0, 0, 1, 0], [], []>, transpose_lhs_hint = false} : vector<1024x256xf32>, vector<768x256xf32>, vector<1024x768xf32> -> vector<1024x768xf32>
    %get3A_17 = arith.constant 0 : index
    %get3A_18 = arith.constant 0 : index
    %get3A_19 = vector.load %arg4[%get3A_17, %get3A_18] : memref<1x768xf32, #tpu.memory_space<vmem>>, vector<1x768xf32>
    %add3A = vector.broadcast %get3A_19 : vector<1x768xf32> to vector<1024x768xf32>
    %add3A_20 = arith.addf %dot_general3A_16, %add3A : vector<1024x768xf32>
    %swap3A_21 = arith.constant 0 : index
    %swap3A_22 = arith.constant 0 : index
    %swap3A_23 = vector.load %arg7[%swap3A_21, %swap3A_22] : memref<1024x768xf32, #tpu.memory_space<vmem>>, vector<1024x768xf32>
    tpu.vector_store %arg7[%swap3A_21, %swap3A_22], %add3A_20 {strides = array<i32>} : memref<1024x768xf32, #tpu.memory_space<vmem>>, vector<1024x768xf32>,
    return
  }
  func.func @transform_0(%arg0: i32) -> (i32, i32) {
    %c0_i32 = arith.constant 0 : i32
    %c0_i32_0 = arith.constant 0 : i32
    return %arg0, %c0_i32 : i32, i32
  }
  func.func @transform_1(%arg0: i32) -> (i32, i32) {
    %c0_i32 = arith.constant 0 : i32
    %c0_i32_0 = arith.constant 0 : i32
    %c0_i32_1 = arith.constant 0 : i32
    return %c0_i32, %c0_i32_0 : i32, i32
  }
  func.func @transform_2(%arg0: i32) -> (i32, i32) {
    %c0_i32 = arith.constant 0 : i32
    %c0_i32_0 = arith.constant 0 : i32
    %c0_i32_1 = arith.constant 0 : i32
    return %c0_i32, %c0_i32_0 : i32, i32
  }
  func.func @transform_3(%arg0: i32) -> (i32, i32) {
    %c0_i32 = arith.constant 0 : i32
    %c0_i32_0 = arith.constant 0 : i32
    %c0_i32_1 = arith.constant 0 : i32
    return %c0_i32, %c0_i32_0 : i32, i32
  }
  func.func @transform_4(%arg0: i32) -> (i32, i32) {
    %c0_i32 = arith.constant 0 : i32
    %c0_i32_0 = arith.constant 0 : i32
    return %arg0, %c0_i32 : i32, i32
  }
  func.func @transform_5(%arg0: i32) -> (i32, i32) {
    %c0_i32 = arith.constant 0 : i32
    %c0_i32_0 = arith.constant 0 : i32
    return %arg0, %c0_i32 : i32, i32
  }
  func.func @transform_6(%arg0: i32) -> (i32, i32) {
    %c0_i32 = arith.constant 0 : i32
    %c0_i32_0 = arith.constant 0 : i32
    return %arg0, %c0_i32 : i32, i32
  }
}

module attributes {stable_mosaic.version = 14 : i64} {
  func.func @_k4_body(%arg0: i32, %arg1: memref<1024x128xf32, #tpu.memory_space<vmem>>, %arg2: memref<1024x128xf32, #tpu.memory_space<vmem>>, %arg3: memref<1024x768xf32, #tpu.memory_space<vmem>>, %arg4: memref<1024x256xf32, #tpu.memory_space<vmem>>, %arg5: memref<768x256xf32, #tpu.memory_space<vmem>>, %arg6: memref<1x768xf32, #tpu.memory_space<vmem>>, %arg7: memref<1024x256xf32, #tpu.memory_space<vmem>>, %arg8: memref<8x256xf32, #tpu.memory_space<vmem>>) attributes {dimension_semantics = [#tpu.dimension_semantics<arbitrary>], iteration_bounds = array<i64: 10>, scalar_prefetch = 0 : i64, scratch_operands = 0 : i64, tpu.core_type = #tpu.core_type<tc>, window_params = [{transform_indices = @transform_0, window_bounds = array<i64: 1024, 128>}, {transform_indices = @transform_1, window_bounds = array<i64: 1024, 128>}, {transform_indices = @transform_2, window_bounds = array<i64: 1024, 768>}, {transform_indices = @transform_3, window_bounds = array<i64: 1024, 256>}, {pipeline_mode = #tpu.pipeline_mode<synchronous>, transform_indices = @transform_4, window_bounds = array<i64: 768, 256>}, {pipeline_mode = #tpu.pipeline_mode<synchronous>, transform_indices = @transform_5, window_bounds = array<i64: 1, 768>}, {transform_indices = @transform_6, window_bounds = array<i64: 1024, 256>}, {pipeline_mode = #tpu.pipeline_mode<synchronous>, transform_indices = @transform_7, window_bounds = array<i64: 8, 256>}]} {
    %get3A = arith.constant 0 : index
    %get3A_0 = arith.constant 0 : index
    %get3A_1 = vector.load %arg1[%get3A, %get3A_0] : memref<1024x128xf32, #tpu.memory_space<vmem>>, vector<1024x128xf32>
    %get3A_2 = arith.constant 0 : index
    %get3A_3 = arith.constant 0 : index
    %get3A_4 = vector.load %arg2[%get3A_2, %get3A_3] : memref<1024x128xf32, #tpu.memory_space<vmem>>, vector<1024x128xf32>
    %concatenate3A = tpu.concatenate %get3A_1, %get3A_4 in 1 : vector<1024x128xf32>, vector<1024x128xf32> -> vector<1024x256xf32>
    %get3A_5 = arith.constant 0 : index
    %get3A_6 = arith.constant 0 : index
    %get3A_7 = vector.load %arg5[%get3A_5, %get3A_6] : memref<768x256xf32, #tpu.memory_space<vmem>>, vector<768x256xf32>
    %dot_general3A = arith.constant dense<0.000000e+00> : vector<1024x768xf32>
    %dot_general3A_8 = tpu.matmul %concatenate3A, %get3A_7, %dot_general3A {dimension_numbers = #tpu.dot_dimension_numbers<[1], [1], [0], [0], [0, 0, 1, 0], [], []>, transpose_lhs_hint = false} : vector<1024x256xf32>, vector<768x256xf32>, vector<1024x768xf32> -> vector<1024x768xf32>
    %get3A_9 = arith.constant 0 : index
    %get3A_10 = arith.constant 0 : index
    %get3A_11 = vector.load %arg6[%get3A_9, %get3A_10] : memref<1x768xf32, #tpu.memory_space<vmem>>, vector<1x768xf32>
    %add3A = vector.broadcast %get3A_11 : vector<1x768xf32> to vector<1024x768xf32>
    %add3A_12 = arith.addf %dot_general3A_8, %add3A : vector<1024x768xf32>
    %get3A_13 = arith.constant 0 : index
    %get3A_14 = arith.constant 0 : index
    %get3A_15 = vector.load %arg3[%get3A_13, %get3A_14] : memref<1024x768xf32, #tpu.memory_space<vmem>>, vector<1024x768xf32>
    %slice3A = vector.extract_strided_slice %add3A_12 {offsets = [0, 0], sizes = [1024, 256], strides = [1, 1]} : vector<1024x768xf32> to vector<1024x256xf32>
    %slice3A_16 = vector.extract_strided_slice %get3A_15 {offsets = [0, 0], sizes = [1024, 256], strides = [1, 1]} : vector<1024x768xf32> to vector<1024x256xf32>
    %add3A_17 = arith.addf %slice3A, %slice3A_16 : vector<1024x256xf32>
    %logistic3A = arith.negf %add3A_17 : vector<1024x256xf32>
    %logistic3A_18 = math.exp %logistic3A : vector<1024x256xf32>
    %logistic3A_19 = arith.constant 1.000000e+00 : f32
    %logistic3A_20 = vector.broadcast %logistic3A_19 : f32 to vector<1024x256xf32>
    %logistic3A_21 = arith.addf %logistic3A_20, %logistic3A_18 : vector<1024x256xf32>
    %logistic3A_22 = arith.divf %logistic3A_20, %logistic3A_21 : vector<1024x256xf32>
    %slice3A_23 = vector.extract_strided_slice %add3A_12 {offsets = [0, 256], sizes = [1024, 256], strides = [1, 1]} : vector<1024x768xf32> to vector<1024x256xf32>
    %slice3A_24 = vector.extract_strided_slice %get3A_15 {offsets = [0, 256], sizes = [1024, 256], strides = [1, 1]} : vector<1024x768xf32> to vector<1024x256xf32>
    %add3A_25 = arith.addf %slice3A_23, %slice3A_24 : vector<1024x256xf32>
    %logistic3A_26 = arith.negf %add3A_25 : vector<1024x256xf32>
    %logistic3A_27 = math.exp %logistic3A_26 : vector<1024x256xf32>
    %logistic3A_28 = arith.constant 1.000000e+00 : f32
    %logistic3A_29 = vector.broadcast %logistic3A_28 : f32 to vector<1024x256xf32>
    %logistic3A_30 = arith.addf %logistic3A_29, %logistic3A_27 : vector<1024x256xf32>
    %logistic3A_31 = arith.divf %logistic3A_29, %logistic3A_30 : vector<1024x256xf32>
    %slice3A_32 = vector.extract_strided_slice %add3A_12 {offsets = [0, 512], sizes = [1024, 256], strides = [1, 1]} : vector<1024x768xf32> to vector<1024x256xf32>
    %slice3A_33 = vector.extract_strided_slice %get3A_15 {offsets = [0, 512], sizes = [1024, 256], strides = [1, 1]} : vector<1024x768xf32> to vector<1024x256xf32>
    %mul3A = arith.mulf %logistic3A_22, %slice3A_33 : vector<1024x256xf32>
    %add3A_34 = arith.addf %slice3A_32, %mul3A : vector<1024x256xf32>
    %tanh3A = math.tanh %add3A_34 : vector<1024x256xf32>
    %sub3A = arith.constant 1.000000e+00 : f32
    %sub3A_35 = vector.broadcast %sub3A : f32 to vector<1024x256xf32>
    %sub3A_36 = arith.subf %sub3A_35, %logistic3A_31 : vector<1024x256xf32>
    %mul3A_37 = arith.mulf %sub3A_36, %tanh3A : vector<1024x256xf32>
    %get3A_38 = arith.constant 0 : index
    %get3A_39 = arith.constant 0 : index
    %get3A_40 = vector.load %arg4[%get3A_38, %get3A_39] : memref<1024x256xf32, #tpu.memory_space<vmem>>, vector<1024x256xf32>
    %mul3A_41 = arith.mulf %logistic3A_31, %get3A_40 : vector<1024x256xf32>
    %add3A_42 = arith.addf %mul3A_37, %mul3A_41 : vector<1024x256xf32>
    %swap3A = arith.constant 0 : index
    %swap3A_43 = arith.constant 0 : index
    %swap3A_44 = vector.load %arg7[%swap3A, %swap3A_43] : memref<1024x256xf32, #tpu.memory_space<vmem>>, vector<1024x256xf32>
    tpu.vector_store %arg7[%swap3A, %swap3A_43], %add3A_42 {strides = array<i32>} : memref<1024x256xf32, #tpu.memory_space<vmem>>, vector<1024x256xf32>,
    %iota3A = tpu.iota {dimensions = array<i32: 0>} : vector<1024x1xi32>
    %mul3A_45 = arith.constant 1024 : i32
    %mul3A_46 = arith.muli %arg0, %mul3A_45 : i32
    %add3A_47 = vector.broadcast %mul3A_46 : i32 to vector<1024x1xi32>
    %add3A_48 = arith.addi %iota3A, %add3A_47 : vector<1024x1xi32>
    %lt3A = arith.constant 10000 : i32
    %lt3A_49 = vector.broadcast %lt3A : i32 to vector<1024x1xi32>
    %lt3A_50 = arith.cmpi slt, %add3A_48, %lt3A_49 : vector<1024x1xi32>
    %jit3A = arith.constant 0.000000e+00 : f32
    %broadcast_in_dim3A = vector.shape_cast %lt3A_50 : vector<1024x1xi1> to vector<1024x1xi1>
    %broadcast_in_dim3A_51 = vector.broadcast %broadcast_in_dim3A : vector<1024x1xi1> to vector<1024x256xi1>
    %broadcast_in_dim3A_52 = vector.broadcast %jit3A : f32 to vector<1024x256xf32>
    %select_n3A = arith.select %broadcast_in_dim3A_51, %add3A_42, %broadcast_in_dim3A_52 : vector<1024x256xi1>, vector<1024x256xf32>
    %reduce_sum3A = arith.constant dense<0.000000e+00> : vector<256xf32>
    %reduce_sum3A_53 = vector.multi_reduction <add>, %select_n3A, %reduce_sum3A [0] : vector<1024x256xf32> to vector<256xf32>
    %broadcast_in_dim3A_54 = vector.shape_cast %reduce_sum3A_53 : vector<256xf32> to vector<1x256xf32>
    %mul3A_55 = arith.mulf %select_n3A, %select_n3A : vector<1024x256xf32>
    %reduce_sum3A_56 = arith.constant dense<0.000000e+00> : vector<256xf32>
    %reduce_sum3A_57 = vector.multi_reduction <add>, %mul3A_55, %reduce_sum3A_56 [0] : vector<1024x256xf32> to vector<256xf32>
    %broadcast_in_dim3A_58 = vector.shape_cast %reduce_sum3A_57 : vector<256xf32> to vector<1x256xf32>
    %broadcast_in_dim3A_59 = arith.constant 0.000000e+00 : f32
    %broadcast_in_dim3A_60 = vector.broadcast %broadcast_in_dim3A_59 : f32 to vector<6x256xf32>
    %concatenate3A_61 = tpu.concatenate %broadcast_in_dim3A_54, %broadcast_in_dim3A_58, %broadcast_in_dim3A_60 in 0 : vector<1x256xf32>, vector<1x256xf32>, vector<6x256xf32> -> vector<8x256xf32>
    %eq3A = arith.constant 0 : i32
    %eq3A_62 = arith.cmpi eq, %arg0, %eq3A : i32
    %convert_element_type3A = arith.extui %eq3A_62 : i1 to i32
    %cond3A = arith.constant 0 : i32
    %cond3A_63 = arith.cmpi ne, %convert_element_type3A, %cond3A : i32
    scf.if %cond3A_63 {
      %swap3A_68 = arith.constant 0 : index
      %swap3A_69 = arith.constant 0 : index
      %swap3A_70 = vector.load %arg8[%swap3A_68, %swap3A_69] : memref<8x256xf32, #tpu.memory_space<vmem>>, vector<8x256xf32>
      tpu.vector_store %arg8[%swap3A_68, %swap3A_69], %concatenate3A_61 {strides = array<i32>} : memref<8x256xf32, #tpu.memory_space<vmem>>, vector<8x256xf32>,
    } else {
    }
    %gt3A = arith.constant 0 : i32
    %gt3A_64 = arith.cmpi sgt, %arg0, %gt3A : i32
    %convert_element_type3A_65 = arith.extui %gt3A_64 : i1 to i32
    %cond3A_66 = arith.constant 0 : i32
    %cond3A_67 = arith.cmpi ne, %convert_element_type3A_65, %cond3A_66 : i32
    scf.if %cond3A_67 {
      %get3A_68 = arith.constant 0 : index
      %get3A_69 = arith.constant 0 : index
      %get3A_70 = vector.load %arg8[%get3A_68, %get3A_69] : memref<8x256xf32, #tpu.memory_space<vmem>>, vector<8x256xf32>
      %add3A_71 = arith.addf %get3A_70, %concatenate3A_61 : vector<8x256xf32>
      %swap3A_72 = arith.constant 0 : index
      %swap3A_73 = arith.constant 0 : index
      %swap3A_74 = vector.load %arg8[%swap3A_72, %swap3A_73] : memref<8x256xf32, #tpu.memory_space<vmem>>, vector<8x256xf32>
      tpu.vector_store %arg8[%swap3A_72, %swap3A_73], %add3A_71 {strides = array<i32>} : memref<8x256xf32, #tpu.memory_space<vmem>>, vector<8x256xf32>,
    } else {
    }
    return
  }
  func.func @transform_0(%arg0: i32) -> (i32, i32) {
    %c0_i32 = arith.constant 0 : i32
    %c0_i32_0 = arith.constant 0 : i32
    return %arg0, %c0_i32 : i32, i32
  }
  func.func @transform_1(%arg0: i32) -> (i32, i32) {
    %c0_i32 = arith.constant 0 : i32
    %c0_i32_0 = arith.constant 0 : i32
    return %arg0, %c0_i32 : i32, i32
  }
  func.func @transform_2(%arg0: i32) -> (i32, i32) {
    %c0_i32 = arith.constant 0 : i32
    %c0_i32_0 = arith.constant 0 : i32
    return %arg0, %c0_i32 : i32, i32
  }
  func.func @transform_3(%arg0: i32) -> (i32, i32) {
    %c0_i32 = arith.constant 0 : i32
    %c0_i32_0 = arith.constant 0 : i32
    return %arg0, %c0_i32 : i32, i32
  }
  func.func @transform_4(%arg0: i32) -> (i32, i32) {
    %c0_i32 = arith.constant 0 : i32
    %c0_i32_0 = arith.constant 0 : i32
    %c0_i32_1 = arith.constant 0 : i32
    return %c0_i32, %c0_i32_0 : i32, i32
  }
  func.func @transform_5(%arg0: i32) -> (i32, i32) {
    %c0_i32 = arith.constant 0 : i32
    %c0_i32_0 = arith.constant 0 : i32
    %c0_i32_1 = arith.constant 0 : i32
    return %c0_i32, %c0_i32_0 : i32, i32
  }
  func.func @transform_6(%arg0: i32) -> (i32, i32) {
    %c0_i32 = arith.constant 0 : i32
    %c0_i32_0 = arith.constant 0 : i32
    return %arg0, %c0_i32 : i32, i32
  }
  func.func @transform_7(%arg0: i32) -> (i32, i32) {
    %c0_i32 = arith.constant 0 : i32
    %c0_i32_0 = arith.constant 0 : i32
    %c0_i32_1 = arith.constant 0 : i32
    return %c0_i32, %c0_i32_0 : i32, i32
  }
}

module attributes {stable_mosaic.version = 14 : i64} {
  func.func @_k6_body(%arg0: i32, %arg1: memref<1024x256xf32, #tpu.memory_space<vmem>>, %arg2: memref<1024x256xf32, #tpu.memory_space<vmem>>, %arg3: memref<8x256xf32, #tpu.memory_space<vmem>>, %arg4: memref<1x256xf32, #tpu.memory_space<vmem>>, %arg5: memref<1x256xf32, #tpu.memory_space<vmem>>, %arg6: memref<1024x256xf32, #tpu.memory_space<vmem>>, %arg7: memref<1024x1024xf32, #tpu.memory_space<vmem>>, %arg8: memref<1024x1024xf32, #tpu.memory_space<vmem>>, %arg9: memref<1x1xf32, #tpu.memory_space<smem>>) attributes {dimension_semantics = [#tpu.dimension_semantics<arbitrary>], iteration_bounds = array<i64: 10>, scalar_prefetch = 0 : i64, scratch_operands = 0 : i64, tpu.core_type = #tpu.core_type<tc>, window_params = [{pipeline_mode = #tpu.pipeline_mode<synchronous>, transform_indices = @transform_0, window_bounds = array<i64: 1024, 256>}, {pipeline_mode = #tpu.pipeline_mode<synchronous>, transform_indices = @transform_1, window_bounds = array<i64: 1024, 256>}, {pipeline_mode = #tpu.pipeline_mode<synchronous>, transform_indices = @transform_2, window_bounds = array<i64: 8, 256>}, {pipeline_mode = #tpu.pipeline_mode<synchronous>, transform_indices = @transform_3, window_bounds = array<i64: 1, 256>}, {pipeline_mode = #tpu.pipeline_mode<synchronous>, transform_indices = @transform_4, window_bounds = array<i64: 1, 256>}, {transform_indices = @transform_5, window_bounds = array<i64: 1024, 256>}, {transform_indices = @transform_6, window_bounds = array<i64: 1024, 1024>}, {transform_indices = @transform_7, window_bounds = array<i64: 1024, 1024>}, {transform_indices = @transform_8, window_bounds = array<i64: 1, 1>}]} {
    %get3A = arith.constant 0 : index
    %get3A_0 = arith.constant 0 : index
    %get3A_1 = vector.load %arg3[%get3A, %get3A_0] : memref<8x256xf32, #tpu.memory_space<vmem>>, vector<1x256xf32>
    %mul3A = arith.constant 9.99999974E-5 : f32
    %mul3A_2 = vector.broadcast %mul3A : f32 to vector<1x256xf32>
    %mul3A_3 = arith.mulf %get3A_1, %mul3A_2 : vector<1x256xf32>
    %get3A_4 = arith.constant 1 : index
    %get3A_5 = arith.constant 0 : index
    %get3A_6 = vector.load %arg3[%get3A_4, %get3A_5] : memref<8x256xf32, #tpu.memory_space<vmem>>, vector<1x256xf32>
    %mul3A_7 = arith.constant 9.99999974E-5 : f32
    %mul3A_8 = vector.broadcast %mul3A_7 : f32 to vector<1x256xf32>
    %mul3A_9 = arith.mulf %get3A_6, %mul3A_8 : vector<1x256xf32>
    %mul3A_10 = arith.mulf %mul3A_3, %mul3A_3 : vector<1x256xf32>
    %sub3A = arith.subf %mul3A_9, %mul3A_10 : vector<1x256xf32>
    %add3A = arith.constant 9.99999974E-6 : f32
    %add3A_11 = vector.broadcast %add3A : f32 to vector<1x256xf32>
    %add3A_12 = arith.addf %sub3A, %add3A_11 : vector<1x256xf32>
    %rsqrt3A = math.rsqrt %add3A_12 : vector<1x256xf32>
    %get3A_13 = arith.constant 0 : index
    %get3A_14 = arith.constant 0 : index
    %get3A_15 = vector.load %arg4[%get3A_13, %get3A_14] : memref<1x256xf32, #tpu.memory_space<vmem>>, vector<1x256xf32>
    %mul3A_16 = arith.mulf %rsqrt3A, %get3A_15 : vector<1x256xf32>
    %get3A_17 = arith.constant 0 : index
    %get3A_18 = arith.constant 0 : index
    %get3A_19 = vector.load %arg1[%get3A_17, %get3A_18] : memref<1024x256xf32, #tpu.memory_space<vmem>>, vector<1024x256xf32>
    %sub3A_20 = vector.broadcast %mul3A_3 : vector<1x256xf32> to vector<1024x256xf32>
    %sub3A_21 = arith.subf %get3A_19, %sub3A_20 : vector<1024x256xf32>
    %mul3A_22 = vector.broadcast %mul3A_16 : vector<1x256xf32> to vector<1024x256xf32>
    %mul3A_23 = arith.mulf %sub3A_21, %mul3A_22 : vector<1024x256xf32>
    %get3A_24 = arith.constant 0 : index
    %get3A_25 = arith.constant 0 : index
    %get3A_26 = vector.load %arg5[%get3A_24, %get3A_25] : memref<1x256xf32, #tpu.memory_space<vmem>>, vector<1x256xf32>
    %add3A_27 = vector.broadcast %get3A_26 : vector<1x256xf32> to vector<1024x256xf32>
    %add3A_28 = arith.addf %mul3A_23, %add3A_27 : vector<1024x256xf32>
    %get3A_29 = arith.constant 0 : index
    %get3A_30 = arith.constant 0 : index
    %get3A_31 = vector.load %arg2[%get3A_29, %get3A_30] : memref<1024x256xf32, #tpu.memory_space<vmem>>, vector<1024x256xf32>
    %mul3A_32 = arith.mulf %add3A_28, %get3A_31 : vector<1024x256xf32>
    %get3A_33 = arith.constant 0 : index
    %get3A_34 = arith.constant 0 : index
    %get3A_35 = vector.load %arg6[%get3A_33, %get3A_34] : memref<1024x256xf32, #tpu.memory_space<vmem>>, vector<1024x256xf32>
    %sub3A_36 = vector.broadcast %mul3A_3 : vector<1x256xf32> to vector<1024x256xf32>
    %sub3A_37 = arith.subf %get3A_35, %sub3A_36 : vector<1024x256xf32>
    %mul3A_38 = vector.broadcast %mul3A_16 : vector<1x256xf32> to vector<1024x256xf32>
    %mul3A_39 = arith.mulf %sub3A_37, %mul3A_38 : vector<1024x256xf32>
    %get3A_40 = arith.constant 0 : index
    %get3A_41 = arith.constant 0 : index
    %get3A_42 = vector.load %arg5[%get3A_40, %get3A_41] : memref<1x256xf32, #tpu.memory_space<vmem>>, vector<1x256xf32>
    %add3A_43 = vector.broadcast %get3A_42 : vector<1x256xf32> to vector<1024x256xf32>
    %add3A_44 = arith.addf %mul3A_39, %add3A_43 : vector<1024x256xf32>
    %dot_general3A = arith.constant dense<0.000000e+00> : vector<1024x1024xf32>
    %dot_general3A_45 = tpu.matmul %mul3A_32, %add3A_44, %dot_general3A {dimension_numbers = #tpu.dot_dimension_numbers<[1], [1], [0], [0], [0, 0, 1, 0], [], []>, transpose_lhs_hint = false} : vector<1024x256xf32>, vector<1024x256xf32>, vector<1024x1024xf32> -> vector<1024x1024xf32>
    %logistic3A = arith.negf %dot_general3A_45 : vector<1024x1024xf32>
    %logistic3A_46 = math.exp %logistic3A : vector<1024x1024xf32>
    %logistic3A_47 = arith.constant 1.000000e+00 : f32
    %logistic3A_48 = vector.broadcast %logistic3A_47 : f32 to vector<1024x1024xf32>
    %logistic3A_49 = arith.addf %logistic3A_48, %logistic3A_46 : vector<1024x1024xf32>
    %logistic3A_50 = arith.divf %logistic3A_48, %logistic3A_49 : vector<1024x1024xf32>
    %swap3A = arith.constant 0 : index
    %swap3A_51 = arith.constant 0 : index
    %swap3A_52 = vector.load %arg8[%swap3A, %swap3A_51] : memref<1024x1024xf32, #tpu.memory_space<vmem>>, vector<1024x1024xf32>
    tpu.vector_store %arg8[%swap3A, %swap3A_51], %logistic3A_50 {strides = array<i32>} : memref<1024x1024xf32, #tpu.memory_space<vmem>>, vector<1024x1024xf32>,
    %jit3A = arith.constant 1.000000e-07 : f32
    %jit3A_53 = arith.constant 0.99999988 : f32
    %max3A = vector.broadcast %jit3A : f32 to vector<1024x1024xf32>
    %max3A_54 = arith.maximumf %max3A, %logistic3A_50 : vector<1024x1024xf32>
    %min3A = vector.broadcast %jit3A_53 : f32 to vector<1024x1024xf32>
    %min3A_55 = arith.minimumf %min3A, %max3A_54 : vector<1024x1024xf32>
    %get3A_56 = arith.constant 0 : index
    %get3A_57 = arith.constant 0 : index
    %get3A_58 = vector.load %arg7[%get3A_56, %get3A_57] : memref<1024x1024xf32, #tpu.memory_space<vmem>>, vector<1024x1024xf32>
    %iota3A = tpu.iota {dimensions = array<i32: 1>} : vector<1x1024xi32>
    %mul3A_59 = arith.constant 1024 : i32
    %mul3A_60 = arith.muli %arg0, %mul3A_59 : i32
    %add3A_61 = vector.broadcast %mul3A_60 : i32 to vector<1x1024xi32>
    %add3A_62 = arith.addi %iota3A, %add3A_61 : vector<1x1024xi32>
    %log3A = math.log %min3A_55 : vector<1024x1024xf32>
    %mul3A_63 = arith.mulf %get3A_58, %log3A : vector<1024x1024xf32>
    %sub3A_64 = arith.constant 1.000000e+00 : f32
    %sub3A_65 = vector.broadcast %sub3A_64 : f32 to vector<1024x1024xf32>
    %sub3A_66 = arith.subf %sub3A_65, %get3A_58 : vector<1024x1024xf32>
    %sub3A_67 = arith.constant 1.000000e+00 : f32
    %sub3A_68 = vector.broadcast %sub3A_67 : f32 to vector<1024x1024xf32>
    %sub3A_69 = arith.subf %sub3A_68, %min3A_55 : vector<1024x1024xf32>
    %log3A_70 = math.log %sub3A_69 : vector<1024x1024xf32>
    %mul3A_71 = arith.mulf %sub3A_66, %log3A_70 : vector<1024x1024xf32>
    %add3A_72 = arith.addf %mul3A_63, %mul3A_71 : vector<1024x1024xf32>
    %lt3A = arith.constant 10000 : i32
    %lt3A_73 = vector.broadcast %lt3A : i32 to vector<1x1024xi32>
    %lt3A_74 = arith.cmpi slt, %add3A_62, %lt3A_73 : vector<1x1024xi32>
    %jit3A_75 = arith.constant 0.000000e+00 : f32
    %broadcast_in_dim3A = vector.shape_cast %lt3A_74 : vector<1x1024xi1> to vector<1x1024xi1>
    %broadcast_in_dim3A_76 = vector.broadcast %broadcast_in_dim3A : vector<1x1024xi1> to vector<1024x1024xi1>
    %broadcast_in_dim3A_77 = vector.broadcast %jit3A_75 : f32 to vector<1024x1024xf32>
    %select_n3A = arith.select %broadcast_in_dim3A_76, %add3A_72, %broadcast_in_dim3A_77 : vector<1024x1024xi1>, vector<1024x1024xf32>
    %reduce_sum3A = vector.shape_cast %select_n3A : vector<1024x1024xf32> to vector<1x1024x1024xf32>
    %reduce_sum3A_78 = arith.constant dense<0.000000e+00> : vector<1xf32>
    %reduce_sum3A_79 = vector.multi_reduction <add>, %reduce_sum3A, %reduce_sum3A_78 [1, 2] : vector<1x1024x1024xf32> to vector<1xf32>
    %reduce_sum3A_80 = vector.shape_cast %reduce_sum3A_79 : vector<1xf32> to vector<1x1x1xf32>
    %reduce_sum3A_81 = vector.extract %reduce_sum3A_80[0, 0, 0] : f32 from vector<1x1x1xf32>
    %eq3A = arith.constant 0 : i32
    %eq3A_82 = arith.cmpi eq, %arg0, %eq3A : i32
    %convert_element_type3A = arith.extui %eq3A_82 : i1 to i32
    %cond3A = arith.constant 0 : i32
    %cond3A_83 = arith.cmpi ne, %convert_element_type3A, %cond3A : i32
    scf.if %cond3A_83 {
      %swap3A_93 = arith.constant 0 : index
      %swap3A_94 = arith.constant 0 : index
      %swap3A_95 = memref.load %arg9[%swap3A_93, %swap3A_94] : memref<1x1xf32, #tpu.memory_space<smem>>
      memref.store %reduce_sum3A_81, %arg9[%swap3A_93, %swap3A_94] : memref<1x1xf32, #tpu.memory_space<smem>>
    } else {
    }
    %gt3A = arith.constant 0 : i32
    %gt3A_84 = arith.cmpi sgt, %arg0, %gt3A : i32
    %convert_element_type3A_85 = arith.extui %gt3A_84 : i1 to i32
    %cond3A_86 = arith.constant 0 : i32
    %cond3A_87 = arith.cmpi ne, %convert_element_type3A_85, %cond3A_86 : i32
    scf.if %cond3A_87 {
      %get3A_93 = arith.constant 0 : index
      %get3A_94 = arith.constant 0 : index
      %get3A_95 = memref.load %arg9[%get3A_93, %get3A_94] : memref<1x1xf32, #tpu.memory_space<smem>>
      %add3A_96 = arith.addf %get3A_95, %reduce_sum3A_81 : f32
      %swap3A_97 = arith.constant 0 : index
      %swap3A_98 = arith.constant 0 : index
      %swap3A_99 = memref.load %arg9[%swap3A_97, %swap3A_98] : memref<1x1xf32, #tpu.memory_space<smem>>
      memref.store %add3A_96, %arg9[%swap3A_97, %swap3A_98] : memref<1x1xf32, #tpu.memory_space<smem>>
    } else {
    }
    %eq3A_88 = arith.constant 9 : i32
    %eq3A_89 = arith.cmpi eq, %arg0, %eq3A_88 : i32
    %convert_element_type3A_90 = arith.extui %eq3A_89 : i1 to i32
    %cond3A_91 = arith.constant 0 : i32
    %cond3A_92 = arith.cmpi ne, %convert_element_type3A_90, %cond3A_91 : i32
    scf.if %cond3A_92 {
      %get3A_93 = arith.constant 0 : index
      %get3A_94 = arith.constant 0 : index
      %get3A_95 = memref.load %arg9[%get3A_93, %get3A_94] : memref<1x1xf32, #tpu.memory_space<smem>>
      %mul3A_96 = arith.constant -9.76562475E-8 : f32
      %mul3A_97 = arith.mulf %get3A_95, %mul3A_96 : f32
      %swap3A_98 = arith.constant 0 : index
      %swap3A_99 = arith.constant 0 : index
      %swap3A_100 = memref.load %arg9[%swap3A_98, %swap3A_99] : memref<1x1xf32, #tpu.memory_space<smem>>
      memref.store %mul3A_97, %arg9[%swap3A_98, %swap3A_99] : memref<1x1xf32, #tpu.memory_space<smem>>
    } else {
    }
    return
  }
  func.func @transform_0(%arg0: i32) -> (i32, i32) {
    %c0_i32 = arith.constant 0 : i32
    %c0_i32_0 = arith.constant 0 : i32
    %c0_i32_1 = arith.constant 0 : i32
    return %c0_i32, %c0_i32_0 : i32, i32
  }
  func.func @transform_1(%arg0: i32) -> (i32, i32) {
    %c0_i32 = arith.constant 0 : i32
    %c0_i32_0 = arith.constant 0 : i32
    %c0_i32_1 = arith.constant 0 : i32
    return %c0_i32, %c0_i32_0 : i32, i32
  }
  func.func @transform_2(%arg0: i32) -> (i32, i32) {
    %c0_i32 = arith.constant 0 : i32
    %c0_i32_0 = arith.constant 0 : i32
    %c0_i32_1 = arith.constant 0 : i32
    return %c0_i32, %c0_i32_0 : i32, i32
  }
  func.func @transform_3(%arg0: i32) -> (i32, i32) {
    %c0_i32 = arith.constant 0 : i32
    %c0_i32_0 = arith.constant 0 : i32
    %c0_i32_1 = arith.constant 0 : i32
    return %c0_i32, %c0_i32_0 : i32, i32
  }
  func.func @transform_4(%arg0: i32) -> (i32, i32) {
    %c0_i32 = arith.constant 0 : i32
    %c0_i32_0 = arith.constant 0 : i32
    %c0_i32_1 = arith.constant 0 : i32
    return %c0_i32, %c0_i32_0 : i32, i32
  }
  func.func @transform_5(%arg0: i32) -> (i32, i32) {
    %c0_i32 = arith.constant 0 : i32
    %c0_i32_0 = arith.constant 0 : i32
    return %arg0, %c0_i32 : i32, i32
  }
  func.func @transform_6(%arg0: i32) -> (i32, i32) {
    %c0_i32 = arith.constant 0 : i32
    %c0_i32_0 = arith.constant 0 : i32
    return %c0_i32, %arg0 : i32, i32
  }
  func.func @transform_7(%arg0: i32) -> (i32, i32) {
    %c0_i32 = arith.constant 0 : i32
    %c0_i32_0 = arith.constant 0 : i32
    return %c0_i32, %arg0 : i32, i32
  }
  func.func @transform_8(%arg0: i32) -> (i32, i32) {
    %c0_i32 = arith.constant 0 : i32
    %c0_i32_0 = arith.constant 0 : i32
    %c0_i32_1 = arith.constant 0 : i32
    return %c0_i32, %c0_i32_0 : i32, i32
  }
}

</mosaic_0001>

<sc_bundles>
// kernel: kernel.11.cloned.1.call-start
scs
__scs_entry_jumppad:
0x0: {  	(pc) =	sbr.rel $0x88, $3  }
0x1: {  	(tag) =	ssettag $0x0;
	lr =	simm.s32 $0x1  }
0x2: {  	[smem:$0x3F93] =	sst lr;
	_ =	strace $0xD0000000  }
0x3: {  	_ = 	snop  }
0x4: {  	_ = 	snop  }
0x5: {  	_ = 	snop  }
0x6: {  	_ = 	snop  }
0x7: {  	_ = 	snop  }
__scs_overlays_trampoline_lowered:
0x8: {  	[smem:$0x3FA2] =	sst s0  }
0x9: {  	[smem:$0x3FA3] =	sst s1  }
0xa: {  	[smem:$0x3FA4] =	sst s2  }
0xb: {  	[smem:$0x3FA5] =	sst s3  }
0xc: {  	[smem:$0x3FA6] =	sst s4  }
0xd: {  	[smem:$0x3FA7] =	sst s5  }
0xe: {  	[smem:$0x3FA8] =	sst s6  }
0xf: {  	[smem:$0x3FA9] =	sst s7  }
0x10: {  	[smem:$0x3FAA] =	sst s8  }
0x11: {  	[smem:$0x3FAB] =	sst s9;
	s0 =	simm.s32 @!p0 $0x0  }
0x12: {  	s1 =	sld [smem:$0x3F91];
	s0 =	simm.s32 @p0 $0x1  }
0x13: {  	[smem:$0x3FAC] =	sst s0;
	s0 =	simm.s32 @!p1 $0x0  }
0x14: {  	s2 =	sld [smem:$0x3F90];
	s0 =	simm.s32 @p1 $0x1  }
0x15: {  	[smem:$0x3FAD] =	sst s0;
	s0 =	simm.s32 @!p2 $0x0  }
0x16: {  	s3 =	sld [smem:$0x3FDB];
	s0 =	simm.s32 @p2 $0x1  }
0x17: {  	s4 =	simm.s32 $0x1BF5;
	[smem:$0x3FAF] =	sst s0  }
0x18: {  	s0 =	sld [smem:$0x3F92];
	_ =	swait.ge [sflag:s4], $0x0  }
0x19: {  	s7 =	sld [smem:$0x3F93]  }
0x1a: {  	s8 =	sadd.s32 $0xFFFFE003, lr  }
0x1b: {  	s9 =	sadd.s32 $0xFFFFFEF7, lr;
	s5 =	simm.s32 $0xFFFFFFFF;
	p2 =	slt.u32 s8, $0xFFFFF086  }
0x1c: {  	p1 =	slt.u32 s9, $0xF7A;
	s5 =	simm.s32 @!p2 $0x0  }
0x1d: {  	s5 =	simm.s32 @p1 $0x1;
	p0 =	seq.s32 s7, s2  }
0x1e: {  	s7 =	smul.u32 @!p0 $0xF7A, s2;
	p2 =	seq.s32 @!p0 s5, $0x0  }
0x1f: {  	s9 =	smul.u32 $0xF7A, s1;
	s8 =	simm.s32 @!p0 $0x1BF5;
	p2 =	por !p2, p0  }
0x20: {  	[sflag:s8] =	ssyncset.s32 @!p0 $0xFFFFF086;
	s6 =	sadd.s32 @!p0 s3, s7;
	s7 =	simm.s32 @!p0 $0x108  }
0x21: {  	s3 =	sadd.s32 s3, s9;
	s6 =	sadd.s32 @!p0 $0x88, s6;
	s7 =	simm.s32 @p2 $0x1082  }
0x22: {  	[simem:s7], [sflag:s8] =	dma.local @!p0 [hbm:s6], $0xF7A  }
0x23: {  	s9 =	sor.u32 $0xD0000000, s2;
	s6 =	simm.s32 $0x108;
	_ =	swait.ge @!p0 [sflag:s8], $0x0  }
0x24: {  	s3 =	sadd.s32 $0x88, s3;
	s6 =	simm.s32 @!p1 $0x1082;
	[sflag:s4] =	ssyncset.s32 $0xFFFFF086  }
0x25: {  	[simem:s6], [sflag:s4] =	dma.local [hbm:s3], $0xF7A  }
0x26: {  	[smem:$0x3F93] =	sst s1;
	(tag) =	ssettag s2;
	_ =	strace s9  }
0x27: {  	s1 =	sld [smem:$0x3FA3]  }
0x28: {  	s2 =	sld [smem:$0x3FA4]  }
0x29: {  	s4 =	sld [smem:$0x3FA6]  }
0x2a: {  	p0 =	seq.s32 s5, $0x0;
	s5 =	sld [smem:$0x3FA7]  }
0x2b: {  	s6 =	sld [smem:$0x3FA8]  }
0x2c: {  	s7 =	sld [smem:$0x3FA9]  }
0x2d: {  	s3 =	simm.s32 $0x108;
	s8 =	sld [smem:$0x3FAA]  }
0x2e: {  	s3 =	simm.s32 @!p0 $0x1082;
	s9 =	sld [smem:$0x3FAB]  }
0x2f: {  	lr =	sadd.s32 s0, s3;
	s0 =	sld [smem:$0x3FA2]  }
0x30: {  	s3 =	sld [smem:$0x3FA5]  }
0x31: {  	[smem:$0x3FAE] =	sst s10  }
0x32: {  	s10 =	sld [smem:$0x3FAC];
	_ =	sdelay $0x3  }
0x33: {  	p0 =	seq.s32 s10, $0x1;
	s10 =	sld [smem:$0x3FAE];
	_ =	sdelay $0x3  }
0x34: {  	[smem:$0x3FAE] =	sst s10  }
0x35: {  	s10 =	sld [smem:$0x3FAD];
	_ =	sdelay $0x3  }
0x36: {  	p1 =	seq.s32 s10, $0x1;
	s10 =	sld [smem:$0x3FAE];
	_ =	sdelay $0x3  }
0x37: {  	[smem:$0x3FAE] =	sst s10  }
0x38: {  	s10 =	sld [smem:$0x3FAF]  }
0x39: {  	_ = 	snop;
	(pc) =	sbr.ind lr, $3  }
0x3a: {  	_ = 	snop  }
0x3b: {  	_ = 	snop  }
0x3c: {  	p2 =	seq.s32 s10, $0x1;
	s10 =	sld [smem:$0x3FAE]  }
0x3d: {  	_ =	shalt  }
0x3e: {  	_ =	shalt  }
0x3f: {  	_ =	shalt  }
0x40: {  	_ =	shalt  }
0x41: {  	_ =	shalt  }
0x42: {  	_ =	shalt  }
0x43: {  	_ =	shalt  }
0x44: {  	_ =	shalt  }
0x45: {  	_ =	shalt  }
0x46: {  	_ =	shalt  }
0x47: {  	_ =	shalt  }
0x48: {  	_ =	shalt  }
0x49: {  	_ =	shalt  }
0x4a: {  	_ =	shalt  }
0x4b: {  	_ =	shalt  }
0x4c: {  	_ =	shalt  }
0x4d: {  	_ =	shalt  }
0x4e: {  	_ =	shalt  }
0x4f: {  	_ =	shalt  }
0x50: {  	_ =	shalt  }
0x51: {  	_ =	shalt  }
0x52: {  	_ =	shalt  }
0x53: {  	_ =	shalt  }
0x54: {  	_ =	shalt  }
0x55: {  	_ =	shalt  }
0x56: {  	_ =	shalt  }
0x57: {  	_ =	shalt  }
0x58: {  	_ =	shalt  }
0x59: {  	_ =	shalt  }
0x5a: {  	_ =	shalt  }
0x5b: {  	_ =	shalt  }
0x5c: {  	_ =	shalt  }
0x5d: {  	_ =	shalt  }
0x5e: {  	_ =	shalt  }
0x5f: {  	_ =	shalt  }
0x60: {  	_ =	shalt  }
0x61: {  	_ =	shalt  }
0x62: {  	_ =	shalt  }
0x63: {  	_ =	shalt  }
0x64: {  	_ =	shalt  }
0x65: {  	_ =	shalt  }
0x66: {  	_ =	shalt  }
0x67: {  	_ =	shalt  }
0x68: {  	_ =	shalt  }
0x69: {  	_ =	shalt  }
0x6a: {  	_ =	shalt  }
0x6b: {  	_ =	shalt  }
0x6c: {  	_ =	shalt  }
0x6d: {  	_ =	shalt  }
0x6e: {  	_ =	shalt  }
0x6f: {  	_ =	shalt  }
0x70: {  	_ =	shalt  }
0x71: {  	_ =	shalt  }
0x72: {  	_ =	shalt  }
0x73: {  	_ =	shalt  }
0x74: {  	_ =	shalt  }
0x75: {  	_ =	shalt  }
0x76: {  	_ =	shalt  }
0x77: {  	_ =	shalt  }
0x78: {  	_ =	shalt  }
0x79: {  	_ =	shalt  }
0x7a: {  	_ =	shalt  }
0x7b: {  	_ =	shalt  }
0x7c: {  	_ =	shalt  }
0x7d: {  	_ =	shalt  }
0x7e: {  	_ =	shalt  }
0x7f: {  	_ =	shalt  }
0x80: {  	_ =	shalt  }
0x81: {  	_ =	shalt  }
0x82: {  	_ =	shalt  }
0x83: {  	_ =	shalt  }
0x84: {  	_ =	shalt  }
0x85: {  	_ =	shalt  }
0x86: {  	_ =	shalt  }
0x87: {  	_ =	shalt  }
.Lfunc_end0:
.L_simem_size_0:
called_computation.2_lowered:
.L_overlay_start_0:
0x88: {  	s2 =	sld [smem:$0x3FD9]  }
0x89: {  	s3 =	sld [smem:$0x3FFE];
	_ =	sdelay $0x1  }
0x8a: {  	s1 =	srdreg.scid  }
0x8b: {  	s0 =	sand.u32 $0x1, s1  }
0x8c: {  	s16 =	sshll.u32 s0, $0xA;
	s2 =	sadd.s32 s3, s2  }
0x8d: {  	s2 =	sadd.s32 s2, s16  }
0x8e: {  	[smem:$0x3FBA] =	sst s2  }
0x8f: {  	_ = 	snop  }
0x90: {  	(tm) =	ssettm $0x1  }
0x91: {  	s17 =	sld [smem:$0x3FFB];
	_ =	sdelay $0x3  }
0x92: {  	_ =	strace s17  }
0x93: {  	s2 =	sld [smem:$0x3FFC];
	_ =	sdelay $0x3  }
0x94: {  	_ =	strace s2  }
0x95: {  	s2 =	sld [smem:$0x3FFD];
	_ =	sdelay $0x3  }
0x96: {  	_ =	strace s2  }
0x97: {  	_ =	strace $0x8FFFFFFF  }
0x98: {  	s18 =	sld [smem:$0x3FDB];
	_ =	sdelay $0x1  }
0x99: {  	s19 =	simm.s32 $_scs_section_size  }
0x9a: {  	s4 =	simm.s32 $_size__tile_overlayer_lowered;
	s5 =	simm.s32 $_tile_overlayer_lowered  }
0x9b: {  	s22 =	simm.s32 $0x1BFF;
	s21 =	sshll.u32 s5, $0x1;
	s2 =	sadd.s32 s19, s18  }
0x9c: {  	s6 =	simm.s32 $0x0;
	s20 =	sshll.u32 s4, $0x1;
	s4 =	sadd.s32 s21, s2  }
0x9d: {  	[timem:s6], [sflag:s22] =	dma.local [hbm:s4], s20  }
0x9e: {  	_ =	swait.ge [sflag:s22], s20  }
0x9f: {  	s3 =	ssub.s32 $0x0, s20;
	[sflag:s22] =	ssyncset.done $0x0  }
0xa0: {  	[sflag:s22] =	ssyncadd.s32 s3;
	_ =	sdelay $0x1  }
0xa1: {  	s23 =	simm.s32 $0x1B8B  }
0xa2: {  	_ =	swait.ge [sflag:s23], $0x1  }
0xa3: {  	[sflag:s23] =	ssyncset.done $0x0  }
0xa4: {  	s25 =	simm.s32 $0x1B8E;
	s24 =	sld [smem:$0x3FFE];
	[sflag:s23] =	ssyncadd.s32 $0xFFFFFFFF  }
0xa5: {  	s26 =	simm.s32 $execute0_lowered;
	[smem:$0x3FD2] =	sst s25  }
0xa6: {  	s4 =	sshll.u32 s26, $0x1;
	_ =	strace $0x80000049;
	[dreg:$0x1] =	wrdreg $0xFFFFFFFF  }
0xa7: {  	s28 =	simm.s32 $_size_execute0_lowered;
	s2 =	sadd.s32 s2, s4;
	[dreg:$0x0] =	wrdreg $0x0  }
0xa8: {  	s4 =	sshll.u32 s28, $0x1;
	[dreg:$0x2] =	wrdreg s2  }
0xa9: {  	[dreg:$0x3] =	wrdreg s4  }
0xaa: {  	[dreg:$0x4] =	wrdreg $0xC0  }
0xab: {  	_ =	task [dreg:s6], $0x5FFFF  }
0xac: {  	[dreg:$0x1] =	wrdreg $0xFFFFFFFF  }
0xad: {  	[dreg:$0x0] =	wrdreg $0x60  }
0xae: {  	[dreg:$0x2] =	wrdreg s24  }
0xaf: {  	[dreg:$0x3] =	wrdreg $0x90800  }
0xb0: {  	[dreg:$0x4] =	wrdreg $0x9  }
0xb1: {  	_ =	task.clear_ibuf [dreg:s6], $0x5FFFF;
	_ =	strace $0x90000049  }
0xb2: {  	s29 =	simm.s32 $0x9;
	_ =	strace $0x8000004B  }
0xb3: {  	_ =	swait.ge [sflag:s29], $0x1  }
0xb4: {  	[sflag:s29] =	ssyncadd.s32 $0xFFFFFFFF  }
0xb5: {  	_ =	strace $0x9000004B  }
0xb6: {  	_ =	sfence  }
0xb7: {  	s30 =	sld [smem:$0x0];
	_ =	sdelay $0x2  }
0xb8: {  	s31 =	sshll.u32 s1, $0xD;
	s1 =	sshrl.u32 s1, $0x2  }
0xb9: {  	s3 =	sand.u32 $0x4000, s31;
	s1 =	sadd.s32 s1, s30  }
0xba: {  	s0 =	sor.u32 s3, s0;
	s1 =	sshll.u32 s1, $0x11  }
0xbb: {  	s0 =	sor.u32 s1, s0  }
0xbc: {  	s0 =	sadd.s32 $0x8F2B, s0  }
0xbd: {  	[sflag:s0] =	ssyncadd.remote.s32 $0x1  }
0xbe: {  	_ =	sfence.sel $0xFFFF  }
0xbf: {  	[dreg:$0x0] =	wrdreg $0xFFFFFFFF;
	(pc) =	sbr.abs _section_cstart, $3  }
0xc0: {  	[dreg:$0x1] =	wrdreg $0xFFFFFFFF  }
0xc1: {  	_ =	task.clear_ibuf [dreg:s6], $0x2FFFF;
	_ =	strace $0x9FFFFFFF  }
0xc2: {  	(tm) =	ssettm $0x7FFFFFFF  }
0xc3: {  	_ =	shalt  }
tec
execute0_lowered:
.L_overlay_start_1:
0x0: {  	(tag) =	ssettag $0x1  }
0x1: {  	s8 =	rddreg [dreg:$0x0]  }
0x2: {  	s2 =	rddreg [dreg:$0x1]  }
0x3: {  	s0 =	rddreg [dreg:$0x2];
	s3 =	simm.s32 $0x0  }
0x4: {  	s1 =	stileid.u32;
	s5 =	srdreg.scid;
	s17 =	simm.s32 $0x80  }
0x5: {  	s18 =	simm.s32 $0x5080;
	s19 =	simm.s32 $0x1;
	s20 =	simm.s32 $0x5000  }
0x6: {  	s21 =	simm.s32 $0x2;
	s23 =	simm.s32 $0x0;
	[smem:$0x7FF] =	sst s3  }
0x7: {  	s4 =	smul.u32 $0x500, s1;
	s11 =	sand.u32 $0x1, s5;
	s5 =	sadd.s32 $0x86400, s8  }
0x8: {  	s6 =	sadd.s32 $0xAE400, s8;
	s7 =	sadd.s32 $0xB0E00, s8;
	s13 =	smul.u32 $0x51000, s1  }
0x9: {  	s14 =	smul.u32 $0x50000, s1;
	s15 =	sshll.u32 s1, $0x6;
	_ =	strace $0x8000004A  }
0xa: {  	s9 =	ssub.s32 $0x2, s11;
	p0 =	seq.s32 s11, $0x1;
	s11 =	smul.u32 $0x2800, s1  }
0xb: {  	s15 =	sor.u32 $0x1C03, s15;
	s10 =	sadd.s32 s4, s8;
	s4 =	sadd.s32 $0x5E400, s8  }
.Ltmp0:
0xc: {  	s12 =	sshrl.u32 s9, $0x1;
	s8 =	sadd.s32 $0xD8E00, s8;
	(pc) =	sbr.rel .LBB2_1-.Ltmp0, $4  }
0xd: {  	s13 =	sshrl.u32 s13, $0x2;
	s31 =	sshrl.u32 s14, $0x2;
	s14 =	simm.s32 $0x2800  }
0xe: {  	s12 =	ssub.s32 s9, s12;
	s9 =	sadd.s32 $0x59400, s10;
	s10 =	sadd.s32 $0x54400, s10  }
0xf: {  	s16 =	sadd.s32 s13, s2;
	s22 =	sadd.s32 s31, s2;
	s13 =	simm.s32 $0x3  }
0x10: {  	s12 =	smax.u32 s12, $0x1;
	s16 =	sshrl.u32 s16, $0x3;
	s22 =	sshrl.u32 s22, $0x3  }
.LBB2_7:
0x11: {  	[spmem:s2] =	stream.indirect.scatter.add.f32 [tilespmem:s18], [sflag:$0x2], $0x80, s20, s17, $0xb8;
	[tilespmem:$0x1D480] =	vst v63  }
0x12: {  	s24 =	smov.u32 s8  }
.LBB2_8:
0x13: {  	_ =	swait.ge [sflag:s21], $0x4000  }
0x14: {  	s23 =	sadd.s32 $0x1, s23;
	[sflag:s21] =	ssyncset.done $0x0  }
0x15: {  	p1 =	sne.s32 s23, s12;
	[sflag:s21] =	ssyncadd.s32 $0xFFFFC000  }
.Ltmp1:
0x16: {  	s24 =	sadd.s32 s24, s11;
	[bflag:$0x0] =	sbarrier.arrive $0xFFFF;
	(pc) =	sbr.rel @!p1 .LBB2_9-.Ltmp1, $4  }
0x17: {  	[hbm:s24], [sflag:s15] =	dma.local [spmem:s22], $0x2800  }
0x18: {  	_ =	swait.ge [sflag:s13], $0x2800  }
0x19: {  	[sflag:s13] =	ssyncset.done $0x0  }
0x1a: {  	[sflag:s13] =	ssyncadd.s32 $0xFFFFD800  }
.LBB2_1:
0x1b: {  	[tilespmem:s3], [sflag:$0x3] =	stream.linear.gather [hbm4b:s9+s3], $0x2800, $0x38;
	[tilespmem:$0x1D480] =	vst v63  }
0x1c: {  	_ =	swait.ge [sflag:s13], $0x2800  }
0x1d: {  	[sflag:s13] =	ssyncset.done $0x0  }
0x1e: {  	[sflag:s13] =	ssyncadd.s32 $0xFFFFD800  }
0x1f: {  	[tilespmem:s14], [sflag:$0x3] =	stream.linear.gather [hbm4b:s10+s3], $0x2800, $0x38;
	[tilespmem:$0x1D480] =	vst v63  }
0x20: {  	_ =	swait.ge [sflag:s13], $0x2800  }
0x21: {  	[sflag:s13] =	ssyncset.done $0x0  }
0x22: {  	[sflag:s13] =	ssyncadd.s32 $0xFFFFD800  }
0x23: {  	[spmem:s16], [sflag:s15] =	dma.local [hbm:s6], $0x2880  }
0x24: {  	_ =	swait.ge [sflag:s13], $0x2880  }
0x25: {  	[sflag:s13] =	ssyncset.done $0x0  }
0x26: {  	[sflag:s13] =	ssyncadd.s32 $0xFFFFD780  }
0x27: {  	[bflag:$0x0] =	sbarrier.arrive $0xFFFF  }
0x28: {  	v0 =	vld [tilespmem:$0x2800]  }
.Ltmp2:
0x29: {  	_ = 	snop;
	(pc) =	sbr.rel @!p0 .LBB2_2-.Ltmp2, $2  }
0x2a: {  	_ =	sdelay $0x2  }
0x2b: {  	[tilespmem:$0x5000] =	vst v0  }
0x2c: {  	v0 =	vld [tilespmem:$0x2810]  }
0x2d: {  	v1 =	vld [tilespmem:$0x2820]  }
0x2e: {  	v2 =	vld [tilespmem:$0x2830]  }
0x2f: {  	v3 =	vld [tilespmem:$0x2840]  }
0x30: {  	v4 =	vld [tilespmem:$0x2850]  }
0x31: {  	v61 =	vld [tilespmem:$0x2860];
	[tilespmem:$0x5010] =	vst v0  }
0x32: {  	v62 =	vld [tilespmem:$0x2870];
	[tilespmem:$0x5020] =	vst v1  }
0x33: {  	[tilespmem:$0x5030] =	vst v2  }
0x34: {  	[tilespmem:$0x5040] =	vst v3  }
0x35: {  	[tilespmem:$0x5050] =	vst v4  }
0x36: {  	[tilespmem:$0x5060] =	vst v61  }
0x37: {  	s24 =	simm.s32 $0x0;
	[tilespmem:$0x5070] =	vst v62  }
0x38: {  	[tilespmem:s18], [sflag:$0x1] =	stream.indirect.gather [hbm4b:s5+s17], $0x80, s24, s17, $0xb8;
	[tilespmem:$0x1D480] =	vst v63  }
0x39: {  	_ =	swait.ge [sflag:s19], $0x4000  }
0x3a: {  	[sflag:s19] =	ssyncset.done $0x0  }
0x3b: {  	[sflag:s19] =	ssyncadd.s32 $0xFFFFC000  }
0x3c: {  	[spmem:s2] =	stream.indirect.scatter.add.f32 [tilespmem:s18], [sflag:$0x2], $0x80, s20, s17, $0xb8;
	[tilespmem:$0x1D480] =	vst v63  }
0x3d: {  	_ =	swait.ge [sflag:s21], $0x4000  }
0x3e: {  	[sflag:s21] =	ssyncset.done $0x0  }
0x3f: {  	s30 =	simm.s32 $0x0;
	[sflag:s21] =	ssyncadd.s32 $0xFFFFC000  }
0x40: {  	v63 =	vld [tilespmem:s30+$0x2880];
	_ =	sdelay $0x4  }
0x41: {  	[tilespmem:$0x5000] =	vst v63  }
0x42: {  	v0 =	vld [tilespmem:s30+$0x2890];
	_ =	sdelay $0x4  }
0x43: {  	[tilespmem:$0x5010] =	vst v0  }
0x44: {  	v0 =	vld [tilespmem:s30+$0x28A0];
	_ =	sdelay $0x4  }
0x45: {  	[tilespmem:$0x5020] =	vst v0  }
0x46: {  	v0 =	vld [tilespmem:s30+$0x28B0];
	_ =	sdelay $0x4  }
0x47: {  	[tilespmem:$0x5030] =	vst v0  }
0x48: {  	v0 =	vld [tilespmem:s30+$0x28C0];
	_ =	sdelay $0x4  }
0x49: {  	[tilespmem:$0x5040] =	vst v0  }
0x4a: {  	v0 =	vld [tilespmem:s30+$0x28D0];
	_ =	sdelay $0x4  }
0x4b: {  	[tilespmem:$0x5050] =	vst v0  }
0x4c: {  	v0 =	vld [tilespmem:s30+$0x28E0];
	_ =	sdelay $0x4  }
0x4d: {  	[tilespmem:$0x5060] =	vst v0  }
0x4e: {  	v0 =	vld [tilespmem:s30+$0x28F0];
	_ =	sdelay $0x4  }
0x4f: {  	s31 =	simm.s32 $0x80;
	[tilespmem:$0x5070] =	vst v0  }
0x50: {  	[tilespmem:s18], [sflag:$0x1] =	stream.indirect.gather [hbm4b:s5+s17], $0x80, s31, s17, $0xb8;
	[tilespmem:$0x1D480] =	vst v63  }
0x51: {  	_ =	swait.ge [sflag:s19], $0x4000  }
0x52: {  	[sflag:s19] =	ssyncset.done $0x0  }
0x53: {  	s24 =	simm.s32 $0x200;
	[sflag:s19] =	ssyncadd.s32 $0xFFFFC000  }
.LBB2_6:
0x54: {  	[spmem:s2] =	stream.indirect.scatter.add.f32 [tilespmem:s18], [sflag:$0x2], $0x80, s20, s17, $0xb8;
	[tilespmem:$0x1D480] =	vst v63  }
0x55: {  	s25 =	smov.u32 s24  }
0x56: {  	p1 =	sne.s32 s24, $0x9C00;
	s24 =	sadd.s32 $0x200, s24;
	_ =	swait.ge [sflag:s21], $0x4000  }
0x57: {  	[sflag:s21] =	ssyncset.done $0x0  }
0x58: {  	s25 =	sshra.s32 s25, $0x2;
	[sflag:s21] =	ssyncadd.s32 $0xFFFFC000  }
0x59: {  	v0 =	vld [tilespmem:s25+$0x2880];
	_ =	sdelay $0x4  }
0x5a: {  	[tilespmem:$0x5000] =	vst v0  }
0x5b: {  	v0 =	vld [tilespmem:s25+$0x2890];
	_ =	sdelay $0x4  }
0x5c: {  	[tilespmem:$0x5010] =	vst v0  }
0x5d: {  	v0 =	vld [tilespmem:s25+$0x28A0];
	_ =	sdelay $0x4  }
0x5e: {  	[tilespmem:$0x5020] =	vst v0  }
0x5f: {  	v0 =	vld [tilespmem:s25+$0x28B0];
	_ =	sdelay $0x4  }
0x60: {  	[tilespmem:$0x5030] =	vst v0  }
0x61: {  	v0 =	vld [tilespmem:s25+$0x28C0];
	_ =	sdelay $0x4  }
0x62: {  	[tilespmem:$0x5040] =	vst v0  }
0x63: {  	v0 =	vld [tilespmem:s25+$0x28D0];
	_ =	sdelay $0x4  }
0x64: {  	[tilespmem:$0x5050] =	vst v0  }
0x65: {  	v0 =	vld [tilespmem:s25+$0x28E0];
	_ =	sdelay $0x4  }
0x66: {  	[tilespmem:$0x5060] =	vst v0  }
0x67: {  	v0 =	vld [tilespmem:s25+$0x28F0];
	_ =	sdelay $0x4  }
.Ltmp3:
0x68: {  	s25 =	sadd.s32 $0x80, s25;
	[tilespmem:$0x5070] =	vst v0;
	(pc) =	sbr.rel @p1 .LBB2_6-.Ltmp3, $4  }
0x69: {  	[tilespmem:s18], [sflag:$0x1] =	stream.indirect.gather [hbm4b:s5+s17], $0x80, s25, s17, $0xb8;
	[tilespmem:$0x1D480] =	vst v63  }
0x6a: {  	_ =	swait.ge [sflag:s19], $0x4000  }
0x6b: {  	[sflag:s19] =	ssyncset.done $0x0  }
0x6c: {  	[sflag:s19] =	ssyncadd.s32 $0xFFFFC000  }
.Ltmp4:
0x6d: {  	_ = 	snop;
	(pc) =	sbr.rel .LBB2_7-.Ltmp4, $1  }
0x6e: {  	_ =	sdelay $0x3  }
.LBB2_2:
0x6f: {  	v0 =	vld [tilespmem:$0x2810]  }
0x70: {  	v1 =	vld [tilespmem:$0x2820]  }
0x71: {  	v2 =	vld [tilespmem:$0x2830]  }
0x72: {  	v3 =	vld [tilespmem:$0x2840]  }
0x73: {  	v4 =	vld [tilespmem:$0x2850]  }
0x74: {  	v61 =	vld [tilespmem:$0x2860];
	[tilespmem:$0x5010] =	vst v0  }
0x75: {  	v62 =	vld [tilespmem:$0x2870];
	[tilespmem:$0x5020] =	vst v1  }
0x76: {  	[tilespmem:$0x5030] =	vst v2  }
0x77: {  	[tilespmem:$0x5040] =	vst v3  }
0x78: {  	[tilespmem:$0x5050] =	vst v4  }
0x79: {  	[tilespmem:$0x5060] =	vst v61  }
0x7a: {  	s24 =	simm.s32 $0x0;
	[tilespmem:$0x5070] =	vst v62  }
0x7b: {  	[tilespmem:s18], [sflag:$0x1] =	stream.indirect.gather [hbm4b:s4+s17], $0x80, s24, s17, $0xb8;
	[tilespmem:$0x1D480] =	vst v63  }
0x7c: {  	_ =	swait.ge [sflag:s19], $0x4000  }
0x7d: {  	[sflag:s19] =	ssyncset.done $0x0  }
0x7e: {  	[sflag:s19] =	ssyncadd.s32 $0xFFFFC000  }
0x7f: {  	[spmem:s2] =	stream.indirect.scatter.add.f32 [tilespmem:s18], [sflag:$0x2], $0x80, s20, s17, $0xb8;
	[tilespmem:$0x1D480] =	vst v63  }
0x80: {  	_ =	swait.ge [sflag:s21], $0x4000  }
0x81: {  	[sflag:s21] =	ssyncset.done $0x0  }
0x82: {  	s30 =	simm.s32 $0x0;
	[sflag:s21] =	ssyncadd.s32 $0xFFFFC000  }
0x83: {  	v63 =	vld [tilespmem:s30+$0x2880];
	_ =	sdelay $0x4  }
0x84: {  	[tilespmem:$0x5000] =	vst v63  }
0x85: {  	v0 =	vld [tilespmem:s30+$0x2890];
	_ =	sdelay $0x4  }
0x86: {  	[tilespmem:$0x5010] =	vst v0  }
0x87: {  	v0 =	vld [tilespmem:s30+$0x28A0];
	_ =	sdelay $0x4  }
0x88: {  	[tilespmem:$0x5020] =	vst v0  }
0x89: {  	v0 =	vld [tilespmem:s30+$0x28B0];
	_ =	sdelay $0x4  }
0x8a: {  	[tilespmem:$0x5030] =	vst v0  }
0x8b: {  	v0 =	vld [tilespmem:s30+$0x28C0];
	_ =	sdelay $0x4  }
0x8c: {  	[tilespmem:$0x5040] =	vst v0  }
0x8d: {  	v0 =	vld [tilespmem:s30+$0x28D0];
	_ =	sdelay $0x4  }
0x8e: {  	[tilespmem:$0x5050] =	vst v0  }
0x8f: {  	v0 =	vld [tilespmem:s30+$0x28E0];
	_ =	sdelay $0x4  }
0x90: {  	[tilespmem:$0x5060] =	vst v0  }
0x91: {  	v0 =	vld [tilespmem:s30+$0x28F0];
	_ =	sdelay $0x4  }
0x92: {  	s31 =	simm.s32 $0x80;
	[tilespmem:$0x5070] =	vst v0  }
0x93: {  	[tilespmem:s18], [sflag:$0x1] =	stream.indirect.gather [hbm4b:s4+s17], $0x80, s31, s17, $0xb8;
	[tilespmem:$0x1D480] =	vst v63  }
0x94: {  	_ =	swait.ge [sflag:s19], $0x4000  }
0x95: {  	[sflag:s19] =	ssyncset.done $0x0  }
0x96: {  	s24 =	simm.s32 $0x200;
	[sflag:s19] =	ssyncadd.s32 $0xFFFFC000  }
.LBB2_3:
0x97: {  	[spmem:s2] =	stream.indirect.scatter.add.f32 [tilespmem:s18], [sflag:$0x2], $0x80, s20, s17, $0xb8;
	[tilespmem:$0x1D480] =	vst v63  }
0x98: {  	s25 =	smov.u32 s24  }
0x99: {  	p1 =	seq.s32 s24, $0x9C00;
	s24 =	sadd.s32 $0x200, s24;
	_ =	swait.ge [sflag:s21], $0x4000  }
0x9a: {  	[sflag:s21] =	ssyncset.done $0x0  }
0x9b: {  	s25 =	sshra.s32 s25, $0x2;
	[sflag:s21] =	ssyncadd.s32 $0xFFFFC000  }
0x9c: {  	v0 =	vld [tilespmem:s25+$0x2880];
	_ =	sdelay $0x4  }
0x9d: {  	[tilespmem:$0x5000] =	vst v0  }
0x9e: {  	v0 =	vld [tilespmem:s25+$0x2890];
	_ =	sdelay $0x4  }
0x9f: {  	[tilespmem:$0x5010] =	vst v0  }
0xa0: {  	v0 =	vld [tilespmem:s25+$0x28A0];
	_ =	sdelay $0x4  }
0xa1: {  	[tilespmem:$0x5020] =	vst v0  }
0xa2: {  	v0 =	vld [tilespmem:s25+$0x28B0];
	_ =	sdelay $0x4  }
0xa3: {  	[tilespmem:$0x5030] =	vst v0  }
0xa4: {  	v0 =	vld [tilespmem:s25+$0x28C0];
	_ =	sdelay $0x4  }
0xa5: {  	[tilespmem:$0x5040] =	vst v0  }
0xa6: {  	v0 =	vld [tilespmem:s25+$0x28D0];
	_ =	sdelay $0x4  }
0xa7: {  	[tilespmem:$0x5050] =	vst v0  }
0xa8: {  	v0 =	vld [tilespmem:s25+$0x28E0];
	_ =	sdelay $0x4  }
0xa9: {  	[tilespmem:$0x5060] =	vst v0  }
0xaa: {  	v0 =	vld [tilespmem:s25+$0x28F0];
	_ =	sdelay $0x4  }
.Ltmp5:
0xab: {  	s25 =	sadd.s32 $0x80, s25;
	[tilespmem:$0x5070] =	vst v0;
	(pc) =	sbr.rel @!p1 .LBB2_3-.Ltmp5, $4  }
0xac: {  	[tilespmem:s18], [sflag:$0x1] =	stream.indirect.gather [hbm4b:s4+s17], $0x80, s25, s17, $0xb8;
	[tilespmem:$0x1D480] =	vst v63  }
0xad: {  	_ =	swait.ge [sflag:s19], $0x4000  }
0xae: {  	[sflag:s19] =	ssyncset.done $0x0  }
0xaf: {  	[sflag:s19] =	ssyncadd.s32 $0xFFFFC000  }
.Ltmp6:
0xb0: {  	(pc) =	sbr.rel .LBB2_8-.Ltmp6, $3  }
0xb1: {  	_ =	sdelay $0x1  }
0xb2: {  	[spmem:s2] =	stream.indirect.scatter.add.f32 [tilespmem:s18], [sflag:$0x2], $0x80, s20, s17, $0xb8;
	[tilespmem:$0x1D480] =	vst v63  }
0xb3: {  	s24 =	smov.u32 s7  }
.LBB2_9:
0xb4: {  	_ =	sfence.sel $0x180000  }
0xb5: {  	[bflag:$0x0] =	sbarrier.arrive $0xFFFF  }
0xb6: {  	p0 =	sne.s32 s1, $0x0;
	_ =	strace $0x9000004A  }
0xb7: {  	s0 =	sadd.s32 @!p0 $0x100000, s0;
	[bflag:$0x2] =	sbarrier.arrive $0xFFFF  }
0xb8: {  	[sflag:s0] =	ssyncadd.tile.s32 @!p0 $0x1;
	_ =	shalt  }
.Lfunc_end2:
_tile_overlayer_lowered:
.L_overlay_start_2:
0xb9: {  	(tag) =	ssettag $0x2  }
0xba: {  	s0 =	rddreg [dreg:$0x0];
	s2 =	stileid.u32  }
0xbb: {  	s1 =	rddreg [dreg:$0x1];
	p0 =	sne.s32 s2, $0x0  }
0xbc: {  	s3 =	rddreg [dreg:$0x2];
	[bflag:$0x3] =	sbarrier.arrive $0xFFFF;
	s2 =	simm.s32 @!p0 $0x1C03  }
0xbd: {  	[timem:s3], [sflag:s2] =	dma.local @!p0 [hbm:s0], s1  }
0xbe: {  	s0 =	simm.s32 @!p0 $0x3  }
0xbf: {  	_ =	swait.ge @!p0 [sflag:s0], s1  }
0xc0: {  	s1 =	ssub.s32 @!p0 $0x0, s1;
	[sflag:s0] =	ssyncset.done @!p0 $0x0  }
0xc1: {  	[sflag:s0] =	ssyncadd.s32 @!p0 s1  }
0xc2: {  	[bflag:$0x3] =	sbarrier.arrive $0xFFFF  }
0xc3: {  	_ =	shalt  }

// kernel: kernel.14.cloned.1.call-start
scs
__scs_entry_jumppad:
0x0: {  	(pc) =	sbr.rel $0x88, $3  }
0x1: {  	(tag) =	ssettag $0x0;
	lr =	simm.s32 $0x1  }
0x2: {  	[smem:$0x3F93] =	sst lr;
	_ =	strace $0xD0000000  }
0x3: {  	_ = 	snop  }
0x4: {  	_ = 	snop  }
0x5: {  	_ = 	snop  }
0x6: {  	_ = 	snop  }
0x7: {  	_ = 	snop  }
__scs_overlays_trampoline_lowered:
0x8: {  	[smem:$0x3FA2] =	sst s0  }
0x9: {  	[smem:$0x3FA3] =	sst s1  }
0xa: {  	[smem:$0x3FA4] =	sst s2  }
0xb: {  	[smem:$0x3FA5] =	sst s3  }
0xc: {  	[smem:$0x3FA6] =	sst s4  }
0xd: {  	[smem:$0x3FA7] =	sst s5  }
0xe: {  	[smem:$0x3FA8] =	sst s6  }
0xf: {  	[smem:$0x3FA9] =	sst s7  }
0x10: {  	[smem:$0x3FAA] =	sst s8  }
0x11: {  	[smem:$0x3FAB] =	sst s9;
	s0 =	simm.s32 @!p0 $0x0  }
0x12: {  	s1 =	sld [smem:$0x3F91];
	s0 =	simm.s32 @p0 $0x1  }
0x13: {  	[smem:$0x3FAC] =	sst s0;
	s0 =	simm.s32 @!p1 $0x0  }
0x14: {  	s2 =	sld [smem:$0x3F90];
	s0 =	simm.s32 @p1 $0x1  }
0x15: {  	[smem:$0x3FAD] =	sst s0;
	s0 =	simm.s32 @!p2 $0x0  }
0x16: {  	s3 =	sld [smem:$0x3FDB];
	s0 =	simm.s32 @p2 $0x1  }
0x17: {  	s4 =	simm.s32 $0x1BF5;
	[smem:$0x3FAF] =	sst s0  }
0x18: {  	s0 =	sld [smem:$0x3F92];
	_ =	swait.ge [sflag:s4], $0x0  }
0x19: {  	s7 =	sld [smem:$0x3F93]  }
0x1a: {  	s8 =	sadd.s32 $0xFFFFE003, lr  }
0x1b: {  	s9 =	sadd.s32 $0xFFFFFEF7, lr;
	s5 =	simm.s32 $0xFFFFFFFF;
	p2 =	slt.u32 s8, $0xFFFFF086  }
0x1c: {  	p1 =	slt.u32 s9, $0xF7A;
	s5 =	simm.s32 @!p2 $0x0  }
0x1d: {  	s5 =	simm.s32 @p1 $0x1;
	p0 =	seq.s32 s7, s2  }
0x1e: {  	s7 =	smul.u32 @!p0 $0xF7A, s2;
	p2 =	seq.s32 @!p0 s5, $0x0  }
0x1f: {  	s9 =	smul.u32 $0xF7A, s1;
	s8 =	simm.s32 @!p0 $0x1BF5;
	p2 =	por !p2, p0  }
0x20: {  	[sflag:s8] =	ssyncset.s32 @!p0 $0xFFFFF086;
	s6 =	sadd.s32 @!p0 s3, s7;
	s7 =	simm.s32 @!p0 $0x108  }
0x21: {  	s3 =	sadd.s32 s3, s9;
	s6 =	sadd.s32 @!p0 $0x88, s6;
	s7 =	simm.s32 @p2 $0x1082  }
0x22: {  	[simem:s7], [sflag:s8] =	dma.local @!p0 [hbm:s6], $0xF7A  }
0x23: {  	s9 =	sor.u32 $0xD0000000, s2;
	s6 =	simm.s32 $0x108;
	_ =	swait.ge @!p0 [sflag:s8], $0x0  }
0x24: {  	s3 =	sadd.s32 $0x88, s3;
	s6 =	simm.s32 @!p1 $0x1082;
	[sflag:s4] =	ssyncset.s32 $0xFFFFF086  }
0x25: {  	[simem:s6], [sflag:s4] =	dma.local [hbm:s3], $0xF7A  }
0x26: {  	[smem:$0x3F93] =	sst s1;
	(tag) =	ssettag s2;
	_ =	strace s9  }
0x27: {  	s1 =	sld [smem:$0x3FA3]  }
0x28: {  	s2 =	sld [smem:$0x3FA4]  }
0x29: {  	s4 =	sld [smem:$0x3FA6]  }
0x2a: {  	p0 =	seq.s32 s5, $0x0;
	s5 =	sld [smem:$0x3FA7]  }
0x2b: {  	s6 =	sld [smem:$0x3FA8]  }
0x2c: {  	s7 =	sld [smem:$0x3FA9]  }
0x2d: {  	s3 =	simm.s32 $0x108;
	s8 =	sld [smem:$0x3FAA]  }
0x2e: {  	s3 =	simm.s32 @!p0 $0x1082;
	s9 =	sld [smem:$0x3FAB]  }
0x2f: {  	lr =	sadd.s32 s0, s3;
	s0 =	sld [smem:$0x3FA2]  }
0x30: {  	s3 =	sld [smem:$0x3FA5]  }
0x31: {  	[smem:$0x3FAE] =	sst s10  }
0x32: {  	s10 =	sld [smem:$0x3FAC];
	_ =	sdelay $0x3  }
0x33: {  	p0 =	seq.s32 s10, $0x1;
	s10 =	sld [smem:$0x3FAE];
	_ =	sdelay $0x3  }
0x34: {  	[smem:$0x3FAE] =	sst s10  }
0x35: {  	s10 =	sld [smem:$0x3FAD];
	_ =	sdelay $0x3  }
0x36: {  	p1 =	seq.s32 s10, $0x1;
	s10 =	sld [smem:$0x3FAE];
	_ =	sdelay $0x3  }
0x37: {  	[smem:$0x3FAE] =	sst s10  }
0x38: {  	s10 =	sld [smem:$0x3FAF]  }
0x39: {  	_ = 	snop;
	(pc) =	sbr.ind lr, $3  }
0x3a: {  	_ = 	snop  }
0x3b: {  	_ = 	snop  }
0x3c: {  	p2 =	seq.s32 s10, $0x1;
	s10 =	sld [smem:$0x3FAE]  }
0x3d: {  	_ =	shalt  }
0x3e: {  	_ =	shalt  }
0x3f: {  	_ =	shalt  }
0x40: {  	_ =	shalt  }
0x41: {  	_ =	shalt  }
0x42: {  	_ =	shalt  }
0x43: {  	_ =	shalt  }
0x44: {  	_ =	shalt  }
0x45: {  	_ =	shalt  }
0x46: {  	_ =	shalt  }
0x47: {  	_ =	shalt  }
0x48: {  	_ =	shalt  }
0x49: {  	_ =	shalt  }
0x4a: {  	_ =	shalt  }
0x4b: {  	_ =	shalt  }
0x4c: {  	_ =	shalt  }
0x4d: {  	_ =	shalt  }
0x4e: {  	_ =	shalt  }
0x4f: {  	_ =	shalt  }
0x50: {  	_ =	shalt  }
0x51: {  	_ =	shalt  }
0x52: {  	_ =	shalt  }
0x53: {  	_ =	shalt  }
0x54: {  	_ =	shalt  }
0x55: {  	_ =	shalt  }
0x56: {  	_ =	shalt  }
0x57: {  	_ =	shalt  }
0x58: {  	_ =	shalt  }
0x59: {  	_ =	shalt  }
0x5a: {  	_ =	shalt  }
0x5b: {  	_ =	shalt  }
0x5c: {  	_ =	shalt  }
0x5d: {  	_ =	shalt  }
0x5e: {  	_ =	shalt  }
0x5f: {  	_ =	shalt  }
0x60: {  	_ =	shalt  }
0x61: {  	_ =	shalt  }
0x62: {  	_ =	shalt  }
0x63: {  	_ =	shalt  }
0x64: {  	_ =	shalt  }
0x65: {  	_ =	shalt  }
0x66: {  	_ =	shalt  }
0x67: {  	_ =	shalt  }
0x68: {  	_ =	shalt  }
0x69: {  	_ =	shalt  }
0x6a: {  	_ =	shalt  }
0x6b: {  	_ =	shalt  }
0x6c: {  	_ =	shalt  }
0x6d: {  	_ =	shalt  }
0x6e: {  	_ =	shalt  }
0x6f: {  	_ =	shalt  }
0x70: {  	_ =	shalt  }
0x71: {  	_ =	shalt  }
0x72: {  	_ =	shalt  }
0x73: {  	_ =	shalt  }
0x74: {  	_ =	shalt  }
0x75: {  	_ =	shalt  }
0x76: {  	_ =	shalt  }
0x77: {  	_ =	shalt  }
0x78: {  	_ =	shalt  }
0x79: {  	_ =	shalt  }
0x7a: {  	_ =	shalt  }
0x7b: {  	_ =	shalt  }
0x7c: {  	_ =	shalt  }
0x7d: {  	_ =	shalt  }
0x7e: {  	_ =	shalt  }
0x7f: {  	_ =	shalt  }
0x80: {  	_ =	shalt  }
0x81: {  	_ =	shalt  }
0x82: {  	_ =	shalt  }
0x83: {  	_ =	shalt  }
0x84: {  	_ =	shalt  }
0x85: {  	_ =	shalt  }
0x86: {  	_ =	shalt  }
0x87: {  	_ =	shalt  }
.Lfunc_end0:
.L_simem_size_0:
called_computation.3_lowered:
.L_overlay_start_0:
0x88: {  	s2 =	sld [smem:$0x3FD9]  }
0x89: {  	s3 =	sld [smem:$0x3FFE];
	_ =	sdelay $0x1  }
0x8a: {  	s1 =	srdreg.scid  }
0x8b: {  	s0 =	sand.u32 $0x1, s1  }
0x8c: {  	s14 =	sshll.u32 s0, $0xA;
	s2 =	sadd.s32 s3, s2  }
0x8d: {  	s2 =	sadd.s32 s2, s14  }
0x8e: {  	[smem:$0x3FBA] =	sst s2  }
0x8f: {  	_ = 	snop  }
0x90: {  	s2 =	sld [smem:$0x3FD0]  }
0x91: {  	s15 =	sld [smem:$0x3FC7]  }
0x92: {  	s4 =	sld [smem:$0x3FC6]  }
0x93: {  	s6 =	simm.s32 $0xA;
	s7 =	simm.s32 $0x10;
	s5 =	sld [smem:$0x3FBC]  }
0x94: {  	[smem:s7], [sflag:s6] =	dma.local [hbm:s2], $0x1  }
0x95: {  	_ =	swait.eq [sflag:s6], $0x1  }
0x96: {  	[sflag:s6] =	ssyncset.done $0x0  }
0x97: {  	[sflag:s6] =	ssyncadd.s32 $0xFFFFFFFF  }
0x98: {  	s16 =	sld [smem:$0x10];
	(tm) =	ssettm $0x1  }
0x99: {  	s17 =	sld [smem:$0x3FFB];
	_ =	sdelay $0x3  }
0x9a: {  	_ =	strace s17  }
0x9b: {  	s6 =	sld [smem:$0x3FFC];
	_ =	sdelay $0x3  }
0x9c: {  	_ =	strace s6  }
0x9d: {  	s6 =	sld [smem:$0x3FFD];
	_ =	sdelay $0x3  }
0x9e: {  	_ =	strace s6  }
0x9f: {  	_ =	strace $0x8FFFFFFF  }
0xa0: {  	s18 =	sld [smem:$0x3FDB];
	_ =	sdelay $0x1  }
0xa1: {  	s19 =	simm.s32 $_scs_section_size  }
0xa2: {  	s8 =	simm.s32 $_size__tile_overlayer_lowered;
	s9 =	simm.s32 $_tile_overlayer_lowered  }
0xa3: {  	s22 =	simm.s32 $0x1BFF;
	s21 =	sshll.u32 s9, $0x1;
	s6 =	sadd.s32 s19, s18  }
0xa4: {  	s10 =	simm.s32 $0x0;
	s20 =	sshll.u32 s8, $0x1;
	s8 =	sadd.s32 s21, s6  }
0xa5: {  	[timem:s10], [sflag:s22] =	dma.local [hbm:s8], s20  }
0xa6: {  	_ =	swait.ge [sflag:s22], s20  }
0xa7: {  	s7 =	ssub.s32 $0x0, s20;
	[sflag:s22] =	ssyncset.done $0x0  }
0xa8: {  	[sflag:s22] =	ssyncadd.s32 s7;
	_ =	sdelay $0x1  }
0xa9: {  	s23 =	simm.s32 $0x1B8B  }
0xaa: {  	_ =	swait.ge [sflag:s23], $0x1  }
0xab: {  	[sflag:s23] =	ssyncset.done $0x0  }
0xac: {  	s25 =	simm.s32 $0x1B8E;
	s24 =	sld [smem:$0x3FFE];
	[sflag:s23] =	ssyncadd.s32 $0xFFFFFFFF  }
0xad: {  	s26 =	simm.s32 $execute0_lowered;
	[smem:$0x3FD2] =	sst s25  }
0xae: {  	s8 =	sshll.u32 s26, $0x1;
	_ =	strace $0x8000004C;
	[dreg:$0x1] =	wrdreg $0xFFFFFFFF  }
0xaf: {  	s28 =	simm.s32 $_size_execute0_lowered;
	s6 =	sadd.s32 s6, s8;
	[dreg:$0x0] =	wrdreg $0x0  }
0xb0: {  	s8 =	sshll.u32 s28, $0x1;
	[dreg:$0x2] =	wrdreg s6  }
0xb1: {  	[dreg:$0x3] =	wrdreg s8  }
0xb2: {  	[dreg:$0x4] =	wrdreg $0xC0  }
0xb3: {  	_ =	task [dreg:s10], $0x5FFFF  }
0xb4: {  	[dreg:$0x1] =	wrdreg $0xFFFFFFFF  }
0xb5: {  	[dreg:$0x0] =	wrdreg $0x60  }
0xb6: {  	[dreg:$0x2] =	wrdreg s15  }
0xb7: {  	[dreg:$0x3] =	wrdreg s4  }
0xb8: {  	[dreg:$0x4] =	wrdreg s16  }
0xb9: {  	[dreg:$0x5] =	wrdreg s5  }
0xba: {  	[dreg:$0x6] =	wrdreg s24  }
0xbb: {  	[dreg:$0x7] =	wrdreg $0x9  }
0xbc: {  	_ =	task.clear_ibuf [dreg:s10], $0x8FFFF;
	_ =	strace $0x9000004C  }
0xbd: {  	s29 =	simm.s32 $0x9;
	_ =	strace $0x8000004E  }
0xbe: {  	_ =	swait.ge [sflag:s29], $0x1  }
0xbf: {  	[sflag:s29] =	ssyncadd.s32 $0xFFFFFFFF  }
0xc0: {  	_ =	strace $0x9000004E  }
0xc1: {  	_ =	sfence  }
0xc2: {  	s30 =	sld [smem:$0x0];
	_ =	sdelay $0x2  }
0xc3: {  	s31 =	sshll.u32 s1, $0xD;
	s1 =	sshrl.u32 s1, $0x2  }
0xc4: {  	s3 =	sand.u32 $0x4000, s31;
	s1 =	sadd.s32 s1, s30  }
0xc5: {  	s0 =	sor.u32 s3, s0;
	s1 =	sshll.u32 s1, $0x11  }
0xc6: {  	s0 =	sor.u32 s1, s0  }
0xc7: {  	s0 =	sadd.s32 $0x8F2B, s0  }
0xc8: {  	[sflag:s0] =	ssyncadd.remote.s32 $0x1  }
0xc9: {  	_ =	sfence.sel $0xFFFF  }
0xca: {  	[dreg:$0x0] =	wrdreg $0xFFFFFFFF;
	(pc) =	sbr.abs _section_cstart, $3  }
0xcb: {  	[dreg:$0x1] =	wrdreg $0xFFFFFFFF  }
0xcc: {  	_ =	task.clear_ibuf [dreg:s10], $0x2FFFF;
	_ =	strace $0x9FFFFFFF  }
0xcd: {  	(tm) =	ssettm $0x7FFFFFFF  }
tec
execute0_lowered:
.L_overlay_start_1:
0x0: {  	(tag) =	ssettag $0x1  }
0x1: {  	s5 =	rddreg [dreg:$0x0]  }
0x2: {  	s7 =	rddreg [dreg:$0x1]  }
0x3: {  	s1 =	rddreg [dreg:$0x2]  }
0x4: {  	s3 =	rddreg [dreg:$0x3]  }
0x5: {  	s6 =	rddreg [dreg:$0x4];
	s4 =	srdreg.scid  }
0x6: {  	s0 =	rddreg [dreg:$0x5];
	s2 =	stileid.u32  }
0x7: {  	s12 =	simm.s32 $0x880;
	s13 =	simm.s32 $0x1080;
	s14 =	simm.s32 $0x1880  }
0x8: {  	s15 =	simm.s32 $0x1;
	s8 =	sand.u32 $0x1, s4;
	s4 =	simm.s32 $0x0  }
0x9: {  	s9 =	sshll.u32 s2, $0x6;
	s10 =	sshll.u32 s8, $0x5;
	[smem:$0x7FF] =	sst s4  }
0xa: {  	s8 =	ssub.s32 $0x2, s8;
	s9 =	sor.u32 s10, s9;
	_ =	strace $0x8000004D  }
0xb: {  	s31 =	sshrl.u32 s8, $0x1;
	s10 =	sshll.u32 s9, $0x5;
	s9 =	sshrl.u32 s9, $0x3  }
0xc: {  	v2 =	vlaneseq.u32;
	s11 =	ssub.s32 s8, s31;
	s10 =	sadd.s32 s10, s6;
	s5 =	sadd.s32 s5, s9  }
0xd: {  	vm0 =	vmmov $0xffff;
	v1 =	vshrl.u32 v2, $0x3;
	s7 =	sadd.s32 s7, s9;
	s9 =	smax.u32 s11, $0x1;
	s11 =	simm.s32 $0x80  }
0xe: {  	v0 =	vand.u32 $0x7, v2;
	v2 =	vor.u32 $0x8, v2;
	v1 =	vmul.u32 $0x8, v1;
	s6 =	sadd.s32 $0x4400, s10;
	s8 =	sadd.s32 $0xC400, s10;
	s10 =	simm.s32 $0x2  }
.LBB2_1:
0xf: {  	[tilespmem:s4], [sflag:$0x2] =	stream.linear.gather [hbm4b:s5+s4], $0x20, $0x38;
	[tilespmem:$0x2080] =	vst v63  }
0x10: {  	_ =	swait.ge [sflag:s10], $0x20  }
0x11: {  	[sflag:s10] =	ssyncset.done $0x0  }
0x12: {  	[sflag:s10] =	ssyncadd.s32 $0xFFFFFFE0  }
0x13: {  	v3 =	vld [tilespmem:$0x0];
	_ =	sdelay $0x4  }
0x14: {  	v4 =	vshll.u32 v3, $0x1  }
0x15: {  	v3 =	vand.u32 $0x7, v3;
	v4 =	vand.u32 $0xFFFFFFF0, v4  }
0x16: {  	v3 =	vor.u32 v3, v4  }
0x17: {  	v4 =	vperm.xlane v3, v0;
	_ =	sdelay $0x1  }
0x18: {  	v3 =	vperm.xlane v3, v2;
	v4 =	vadd.s32 v1, v4;
	_ =	sdelay $0x1  }
0x19: {  	v3 =	vadd.s32 v1, v3;
	_ =	sdelay $0x2  }
0x1a: {  	[tilespmem:s11], [sflag:$0x1] =	stream.indirect_vreg.gather [hbm4b:s1+s4], $0x80, v4, vm0, $0xb8;
	[tilespmem:$0x2080] =	vst v63  }
0x1b: {  	_ = 	snop  }
0x1c: {  	[tilespmem:s12], [sflag:$0x1] =	stream.indirect_vreg.gather [hbm4b:s1+s4], $0x80, v3, vm0, $0xb8;
	[tilespmem:$0x2080] =	vst v63  }
0x1d: {  	v3 =	vld [tilespmem:$0x10];
	_ =	sdelay $0x4  }
0x1e: {  	v61 =	vshll.u32 v3, $0x1  }
0x1f: {  	v3 =	vand.u32 $0x7, v3;
	v4 =	vand.u32 $0xFFFFFFF0, v61  }
0x20: {  	v3 =	vor.u32 v3, v4  }
0x21: {  	v4 =	vperm.xlane v3, v0;
	_ =	sdelay $0x1  }
0x22: {  	v3 =	vperm.xlane v3, v2;
	v4 =	vadd.s32 v1, v4;
	_ =	sdelay $0x1  }
0x23: {  	v3 =	vadd.s32 v1, v3;
	_ =	sdelay $0x2  }
0x24: {  	[tilespmem:s13], [sflag:$0x1] =	stream.indirect_vreg.gather [hbm4b:s1+s4], $0x80, v4, vm0, $0xb8;
	[tilespmem:$0x2080] =	vst v63  }
0x25: {  	_ = 	snop  }
0x26: {  	[tilespmem:s14], [sflag:$0x1] =	stream.indirect_vreg.gather [hbm4b:s1+s4], $0x80, v3, vm0, $0xb8;
	[tilespmem:$0x2080] =	vst v63  }
0x27: {  	_ =	swait.ge [sflag:s15], $0x2000  }
0x28: {  	[sflag:s15] =	ssyncset.done $0x0  }
0x29: {  	[sflag:s15] =	ssyncadd.s32 $0xFFFFE000  }
0x2a: {  	[hbm4b:s6+s4] =	stream.linear.scatter [tilespmem:s11], [sflag:$0x2], $0x2000, $0x38;
	[tilespmem:$0x2080] =	vst v63  }
0x2b: {  	_ =	swait.ge [sflag:s10], $0x2000  }
0x2c: {  	[sflag:s10] =	ssyncset.done $0x0  }
0x2d: {  	[sflag:s10] =	ssyncadd.s32 $0xFFFFE000  }
0x2e: {  	[tilespmem:s4], [sflag:$0x2] =	stream.linear.gather [hbm4b:s7+s4], $0x20, $0x38;
	[tilespmem:$0x2080] =	vst v63  }
0x2f: {  	_ =	swait.ge [sflag:s10], $0x20  }
0x30: {  	[sflag:s10] =	ssyncset.done $0x0  }
0x31: {  	[sflag:s10] =	ssyncadd.s32 $0xFFFFFFE0  }
0x32: {  	v3 =	vld [tilespmem:$0x0];
	_ =	sdelay $0x4  }
0x33: {  	v62 =	vshll.u32 v3, $0x1  }
0x34: {  	v3 =	vand.u32 $0x7, v3;
	v4 =	vand.u32 $0xFFFFFFF0, v62  }
0x35: {  	v3 =	vor.u32 v3, v4  }
0x36: {  	v4 =	vperm.xlane v3, v0;
	_ =	sdelay $0x1  }
0x37: {  	v3 =	vperm.xlane v3, v2;
	v4 =	vadd.s32 v1, v4;
	_ =	sdelay $0x1  }
0x38: {  	v3 =	vadd.s32 v1, v3;
	_ =	sdelay $0x2  }
0x39: {  	[tilespmem:s11], [sflag:$0x1] =	stream.indirect_vreg.gather [hbm4b:s3+s4], $0x80, v4, vm0, $0xb8;
	[tilespmem:$0x2080] =	vst v63  }
0x3a: {  	_ = 	snop  }
0x3b: {  	[tilespmem:s12], [sflag:$0x1] =	stream.indirect_vreg.gather [hbm4b:s3+s4], $0x80, v3, vm0, $0xb8;
	[tilespmem:$0x2080] =	vst v63  }
0x3c: {  	v3 =	vld [tilespmem:$0x10];
	_ =	sdelay $0x4  }
0x3d: {  	v63 =	vshll.u32 v3, $0x1  }
0x3e: {  	v3 =	vand.u32 $0x7, v3;
	v4 =	vand.u32 $0xFFFFFFF0, v63  }
0x3f: {  	v3 =	vor.u32 v3, v4  }
0x40: {  	v4 =	vperm.xlane v3, v0;
	_ =	sdelay $0x1  }
0x41: {  	v3 =	vperm.xlane v3, v2;
	v4 =	vadd.s32 v1, v4;
	_ =	sdelay $0x1  }
0x42: {  	v3 =	vadd.s32 v1, v3;
	_ =	sdelay $0x2  }
0x43: {  	[tilespmem:s13], [sflag:$0x1] =	stream.indirect_vreg.gather [hbm4b:s3+s4], $0x80, v4, vm0, $0xb8;
	[tilespmem:$0x2080] =	vst v63  }
0x44: {  	_ = 	snop  }
0x45: {  	[tilespmem:s14], [sflag:$0x1] =	stream.indirect_vreg.gather [hbm4b:s3+s4], $0x80, v3, vm0, $0xb8;
	[tilespmem:$0x2080] =	vst v63  }
0x46: {  	_ =	swait.ge [sflag:s15], $0x2000  }
0x47: {  	p0 =	sne.s32 s9, $0x1;
	[sflag:s15] =	ssyncset.done $0x0  }
.Ltmp0:
0x48: {  	[sflag:s15] =	ssyncadd.s32 $0xFFFFE000;
	(pc) =	sbr.rel @p0 .LBB2_1-.Ltmp0, $4  }
0x49: {  	[hbm4b:s8+s4] =	stream.linear.scatter [tilespmem:s11], [sflag:$0x2], $0x2000, $0x38;
	[tilespmem:$0x2080] =	vst v63  }
0x4a: {  	_ =	swait.ge [sflag:s10], $0x2000  }
0x4b: {  	[sflag:s10] =	ssyncset.done $0x0  }
0x4c: {  	s9 =	sadd.s32 $0xFFFFFFFF, s9;
	[sflag:s10] =	ssyncadd.s32 $0xFFFFE000  }
0x4d: {  	_ =	sfence.sel $0x180000  }
0x4e: {  	[bflag:$0x0] =	sbarrier.arrive $0xFFFF  }
0x4f: {  	p0 =	sne.s32 s2, $0x0;
	_ =	strace $0x9000004D  }
0x50: {  	s0 =	sadd.s32 @!p0 $0x100000, s0;
	[bflag:$0x2] =	sbarrier.arrive $0xFFFF  }
0x51: {  	[sflag:s0] =	ssyncadd.tile.s32 @!p0 $0x1;
	_ =	shalt  }
.Lfunc_end2:
_tile_overlayer_lowered:
.L_overlay_start_2:
0x52: {  	(tag) =	ssettag $0x2  }
0x53: {  	s0 =	rddreg [dreg:$0x0];
	s2 =	stileid.u32  }
0x54: {  	s1 =	rddreg [dreg:$0x1];
	p0 =	sne.s32 s2, $0x0  }
0x55: {  	s3 =	rddreg [dreg:$0x2];
	[bflag:$0x3] =	sbarrier.arrive $0xFFFF;
	s2 =	simm.s32 @!p0 $0x1C02  }
0x56: {  	[timem:s3], [sflag:s2] =	dma.local @!p0 [hbm:s0], s1  }
0x57: {  	s0 =	simm.s32 @!p0 $0x2  }
0x58: {  	_ =	swait.ge @!p0 [sflag:s0], s1  }
0x59: {  	s1 =	ssub.s32 @!p0 $0x0, s1;
	[sflag:s0] =	ssyncset.done @!p0 $0x0  }
0x5a: {  	[sflag:s0] =	ssyncadd.s32 @!p0 s1  }
0x5b: {  	[bflag:$0x3] =	sbarrier.arrive $0xFFFF  }
0x5c: {  	_ =	shalt  }

// kernel: kernel.8.cloned.1.call-start
scs
__scs_entry_jumppad:
0x0: {  	(pc) =	sbr.rel $0x88, $3  }
0x1: {  	(tag) =	ssettag $0x0;
	lr =	simm.s32 $0x1  }
0x2: {  	[smem:$0x3F93] =	sst lr;
	_ =	strace $0xD0000000  }
0x3: {  	_ = 	snop  }
0x4: {  	_ = 	snop  }
0x5: {  	_ = 	snop  }
0x6: {  	_ = 	snop  }
0x7: {  	_ = 	snop  }
__scs_overlays_trampoline_lowered:
0x8: {  	[smem:$0x3FA2] =	sst s0  }
0x9: {  	[smem:$0x3FA3] =	sst s1  }
0xa: {  	[smem:$0x3FA4] =	sst s2  }
0xb: {  	[smem:$0x3FA5] =	sst s3  }
0xc: {  	[smem:$0x3FA6] =	sst s4  }
0xd: {  	[smem:$0x3FA7] =	sst s5  }
0xe: {  	[smem:$0x3FA8] =	sst s6  }
0xf: {  	[smem:$0x3FA9] =	sst s7  }
0x10: {  	[smem:$0x3FAA] =	sst s8  }
0x11: {  	[smem:$0x3FAB] =	sst s9;
	s0 =	simm.s32 @!p0 $0x0  }
0x12: {  	s1 =	sld [smem:$0x3F91];
	s0 =	simm.s32 @p0 $0x1  }
0x13: {  	[smem:$0x3FAC] =	sst s0;
	s0 =	simm.s32 @!p1 $0x0  }
0x14: {  	s2 =	sld [smem:$0x3F90];
	s0 =	simm.s32 @p1 $0x1  }
0x15: {  	[smem:$0x3FAD] =	sst s0;
	s0 =	simm.s32 @!p2 $0x0  }
0x16: {  	s3 =	sld [smem:$0x3FDB];
	s0 =	simm.s32 @p2 $0x1  }
0x17: {  	s4 =	simm.s32 $0x1BF5;
	[smem:$0x3FAF] =	sst s0  }
0x18: {  	s0 =	sld [smem:$0x3F92];
	_ =	swait.ge [sflag:s4], $0x0  }
0x19: {  	s7 =	sld [smem:$0x3F93]  }
0x1a: {  	s8 =	sadd.s32 $0xFFFFE003, lr  }
0x1b: {  	s9 =	sadd.s32 $0xFFFFFEF7, lr;
	s5 =	simm.s32 $0xFFFFFFFF;
	p2 =	slt.u32 s8, $0xFFFFF086  }
0x1c: {  	p1 =	slt.u32 s9, $0xF7A;
	s5 =	simm.s32 @!p2 $0x0  }
0x1d: {  	s5 =	simm.s32 @p1 $0x1;
	p0 =	seq.s32 s7, s2  }
0x1e: {  	s7 =	smul.u32 @!p0 $0xF7A, s2;
	p2 =	seq.s32 @!p0 s5, $0x0  }
0x1f: {  	s9 =	smul.u32 $0xF7A, s1;
	s8 =	simm.s32 @!p0 $0x1BF5;
	p2 =	por !p2, p0  }
0x20: {  	[sflag:s8] =	ssyncset.s32 @!p0 $0xFFFFF086;
	s6 =	sadd.s32 @!p0 s3, s7;
	s7 =	simm.s32 @!p0 $0x108  }
0x21: {  	s3 =	sadd.s32 s3, s9;
	s6 =	sadd.s32 @!p0 $0x88, s6;
	s7 =	simm.s32 @p2 $0x1082  }
0x22: {  	[simem:s7], [sflag:s8] =	dma.local @!p0 [hbm:s6], $0xF7A  }
0x23: {  	s9 =	sor.u32 $0xD0000000, s2;
	s6 =	simm.s32 $0x108;
	_ =	swait.ge @!p0 [sflag:s8], $0x0  }
0x24: {  	s3 =	sadd.s32 $0x88, s3;
	s6 =	simm.s32 @!p1 $0x1082;
	[sflag:s4] =	ssyncset.s32 $0xFFFFF086  }
0x25: {  	[simem:s6], [sflag:s4] =	dma.local [hbm:s3], $0xF7A  }
0x26: {  	[smem:$0x3F93] =	sst s1;
	(tag) =	ssettag s2;
	_ =	strace s9  }
0x27: {  	s1 =	sld [smem:$0x3FA3]  }
0x28: {  	s2 =	sld [smem:$0x3FA4]  }
0x29: {  	s4 =	sld [smem:$0x3FA6]  }
0x2a: {  	p0 =	seq.s32 s5, $0x0;
	s5 =	sld [smem:$0x3FA7]  }
0x2b: {  	s6 =	sld [smem:$0x3FA8]  }
0x2c: {  	s7 =	sld [smem:$0x3FA9]  }
0x2d: {  	s3 =	simm.s32 $0x108;
	s8 =	sld [smem:$0x3FAA]  }
0x2e: {  	s3 =	simm.s32 @!p0 $0x1082;
	s9 =	sld [smem:$0x3FAB]  }
0x2f: {  	lr =	sadd.s32 s0, s3;
	s0 =	sld [smem:$0x3FA2]  }
0x30: {  	s3 =	sld [smem:$0x3FA5]  }
0x31: {  	[smem:$0x3FAE] =	sst s10  }
0x32: {  	s10 =	sld [smem:$0x3FAC];
	_ =	sdelay $0x3  }
0x33: {  	p0 =	seq.s32 s10, $0x1;
	s10 =	sld [smem:$0x3FAE];
	_ =	sdelay $0x3  }
0x34: {  	[smem:$0x3FAE] =	sst s10  }
0x35: {  	s10 =	sld [smem:$0x3FAD];
	_ =	sdelay $0x3  }
0x36: {  	p1 =	seq.s32 s10, $0x1;
	s10 =	sld [smem:$0x3FAE];
	_ =	sdelay $0x3  }
0x37: {  	[smem:$0x3FAE] =	sst s10  }
0x38: {  	s10 =	sld [smem:$0x3FAF]  }
0x39: {  	_ = 	snop;
	(pc) =	sbr.ind lr, $3  }
0x3a: {  	_ = 	snop  }
0x3b: {  	_ = 	snop  }
0x3c: {  	p2 =	seq.s32 s10, $0x1;
	s10 =	sld [smem:$0x3FAE]  }
0x3d: {  	_ =	shalt  }
0x3e: {  	_ =	shalt  }
0x3f: {  	_ =	shalt  }
0x40: {  	_ =	shalt  }
0x41: {  	_ =	shalt  }
0x42: {  	_ =	shalt  }
0x43: {  	_ =	shalt  }
0x44: {  	_ =	shalt  }
0x45: {  	_ =	shalt  }
0x46: {  	_ =	shalt  }
0x47: {  	_ =	shalt  }
0x48: {  	_ =	shalt  }
0x49: {  	_ =	shalt  }
0x4a: {  	_ =	shalt  }
0x4b: {  	_ =	shalt  }
0x4c: {  	_ =	shalt  }
0x4d: {  	_ =	shalt  }
0x4e: {  	_ =	shalt  }
0x4f: {  	_ =	shalt  }
0x50: {  	_ =	shalt  }
0x51: {  	_ =	shalt  }
0x52: {  	_ =	shalt  }
0x53: {  	_ =	shalt  }
0x54: {  	_ =	shalt  }
0x55: {  	_ =	shalt  }
0x56: {  	_ =	shalt  }
0x57: {  	_ =	shalt  }
0x58: {  	_ =	shalt  }
0x59: {  	_ =	shalt  }
0x5a: {  	_ =	shalt  }
0x5b: {  	_ =	shalt  }
0x5c: {  	_ =	shalt  }
0x5d: {  	_ =	shalt  }
0x5e: {  	_ =	shalt  }
0x5f: {  	_ =	shalt  }
0x60: {  	_ =	shalt  }
0x61: {  	_ =	shalt  }
0x62: {  	_ =	shalt  }
0x63: {  	_ =	shalt  }
0x64: {  	_ =	shalt  }
0x65: {  	_ =	shalt  }
0x66: {  	_ =	shalt  }
0x67: {  	_ =	shalt  }
0x68: {  	_ =	shalt  }
0x69: {  	_ =	shalt  }
0x6a: {  	_ =	shalt  }
0x6b: {  	_ =	shalt  }
0x6c: {  	_ =	shalt  }
0x6d: {  	_ =	shalt  }
0x6e: {  	_ =	shalt  }
0x6f: {  	_ =	shalt  }
0x70: {  	_ =	shalt  }
0x71: {  	_ =	shalt  }
0x72: {  	_ =	shalt  }
0x73: {  	_ =	shalt  }
0x74: {  	_ =	shalt  }
0x75: {  	_ =	shalt  }
0x76: {  	_ =	shalt  }
0x77: {  	_ =	shalt  }
0x78: {  	_ =	shalt  }
0x79: {  	_ =	shalt  }
0x7a: {  	_ =	shalt  }
0x7b: {  	_ =	shalt  }
0x7c: {  	_ =	shalt  }
0x7d: {  	_ =	shalt  }
0x7e: {  	_ =	shalt  }
0x7f: {  	_ =	shalt  }
0x80: {  	_ =	shalt  }
0x81: {  	_ =	shalt  }
0x82: {  	_ =	shalt  }
0x83: {  	_ =	shalt  }
0x84: {  	_ =	shalt  }
0x85: {  	_ =	shalt  }
0x86: {  	_ =	shalt  }
0x87: {  	_ =	shalt  }
.Lfunc_end0:
.L_simem_size_0:
called_computation.1_lowered:
.L_overlay_start_0:
0x88: {  	s2 =	sld [smem:$0x3FD9]  }
0x89: {  	s3 =	sld [smem:$0x3FFE];
	_ =	sdelay $0x1  }
0x8a: {  	s1 =	srdreg.scid  }
0x8b: {  	s0 =	sand.u32 $0x1, s1  }
0x8c: {  	s14 =	sshll.u32 s0, $0xA;
	s2 =	sadd.s32 s3, s2  }
0x8d: {  	s2 =	sadd.s32 s2, s14  }
0x8e: {  	[smem:$0x3FBA] =	sst s2  }
0x8f: {  	_ = 	snop  }
0x90: {  	s2 =	sld [smem:$0x3FD0];
	_ =	sdelay $0x2  }
0x91: {  	s4 =	simm.s32 $0xA;
	s5 =	simm.s32 $0x10;
	s15 =	sld [smem:$0x3FC4]  }
0x92: {  	[smem:s5], [sflag:s4] =	dma.local [hbm:s2], $0x1  }
0x93: {  	_ =	swait.eq [sflag:s4], $0x1  }
0x94: {  	[sflag:s4] =	ssyncset.done $0x0  }
0x95: {  	[sflag:s4] =	ssyncadd.s32 $0xFFFFFFFF  }
0x96: {  	s16 =	sld [smem:$0x10];
	(tm) =	ssettm $0x1  }
0x97: {  	s17 =	sld [smem:$0x3FFB];
	_ =	sdelay $0x3  }
0x98: {  	_ =	strace s17  }
0x99: {  	s4 =	sld [smem:$0x3FFC];
	_ =	sdelay $0x3  }
0x9a: {  	_ =	strace s4  }
0x9b: {  	s4 =	sld [smem:$0x3FFD];
	_ =	sdelay $0x3  }
0x9c: {  	_ =	strace s4  }
0x9d: {  	_ =	strace $0x8FFFFFFF  }
0x9e: {  	s18 =	sld [smem:$0x3FDB];
	_ =	sdelay $0x1  }
0x9f: {  	s19 =	simm.s32 $_scs_section_size  }
0xa0: {  	s6 =	simm.s32 $_size__tile_overlayer_lowered;
	s7 =	simm.s32 $_tile_overlayer_lowered  }
0xa1: {  	s22 =	simm.s32 $0x1BFF;
	s21 =	sshll.u32 s7, $0x1;
	s4 =	sadd.s32 s19, s18  }
0xa2: {  	s8 =	simm.s32 $0x0;
	s20 =	sshll.u32 s6, $0x1;
	s6 =	sadd.s32 s21, s4  }
0xa3: {  	[timem:s8], [sflag:s22] =	dma.local [hbm:s6], s20  }
0xa4: {  	_ =	swait.ge [sflag:s22], s20  }
0xa5: {  	s5 =	ssub.s32 $0x0, s20;
	[sflag:s22] =	ssyncset.done $0x0  }
0xa6: {  	[sflag:s22] =	ssyncadd.s32 s5;
	_ =	sdelay $0x1  }
0xa7: {  	s23 =	simm.s32 $0x1B8B  }
0xa8: {  	_ =	swait.ge [sflag:s23], $0x1  }
0xa9: {  	[sflag:s23] =	ssyncset.done $0x0  }
0xaa: {  	s25 =	simm.s32 $0x1B8E;
	s24 =	sld [smem:$0x3FFE];
	[sflag:s23] =	ssyncadd.s32 $0xFFFFFFFF  }
0xab: {  	s26 =	simm.s32 $execute0_lowered;
	[smem:$0x3FD2] =	sst s25  }
0xac: {  	s6 =	sshll.u32 s26, $0x1;
	_ =	strace $0x80000046;
	[dreg:$0x1] =	wrdreg $0xFFFFFFFF  }
0xad: {  	s28 =	simm.s32 $_size_execute0_lowered;
	s4 =	sadd.s32 s4, s6;
	[dreg:$0x0] =	wrdreg $0x0  }
0xae: {  	s6 =	sshll.u32 s28, $0x1;
	[dreg:$0x2] =	wrdreg s4  }
0xaf: {  	[dreg:$0x3] =	wrdreg s6  }
0xb0: {  	[dreg:$0x4] =	wrdreg $0xC0  }
0xb1: {  	_ =	task [dreg:s8], $0x5FFFF  }
0xb2: {  	[dreg:$0x1] =	wrdreg $0xFFFFFFFF  }
0xb3: {  	[dreg:$0x0] =	wrdreg $0x60  }
0xb4: {  	[dreg:$0x2] =	wrdreg s16  }
0xb5: {  	[dreg:$0x3] =	wrdreg s15  }
0xb6: {  	[dreg:$0x4] =	wrdreg s24  }
0xb7: {  	[dreg:$0x5] =	wrdreg $0x9  }
0xb8: {  	_ =	task.clear_ibuf [dreg:s8], $0x6FFFF;
	_ =	strace $0x90000046  }
0xb9: {  	s29 =	simm.s32 $0x9;
	_ =	strace $0x80000048  }
0xba: {  	_ =	swait.ge [sflag:s29], $0x1  }
0xbb: {  	[sflag:s29] =	ssyncadd.s32 $0xFFFFFFFF  }
0xbc: {  	_ =	strace $0x90000048  }
0xbd: {  	_ =	sfence  }
0xbe: {  	s30 =	sld [smem:$0x0];
	_ =	sdelay $0x2  }
0xbf: {  	s31 =	sshll.u32 s1, $0xD;
	s1 =	sshrl.u32 s1, $0x2  }
0xc0: {  	s3 =	sand.u32 $0x4000, s31;
	s1 =	sadd.s32 s1, s30  }
0xc1: {  	s0 =	sor.u32 s3, s0;
	s1 =	sshll.u32 s1, $0x11  }
0xc2: {  	s0 =	sor.u32 s1, s0  }
0xc3: {  	s0 =	sadd.s32 $0x8F2B, s0  }
0xc4: {  	[sflag:s0] =	ssyncadd.remote.s32 $0x1  }
0xc5: {  	_ =	sfence.sel $0xFFFF  }
0xc6: {  	[dreg:$0x0] =	wrdreg $0xFFFFFFFF;
	(pc) =	sbr.abs _section_cstart, $3  }
0xc7: {  	[dreg:$0x1] =	wrdreg $0xFFFFFFFF  }
0xc8: {  	_ =	task.clear_ibuf [dreg:s8], $0x2FFFF;
	_ =	strace $0x9FFFFFFF  }
0xc9: {  	(tm) =	ssettm $0x7FFFFFFF  }
tec
execute0_lowered:
.L_overlay_start_1:
0x0: {  	(tag) =	ssettag $0x1  }
0x1: {  	s0 =	rddreg [dreg:$0x0]  }
0x2: {  	s2 =	rddreg [dreg:$0x1];
	s1 =	srdreg.scid  }
0x3: {  	s3 =	stileid.u32;
	s4 =	rddreg [dreg:$0x2]  }
0x4: {  	s8 =	simm.s32 $0xD500;
	s9 =	simm.s32 $0xDD00;
	s10 =	simm.s32 $0xE500  }
0x5: {  	s11 =	simm.s32 $0xED00;
	s12 =	simm.s32 $0xF500;
	s13 =	simm.s32 $0xFD00  }
0x6: {  	s14 =	simm.s32 $0x1;
	s15 =	simm.s32 $0x10500;
	s16 =	simm.s32 $0x2  }
0x7: {  	s17 =	simm.s32 $0x4;
	s1 =	sand.u32 $0x1, s1;
	s5 =	sshll.u32 s3, $0x1  }
0x8: {  	s18 =	simm.s32 $0x12500;
	s3 =	simm.s32 $0x0;
	s5 =	sor.u32 s1, s5  }
0x9: {  	[smem:$0x7FF] =	sst s3;
	s1 =	ssub.s32 $0x2, s1;
	s6 =	smul.u32 $0xA0, s5  }
0xa: {  	s4 =	sadd.s32 $0x4400, s4;
	_ =	strace $0x80000047;
	s7 =	sshrl.u32 s1, $0x1  }
0xb: {  	v2 =	vlaneseq.u32;
	s1 =	ssub.s32 s1, s7;
	s7 =	simm.s32 $0xCD00;
	s0 =	sadd.s32 s0, s6  }
0xc: {  	vm0 =	vmmov $0xffff;
	v1 =	vshrl.u32 v2, $0x3;
	s6 =	smul.u32 $0x14000, s5;
	s31 =	smax.u32 s1, $0x1;
	[dreg:$0x4] =	wrdreg s0  }
0xd: {  	v0 =	vand.u32 $0x7, v2;
	v2 =	vor.u32 $0x8, v2;
	v1 =	vmul.u32 $0x8, v1;
	s5 =	simm.s32 $0xC500;
	s1 =	simm.s32 $0x0;
	[dreg:$0x5] =	wrdreg s31  }
.LBB2_1:
0xe: {  	[dreg:$0x6] =	wrdreg s1  }
0xf: {  	s0 =	rddreg [dreg:$0x4];
	s28 =	simm.s32 $0x5  }
0x10: {  	[tilespmem:s3], [sflag:$0x5] =	stream.linear.gather [hbm4b:s0+s3], $0x500, $0x38;
	[tilespmem:$0x14500] =	vst v63  }
0x11: {  	_ =	swait.ge [sflag:s28], $0x500  }
0x12: {  	[sflag:s28] =	ssyncset.done $0x0  }
0x13: {  	[sflag:s28] =	ssyncadd.s32 $0xFFFFFB00  }
0x14: {  	v3 =	vld [tilespmem:$0x0];
	_ =	sdelay $0x4  }
0x15: {  	v4 =	vshll.u32 v3, $0x1  }
0x16: {  	v3 =	vand.u32 $0x7, v3;
	v4 =	vand.u32 $0xFFFFFFF0, v4  }
0x17: {  	v3 =	vor.u32 v3, v4  }
0x18: {  	v4 =	vperm.xlane v3, v0;
	_ =	sdelay $0x1  }
0x19: {  	v3 =	vperm.xlane v3, v2;
	v4 =	vadd.s32 v1, v4;
	_ =	sdelay $0x1  }
0x1a: {  	v3 =	vadd.s32 v1, v3;
	_ =	sdelay $0x1  }
0x1b: {  	s29 =	simm.s32 $0x500  }
0x1c: {  	[tilespmem:s29], [sflag:$0x1] =	stream.indirect_vreg.gather [hbm4b:s2+s3], $0x80, v4, vm0, $0xb8;
	[tilespmem:$0x14500] =	vst v63  }
0x1d: {  	s30 =	simm.s32 $0xD00  }
0x1e: {  	[tilespmem:s30], [sflag:$0x1] =	stream.indirect_vreg.gather [hbm4b:s2+s3], $0x80, v3, vm0, $0xb8;
	[tilespmem:$0x14500] =	vst v63  }
0x1f: {  	v3 =	vld [tilespmem:$0x10];
	_ =	sdelay $0x4  }
0x20: {  	v57 =	vshll.u32 v3, $0x1  }
0x21: {  	v3 =	vand.u32 $0x7, v3;
	v4 =	vand.u32 $0xFFFFFFF0, v57  }
0x22: {  	v3 =	vor.u32 v3, v4  }
0x23: {  	v4 =	vperm.xlane v3, v0;
	_ =	sdelay $0x1  }
0x24: {  	v3 =	vperm.xlane v3, v2;
	v4 =	vadd.s32 v1, v4;
	_ =	sdelay $0x1  }
0x25: {  	v3 =	vadd.s32 v1, v3;
	_ =	sdelay $0x1  }
0x26: {  	s31 =	simm.s32 $0x1500  }
0x27: {  	[tilespmem:s31], [sflag:$0x1] =	stream.indirect_vreg.gather [hbm4b:s2+s3], $0x80, v4, vm0, $0xb8;
	[tilespmem:$0x14500] =	vst v63  }
0x28: {  	s1 =	simm.s32 $0x1D00  }
0x29: {  	[tilespmem:s1], [sflag:$0x1] =	stream.indirect_vreg.gather [hbm4b:s2+s3], $0x80, v3, vm0, $0xb8;
	[tilespmem:$0x14500] =	vst v63  }
0x2a: {  	v3 =	vld [tilespmem:$0x20];
	_ =	sdelay $0x4  }
0x2b: {  	v58 =	vshll.u32 v3, $0x1  }
0x2c: {  	v3 =	vand.u32 $0x7, v3;
	v4 =	vand.u32 $0xFFFFFFF0, v58  }
0x2d: {  	v3 =	vor.u32 v3, v4  }
0x2e: {  	v4 =	vperm.xlane v3, v0;
	_ =	sdelay $0x1  }
0x2f: {  	v3 =	vperm.xlane v3, v2;
	v4 =	vadd.s32 v1, v4;
	_ =	sdelay $0x1  }
0x30: {  	v3 =	vadd.s32 v1, v3;
	_ =	sdelay $0x1  }
0x31: {  	s19 =	simm.s32 $0x2500  }
0x32: {  	[tilespmem:s19], [sflag:$0x1] =	stream.indirect_vreg.gather [hbm4b:s2+s3], $0x80, v4, vm0, $0xb8;
	[tilespmem:$0x14500] =	vst v63  }
0x33: {  	s20 =	simm.s32 $0x2D00  }
0x34: {  	[tilespmem:s20], [sflag:$0x1] =	stream.indirect_vreg.gather [hbm4b:s2+s3], $0x80, v3, vm0, $0xb8;
	[tilespmem:$0x14500] =	vst v63  }
0x35: {  	v3 =	vld [tilespmem:$0x30];
	_ =	sdelay $0x4  }
0x36: {  	v59 =	vshll.u32 v3, $0x1  }
0x37: {  	v3 =	vand.u32 $0x7, v3;
	v4 =	vand.u32 $0xFFFFFFF0, v59  }
0x38: {  	v3 =	vor.u32 v3, v4  }
0x39: {  	v4 =	vperm.xlane v3, v0;
	_ =	sdelay $0x1  }
0x3a: {  	v3 =	vperm.xlane v3, v2;
	v4 =	vadd.s32 v1, v4;
	_ =	sdelay $0x1  }
0x3b: {  	v3 =	vadd.s32 v1, v3;
	_ =	sdelay $0x1  }
0x3c: {  	s21 =	simm.s32 $0x3500  }
0x3d: {  	[tilespmem:s21], [sflag:$0x1] =	stream.indirect_vreg.gather [hbm4b:s2+s3], $0x80, v4, vm0, $0xb8;
	[tilespmem:$0x14500] =	vst v63  }
0x3e: {  	s22 =	simm.s32 $0x3D00  }
0x3f: {  	[tilespmem:s22], [sflag:$0x1] =	stream.indirect_vreg.gather [hbm4b:s2+s3], $0x80, v3, vm0, $0xb8;
	[tilespmem:$0x14500] =	vst v63  }
0x40: {  	v3 =	vld [tilespmem:$0x40];
	_ =	sdelay $0x4  }
0x41: {  	v60 =	vshll.u32 v3, $0x1  }
0x42: {  	v3 =	vand.u32 $0x7, v3;
	v4 =	vand.u32 $0xFFFFFFF0, v60  }
0x43: {  	v3 =	vor.u32 v3, v4  }
0x44: {  	v4 =	vperm.xlane v3, v0;
	_ =	sdelay $0x1  }
0x45: {  	v3 =	vperm.xlane v3, v2;
	v4 =	vadd.s32 v1, v4;
	_ =	sdelay $0x1  }
0x46: {  	v3 =	vadd.s32 v1, v3;
	_ =	sdelay $0x1  }
0x47: {  	s23 =	simm.s32 $0x4500  }
0x48: {  	[tilespmem:s23], [sflag:$0x1] =	stream.indirect_vreg.gather [hbm4b:s2+s3], $0x80, v4, vm0, $0xb8;
	[tilespmem:$0x14500] =	vst v63  }
0x49: {  	s24 =	simm.s32 $0x4D00  }
0x4a: {  	[tilespmem:s24], [sflag:$0x1] =	stream.indirect_vreg.gather [hbm4b:s2+s3], $0x80, v3, vm0, $0xb8;
	[tilespmem:$0x14500] =	vst v63  }
0x4b: {  	v3 =	vld [tilespmem:$0x50];
	_ =	sdelay $0x4  }
0x4c: {  	v61 =	vshll.u32 v3, $0x1  }
0x4d: {  	v3 =	vand.u32 $0x7, v3;
	v4 =	vand.u32 $0xFFFFFFF0, v61  }
0x4e: {  	v3 =	vor.u32 v3, v4  }
0x4f: {  	v4 =	vperm.xlane v3, v0;
	_ =	sdelay $0x1  }
0x50: {  	v3 =	vperm.xlane v3, v2;
	v4 =	vadd.s32 v1, v4;
	_ =	sdelay $0x1  }
0x51: {  	v3 =	vadd.s32 v1, v3;
	_ =	sdelay $0x1  }
0x52: {  	s25 =	simm.s32 $0x5500  }
0x53: {  	[tilespmem:s25], [sflag:$0x1] =	stream.indirect_vreg.gather [hbm4b:s2+s3], $0x80, v4, vm0, $0xb8;
	[tilespmem:$0x14500] =	vst v63  }
0x54: {  	s26 =	simm.s32 $0x5D00  }
0x55: {  	[tilespmem:s26], [sflag:$0x1] =	stream.indirect_vreg.gather [hbm4b:s2+s3], $0x80, v3, vm0, $0xb8;
	[tilespmem:$0x14500] =	vst v63  }
0x56: {  	v3 =	vld [tilespmem:$0x60];
	_ =	sdelay $0x4  }
0x57: {  	v62 =	vshll.u32 v3, $0x1  }
0x58: {  	v3 =	vand.u32 $0x7, v3;
	v4 =	vand.u32 $0xFFFFFFF0, v62  }
0x59: {  	v3 =	vor.u32 v3, v4  }
0x5a: {  	v4 =	vperm.xlane v3, v0;
	_ =	sdelay $0x1  }
0x5b: {  	v3 =	vperm.xlane v3, v2;
	v4 =	vadd.s32 v1, v4;
	_ =	sdelay $0x1  }
0x5c: {  	v3 =	vadd.s32 v1, v3;
	_ =	sdelay $0x1  }
0x5d: {  	s28 =	simm.s32 $0x6500  }
0x5e: {  	[tilespmem:s28], [sflag:$0x1] =	stream.indirect_vreg.gather [hbm4b:s2+s3], $0x80, v4, vm0, $0xb8;
	[tilespmem:$0x14500] =	vst v63  }
0x5f: {  	s29 =	simm.s32 $0x6D00  }
0x60: {  	[tilespmem:s29], [sflag:$0x1] =	stream.indirect_vreg.gather [hbm4b:s2+s3], $0x80, v3, vm0, $0xb8;
	[tilespmem:$0x14500] =	vst v63  }
0x61: {  	v3 =	vld [tilespmem:$0x70];
	_ =	sdelay $0x4  }
0x62: {  	v63 =	vshll.u32 v3, $0x1  }
0x63: {  	v3 =	vand.u32 $0x7, v3;
	v4 =	vand.u32 $0xFFFFFFF0, v63  }
0x64: {  	v3 =	vor.u32 v3, v4  }
0x65: {  	v4 =	vperm.xlane v3, v0;
	_ =	sdelay $0x1  }
0x66: {  	v3 =	vperm.xlane v3, v2;
	v4 =	vadd.s32 v1, v4;
	_ =	sdelay $0x1  }
0x67: {  	v3 =	vadd.s32 v1, v3;
	_ =	sdelay $0x1  }
0x68: {  	s30 =	simm.s32 $0x7500  }
0x69: {  	[tilespmem:s30], [sflag:$0x1] =	stream.indirect_vreg.gather [hbm4b:s2+s3], $0x80, v4, vm0, $0xb8;
	[tilespmem:$0x14500] =	vst v63  }
0x6a: {  	s31 =	simm.s32 $0x7D00;
	s19 =	simm.s32 $0x0  }
0x6b: {  	[tilespmem:s31], [sflag:$0x1] =	stream.indirect_vreg.gather [hbm4b:s2+s3], $0x80, v3, vm0, $0xb8;
	[tilespmem:$0x14500] =	vst v63  }
.LBB2_2:
0x6c: {  	s20 =	sshllo.u32 s19, $0x1  }
0x6d: {  	s21 =	sshll.u32 s20, $0x7  }
0x6e: {  	s21 =	sand.u32 $0x3FFFFF80, s21  }
0x6f: {  	v3 =	vld [tilespmem:s21+$0x0];
	_ =	sdelay $0x4  }
0x70: {  	v4 =	vshll.u32 v3, $0x1  }
0x71: {  	v3 =	vand.u32 $0x7, v3;
	v4 =	vand.u32 $0xFFFFFFF0, v4  }
0x72: {  	v3 =	vor.u32 v3, v4  }
0x73: {  	v4 =	vperm.xlane v3, v0;
	_ =	sdelay $0x1  }
0x74: {  	v3 =	vperm.xlane v3, v2;
	v4 =	vadd.s32 v1, v4;
	_ =	sdelay $0x1  }
0x75: {  	v3 =	vadd.s32 v1, v3;
	_ =	sdelay $0x1  }
0x76: {  	s0 =	simm.s32 $0x8500  }
0x77: {  	[tilespmem:s0], [sflag:$0x2] =	stream.indirect_vreg.gather [hbm4b:s2+s3], $0x80, v4, vm0, $0xb8;
	[tilespmem:$0x14500] =	vst v63  }
0x78: {  	s25 =	simm.s32 $0x8D00  }
0x79: {  	[tilespmem:s25], [sflag:$0x2] =	stream.indirect_vreg.gather [hbm4b:s2+s3], $0x80, v3, vm0, $0xb8;
	[tilespmem:$0x14500] =	vst v63  }
0x7a: {  	v3 =	vld [tilespmem:s21+$0x10];
	_ =	sdelay $0x4  }
0x7b: {  	v4 =	vshll.u32 v3, $0x1  }
0x7c: {  	v3 =	vand.u32 $0x7, v3;
	v4 =	vand.u32 $0xFFFFFFF0, v4  }
0x7d: {  	v3 =	vor.u32 v3, v4  }
0x7e: {  	v4 =	vperm.xlane v3, v0;
	_ =	sdelay $0x1  }
0x7f: {  	v3 =	vperm.xlane v3, v2;
	v4 =	vadd.s32 v1, v4;
	_ =	sdelay $0x1  }
0x80: {  	v3 =	vadd.s32 v1, v3;
	_ =	sdelay $0x1  }
0x81: {  	s26 =	simm.s32 $0x9500  }
0x82: {  	[tilespmem:s26], [sflag:$0x2] =	stream.indirect_vreg.gather [hbm4b:s2+s3], $0x80, v4, vm0, $0xb8;
	[tilespmem:$0x14500] =	vst v63  }
0x83: {  	s31 =	simm.s32 $0x9D00  }
0x84: {  	[tilespmem:s31], [sflag:$0x2] =	stream.indirect_vreg.gather [hbm4b:s2+s3], $0x80, v3, vm0, $0xb8;
	[tilespmem:$0x14500] =	vst v63  }
0x85: {  	v3 =	vld [tilespmem:s21+$0x20];
	_ =	sdelay $0x4  }
0x86: {  	v4 =	vshll.u32 v3, $0x1  }
0x87: {  	v3 =	vand.u32 $0x7, v3;
	v4 =	vand.u32 $0xFFFFFFF0, v4  }
0x88: {  	v3 =	vor.u32 v3, v4  }
0x89: {  	v4 =	vperm.xlane v3, v0;
	_ =	sdelay $0x1  }
0x8a: {  	v3 =	vperm.xlane v3, v2;
	v4 =	vadd.s32 v1, v4;
	_ =	sdelay $0x1  }
0x8b: {  	v3 =	vadd.s32 v1, v3;
	_ =	sdelay $0x1  }
0x8c: {  	s1 =	simm.s32 $0xA500  }
0x8d: {  	[tilespmem:s1], [sflag:$0x2] =	stream.indirect_vreg.gather [hbm4b:s2+s3], $0x80, v4, vm0, $0xb8;
	[tilespmem:$0x14500] =	vst v63  }
0x8e: {  	s22 =	simm.s32 $0xAD00  }
0x8f: {  	[tilespmem:s22], [sflag:$0x2] =	stream.indirect_vreg.gather [hbm4b:s2+s3], $0x80, v3, vm0, $0xb8;
	[tilespmem:$0x14500] =	vst v63  }
0x90: {  	v3 =	vld [tilespmem:s21+$0x30];
	_ =	sdelay $0x4  }
0x91: {  	v4 =	vshll.u32 v3, $0x1  }
0x92: {  	v3 =	vand.u32 $0x7, v3;
	v4 =	vand.u32 $0xFFFFFFF0, v4  }
0x93: {  	v3 =	vor.u32 v3, v4  }
0x94: {  	v4 =	vperm.xlane v3, v0;
	_ =	sdelay $0x1  }
0x95: {  	v3 =	vperm.xlane v3, v2;
	v4 =	vadd.s32 v1, v4;
	_ =	sdelay $0x1  }
0x96: {  	v3 =	vadd.s32 v1, v3;
	_ =	sdelay $0x1  }
0x97: {  	s23 =	simm.s32 $0xB500  }
0x98: {  	[tilespmem:s23], [sflag:$0x2] =	stream.indirect_vreg.gather [hbm4b:s2+s3], $0x80, v4, vm0, $0xb8;
	[tilespmem:$0x14500] =	vst v63  }
0x99: {  	s24 =	simm.s32 $0xBD00  }
0x9a: {  	[tilespmem:s24], [sflag:$0x2] =	stream.indirect_vreg.gather [hbm4b:s2+s3], $0x80, v3, vm0, $0xb8;
	[tilespmem:$0x14500] =	vst v63  }
0x9b: {  	v3 =	vld [tilespmem:s21+$0x40];
	_ =	sdelay $0x4  }
0x9c: {  	v4 =	vshll.u32 v3, $0x1  }
0x9d: {  	v3 =	vand.u32 $0x7, v3;
	v4 =	vand.u32 $0xFFFFFFF0, v4  }
0x9e: {  	v3 =	vor.u32 v3, v4  }
0x9f: {  	v4 =	vperm.xlane v3, v0;
	_ =	sdelay $0x1  }
0xa0: {  	v3 =	vperm.xlane v3, v2;
	v4 =	vadd.s32 v1, v4;
	_ =	sdelay $0x1  }
0xa1: {  	v3 =	vadd.s32 v1, v3;
	_ =	sdelay $0x2  }
0xa2: {  	[tilespmem:s5], [sflag:$0x2] =	stream.indirect_vreg.gather [hbm4b:s2+s3], $0x80, v4, vm0, $0xb8;
	[tilespmem:$0x14500] =	vst v63  }
0xa3: {  	_ = 	snop  }
0xa4: {  	[tilespmem:s7], [sflag:$0x2] =	stream.indirect_vreg.gather [hbm4b:s2+s3], $0x80, v3, vm0, $0xb8;
	[tilespmem:$0x14500] =	vst v63  }
0xa5: {  	v3 =	vld [tilespmem:s21+$0x50];
	_ =	sdelay $0x4  }
0xa6: {  	v4 =	vshll.u32 v3, $0x1  }
0xa7: {  	v3 =	vand.u32 $0x7, v3;
	v4 =	vand.u32 $0xFFFFFFF0, v4  }
0xa8: {  	v3 =	vor.u32 v3, v4  }
0xa9: {  	v4 =	vperm.xlane v3, v0;
	_ =	sdelay $0x1  }
0xaa: {  	v3 =	vperm.xlane v3, v2;
	v4 =	vadd.s32 v1, v4;
	_ =	sdelay $0x1  }
0xab: {  	v3 =	vadd.s32 v1, v3;
	_ =	sdelay $0x2  }
0xac: {  	[tilespmem:s8], [sflag:$0x2] =	stream.indirect_vreg.gather [hbm4b:s2+s3], $0x80, v4, vm0, $0xb8;
	[tilespmem:$0x14500] =	vst v63  }
0xad: {  	_ = 	snop  }
0xae: {  	[tilespmem:s9], [sflag:$0x2] =	stream.indirect_vreg.gather [hbm4b:s2+s3], $0x80, v3, vm0, $0xb8;
	[tilespmem:$0x14500] =	vst v63  }
0xaf: {  	v3 =	vld [tilespmem:s21+$0x60];
	_ =	sdelay $0x4  }
0xb0: {  	v4 =	vshll.u32 v3, $0x1  }
0xb1: {  	v3 =	vand.u32 $0x7, v3;
	v4 =	vand.u32 $0xFFFFFFF0, v4  }
0xb2: {  	v3 =	vor.u32 v3, v4  }
0xb3: {  	v4 =	vperm.xlane v3, v0;
	_ =	sdelay $0x1  }
0xb4: {  	v3 =	vperm.xlane v3, v2;
	v4 =	vadd.s32 v1, v4;
	_ =	sdelay $0x1  }
0xb5: {  	v3 =	vadd.s32 v1, v3;
	_ =	sdelay $0x2  }
0xb6: {  	[tilespmem:s10], [sflag:$0x2] =	stream.indirect_vreg.gather [hbm4b:s2+s3], $0x80, v4, vm0, $0xb8;
	[tilespmem:$0x14500] =	vst v63  }
0xb7: {  	_ = 	snop  }
0xb8: {  	[tilespmem:s11], [sflag:$0x2] =	stream.indirect_vreg.gather [hbm4b:s2+s3], $0x80, v3, vm0, $0xb8;
	[tilespmem:$0x14500] =	vst v63  }
0xb9: {  	v3 =	vld [tilespmem:s21+$0x70];
	_ =	sdelay $0x4  }
0xba: {  	v4 =	vshll.u32 v3, $0x1  }
0xbb: {  	v3 =	vand.u32 $0x7, v3;
	v4 =	vand.u32 $0xFFFFFFF0, v4  }
0xbc: {  	v3 =	vor.u32 v3, v4  }
0xbd: {  	v4 =	vperm.xlane v3, v0;
	_ =	sdelay $0x1  }
0xbe: {  	v3 =	vperm.xlane v3, v2;
	v4 =	vadd.s32 v1, v4;
	_ =	sdelay $0x1  }
0xbf: {  	v3 =	vadd.s32 v1, v3;
	_ =	sdelay $0x2  }
0xc0: {  	[tilespmem:s12], [sflag:$0x2] =	stream.indirect_vreg.gather [hbm4b:s2+s3], $0x80, v4, vm0, $0xb8;
	[tilespmem:$0x14500] =	vst v63  }
0xc1: {  	_ = 	snop  }
0xc2: {  	[tilespmem:s13], [sflag:$0x2] =	stream.indirect_vreg.gather [hbm4b:s2+s3], $0x80, v3, vm0, $0xb8;
	[tilespmem:$0x14500] =	vst v63  }
0xc3: {  	_ =	swait.ge [sflag:s14], $0x8000  }
0xc4: {  	p0 =	seq.s32 s19, $0x0;
	[sflag:s14] =	ssyncset.done $0x0  }
0xc5: {  	s22 =	simm.s32 @!p0 $0x3;
	[sflag:s14] =	ssyncadd.s32 $0xFFFF8000  }
0xc6: {  	s21 =	simm.s32 $0x0;
	_ =	swait.ge @!p0 [sflag:s22], $0x2000  }
0xc7: {  	s23 =	sand.u32 $0x7800, s21;
	s24 =	sand.u32 $0x200, s21;
	[sflag:s22] =	ssyncset.done @!p0 $0x0  }
0xc8: {  	s23 =	sor.u32 s24, s23;
	[sflag:s22] =	ssyncadd.s32 @!p0 $0xFFFFE000  }
0xc9: {  	v3 =	vld [tilespmem:s23+$0x680]  }
0xca: {  	v4 =	vld [tilespmem:s23+$0x500]  }
0xcb: {  	v5 =	vld [tilespmem:s23+$0x600]  }
0xcc: {  	v6 =	vld [tilespmem:s23+$0x580];
	_ =	sdelay $0x4  }
0xcd: {  	v3 =	vadd.f32 v3, v5;
	v4 =	vadd.f32 v6, v4;
	_ =	sdelay $0x1  }
0xce: {  	v3 =	vadd.f32 v3, v4;
	_ =	sdelay $0x1  }
0xcf: {  	s25 =	sand.u32 $0x1800, s21;
	s26 =	sand.u32 $0x380, s21;
	v3 =	vmul.f32 $2.500000000e-01, v3  }
0xd0: {  	s22 =	sor.u32 s26, s25  }
0xd1: {  	[tilespmem:s22+$0x10500] =	vst v3  }
0xd2: {  	v3 =	vld [tilespmem:s23+$0x510]  }
0xd3: {  	v4 =	vld [tilespmem:s23+$0x590]  }
0xd4: {  	v5 =	vld [tilespmem:s23+$0x610]  }
0xd5: {  	v52 =	vld [tilespmem:s23+$0x690];
	_ =	sdelay $0x4  }
0xd6: {  	v3 =	vadd.f32 v4, v3;
	v4 =	vadd.f32 v52, v5;
	_ =	sdelay $0x1  }
0xd7: {  	v3 =	vadd.f32 v4, v3;
	_ =	sdelay $0x1  }
0xd8: {  	v3 =	vmul.f32 $2.500000000e-01, v3  }
0xd9: {  	s22 =	sadd.s32 $0x10500, s22  }
0xda: {  	[tilespmem:s22+$0x10] =	vst v3  }
0xdb: {  	v3 =	vld [tilespmem:s23+$0x620]  }
0xdc: {  	v4 =	vld [tilespmem:s23+$0x5A0]  }
0xdd: {  	v5 =	vld [tilespmem:s23+$0x520]  }
0xde: {  	v53 =	vld [tilespmem:s23+$0x6A0];
	_ =	sdelay $0x4  }
0xdf: {  	v4 =	vadd.f32 v4, v5;
	v3 =	vadd.f32 v53, v3;
	_ =	sdelay $0x1  }
0xe0: {  	v3 =	vadd.f32 v3, v4;
	_ =	sdelay $0x1  }
0xe1: {  	v3 =	vmul.f32 $2.500000000e-01, v3;
	_ =	sdelay $0x1  }
0xe2: {  	[tilespmem:s22+$0x20] =	vst v3  }
0xe3: {  	v3 =	vld [tilespmem:s23+$0x6B0]  }
0xe4: {  	v4 =	vld [tilespmem:s23+$0x5B0]  }
0xe5: {  	v5 =	vld [tilespmem:s23+$0x530]  }
0xe6: {  	v54 =	vld [tilespmem:s23+$0x630];
	_ =	sdelay $0x4  }
0xe7: {  	v4 =	vadd.f32 v4, v5;
	v3 =	vadd.f32 v3, v54;
	_ =	sdelay $0x1  }
0xe8: {  	v3 =	vadd.f32 v3, v4;
	_ =	sdelay $0x1  }
0xe9: {  	v3 =	vmul.f32 $2.500000000e-01, v3;
	_ =	sdelay $0x1  }
0xea: {  	[tilespmem:s22+$0x30] =	vst v3  }
0xeb: {  	v3 =	vld [tilespmem:s23+$0x5C0]  }
0xec: {  	v4 =	vld [tilespmem:s23+$0x6C0]  }
0xed: {  	v5 =	vld [tilespmem:s23+$0x540]  }
0xee: {  	v55 =	vld [tilespmem:s23+$0x640];
	_ =	sdelay $0x4  }
0xef: {  	v3 =	vadd.f32 v3, v5;
	v4 =	vadd.f32 v4, v55;
	_ =	sdelay $0x1  }
0xf0: {  	v3 =	vadd.f32 v4, v3;
	_ =	sdelay $0x1  }
0xf1: {  	v3 =	vmul.f32 $2.500000000e-01, v3;
	_ =	sdelay $0x1  }
0xf2: {  	[tilespmem:s22+$0x40] =	vst v3  }
0xf3: {  	v3 =	vld [tilespmem:s23+$0x5D0]  }
0xf4: {  	v4 =	vld [tilespmem:s23+$0x6D0]  }
0xf5: {  	v5 =	vld [tilespmem:s23+$0x550]  }
0xf6: {  	v56 =	vld [tilespmem:s23+$0x650];
	_ =	sdelay $0x4  }
0xf7: {  	v3 =	vadd.f32 v3, v5;
	v4 =	vadd.f32 v4, v56;
	_ =	sdelay $0x1  }
0xf8: {  	v3 =	vadd.f32 v4, v3;
	_ =	sdelay $0x1  }
0xf9: {  	v3 =	vmul.f32 $2.500000000e-01, v3;
	_ =	sdelay $0x1  }
0xfa: {  	[tilespmem:s22+$0x50] =	vst v3  }
0xfb: {  	v3 =	vld [tilespmem:s23+$0x560]  }
0xfc: {  	v4 =	vld [tilespmem:s23+$0x5E0]  }
0xfd: {  	v5 =	vld [tilespmem:s23+$0x6E0]  }
0xfe: {  	v57 =	vld [tilespmem:s23+$0x660];
	_ =	sdelay $0x4  }
0xff: {  	v3 =	vadd.f32 v4, v3;
	v4 =	vadd.f32 v5, v57;
	_ =	sdelay $0x1  }
0x100: {  	v3 =	vadd.f32 v4, v3;
	_ =	sdelay $0x1  }
0x101: {  	v3 =	vmul.f32 $2.500000000e-01, v3;
	_ =	sdelay $0x1  }
0x102: {  	[tilespmem:s22+$0x60] =	vst v3  }
0x103: {  	v3 =	vld [tilespmem:s23+$0x5F0]  }
0x104: {  	v4 =	vld [tilespmem:s23+$0x6F0]  }
0x105: {  	v5 =	vld [tilespmem:s23+$0x670]  }
0x106: {  	v58 =	vld [tilespmem:s23+$0x570];
	_ =	sdelay $0x4  }
0x107: {  	v4 =	vadd.f32 v4, v5;
	v3 =	vadd.f32 v3, v58  }
0x108: {  	p1 =	por $0x0, $0x0;
	s23 =	simm.s32 $0x1  }
0x109: {  	s23 =	simm.s32 @!p1 $0x0;
	v3 =	vadd.f32 v4, v3  }
0x10a: {  	s23 =	sshll.u32 s23, $0x9  }
0x10b: {  	s29 =	sadd.s32 $0x0, s23;
	v3 =	vmul.f32 $2.500000000e-01, v3  }
0x10c: {  	s26 =	sadd.s32 $0x100, s29  }
0x10d: {  	s28 =	sadd.s32 $0x80, s29;
	s31 =	sor.u32 $0x400, s26;
	[tilespmem:s22+$0x70] =	vst v3  }
0x10e: {  	s0 =	sor.u32 $0x400, s28;
	v3 =	vld [tilespmem:s31+$0x500]  }
0x10f: {  	s30 =	sadd.s32 $0x180, s29;
	s1 =	sor.u32 $0x400, s29;
	v4 =	vld [tilespmem:s0+$0x500]  }
0x110: {  	s24 =	sor.u32 $0x400, s30;
	v5 =	vld [tilespmem:s1+$0x500]  }
0x111: {  	v59 =	vld [tilespmem:s24+$0x500];
	_ =	sdelay $0x4  }
0x112: {  	v4 =	vadd.f32 v4, v5;
	v3 =	vadd.f32 v59, v3;
	_ =	sdelay $0x1  }
0x113: {  	v3 =	vadd.f32 v3, v4;
	_ =	sdelay $0x1  }
0x114: {  	v3 =	vmul.f32 $2.500000000e-01, v3;
	_ =	sdelay $0x1  }
0x115: {  	s25 =	sor.u32 $0x410, s30;
	[tilespmem:s22+$0x400] =	vst v3  }
0x116: {  	s31 =	sor.u32 $0x410, s28;
	v3 =	vld [tilespmem:s25+$0x500]  }
0x117: {  	s0 =	sor.u32 $0x410, s26;
	v4 =	vld [tilespmem:s31+$0x500]  }
0x118: {  	s1 =	sor.u32 $0x410, s29;
	v5 =	vld [tilespmem:s0+$0x500]  }
0x119: {  	v60 =	vld [tilespmem:s1+$0x500];
	_ =	sdelay $0x4  }
0x11a: {  	v3 =	vadd.f32 v3, v5;
	v4 =	vadd.f32 v4, v60;
	_ =	sdelay $0x1  }
0x11b: {  	v3 =	vadd.f32 v3, v4;
	_ =	sdelay $0x1  }
0x11c: {  	v3 =	vmul.f32 $2.500000000e-01, v3;
	_ =	sdelay $0x1  }
0x11d: {  	s25 =	sor.u32 $0x420, s26;
	[tilespmem:s22+$0x410] =	vst v3  }
0x11e: {  	s31 =	sor.u32 $0x420, s28;
	v3 =	vld [tilespmem:s25+$0x500]  }
0x11f: {  	s0 =	sor.u32 $0x420, s29;
	v4 =	vld [tilespmem:s31+$0x500]  }
0x120: {  	s1 =	sor.u32 $0x420, s30;
	v5 =	vld [tilespmem:s0+$0x500]  }
0x121: {  	v61 =	vld [tilespmem:s1+$0x500];
	_ =	sdelay $0x4  }
0x122: {  	v4 =	vadd.f32 v4, v5;
	v3 =	vadd.f32 v61, v3;
	_ =	sdelay $0x1  }
0x123: {  	v3 =	vadd.f32 v3, v4;
	_ =	sdelay $0x1  }
0x124: {  	v3 =	vmul.f32 $2.500000000e-01, v3;
	_ =	sdelay $0x1  }
0x125: {  	s24 =	sor.u32 $0x430, s30;
	[tilespmem:s22+$0x420] =	vst v3  }
0x126: {  	s25 =	sor.u32 $0x430, s29;
	v3 =	vld [tilespmem:s24+$0x500]  }
0x127: {  	s31 =	sor.u32 $0x430, s26;
	v4 =	vld [tilespmem:s25+$0x500]  }
0x128: {  	s0 =	sor.u32 $0x430, s28;
	v5 =	vld [tilespmem:s31+$0x500]  }
0x129: {  	v62 =	vld [tilespmem:s0+$0x500];
	_ =	sdelay $0x4  }
0x12a: {  	v3 =	vadd.f32 v3, v5;
	v4 =	vadd.f32 v62, v4;
	_ =	sdelay $0x1  }
0x12b: {  	v3 =	vadd.f32 v3, v4;
	_ =	sdelay $0x1  }
0x12c: {  	v3 =	vmul.f32 $2.500000000e-01, v3;
	_ =	sdelay $0x1  }
0x12d: {  	s1 =	sor.u32 $0x440, s28;
	[tilespmem:s22+$0x430] =	vst v3  }
0x12e: {  	s24 =	sor.u32 $0x440, s30;
	v3 =	vld [tilespmem:s1+$0x500]  }
0x12f: {  	s25 =	sor.u32 $0x440, s29;
	v4 =	vld [tilespmem:s24+$0x500]  }
0x130: {  	s31 =	sor.u32 $0x440, s26;
	v5 =	vld [tilespmem:s25+$0x500]  }
0x131: {  	v63 =	vld [tilespmem:s31+$0x500];
	_ =	sdelay $0x4  }
0x132: {  	v3 =	vadd.f32 v3, v5;
	v4 =	vadd.f32 v4, v63;
	_ =	sdelay $0x1  }
0x133: {  	s23 =	simm.s32 $0x400;
	s24 =	simm.s32 $0x200;
	s25 =	simm.s32 $0x0;
	v3 =	vadd.f32 v4, v3  }
.LBB2_3:
0x134: {  	s21 =	sadd.s32 $0x80, s21;
	s25 =	sadd.s32 $0x100, s25;
	p1 =	por !p1, !p1  }
0x135: {  	p2 =	sne.s32 s23, $0x7C00;
	s31 =	smov.u32 s23;
	s23 =	sadd.s32 $0x400, s23;
	v3 =	vmul.f32 $2.500000000e-01, v3  }
0x136: {  	_ = 	snop  }
0x137: {  	s1 =	sor.u32 $0x450, s29;
	[tilespmem:s22+$0x440] =	vst v3  }
0x138: {  	v3 =	vld [tilespmem:s1+$0x500];
	s1 =	sor.u32 $0x450, s28  }
0x139: {  	v4 =	vld [tilespmem:s1+$0x500];
	s1 =	sor.u32 $0x450, s30  }
0x13a: {  	s0 =	sor.u32 $0x450, s26;
	v5 =	vld [tilespmem:s1+$0x500]  }
0x13b: {  	v6 =	vld [tilespmem:s0+$0x500];
	_ =	sdelay $0x2  }
0x13c: {  	v3 =	vadd.f32 v4, v3;
	_ =	sdelay $0x1  }
0x13d: {  	v4 =	vadd.f32 v5, v6;
	_ =	sdelay $0x1  }
0x13e: {  	v3 =	vadd.f32 v4, v3;
	_ =	sdelay $0x1  }
0x13f: {  	v3 =	vmul.f32 $2.500000000e-01, v3;
	_ =	sdelay $0x1  }
0x140: {  	s0 =	sor.u32 $0x460, s29;
	[tilespmem:s22+$0x450] =	vst v3  }
0x141: {  	v3 =	vld [tilespmem:s0+$0x500];
	s0 =	sor.u32 $0x460, s28  }
0x142: {  	v4 =	vld [tilespmem:s0+$0x500];
	s0 =	sor.u32 $0x460, s30  }
0x143: {  	s1 =	sor.u32 $0x460, s26;
	v5 =	vld [tilespmem:s0+$0x500]  }
0x144: {  	v6 =	vld [tilespmem:s1+$0x500];
	_ =	sdelay $0x2  }
0x145: {  	v3 =	vadd.f32 v4, v3;
	_ =	sdelay $0x1  }
0x146: {  	v4 =	vadd.f32 v5, v6;
	_ =	sdelay $0x1  }
0x147: {  	v3 =	vadd.f32 v4, v3;
	_ =	sdelay $0x1  }
0x148: {  	v3 =	vmul.f32 $2.500000000e-01, v3;
	_ =	sdelay $0x1  }
0x149: {  	s0 =	sor.u32 $0x470, s29;
	[tilespmem:s22+$0x460] =	vst v3  }
0x14a: {  	v3 =	vld [tilespmem:s0+$0x500];
	s0 =	sor.u32 $0x470, s30  }
0x14b: {  	s26 =	sor.u32 $0x470, s26;
	s1 =	sor.u32 $0x470, s28;
	v4 =	vld [tilespmem:s0+$0x500]  }
0x14c: {  	v5 =	vld [tilespmem:s1+$0x500]  }
0x14d: {  	v6 =	vld [tilespmem:s26+$0x500];
	_ =	sdelay $0x3  }
0x14e: {  	v3 =	vadd.f32 v5, v3  }
0x14f: {  	v4 =	vadd.f32 v4, v6;
	_ =	sdelay $0x1  }
0x150: {  	v3 =	vadd.f32 v4, v3;
	_ =	sdelay $0x1  }
0x151: {  	v3 =	vmul.f32 $2.500000000e-01, v3  }
0x152: {  	s0 =	sand.u32 $0x7800, s31;
	s1 =	sand.u32 $0x200, s24  }
0x153: {  	s26 =	sor.u32 s1, s0;
	[tilespmem:s22+$0x470] =	vst v3  }
0x154: {  	v3 =	vld [tilespmem:s26+$0x680]  }
0x155: {  	v4 =	vld [tilespmem:s26+$0x500]  }
0x156: {  	v5 =	vld [tilespmem:s26+$0x600]  }
0x157: {  	v6 =	vld [tilespmem:s26+$0x580];
	_ =	sdelay $0x3  }
0x158: {  	v3 =	vadd.f32 v3, v5  }
0x159: {  	v4 =	vadd.f32 v6, v4;
	_ =	sdelay $0x1  }
0x15a: {  	v3 =	vadd.f32 v3, v4;
	_ =	sdelay $0x1  }
0x15b: {  	s0 =	sand.u32 $0x1800, s25;
	s1 =	sand.u32 $0x380, s21;
	v3 =	vmul.f32 $2.500000000e-01, v3  }
0x15c: {  	s0 =	sor.u32 s1, s0  }
0x15d: {  	[tilespmem:s0+$0x10500] =	vst v3  }
0x15e: {  	v3 =	vld [tilespmem:s26+$0x510]  }
0x15f: {  	v4 =	vld [tilespmem:s26+$0x590]  }
0x160: {  	v5 =	vld [tilespmem:s26+$0x610]  }
0x161: {  	v6 =	vld [tilespmem:s26+$0x690];
	_ =	sdelay $0x2  }
0x162: {  	v3 =	vadd.f32 v4, v3;
	_ =	sdelay $0x1  }
0x163: {  	v4 =	vadd.f32 v6, v5;
	_ =	sdelay $0x1  }
0x164: {  	v3 =	vadd.f32 v4, v3;
	_ =	sdelay $0x1  }
0x165: {  	v3 =	vmul.f32 $2.500000000e-01, v3  }
0x166: {  	s22 =	sadd.s32 $0x10500, s0  }
0x167: {  	[tilespmem:s22+$0x10] =	vst v3  }
0x168: {  	v3 =	vld [tilespmem:s26+$0x620]  }
0x169: {  	v4 =	vld [tilespmem:s26+$0x5A0]  }
0x16a: {  	v5 =	vld [tilespmem:s26+$0x520]  }
0x16b: {  	v6 =	vld [tilespmem:s26+$0x6A0];
	_ =	sdelay $0x3  }
0x16c: {  	v4 =	vadd.f32 v4, v5  }
0x16d: {  	v3 =	vadd.f32 v6, v3;
	_ =	sdelay $0x1  }
0x16e: {  	v3 =	vadd.f32 v3, v4;
	_ =	sdelay $0x1  }
0x16f: {  	v3 =	vmul.f32 $2.500000000e-01, v3;
	_ =	sdelay $0x1  }
0x170: {  	[tilespmem:s22+$0x20] =	vst v3  }
0x171: {  	v3 =	vld [tilespmem:s26+$0x6B0]  }
0x172: {  	v4 =	vld [tilespmem:s26+$0x5B0]  }
0x173: {  	v5 =	vld [tilespmem:s26+$0x530]  }
0x174: {  	v6 =	vld [tilespmem:s26+$0x630];
	_ =	sdelay $0x3  }
0x175: {  	v4 =	vadd.f32 v4, v5  }
0x176: {  	v3 =	vadd.f32 v3, v6;
	_ =	sdelay $0x1  }
0x177: {  	v3 =	vadd.f32 v3, v4;
	_ =	sdelay $0x1  }
0x178: {  	v3 =	vmul.f32 $2.500000000e-01, v3;
	_ =	sdelay $0x1  }
0x179: {  	[tilespmem:s22+$0x30] =	vst v3  }
0x17a: {  	v3 =	vld [tilespmem:s26+$0x5C0]  }
0x17b: {  	v4 =	vld [tilespmem:s26+$0x6C0]  }
0x17c: {  	v5 =	vld [tilespmem:s26+$0x540]  }
0x17d: {  	v6 =	vld [tilespmem:s26+$0x640];
	_ =	sdelay $0x3  }
0x17e: {  	v3 =	vadd.f32 v3, v5  }
0x17f: {  	v4 =	vadd.f32 v4, v6;
	_ =	sdelay $0x1  }
0x180: {  	v3 =	vadd.f32 v4, v3;
	_ =	sdelay $0x1  }
0x181: {  	v3 =	vmul.f32 $2.500000000e-01, v3;
	_ =	sdelay $0x1  }
0x182: {  	[tilespmem:s22+$0x40] =	vst v3  }
0x183: {  	v3 =	vld [tilespmem:s26+$0x5D0]  }
0x184: {  	v4 =	vld [tilespmem:s26+$0x6D0]  }
0x185: {  	v5 =	vld [tilespmem:s26+$0x550]  }
0x186: {  	v6 =	vld [tilespmem:s26+$0x650];
	_ =	sdelay $0x3  }
0x187: {  	v3 =	vadd.f32 v3, v5  }
0x188: {  	v4 =	vadd.f32 v4, v6;
	_ =	sdelay $0x1  }
0x189: {  	v3 =	vadd.f32 v4, v3;
	_ =	sdelay $0x1  }
0x18a: {  	v3 =	vmul.f32 $2.500000000e-01, v3;
	_ =	sdelay $0x1  }
0x18b: {  	[tilespmem:s22+$0x50] =	vst v3  }
0x18c: {  	v3 =	vld [tilespmem:s26+$0x560]  }
0x18d: {  	v4 =	vld [tilespmem:s26+$0x5E0]  }
0x18e: {  	v5 =	vld [tilespmem:s26+$0x6E0]  }
0x18f: {  	v6 =	vld [tilespmem:s26+$0x660];
	_ =	sdelay $0x2  }
0x190: {  	v3 =	vadd.f32 v4, v3;
	_ =	sdelay $0x1  }
0x191: {  	v4 =	vadd.f32 v5, v6;
	_ =	sdelay $0x1  }
0x192: {  	v3 =	vadd.f32 v4, v3;
	_ =	sdelay $0x1  }
0x193: {  	v3 =	vmul.f32 $2.500000000e-01, v3;
	_ =	sdelay $0x1  }
0x194: {  	[tilespmem:s22+$0x60] =	vst v3  }
0x195: {  	v3 =	vld [tilespmem:s26+$0x5F0]  }
0x196: {  	v4 =	vld [tilespmem:s26+$0x6F0]  }
0x197: {  	v5 =	vld [tilespmem:s26+$0x670]  }
0x198: {  	v6 =	vld [tilespmem:s26+$0x570];
	_ =	sdelay $0x3  }
0x199: {  	v4 =	vadd.f32 v4, v5  }
0x19a: {  	v3 =	vadd.f32 v3, v6  }
0x19b: {  	s0 =	simm.s32 $0x1  }
0x19c: {  	s0 =	simm.s32 @!p1 $0x0;
	v3 =	vadd.f32 v4, v3  }
0x19d: {  	s0 =	sshll.u32 s0, $0x9  }
0x19e: {  	s29 =	sadd.s32 s0, s31;
	v3 =	vmul.f32 $2.500000000e-01, v3  }
0x19f: {  	s28 =	sadd.s32 $0x80, s29;
	s30 =	sadd.s32 $0x180, s29;
	s26 =	sadd.s32 $0x100, s29  }
0x1a0: {  	s0 =	sor.u32 $0x400, s26;
	[tilespmem:s22+$0x70] =	vst v3  }
0x1a1: {  	s1 =	sor.u32 $0x400, s28;
	v3 =	vld [tilespmem:s0+$0x500]  }
0x1a2: {  	s0 =	sor.u32 $0x400, s29;
	v4 =	vld [tilespmem:s1+$0x500]  }
0x1a3: {  	v5 =	vld [tilespmem:s0+$0x500];
	s0 =	sor.u32 $0x400, s30  }
0x1a4: {  	v6 =	vld [tilespmem:s0+$0x500];
	_ =	sdelay $0x3  }
0x1a5: {  	v4 =	vadd.f32 v4, v5  }
0x1a6: {  	v3 =	vadd.f32 v6, v3;
	_ =	sdelay $0x1  }
0x1a7: {  	v3 =	vadd.f32 v3, v4;
	_ =	sdelay $0x1  }
0x1a8: {  	v3 =	vmul.f32 $2.500000000e-01, v3;
	_ =	sdelay $0x1  }
0x1a9: {  	s0 =	sor.u32 $0x410, s30;
	[tilespmem:s22+$0x400] =	vst v3  }
0x1aa: {  	s1 =	sor.u32 $0x410, s28;
	v3 =	vld [tilespmem:s0+$0x500]  }
0x1ab: {  	s0 =	sor.u32 $0x410, s26;
	v4 =	vld [tilespmem:s1+$0x500]  }
0x1ac: {  	s1 =	sor.u32 $0x410, s29;
	v5 =	vld [tilespmem:s0+$0x500]  }
0x1ad: {  	v6 =	vld [tilespmem:s1+$0x500];
	_ =	sdelay $0x3  }
0x1ae: {  	v3 =	vadd.f32 v3, v5  }
0x1af: {  	v4 =	vadd.f32 v4, v6;
	_ =	sdelay $0x1  }
0x1b0: {  	v3 =	vadd.f32 v3, v4;
	_ =	sdelay $0x1  }
0x1b1: {  	v3 =	vmul.f32 $2.500000000e-01, v3;
	_ =	sdelay $0x1  }
0x1b2: {  	s0 =	sor.u32 $0x420, s26;
	[tilespmem:s22+$0x410] =	vst v3  }
0x1b3: {  	s1 =	sor.u32 $0x420, s28;
	v3 =	vld [tilespmem:s0+$0x500]  }
0x1b4: {  	s0 =	sor.u32 $0x420, s29;
	v4 =	vld [tilespmem:s1+$0x500]  }
0x1b5: {  	v5 =	vld [tilespmem:s0+$0x500];
	s0 =	sor.u32 $0x420, s30  }
0x1b6: {  	v6 =	vld [tilespmem:s0+$0x500];
	_ =	sdelay $0x3  }
0x1b7: {  	v4 =	vadd.f32 v4, v5  }
0x1b8: {  	v3 =	vadd.f32 v6, v3;
	_ =	sdelay $0x1  }
0x1b9: {  	v3 =	vadd.f32 v3, v4;
	_ =	sdelay $0x1  }
0x1ba: {  	v3 =	vmul.f32 $2.500000000e-01, v3;
	_ =	sdelay $0x1  }
0x1bb: {  	s0 =	sor.u32 $0x430, s30;
	[tilespmem:s22+$0x420] =	vst v3  }
0x1bc: {  	s1 =	sor.u32 $0x430, s29;
	v3 =	vld [tilespmem:s0+$0x500]  }
0x1bd: {  	s0 =	sor.u32 $0x430, s26;
	v4 =	vld [tilespmem:s1+$0x500]  }
0x1be: {  	s1 =	sor.u32 $0x430, s28;
	v5 =	vld [tilespmem:s0+$0x500]  }
0x1bf: {  	v6 =	vld [tilespmem:s1+$0x500];
	_ =	sdelay $0x3  }
0x1c0: {  	v3 =	vadd.f32 v3, v5  }
0x1c1: {  	v4 =	vadd.f32 v6, v4;
	_ =	sdelay $0x1  }
0x1c2: {  	v3 =	vadd.f32 v3, v4;
	_ =	sdelay $0x1  }
0x1c3: {  	v3 =	vmul.f32 $2.500000000e-01, v3;
	_ =	sdelay $0x1  }
0x1c4: {  	s0 =	sor.u32 $0x440, s28;
	[tilespmem:s22+$0x430] =	vst v3  }
0x1c5: {  	v3 =	vld [tilespmem:s0+$0x500];
	s0 =	sor.u32 $0x440, s30  }
0x1c6: {  	s1 =	sor.u32 $0x440, s29;
	v4 =	vld [tilespmem:s0+$0x500]  }
0x1c7: {  	s0 =	sor.u32 $0x440, s26;
	v5 =	vld [tilespmem:s1+$0x500]  }
0x1c8: {  	v6 =	vld [tilespmem:s0+$0x500];
	_ =	sdelay $0x2  }
.Ltmp0:
0x1c9: {  	(pc) =	sbr.rel @p2 .LBB2_3-.Ltmp0, $3  }
0x1ca: {  	v3 =	vadd.f32 v3, v5  }
0x1cb: {  	v4 =	vadd.f32 v4, v6;
	_ =	sdelay $0x1  }
0x1cc: {  	s24 =	sadd.s32 $0x200, s24;
	v3 =	vadd.f32 v4, v3  }
0x1cd: {  	_ = 	snop  }
0x1ce: {  	v3 =	vmul.f32 $2.500000000e-01, v3;
	_ =	sdelay $0x1  }
0x1cf: {  	s0 =	sor.u32 $0x450, s29;
	[tilespmem:s22+$0x440] =	vst v3  }
0x1d0: {  	s24 =	sor.u32 $0x450, s28;
	v3 =	vld [tilespmem:s0+$0x500]  }
0x1d1: {  	s25 =	sor.u32 $0x450, s30;
	v4 =	vld [tilespmem:s24+$0x500]  }
0x1d2: {  	s1 =	sor.u32 $0x450, s26;
	v5 =	vld [tilespmem:s25+$0x500]  }
0x1d3: {  	v6 =	vld [tilespmem:s1+$0x500];
	_ =	sdelay $0x4  }
0x1d4: {  	v3 =	vadd.f32 v4, v3;
	v56 =	vadd.f32 v5, v6;
	_ =	sdelay $0x1  }
0x1d5: {  	v3 =	vadd.f32 v56, v3;
	_ =	sdelay $0x1  }
0x1d6: {  	v3 =	vmul.f32 $2.500000000e-01, v3;
	_ =	sdelay $0x1  }
0x1d7: {  	s31 =	sor.u32 $0x460, s29;
	[tilespmem:s22+$0x450] =	vst v3  }
0x1d8: {  	s1 =	sor.u32 $0x460, s28;
	v3 =	vld [tilespmem:s31+$0x500]  }
0x1d9: {  	s21 =	sor.u32 $0x460, s30;
	v57 =	vld [tilespmem:s1+$0x500]  }
0x1da: {  	s23 =	sor.u32 $0x460, s26;
	v58 =	vld [tilespmem:s21+$0x500]  }
0x1db: {  	v59 =	vld [tilespmem:s23+$0x500];
	_ =	sdelay $0x4  }
0x1dc: {  	v3 =	vadd.f32 v57, v3;
	v60 =	vadd.f32 v58, v59;
	_ =	sdelay $0x1  }
0x1dd: {  	v3 =	vadd.f32 v60, v3;
	_ =	sdelay $0x1  }
0x1de: {  	v3 =	vmul.f32 $2.500000000e-01, v3;
	_ =	sdelay $0x1  }
0x1df: {  	s24 =	sor.u32 $0x470, s29;
	[tilespmem:s22+$0x460] =	vst v3  }
0x1e0: {  	s25 =	sor.u32 $0x470, s30;
	v3 =	vld [tilespmem:s24+$0x500]  }
0x1e1: {  	s29 =	sor.u32 $0x470, s28;
	v61 =	vld [tilespmem:s25+$0x500]  }
0x1e2: {  	s30 =	sor.u32 $0x470, s26;
	v62 =	vld [tilespmem:s29+$0x500]  }
0x1e3: {  	v63 =	vld [tilespmem:s30+$0x500];
	_ =	sdelay $0x4  }
0x1e4: {  	v3 =	vadd.f32 v62, v3;
	v4 =	vadd.f32 v61, v63;
	_ =	sdelay $0x1  }
0x1e5: {  	p1 =	sne.s32 s19, $0x4;
	v3 =	vadd.f32 v4, v3  }
.Ltmp1:
0x1e6: {  	s31 =	sshll.u32 s19, $0xE;
	(pc) =	sbr.rel @p1 .LBB2_6-.Ltmp1, $4  }
0x1e7: {  	s0 =	sadd.s32 s6, s31;
	v3 =	vmul.f32 $2.500000000e-01, v3  }
0x1e8: {  	s0 =	sshrl.u32 s0, $0x3  }
0x1e9: {  	s0 =	sadd.s32 s4, s0;
	[tilespmem:s22+$0x470] =	vst v3  }
0x1ea: {  	[hbm4b:s0+s3] =	stream.linear.scatter [tilespmem:s15], [sflag:$0x3], $0x2000, $0x38;
	[tilespmem:$0x14500] =	vst v63  }
.Ltmp2:
0x1eb: {  	(pc) =	sbr.rel .LBB2_7-.Ltmp2, $4  }
0x1ec: {  	_ = 	snop  }
0x1ed: {  	_ =	swait.ge [sflag:s16], $0x8000  }
0x1ee: {  	[sflag:s16] =	ssyncset.done $0x0  }
0x1ef: {  	[sflag:s16] =	ssyncadd.s32 $0xFFFF8000  }
.LBB2_6:
0x1f0: {  	s0 =	sshll.u32 s19, $0x8  }
0x1f1: {  	s21 =	sand.u32 $0x3FFFFF00, s0  }
0x1f2: {  	v3 =	vld [tilespmem:s21+$0x100];
	_ =	sdelay $0x4  }
0x1f3: {  	v4 =	vshll.u32 v3, $0x1  }
0x1f4: {  	v3 =	vand.u32 $0x7, v3;
	v4 =	vand.u32 $0xFFFFFFF0, v4  }
0x1f5: {  	v3 =	vor.u32 v3, v4  }
0x1f6: {  	v4 =	vperm.xlane v3, v0;
	_ =	sdelay $0x1  }
0x1f7: {  	v3 =	vperm.xlane v3, v2;
	v4 =	vadd.s32 v1, v4;
	_ =	sdelay $0x1  }
0x1f8: {  	v3 =	vadd.s32 v1, v3;
	_ =	sdelay $0x1  }
0x1f9: {  	s25 =	simm.s32 $0x500  }
0x1fa: {  	[tilespmem:s25], [sflag:$0x1] =	stream.indirect_vreg.gather [hbm4b:s2+s3], $0x80, v4, vm0, $0xb8;
	[tilespmem:$0x14500] =	vst v63  }
0x1fb: {  	s26 =	simm.s32 $0xD00  }
0x1fc: {  	[tilespmem:s26], [sflag:$0x1] =	stream.indirect_vreg.gather [hbm4b:s2+s3], $0x80, v3, vm0, $0xb8;
	[tilespmem:$0x14500] =	vst v63  }
0x1fd: {  	v3 =	vld [tilespmem:s21+$0x110];
	_ =	sdelay $0x4  }
0x1fe: {  	v57 =	vshll.u32 v3, $0x1  }
0x1ff: {  	v3 =	vand.u32 $0x7, v3;
	v4 =	vand.u32 $0xFFFFFFF0, v57  }
0x200: {  	v3 =	vor.u32 v3, v4  }
0x201: {  	v4 =	vperm.xlane v3, v0;
	_ =	sdelay $0x1  }
0x202: {  	v3 =	vperm.xlane v3, v2;
	v4 =	vadd.s32 v1, v4;
	_ =	sdelay $0x1  }
0x203: {  	v3 =	vadd.s32 v1, v3;
	_ =	sdelay $0x1  }
0x204: {  	s28 =	simm.s32 $0x1500  }
0x205: {  	[tilespmem:s28], [sflag:$0x1] =	stream.indirect_vreg.gather [hbm4b:s2+s3], $0x80, v4, vm0, $0xb8;
	[tilespmem:$0x14500] =	vst v63  }
0x206: {  	s29 =	simm.s32 $0x1D00  }
0x207: {  	[tilespmem:s29], [sflag:$0x1] =	stream.indirect_vreg.gather [hbm4b:s2+s3], $0x80, v3, vm0, $0xb8;
	[tilespmem:$0x14500] =	vst v63  }
0x208: {  	v3 =	vld [tilespmem:s21+$0x120];
	_ =	sdelay $0x4  }
0x209: {  	v58 =	vshll.u32 v3, $0x1  }
0x20a: {  	v3 =	vand.u32 $0x7, v3;
	v4 =	vand.u32 $0xFFFFFFF0, v58  }
0x20b: {  	v3 =	vor.u32 v3, v4  }
0x20c: {  	v4 =	vperm.xlane v3, v0;
	_ =	sdelay $0x1  }
0x20d: {  	v3 =	vperm.xlane v3, v2;
	v4 =	vadd.s32 v1, v4;
	_ =	sdelay $0x1  }
0x20e: {  	v3 =	vadd.s32 v1, v3;
	_ =	sdelay $0x1  }
0x20f: {  	s30 =	simm.s32 $0x2500  }
0x210: {  	[tilespmem:s30], [sflag:$0x1] =	stream.indirect_vreg.gather [hbm4b:s2+s3], $0x80, v4, vm0, $0xb8;
	[tilespmem:$0x14500] =	vst v63  }
0x211: {  	s31 =	simm.s32 $0x2D00  }
0x212: {  	[tilespmem:s31], [sflag:$0x1] =	stream.indirect_vreg.gather [hbm4b:s2+s3], $0x80, v3, vm0, $0xb8;
	[tilespmem:$0x14500] =	vst v63  }
0x213: {  	v3 =	vld [tilespmem:s21+$0x130];
	_ =	sdelay $0x4  }
0x214: {  	v59 =	vshll.u32 v3, $0x1  }
0x215: {  	v3 =	vand.u32 $0x7, v3;
	v4 =	vand.u32 $0xFFFFFFF0, v59  }
0x216: {  	v3 =	vor.u32 v3, v4  }
0x217: {  	v4 =	vperm.xlane v3, v0;
	_ =	sdelay $0x1  }
0x218: {  	v3 =	vperm.xlane v3, v2;
	v4 =	vadd.s32 v1, v4;
	_ =	sdelay $0x1  }
0x219: {  	v3 =	vadd.s32 v1, v3;
	_ =	sdelay $0x1  }
0x21a: {  	s1 =	simm.s32 $0x3500  }
0x21b: {  	[tilespmem:s1], [sflag:$0x1] =	stream.indirect_vreg.gather [hbm4b:s2+s3], $0x80, v4, vm0, $0xb8;
	[tilespmem:$0x14500] =	vst v63  }
0x21c: {  	s22 =	simm.s32 $0x3D00  }
0x21d: {  	[tilespmem:s22], [sflag:$0x1] =	stream.indirect_vreg.gather [hbm4b:s2+s3], $0x80, v3, vm0, $0xb8;
	[tilespmem:$0x14500] =	vst v63  }
0x21e: {  	v3 =	vld [tilespmem:s21+$0x140];
	_ =	sdelay $0x4  }
0x21f: {  	v60 =	vshll.u32 v3, $0x1  }
0x220: {  	v3 =	vand.u32 $0x7, v3;
	v4 =	vand.u32 $0xFFFFFFF0, v60  }
0x221: {  	v3 =	vor.u32 v3, v4  }
0x222: {  	v4 =	vperm.xlane v3, v0;
	_ =	sdelay $0x1  }
0x223: {  	v3 =	vperm.xlane v3, v2;
	v4 =	vadd.s32 v1, v4;
	_ =	sdelay $0x1  }
0x224: {  	v3 =	vadd.s32 v1, v3;
	_ =	sdelay $0x1  }
0x225: {  	s23 =	simm.s32 $0x4500  }
0x226: {  	[tilespmem:s23], [sflag:$0x1] =	stream.indirect_vreg.gather [hbm4b:s2+s3], $0x80, v4, vm0, $0xb8;
	[tilespmem:$0x14500] =	vst v63  }
0x227: {  	s24 =	simm.s32 $0x4D00  }
0x228: {  	[tilespmem:s24], [sflag:$0x1] =	stream.indirect_vreg.gather [hbm4b:s2+s3], $0x80, v3, vm0, $0xb8;
	[tilespmem:$0x14500] =	vst v63  }
0x229: {  	v3 =	vld [tilespmem:s21+$0x150];
	_ =	sdelay $0x4  }
0x22a: {  	v61 =	vshll.u32 v3, $0x1  }
0x22b: {  	v3 =	vand.u32 $0x7, v3;
	v4 =	vand.u32 $0xFFFFFFF0, v61  }
0x22c: {  	v3 =	vor.u32 v3, v4  }
0x22d: {  	v4 =	vperm.xlane v3, v0;
	_ =	sdelay $0x1  }
0x22e: {  	v3 =	vperm.xlane v3, v2;
	v4 =	vadd.s32 v1, v4;
	_ =	sdelay $0x1  }
0x22f: {  	v3 =	vadd.s32 v1, v3;
	_ =	sdelay $0x1  }
0x230: {  	s25 =	simm.s32 $0x5500  }
0x231: {  	[tilespmem:s25], [sflag:$0x1] =	stream.indirect_vreg.gather [hbm4b:s2+s3], $0x80, v4, vm0, $0xb8;
	[tilespmem:$0x14500] =	vst v63  }
0x232: {  	s26 =	simm.s32 $0x5D00  }
0x233: {  	[tilespmem:s26], [sflag:$0x1] =	stream.indirect_vreg.gather [hbm4b:s2+s3], $0x80, v3, vm0, $0xb8;
	[tilespmem:$0x14500] =	vst v63  }
0x234: {  	v3 =	vld [tilespmem:s21+$0x160];
	_ =	sdelay $0x4  }
0x235: {  	v62 =	vshll.u32 v3, $0x1  }
0x236: {  	v3 =	vand.u32 $0x7, v3;
	v4 =	vand.u32 $0xFFFFFFF0, v62  }
0x237: {  	v3 =	vor.u32 v3, v4  }
0x238: {  	v4 =	vperm.xlane v3, v0;
	_ =	sdelay $0x1  }
0x239: {  	v3 =	vperm.xlane v3, v2;
	v4 =	vadd.s32 v1, v4;
	_ =	sdelay $0x1  }
0x23a: {  	v3 =	vadd.s32 v1, v3;
	_ =	sdelay $0x1  }
0x23b: {  	s28 =	simm.s32 $0x6500  }
0x23c: {  	[tilespmem:s28], [sflag:$0x1] =	stream.indirect_vreg.gather [hbm4b:s2+s3], $0x80, v4, vm0, $0xb8;
	[tilespmem:$0x14500] =	vst v63  }
0x23d: {  	s29 =	simm.s32 $0x6D00  }
0x23e: {  	[tilespmem:s29], [sflag:$0x1] =	stream.indirect_vreg.gather [hbm4b:s2+s3], $0x80, v3, vm0, $0xb8;
	[tilespmem:$0x14500] =	vst v63  }
0x23f: {  	v3 =	vld [tilespmem:s21+$0x170];
	_ =	sdelay $0x4  }
0x240: {  	v63 =	vshll.u32 v3, $0x1  }
0x241: {  	v3 =	vand.u32 $0x7, v3;
	v4 =	vand.u32 $0xFFFFFFF0, v63  }
0x242: {  	v3 =	vor.u32 v3, v4  }
0x243: {  	v4 =	vperm.xlane v3, v0;
	_ =	sdelay $0x1  }
0x244: {  	v3 =	vperm.xlane v3, v2;
	v4 =	vadd.s32 v1, v4;
	_ =	sdelay $0x1  }
0x245: {  	v3 =	vadd.s32 v1, v3;
	_ =	sdelay $0x1  }
0x246: {  	s30 =	simm.s32 $0x7500  }
0x247: {  	[tilespmem:s30], [sflag:$0x1] =	stream.indirect_vreg.gather [hbm4b:s2+s3], $0x80, v4, vm0, $0xb8;
	[tilespmem:$0x14500] =	vst v63  }
.Ltmp3:
0x248: {  	s31 =	simm.s32 $0x7D00;
	(pc) =	sbr.rel @p0 .LBB2_8-.Ltmp3, $4  }
0x249: {  	[tilespmem:s31], [sflag:$0x1] =	stream.indirect_vreg.gather [hbm4b:s2+s3], $0x80, v3, vm0, $0xb8;
	[tilespmem:$0x14500] =	vst v63  }
0x24a: {  	_ =	swait.ge [sflag:s16], $0x8000  }
0x24b: {  	[sflag:s16] =	ssyncset.done $0x0  }
0x24c: {  	[sflag:s16] =	ssyncadd.s32 $0xFFFF8000  }
.LBB2_7:
0x24d: {  	_ =	swait.ge [sflag:s17], $0x2000  }
0x24e: {  	[sflag:s17] =	ssyncset.done $0x0  }
0x24f: {  	[sflag:s17] =	ssyncadd.s32 $0xFFFFE000  }
.LBB2_8:
0x250: {  	s21 =	simm.s32 $0x0  }
0x251: {  	s0 =	sand.u32 $0x7800, s21;
	s1 =	sand.u32 $0x200, s21  }
0x252: {  	s23 =	sor.u32 s1, s0  }
0x253: {  	v3 =	vld [tilespmem:s23+$0x8680]  }
0x254: {  	v4 =	vld [tilespmem:s23+$0x8500]  }
0x255: {  	v5 =	vld [tilespmem:s23+$0x8600]  }
0x256: {  	v6 =	vld [tilespmem:s23+$0x8580];
	_ =	sdelay $0x4  }
0x257: {  	v3 =	vadd.f32 v3, v5;
	v4 =	vadd.f32 v6, v4;
	_ =	sdelay $0x1  }
0x258: {  	v3 =	vadd.f32 v3, v4;
	_ =	sdelay $0x1  }
0x259: {  	s22 =	sand.u32 $0x1800, s21;
	s24 =	sand.u32 $0x380, s21;
	v3 =	vmul.f32 $2.500000000e-01, v3  }
0x25a: {  	s0 =	sor.u32 s24, s22  }
0x25b: {  	[tilespmem:s0+$0x12500] =	vst v3  }
0x25c: {  	v3 =	vld [tilespmem:s23+$0x8510]  }
0x25d: {  	v4 =	vld [tilespmem:s23+$0x8590]  }
0x25e: {  	v5 =	vld [tilespmem:s23+$0x8610]  }
0x25f: {  	v52 =	vld [tilespmem:s23+$0x8690];
	_ =	sdelay $0x4  }
0x260: {  	v3 =	vadd.f32 v4, v3;
	v4 =	vadd.f32 v52, v5;
	_ =	sdelay $0x1  }
0x261: {  	v3 =	vadd.f32 v4, v3;
	_ =	sdelay $0x1  }
0x262: {  	v3 =	vmul.f32 $2.500000000e-01, v3  }
0x263: {  	s22 =	sadd.s32 $0x12500, s0  }
0x264: {  	[tilespmem:s22+$0x10] =	vst v3  }
0x265: {  	v3 =	vld [tilespmem:s23+$0x8620]  }
0x266: {  	v4 =	vld [tilespmem:s23+$0x85A0]  }
0x267: {  	v5 =	vld [tilespmem:s23+$0x8520]  }
0x268: {  	v53 =	vld [tilespmem:s23+$0x86A0];
	_ =	sdelay $0x4  }
0x269: {  	v4 =	vadd.f32 v4, v5;
	v3 =	vadd.f32 v53, v3;
	_ =	sdelay $0x1  }
0x26a: {  	v3 =	vadd.f32 v3, v4;
	_ =	sdelay $0x1  }
0x26b: {  	v3 =	vmul.f32 $2.500000000e-01, v3;
	_ =	sdelay $0x1  }
0x26c: {  	[tilespmem:s22+$0x20] =	vst v3  }
0x26d: {  	v3 =	vld [tilespmem:s23+$0x86B0]  }
0x26e: {  	v4 =	vld [tilespmem:s23+$0x85B0]  }
0x26f: {  	v5 =	vld [tilespmem:s23+$0x8530]  }
0x270: {  	v54 =	vld [tilespmem:s23+$0x8630];
	_ =	sdelay $0x4  }
0x271: {  	v4 =	vadd.f32 v4, v5;
	v3 =	vadd.f32 v3, v54;
	_ =	sdelay $0x1  }
0x272: {  	v3 =	vadd.f32 v3, v4;
	_ =	sdelay $0x1  }
0x273: {  	v3 =	vmul.f32 $2.500000000e-01, v3;
	_ =	sdelay $0x1  }
0x274: {  	[tilespmem:s22+$0x30] =	vst v3  }
0x275: {  	v3 =	vld [tilespmem:s23+$0x85C0]  }
0x276: {  	v4 =	vld [tilespmem:s23+$0x86C0]  }
0x277: {  	v5 =	vld [tilespmem:s23+$0x8540]  }
0x278: {  	v55 =	vld [tilespmem:s23+$0x8640];
	_ =	sdelay $0x4  }
0x279: {  	v3 =	vadd.f32 v3, v5;
	v4 =	vadd.f32 v4, v55;
	_ =	sdelay $0x1  }
0x27a: {  	v3 =	vadd.f32 v4, v3;
	_ =	sdelay $0x1  }
0x27b: {  	v3 =	vmul.f32 $2.500000000e-01, v3;
	_ =	sdelay $0x1  }
0x27c: {  	[tilespmem:s22+$0x40] =	vst v3  }
0x27d: {  	v3 =	vld [tilespmem:s23+$0x85D0]  }
0x27e: {  	v4 =	vld [tilespmem:s23+$0x86D0]  }
0x27f: {  	v5 =	vld [tilespmem:s23+$0x8550]  }
0x280: {  	v56 =	vld [tilespmem:s23+$0x8650];
	_ =	sdelay $0x4  }
0x281: {  	v3 =	vadd.f32 v3, v5;
	v4 =	vadd.f32 v4, v56;
	_ =	sdelay $0x1  }
0x282: {  	v3 =	vadd.f32 v4, v3;
	_ =	sdelay $0x1  }
0x283: {  	v3 =	vmul.f32 $2.500000000e-01, v3;
	_ =	sdelay $0x1  }
0x284: {  	[tilespmem:s22+$0x50] =	vst v3  }
0x285: {  	v3 =	vld [tilespmem:s23+$0x8560]  }
0x286: {  	v4 =	vld [tilespmem:s23+$0x85E0]  }
0x287: {  	v5 =	vld [tilespmem:s23+$0x86E0]  }
0x288: {  	v57 =	vld [tilespmem:s23+$0x8660];
	_ =	sdelay $0x4  }
0x289: {  	v3 =	vadd.f32 v4, v3;
	v4 =	vadd.f32 v5, v57;
	_ =	sdelay $0x1  }
0x28a: {  	v3 =	vadd.f32 v4, v3;
	_ =	sdelay $0x1  }
0x28b: {  	v3 =	vmul.f32 $2.500000000e-01, v3;
	_ =	sdelay $0x1  }
0x28c: {  	[tilespmem:s22+$0x60] =	vst v3  }
0x28d: {  	v3 =	vld [tilespmem:s23+$0x85F0]  }
0x28e: {  	v4 =	vld [tilespmem:s23+$0x86F0]  }
0x28f: {  	v5 =	vld [tilespmem:s23+$0x8670]  }
0x290: {  	v58 =	vld [tilespmem:s23+$0x8570];
	_ =	sdelay $0x4  }
0x291: {  	v4 =	vadd.f32 v4, v5;
	v3 =	vadd.f32 v3, v58  }
0x292: {  	p0 =	por $0x0, $0x0;
	s0 =	simm.s32 $0x1  }
0x293: {  	s0 =	simm.s32 @!p0 $0x0;
	v3 =	vadd.f32 v4, v3  }
0x294: {  	s0 =	sshll.u32 s0, $0x9  }
0x295: {  	s29 =	sadd.s32 $0x0, s0;
	v3 =	vmul.f32 $2.500000000e-01, v3  }
0x296: {  	s26 =	sadd.s32 $0x100, s29  }
0x297: {  	s28 =	sadd.s32 $0x80, s29;
	s25 =	sor.u32 $0x400, s26;
	[tilespmem:s22+$0x70] =	vst v3  }
0x298: {  	s31 =	sor.u32 $0x400, s28;
	v3 =	vld [tilespmem:s25+$0x8500]  }
0x299: {  	s30 =	sadd.s32 $0x180, s29;
	s23 =	sor.u32 $0x400, s29;
	v4 =	vld [tilespmem:s31+$0x8500]  }
0x29a: {  	s24 =	sor.u32 $0x400, s30;
	v5 =	vld [tilespmem:s23+$0x8500]  }
0x29b: {  	v59 =	vld [tilespmem:s24+$0x8500];
	_ =	sdelay $0x4  }
0x29c: {  	v4 =	vadd.f32 v4, v5;
	v3 =	vadd.f32 v59, v3;
	_ =	sdelay $0x1  }
0x29d: {  	v3 =	vadd.f32 v3, v4;
	_ =	sdelay $0x1  }
0x29e: {  	v3 =	vmul.f32 $2.500000000e-01, v3;
	_ =	sdelay $0x1  }
0x29f: {  	s25 =	sor.u32 $0x410, s30;
	[tilespmem:s22+$0x400] =	vst v3  }
0x2a0: {  	s31 =	sor.u32 $0x410, s28;
	v3 =	vld [tilespmem:s25+$0x8500]  }
0x2a1: {  	s1 =	sor.u32 $0x410, s26;
	v4 =	vld [tilespmem:s31+$0x8500]  }
0x2a2: {  	s23 =	sor.u32 $0x410, s29;
	v5 =	vld [tilespmem:s1+$0x8500]  }
0x2a3: {  	v60 =	vld [tilespmem:s23+$0x8500];
	_ =	sdelay $0x4  }
0x2a4: {  	v3 =	vadd.f32 v3, v5;
	v4 =	vadd.f32 v4, v60;
	_ =	sdelay $0x1  }
0x2a5: {  	v3 =	vadd.f32 v3, v4;
	_ =	sdelay $0x1  }
0x2a6: {  	v3 =	vmul.f32 $2.500000000e-01, v3;
	_ =	sdelay $0x1  }
0x2a7: {  	s24 =	sor.u32 $0x420, s26;
	[tilespmem:s22+$0x410] =	vst v3  }
0x2a8: {  	s25 =	sor.u32 $0x420, s28;
	v3 =	vld [tilespmem:s24+$0x8500]  }
0x2a9: {  	s31 =	sor.u32 $0x420, s29;
	v4 =	vld [tilespmem:s25+$0x8500]  }
0x2aa: {  	s1 =	sor.u32 $0x420, s30;
	v5 =	vld [tilespmem:s31+$0x8500]  }
0x2ab: {  	v61 =	vld [tilespmem:s1+$0x8500];
	_ =	sdelay $0x4  }
0x2ac: {  	v4 =	vadd.f32 v4, v5;
	v3 =	vadd.f32 v61, v3;
	_ =	sdelay $0x1  }
0x2ad: {  	v3 =	vadd.f32 v3, v4;
	_ =	sdelay $0x1  }
0x2ae: {  	v3 =	vmul.f32 $2.500000000e-01, v3;
	_ =	sdelay $0x1  }
0x2af: {  	s23 =	sor.u32 $0x430, s30;
	[tilespmem:s22+$0x420] =	vst v3  }
0x2b0: {  	s24 =	sor.u32 $0x430, s29;
	v3 =	vld [tilespmem:s23+$0x8500]  }
0x2b1: {  	s25 =	sor.u32 $0x430, s26;
	v4 =	vld [tilespmem:s24+$0x8500]  }
0x2b2: {  	s31 =	sor.u32 $0x430, s28;
	v5 =	vld [tilespmem:s25+$0x8500]  }
0x2b3: {  	v62 =	vld [tilespmem:s31+$0x8500];
	_ =	sdelay $0x4  }
0x2b4: {  	v3 =	vadd.f32 v3, v5;
	v4 =	vadd.f32 v62, v4;
	_ =	sdelay $0x1  }
0x2b5: {  	v3 =	vadd.f32 v3, v4;
	_ =	sdelay $0x1  }
0x2b6: {  	v3 =	vmul.f32 $2.500000000e-01, v3;
	_ =	sdelay $0x1  }
0x2b7: {  	s23 =	sor.u32 $0x440, s28;
	[tilespmem:s22+$0x430] =	vst v3  }
0x2b8: {  	s24 =	sor.u32 $0x440, s30;
	v3 =	vld [tilespmem:s23+$0x8500]  }
0x2b9: {  	s25 =	sor.u32 $0x440, s29;
	v4 =	vld [tilespmem:s24+$0x8500]  }
0x2ba: {  	s31 =	sor.u32 $0x440, s26;
	v5 =	vld [tilespmem:s25+$0x8500]  }
0x2bb: {  	v63 =	vld [tilespmem:s31+$0x8500];
	_ =	sdelay $0x4  }
0x2bc: {  	v3 =	vadd.f32 v3, v5;
	v4 =	vadd.f32 v4, v63;
	_ =	sdelay $0x1  }
0x2bd: {  	s23 =	simm.s32 $0x400;
	s24 =	simm.s32 $0x200;
	s25 =	simm.s32 $0x0;
	v3 =	vadd.f32 v4, v3  }
.LBB2_9:
0x2be: {  	s21 =	sadd.s32 $0x80, s21;
	s25 =	sadd.s32 $0x100, s25;
	p0 =	por !p0, !p0  }
0x2bf: {  	p1 =	sne.s32 s23, $0x7C00;
	s31 =	smov.u32 s23;
	s23 =	sadd.s32 $0x400, s23;
	v3 =	vmul.f32 $2.500000000e-01, v3  }
0x2c0: {  	_ = 	snop  }
0x2c1: {  	s0 =	sor.u32 $0x450, s29;
	[tilespmem:s22+$0x440] =	vst v3  }
0x2c2: {  	v3 =	vld [tilespmem:s0+$0x8500];
	s0 =	sor.u32 $0x450, s28  }
0x2c3: {  	v4 =	vld [tilespmem:s0+$0x8500];
	s0 =	sor.u32 $0x450, s30  }
0x2c4: {  	s1 =	sor.u32 $0x450, s26;
	v5 =	vld [tilespmem:s0+$0x8500]  }
0x2c5: {  	v6 =	vld [tilespmem:s1+$0x8500];
	_ =	sdelay $0x2  }
0x2c6: {  	v3 =	vadd.f32 v4, v3;
	_ =	sdelay $0x1  }
0x2c7: {  	v4 =	vadd.f32 v5, v6;
	_ =	sdelay $0x1  }
0x2c8: {  	v3 =	vadd.f32 v4, v3;
	_ =	sdelay $0x1  }
0x2c9: {  	v3 =	vmul.f32 $2.500000000e-01, v3;
	_ =	sdelay $0x1  }
0x2ca: {  	s0 =	sor.u32 $0x460, s29;
	[tilespmem:s22+$0x450] =	vst v3  }
0x2cb: {  	v3 =	vld [tilespmem:s0+$0x8500];
	s0 =	sor.u32 $0x460, s28  }
0x2cc: {  	v4 =	vld [tilespmem:s0+$0x8500];
	s0 =	sor.u32 $0x460, s30  }
0x2cd: {  	s1 =	sor.u32 $0x460, s26;
	v5 =	vld [tilespmem:s0+$0x8500]  }
0x2ce: {  	v6 =	vld [tilespmem:s1+$0x8500];
	_ =	sdelay $0x2  }
0x2cf: {  	v3 =	vadd.f32 v4, v3;
	_ =	sdelay $0x1  }
0x2d0: {  	v4 =	vadd.f32 v5, v6;
	_ =	sdelay $0x1  }
0x2d1: {  	v3 =	vadd.f32 v4, v3;
	_ =	sdelay $0x1  }
0x2d2: {  	v3 =	vmul.f32 $2.500000000e-01, v3;
	_ =	sdelay $0x1  }
0x2d3: {  	s0 =	sor.u32 $0x470, s29;
	[tilespmem:s22+$0x460] =	vst v3  }
0x2d4: {  	v3 =	vld [tilespmem:s0+$0x8500];
	s0 =	sor.u32 $0x470, s30  }
0x2d5: {  	s26 =	sor.u32 $0x470, s26;
	s1 =	sor.u32 $0x470, s28;
	v4 =	vld [tilespmem:s0+$0x8500]  }
0x2d6: {  	v5 =	vld [tilespmem:s1+$0x8500]  }
0x2d7: {  	v6 =	vld [tilespmem:s26+$0x8500];
	_ =	sdelay $0x3  }
0x2d8: {  	v3 =	vadd.f32 v5, v3  }
0x2d9: {  	v4 =	vadd.f32 v4, v6;
	_ =	sdelay $0x1  }
0x2da: {  	v3 =	vadd.f32 v4, v3;
	_ =	sdelay $0x1  }
0x2db: {  	v3 =	vmul.f32 $2.500000000e-01, v3  }
0x2dc: {  	s0 =	sand.u32 $0x7800, s31;
	s1 =	sand.u32 $0x200, s24  }
0x2dd: {  	s26 =	sor.u32 s1, s0;
	[tilespmem:s22+$0x470] =	vst v3  }
0x2de: {  	v3 =	vld [tilespmem:s26+$0x8680]  }
0x2df: {  	v4 =	vld [tilespmem:s26+$0x8500]  }
0x2e0: {  	v5 =	vld [tilespmem:s26+$0x8600]  }
0x2e1: {  	v6 =	vld [tilespmem:s26+$0x8580];
	_ =	sdelay $0x3  }
0x2e2: {  	v3 =	vadd.f32 v3, v5  }
0x2e3: {  	v4 =	vadd.f32 v6, v4;
	_ =	sdelay $0x1  }
0x2e4: {  	v3 =	vadd.f32 v3, v4;
	_ =	sdelay $0x1  }
0x2e5: {  	s0 =	sand.u32 $0x1800, s25;
	s1 =	sand.u32 $0x380, s21;
	v3 =	vmul.f32 $2.500000000e-01, v3  }
0x2e6: {  	s0 =	sor.u32 s1, s0  }
0x2e7: {  	[tilespmem:s0+$0x12500] =	vst v3  }
0x2e8: {  	v3 =	vld [tilespmem:s26+$0x8510]  }
0x2e9: {  	v4 =	vld [tilespmem:s26+$0x8590]  }
0x2ea: {  	v5 =	vld [tilespmem:s26+$0x8610]  }
0x2eb: {  	v6 =	vld [tilespmem:s26+$0x8690];
	_ =	sdelay $0x2  }
0x2ec: {  	v3 =	vadd.f32 v4, v3;
	_ =	sdelay $0x1  }
0x2ed: {  	v4 =	vadd.f32 v6, v5;
	_ =	sdelay $0x1  }
0x2ee: {  	v3 =	vadd.f32 v4, v3;
	_ =	sdelay $0x1  }
0x2ef: {  	v3 =	vmul.f32 $2.500000000e-01, v3  }
0x2f0: {  	s22 =	sadd.s32 $0x12500, s0  }
0x2f1: {  	[tilespmem:s22+$0x10] =	vst v3  }
0x2f2: {  	v3 =	vld [tilespmem:s26+$0x8620]  }
0x2f3: {  	v4 =	vld [tilespmem:s26+$0x85A0]  }
0x2f4: {  	v5 =	vld [tilespmem:s26+$0x8520]  }
0x2f5: {  	v6 =	vld [tilespmem:s26+$0x86A0];
	_ =	sdelay $0x3  }
0x2f6: {  	v4 =	vadd.f32 v4, v5  }
0x2f7: {  	v3 =	vadd.f32 v6, v3;
	_ =	sdelay $0x1  }
0x2f8: {  	v3 =	vadd.f32 v3, v4;
	_ =	sdelay $0x1  }
0x2f9: {  	v3 =	vmul.f32 $2.500000000e-01, v3;
	_ =	sdelay $0x1  }
0x2fa: {  	[tilespmem:s22+$0x20] =	vst v3  }
0x2fb: {  	v3 =	vld [tilespmem:s26+$0x86B0]  }
0x2fc: {  	v4 =	vld [tilespmem:s26+$0x85B0]  }
0x2fd: {  	v5 =	vld [tilespmem:s26+$0x8530]  }
0x2fe: {  	v6 =	vld [tilespmem:s26+$0x8630];
	_ =	sdelay $0x3  }
0x2ff: {  	v4 =	vadd.f32 v4, v5  }
0x300: {  	v3 =	vadd.f32 v3, v6;
	_ =	sdelay $0x1  }
0x301: {  	v3 =	vadd.f32 v3, v4;
	_ =	sdelay $0x1  }
0x302: {  	v3 =	vmul.f32 $2.500000000e-01, v3;
	_ =	sdelay $0x1  }
0x303: {  	[tilespmem:s22+$0x30] =	vst v3  }
0x304: {  	v3 =	vld [tilespmem:s26+$0x85C0]  }
0x305: {  	v4 =	vld [tilespmem:s26+$0x86C0]  }
0x306: {  	v5 =	vld [tilespmem:s26+$0x8540]  }
0x307: {  	v6 =	vld [tilespmem:s26+$0x8640];
	_ =	sdelay $0x3  }
0x308: {  	v3 =	vadd.f32 v3, v5  }
0x309: {  	v4 =	vadd.f32 v4, v6;
	_ =	sdelay $0x1  }
0x30a: {  	v3 =	vadd.f32 v4, v3;
	_ =	sdelay $0x1  }
0x30b: {  	v3 =	vmul.f32 $2.500000000e-01, v3;
	_ =	sdelay $0x1  }
0x30c: {  	[tilespmem:s22+$0x40] =	vst v3  }
0x30d: {  	v3 =	vld [tilespmem:s26+$0x85D0]  }
0x30e: {  	v4 =	vld [tilespmem:s26+$0x86D0]  }
0x30f: {  	v5 =	vld [tilespmem:s26+$0x8550]  }
0x310: {  	v6 =	vld [tilespmem:s26+$0x8650];
	_ =	sdelay $0x3  }
0x311: {  	v3 =	vadd.f32 v3, v5  }
0x312: {  	v4 =	vadd.f32 v4, v6;
	_ =	sdelay $0x1  }
0x313: {  	v3 =	vadd.f32 v4, v3;
	_ =	sdelay $0x1  }
0x314: {  	v3 =	vmul.f32 $2.500000000e-01, v3;
	_ =	sdelay $0x1  }
0x315: {  	[tilespmem:s22+$0x50] =	vst v3  }
0x316: {  	v3 =	vld [tilespmem:s26+$0x8560]  }
0x317: {  	v4 =	vld [tilespmem:s26+$0x85E0]  }
0x318: {  	v5 =	vld [tilespmem:s26+$0x86E0]  }
0x319: {  	v6 =	vld [tilespmem:s26+$0x8660];
	_ =	sdelay $0x2  }
0x31a: {  	v3 =	vadd.f32 v4, v3;
	_ =	sdelay $0x1  }
0x31b: {  	v4 =	vadd.f32 v5, v6;
	_ =	sdelay $0x1  }
0x31c: {  	v3 =	vadd.f32 v4, v3;
	_ =	sdelay $0x1  }
0x31d: {  	v3 =	vmul.f32 $2.500000000e-01, v3;
	_ =	sdelay $0x1  }
0x31e: {  	[tilespmem:s22+$0x60] =	vst v3  }
0x31f: {  	v3 =	vld [tilespmem:s26+$0x85F0]  }
0x320: {  	v4 =	vld [tilespmem:s26+$0x86F0]  }
0x321: {  	v5 =	vld [tilespmem:s26+$0x8670]  }
0x322: {  	v6 =	vld [tilespmem:s26+$0x8570];
	_ =	sdelay $0x3  }
0x323: {  	v4 =	vadd.f32 v4, v5  }
0x324: {  	v3 =	vadd.f32 v3, v6  }
0x325: {  	s0 =	simm.s32 $0x1  }
0x326: {  	s0 =	simm.s32 @!p0 $0x0;
	v3 =	vadd.f32 v4, v3  }
0x327: {  	s0 =	sshll.u32 s0, $0x9  }
0x328: {  	s29 =	sadd.s32 s0, s31;
	v3 =	vmul.f32 $2.500000000e-01, v3  }
0x329: {  	s28 =	sadd.s32 $0x80, s29;
	s30 =	sadd.s32 $0x180, s29;
	s26 =	sadd.s32 $0x100, s29  }
0x32a: {  	s0 =	sor.u32 $0x400, s26;
	[tilespmem:s22+$0x70] =	vst v3  }
0x32b: {  	s1 =	sor.u32 $0x400, s28;
	v3 =	vld [tilespmem:s0+$0x8500]  }
0x32c: {  	s0 =	sor.u32 $0x400, s29;
	v4 =	vld [tilespmem:s1+$0x8500]  }
0x32d: {  	v5 =	vld [tilespmem:s0+$0x8500];
	s0 =	sor.u32 $0x400, s30  }
0x32e: {  	v6 =	vld [tilespmem:s0+$0x8500];
	_ =	sdelay $0x3  }
0x32f: {  	v4 =	vadd.f32 v4, v5  }
0x330: {  	v3 =	vadd.f32 v6, v3;
	_ =	sdelay $0x1  }
0x331: {  	v3 =	vadd.f32 v3, v4;
	_ =	sdelay $0x1  }
0x332: {  	v3 =	vmul.f32 $2.500000000e-01, v3;
	_ =	sdelay $0x1  }
0x333: {  	s0 =	sor.u32 $0x410, s30;
	[tilespmem:s22+$0x400] =	vst v3  }
0x334: {  	s1 =	sor.u32 $0x410, s28;
	v3 =	vld [tilespmem:s0+$0x8500]  }
0x335: {  	s0 =	sor.u32 $0x410, s26;
	v4 =	vld [tilespmem:s1+$0x8500]  }
0x336: {  	s1 =	sor.u32 $0x410, s29;
	v5 =	vld [tilespmem:s0+$0x8500]  }
0x337: {  	v6 =	vld [tilespmem:s1+$0x8500];
	_ =	sdelay $0x3  }
0x338: {  	v3 =	vadd.f32 v3, v5  }
0x339: {  	v4 =	vadd.f32 v4, v6;
	_ =	sdelay $0x1  }
0x33a: {  	v3 =	vadd.f32 v3, v4;
	_ =	sdelay $0x1  }
0x33b: {  	v3 =	vmul.f32 $2.500000000e-01, v3;
	_ =	sdelay $0x1  }
0x33c: {  	s0 =	sor.u32 $0x420, s26;
	[tilespmem:s22+$0x410] =	vst v3  }
0x33d: {  	s1 =	sor.u32 $0x420, s28;
	v3 =	vld [tilespmem:s0+$0x8500]  }
0x33e: {  	s0 =	sor.u32 $0x420, s29;
	v4 =	vld [tilespmem:s1+$0x8500]  }
0x33f: {  	v5 =	vld [tilespmem:s0+$0x8500];
	s0 =	sor.u32 $0x420, s30  }
0x340: {  	v6 =	vld [tilespmem:s0+$0x8500];
	_ =	sdelay $0x3  }
0x341: {  	v4 =	vadd.f32 v4, v5  }
0x342: {  	v3 =	vadd.f32 v6, v3;
	_ =	sdelay $0x1  }
0x343: {  	v3 =	vadd.f32 v3, v4;
	_ =	sdelay $0x1  }
0x344: {  	v3 =	vmul.f32 $2.500000000e-01, v3;
	_ =	sdelay $0x1  }
0x345: {  	s0 =	sor.u32 $0x430, s30;
	[tilespmem:s22+$0x420] =	vst v3  }
0x346: {  	s1 =	sor.u32 $0x430, s29;
	v3 =	vld [tilespmem:s0+$0x8500]  }
0x347: {  	s0 =	sor.u32 $0x430, s26;
	v4 =	vld [tilespmem:s1+$0x8500]  }
0x348: {  	s1 =	sor.u32 $0x430, s28;
	v5 =	vld [tilespmem:s0+$0x8500]  }
0x349: {  	v6 =	vld [tilespmem:s1+$0x8500];
	_ =	sdelay $0x3  }
0x34a: {  	v3 =	vadd.f32 v3, v5  }
0x34b: {  	v4 =	vadd.f32 v6, v4;
	_ =	sdelay $0x1  }
0x34c: {  	v3 =	vadd.f32 v3, v4;
	_ =	sdelay $0x1  }
0x34d: {  	v3 =	vmul.f32 $2.500000000e-01, v3;
	_ =	sdelay $0x1  }
0x34e: {  	s0 =	sor.u32 $0x440, s28;
	[tilespmem:s22+$0x430] =	vst v3  }
0x34f: {  	v3 =	vld [tilespmem:s0+$0x8500];
	s0 =	sor.u32 $0x440, s30  }
0x350: {  	s1 =	sor.u32 $0x440, s29;
	v4 =	vld [tilespmem:s0+$0x8500]  }
0x351: {  	s0 =	sor.u32 $0x440, s26;
	v5 =	vld [tilespmem:s1+$0x8500]  }
0x352: {  	v6 =	vld [tilespmem:s0+$0x8500];
	_ =	sdelay $0x2  }
.Ltmp4:
0x353: {  	(pc) =	sbr.rel @p1 .LBB2_9-.Ltmp4, $3  }
0x354: {  	v3 =	vadd.f32 v3, v5  }
0x355: {  	v4 =	vadd.f32 v4, v6;
	_ =	sdelay $0x1  }
0x356: {  	s24 =	sadd.s32 $0x200, s24;
	v3 =	vadd.f32 v4, v3  }
0x357: {  	_ = 	snop  }
0x358: {  	v3 =	vmul.f32 $2.500000000e-01, v3;
	_ =	sdelay $0x1  }
0x359: {  	s0 =	sor.u32 $0x450, s29;
	[tilespmem:s22+$0x440] =	vst v3  }
0x35a: {  	s24 =	sor.u32 $0x450, s28;
	v3 =	vld [tilespmem:s0+$0x8500]  }
0x35b: {  	s25 =	sor.u32 $0x450, s30;
	v4 =	vld [tilespmem:s24+$0x8500]  }
0x35c: {  	s1 =	sor.u32 $0x450, s26;
	v5 =	vld [tilespmem:s25+$0x8500]  }
0x35d: {  	v6 =	vld [tilespmem:s1+$0x8500];
	_ =	sdelay $0x4  }
0x35e: {  	v3 =	vadd.f32 v4, v3;
	v56 =	vadd.f32 v5, v6;
	_ =	sdelay $0x1  }
0x35f: {  	v3 =	vadd.f32 v56, v3;
	_ =	sdelay $0x1  }
0x360: {  	v3 =	vmul.f32 $2.500000000e-01, v3;
	_ =	sdelay $0x1  }
0x361: {  	s31 =	sor.u32 $0x460, s29;
	[tilespmem:s22+$0x450] =	vst v3  }
0x362: {  	s1 =	sor.u32 $0x460, s28;
	v3 =	vld [tilespmem:s31+$0x8500]  }
0x363: {  	s21 =	sor.u32 $0x460, s30;
	v57 =	vld [tilespmem:s1+$0x8500]  }
0x364: {  	s23 =	sor.u32 $0x460, s26;
	v58 =	vld [tilespmem:s21+$0x8500]  }
0x365: {  	v59 =	vld [tilespmem:s23+$0x8500];
	_ =	sdelay $0x4  }
0x366: {  	v3 =	vadd.f32 v57, v3;
	v60 =	vadd.f32 v58, v59;
	_ =	sdelay $0x1  }
0x367: {  	v3 =	vadd.f32 v60, v3;
	_ =	sdelay $0x1  }
0x368: {  	v3 =	vmul.f32 $2.500000000e-01, v3;
	_ =	sdelay $0x1  }
0x369: {  	s24 =	sor.u32 $0x470, s29;
	[tilespmem:s22+$0x460] =	vst v3  }
0x36a: {  	s25 =	sor.u32 $0x470, s30;
	v3 =	vld [tilespmem:s24+$0x8500]  }
0x36b: {  	s29 =	sor.u32 $0x470, s28;
	v61 =	vld [tilespmem:s25+$0x8500]  }
0x36c: {  	s30 =	sor.u32 $0x470, s26;
	v62 =	vld [tilespmem:s29+$0x8500]  }
0x36d: {  	v63 =	vld [tilespmem:s30+$0x8500];
	_ =	sdelay $0x4  }
0x36e: {  	v3 =	vadd.f32 v62, v3;
	v4 =	vadd.f32 v61, v63  }
0x36f: {  	s19 =	sadd.s32 $0x1, s19  }
0x370: {  	p0 =	sne.s32 s19, $0x5;
	v3 =	vadd.f32 v4, v3  }
.Ltmp5:
0x371: {  	s31 =	sshll.u32 s20, $0xD;
	(pc) =	sbr.rel @p0 .LBB2_2-.Ltmp5, $4  }
0x372: {  	s0 =	sadd.s32 s6, s31;
	v3 =	vmul.f32 $2.500000000e-01, v3  }
0x373: {  	s0 =	sshrl.u32 s0, $0x3  }
0x374: {  	s0 =	sadd.s32 s4, s0;
	[tilespmem:s22+$0x470] =	vst v3  }
0x375: {  	[hbm4b:s0+s3] =	stream.linear.scatter [tilespmem:s18], [sflag:$0x4], $0x2000, $0x38;
	[tilespmem:$0x14500] =	vst v63  }
0x376: {  	s0 =	simm.s32 $0x3  }
0x377: {  	_ =	swait.ge [sflag:s0], $0x2000  }
0x378: {  	[sflag:s0] =	ssyncset.done $0x0  }
0x379: {  	[sflag:s0] =	ssyncadd.s32 $0xFFFFE000  }
0x37a: {  	_ =	swait.ge [sflag:s17], $0x2000  }
0x37b: {  	s1 =	rddreg [dreg:$0x6]  }
0x37c: {  	s31 =	rddreg [dreg:$0x5];
	s1 =	sadd.s32 $0x1, s1  }
0x37d: {  	p0 =	sne.s32 s1, s31  }
.Ltmp6:
0x37e: {  	_ = 	snop;
	(pc) =	sbr.rel @p0 .LBB2_1-.Ltmp6, $3  }
0x37f: {  	_ =	sdelay $0x1  }
0x380: {  	[sflag:s17] =	ssyncset.done $0x0  }
0x381: {  	[sflag:s17] =	ssyncadd.s32 $0xFFFFE000  }
0x382: {  	_ =	sfence.sel $0x180000  }
0x383: {  	[bflag:$0x0] =	sbarrier.arrive $0xFFFF  }
0x384: {  	_ =	strace $0x90000047  }
0x385: {  	s0 =	stileid.u32;
	[bflag:$0x2] =	sbarrier.arrive $0xFFFF  }
0x386: {  	p0 =	sne.s32 s0, $0x0;
	s0 =	rddreg [dreg:$0x3]  }
0x387: {  	s0 =	sadd.s32 @!p0 $0x100000, s0  }
0x388: {  	[sflag:s0] =	ssyncadd.tile.s32 @!p0 $0x1;
	_ =	shalt  }
.Lfunc_end2:
_tile_overlayer_lowered:
.L_overlay_start_2:
0x389: {  	(tag) =	ssettag $0x2  }
0x38a: {  	s0 =	rddreg [dreg:$0x0];
	s2 =	stileid.u32  }
0x38b: {  	s1 =	rddreg [dreg:$0x1];
	p0 =	sne.s32 s2, $0x0  }
0x38c: {  	s3 =	rddreg [dreg:$0x2];
	[bflag:$0x3] =	sbarrier.arrive $0xFFFF;
	s2 =	simm.s32 @!p0 $0x1C05  }
0x38d: {  	[timem:s3], [sflag:s2] =	dma.local @!p0 [hbm:s0], s1  }
0x38e: {  	s0 =	simm.s32 @!p0 $0x5  }
0x38f: {  	_ =	swait.ge @!p0 [sflag:s0], s1  }
0x390: {  	s1 =	ssub.s32 @!p0 $0x0, s1;
	[sflag:s0] =	ssyncset.done @!p0 $0x0  }
0x391: {  	[sflag:s0] =	ssyncadd.s32 @!p0 s1  }
0x392: {  	[bflag:$0x3] =	sbarrier.arrive $0xFFFF  }
0x393: {  	_ =	shalt  }

// kernel: sparse-core-data-format-call.cloned.1.call-start
scs
called_computation_lowered:
.L_overlay_start_0:
0x0: {  	s2 =	sld [smem:$0x3FD9]  }
0x1: {  	s3 =	sld [smem:$0x3FFE];
	_ =	sdelay $0x1  }
0x2: {  	s1 =	srdreg.scid  }
0x3: {  	s0 =	sand.u32 $0x1, s1  }
0x4: {  	s15 =	sshll.u32 s0, $0xA;
	s2 =	sadd.s32 s3, s2  }
0x5: {  	s2 =	sadd.s32 s2, s15  }
0x6: {  	[smem:$0x3FBA] =	sst s2  }
0x7: {  	_ = 	snop  }
0x8: {  	s2 =	sld [smem:$0x3FD0];
	_ =	sdelay $0x2  }
0x9: {  	s16 =	simm.s32 $0xA;
	s4 =	simm.s32 $0x10  }
0xa: {  	[smem:s4], [sflag:s16] =	dma.local [hbm:s2], $0x1  }
0xb: {  	_ =	swait.eq [sflag:s16], $0x1  }
0xc: {  	[sflag:s16] =	ssyncset.done $0x0  }
0xd: {  	[sflag:s16] =	ssyncadd.s32 $0xFFFFFFFF  }
0xe: {  	s17 =	sld [smem:$0x10];
	(tm) =	ssettm $0x1  }
0xf: {  	s18 =	sld [smem:$0x3FFB];
	_ =	sdelay $0x3  }
0x10: {  	_ =	strace s18  }
0x11: {  	s3 =	sld [smem:$0x3FFC];
	_ =	sdelay $0x3  }
0x12: {  	_ =	strace s3  }
0x13: {  	s3 =	sld [smem:$0x3FFD];
	_ =	sdelay $0x3  }
0x14: {  	_ =	strace s3  }
0x15: {  	_ =	strace $0x8FFFFFFF  }
0x16: {  	s19 =	sld [smem:$0x3FDB];
	_ =	sdelay $0x1  }
0x17: {  	s20 =	simm.s32 $_scs_section_size  }
0x18: {  	s5 =	simm.s32 $_size__tile_overlayer_lowered;
	s6 =	simm.s32 $_tile_overlayer_lowered  }
0x19: {  	s23 =	simm.s32 $0x1BFF;
	s22 =	sshll.u32 s6, $0x1;
	s3 =	sadd.s32 s20, s19  }
0x1a: {  	s7 =	simm.s32 $0x0;
	s21 =	sshll.u32 s5, $0x1;
	s5 =	sadd.s32 s22, s3  }
0x1b: {  	[timem:s7], [sflag:s23] =	dma.local [hbm:s5], s21  }
0x1c: {  	_ =	swait.ge [sflag:s23], s21  }
0x1d: {  	s4 =	ssub.s32 $0x0, s21;
	[sflag:s23] =	ssyncset.done $0x0  }
0x1e: {  	[sflag:s23] =	ssyncadd.s32 s4;
	_ =	sdelay $0x1  }
0x1f: {  	s24 =	simm.s32 $0x1B8B  }
0x20: {  	_ =	swait.ge [sflag:s24], $0x1  }
0x21: {  	[sflag:s24] =	ssyncset.done $0x0  }
0x22: {  	s26 =	simm.s32 $0x1B8E;
	s25 =	sld [smem:$0x3FFE];
	[sflag:s24] =	ssyncadd.s32 $0xFFFFFFFF  }
0x23: {  	s27 =	simm.s32 $execute0_lowered;
	[smem:$0x3FD2] =	sst s26  }
0x24: {  	s5 =	sshll.u32 s27, $0x1;
	_ =	strace $0x8000004F;
	[dreg:$0x1] =	wrdreg $0xFFFFFFFF  }
0x25: {  	s28 =	simm.s32 $_size_execute0_lowered;
	s3 =	sadd.s32 s3, s5;
	[dreg:$0x0] =	wrdreg $0x0  }
0x26: {  	s5 =	sshll.u32 s28, $0x1;
	[dreg:$0x2] =	wrdreg s3  }
0x27: {  	[dreg:$0x3] =	wrdreg s5  }
0x28: {  	[dreg:$0x4] =	wrdreg $0xC0  }
0x29: {  	_ =	task [dreg:s7], $0x5FFFF  }
0x2a: {  	[dreg:$0x1] =	wrdreg $0xFFFFFFFF  }
0x2b: {  	[dreg:$0x0] =	wrdreg $0x60  }
0x2c: {  	[dreg:$0x2] =	wrdreg s25  }
0x2d: {  	[dreg:$0x3] =	wrdreg s17  }
0x2e: {  	[dreg:$0x4] =	wrdreg $0x9  }
0x2f: {  	_ =	task.clear_ibuf [dreg:s7], $0x5FFFF;
	_ =	strace $0x9000004F  }
0x30: {  	s29 =	simm.s32 $0x9;
	_ =	strace $0x80000051  }
0x31: {  	_ =	swait.ge [sflag:s29], $0x1  }
0x32: {  	[sflag:s29] =	ssyncadd.s32 $0xFFFFFFFF  }
0x33: {  	_ =	strace $0x90000051  }
0x34: {  	_ =	sfence  }
0x35: {  	s30 =	sld [smem:$0x0];
	_ =	sdelay $0x2  }
0x36: {  	s31 =	sshll.u32 s1, $0xD;
	s1 =	sshrl.u32 s1, $0x2  }
0x37: {  	s3 =	sand.u32 $0x4000, s31;
	s1 =	sadd.s32 s1, s30  }
0x38: {  	s0 =	sor.u32 s3, s0;
	s1 =	sshll.u32 s1, $0x11  }
0x39: {  	s0 =	sor.u32 s1, s0  }
0x3a: {  	s0 =	sadd.s32 $0x8F2B, s0  }
0x3b: {  	[sflag:s0] =	ssyncadd.remote.s32 $0x1  }
0x3c: {  	_ =	sfence.sel $0xFFFF  }
0x3d: {  	[dreg:$0x0] =	wrdreg $0xFFFFFFFF;
	(pc) =	sbr.abs _section_cstart, $3  }
0x3e: {  	[dreg:$0x1] =	wrdreg $0xFFFFFFFF  }
0x3f: {  	_ =	task.clear_ibuf [dreg:s7], $0x2FFFF;
	_ =	strace $0x9FFFFFFF  }
0x40: {  	(tm) =	ssettm $0x7FFFFFFF  }
0x41: {  	_ =	shalt  }
tec
execute0_lowered:
.L_overlay_start_1:
0x0: {  	(tag) =	ssettag $0x1  }
0x1: {  	s0 =	stileid.u32  }
0x2: {  	s2 =	srdreg.scid;
	s7 =	rddreg [dreg:$0x0]  }
0x3: {  	s6 =	simm.s32 $0x1;
	s31 =	simm.s32 $0x2;
	s16 =	simm.s32 $0x0  }
0x4: {  	s9 =	simm.s32 $0x2000;
	s15 =	simm.s32 $0x0;
	s10 =	simm.s32 $0x0  }
0x5: {  	s11 =	simm.s32 $0x0;
	s14 =	simm.s32 $0x0;
	s1 =	sshll.u32 s0, $0x7  }
0x6: {  	s3 =	sshll.u32 s0, $0x4;
	s2 =	sshll.u32 s2, $0x8;
	s1 =	sand.u32 $0x380, s1  }
0x7: {  	s7 =	sadd.s32 $0x4400, s7;
	s2 =	sor.u32 s3, s2;
	s5 =	ssub.s32 $0x400, s1  }
0x8: {  	s3 =	rddreg [dreg:$0x1];
	s4 =	sand.u32 $0x180, s2;
	s29 =	sand.u32 $0x380, s5  }
0x9: {  	s30 =	ssub.s32 $0x2700, s4;
	s5 =	sshrl.u32 s5, $0xA;
	p0 =	sne.s32 s29, $0x0  }
.Ltmp0:
0xa: {  	s8 =	sshrl.u32 s30, $0x9;
	s6 =	simm.s32 @!p0 $0x0;
	(pc) =	sbr.rel .LBB1_1-.Ltmp0, $4  }
0xb: {  	s2 =	rddreg [dreg:$0x2];
	s8 =	sadd.s32 $0x1, s8;
	s6 =	sadd.s32 s6, s5  }
0xc: {  	_ =	strace $0x80000050;
	s5 =	simm.s32 $0x1;
	s6 =	smul.u32 s6, s8  }
0xd: {  	s13 =	smov.u32 s1;
	s12 =	smov.u32 s4;
	[sflag:s5] =	ssyncpa.u1 $0x0  }
0xe: {  	p0 =	por $0x0, $0x0;
	[sflag:s31] =	ssyncpa.u1 $0x0;
	s8 =	sadd.s32 $0x1, s6  }
.LBB1_4:
0xf: {  	s21 =	sshra.s32 s21, $0x2;
	s27 =	sshll.u32 s10, $0xA;
	s22 =	sshll.u32 s11, $0x3  }
0x10: {  	s23 =	sshll.u32 s10, $0x7;
	s24 =	sand.u32 $0x78, s11;
	p1 =	sgt.s32 s10, $0x2690  }
0x11: {  	s25 =	sshra.s32 s10, $0x1F;
	s26 =	sshra.s32 s11, $0x1F;
	s20 =	sadd.s32 s21, s20  }
0x12: {  	v5 =	vld [tilespmem:s18+$0xFFFFFFD0];
	[tilespmem:s19+$0x2040 ss:$0x81] =	vst.msk $0xffff, v4;
	s21 =	sand.u32 $0xFFFFE000, s27;
	s22 =	sand.u32 $0xFFFFFC00, s22;
	s28 =	sand.u32 $0x380, s23  }
0x13: {  	v58 =	vld [tilespmem:s18+$0xFFFFFFE0];
	[tilespmem:s19+$0x2850 ss:$0x81] =	vst.msk $0xffff, v3;
	s23 =	smov.u32 s10;
	s30 =	sand.u32 s25, s10;
	s25 =	smov.u32 s11  }
0x14: {  	v59 =	vld [tilespmem:s18+$0xFFFFFFF0];
	[tilespmem:s19+$0x3060 ss:$0x81] =	vst.msk $0xffff, v2;
	s31 =	sand.u32 s26, s11;
	s21 =	sadd.s32 s22, s21;
	s22 =	sor.u32 s24, s28  }
0x15: {  	v60 =	vld [tilespmem:s18+$0x0];
	[tilespmem:s19+$0x0 ss:$0x81] =	vst.msk $0xffff, v1;
	s23 =	simm.s32 @!p1 $0x2690;
	p1 =	sgt.s32 s11, $0x380;
	s21 =	sshrl.u32 s21, $0xA  }
0x16: {  	v61 =	vld [tilespmem:s18+$0x10];
	[tilespmem:s20+$0x3870 ss:$0x81] =	vst.msk $0xffff, v0;
	s19 =	ssub.s32 s23, s30;
	s25 =	simm.s32 @!p1 $0x380;
	s29 =	smulhi.u32 $0x1A36E3, s21  }
0x17: {  	v62 =	vld [tilespmem:s18+$0x20];
	s23 =	ssub.s32 s25, s31;
	s26 =	sadd.s32 $0xFFFFD970, s19;
	s19 =	ssub.s32 $0x2710, s19;
	[tilespmem:s20+$0x810 ss:$0x81] =	vst.msk $0xffff, v5  }
0x18: {  	v63 =	vld [tilespmem:s18+$0xFFFFFFC0];
	[tilespmem:s20+$0x1020 ss:$0x81] =	vst.msk $0xffff, v58;
	p1 =	sgt.s32 s26, $0x7F;
	s28 =	sadd.s32 $0xFFFFFC80, s23;
	s24 =	sshrl.u32 s29, $0x2  }
0x19: {  	[tilespmem:s20+$0x1830 ss:$0x81] =	vst.msk $0xffff, v59;
	s23 =	ssub.s32 $0x400, s23;
	p2 =	sgt.s32 s28, $0x7F;
	s27 =	smul.u32 $0x2710, s24  }
0x1a: {  	s30 =	sand.u32 $0x7, s11;
	[tilespmem:s20+$0x2040 ss:$0x81] =	vst.msk $0xffff, v60;
	s19 =	simm.s32 @p1 $0x0;
	s23 =	simm.s32 @p2 $0x0  }
0x1b: {  	[tilespmem:s20+$0x2850 ss:$0x81] =	vst.msk $0xffff, v61;
	s29 =	sshrl.u32 s22, $0x3;
	s19 =	smul.u32 s23, s19;
	s18 =	ssub.s32 s21, s27  }
0x1c: {  	[tilespmem:s20+$0x3060 ss:$0x81] =	vst.msk $0xffff, v62;
	s22 =	sshll.u32 s30, $0x12;
	s21 =	sadd.s32 s3, s29;
	s18 =	sshll.u32 s18, $0x7  }
0x1d: {  	[tilespmem:s20+$0x0 ss:$0x81] =	vst.msk $0xffff, v63;
	s31 =	sor.u32 $0x400, s22;
	s19 =	sand.u32 $0x3FFFFFFF, s19;
	s18 =	sadd.s32 s18, s21  }
0x1e: {  	[hbm4b:s18+s31] =	stream.strided.scatter [tilespmem:s17], [sflag:$0x2], s19, s9, s31, $0x20;
	[tilespmem:$0x10100] =	vst v63  }
.LBB1_5:
0x1f: {  	p1 =	slt.u32 s14, $0x2  }
0x20: {  	s18 =	smov.u32 s16;
	p2 =	sgt.s32 @!p1 s16, $0x2690;
	s17 =	sshra.s32 @!p1 s16, $0x1F  }
0x21: {  	p3 =	sgt.s32 @!p1 s15, $0x380;
	s19 =	sshra.s32 @!p1 s15, $0x1F;
	p2 =	por !p2, p1  }
0x22: {  	s16 =	sand.u32 @!p1 s17, s16;
	p3 =	por !p3, p1;
	s17 =	smov.u32 s15  }
0x23: {  	s15 =	sand.u32 @!p1 s19, s15;
	s18 =	simm.s32 @p2 $0x2690;
	s17 =	simm.s32 @p3 $0x380  }
0x24: {  	s16 =	ssub.s32 @!p1 s18, s16;
	s15 =	ssub.s32 @!p1 s17, s15  }
0x25: {  	s19 =	smov.u32 s13;
	s17 =	sadd.s32 @!p1 $0xFFFFD970, s16;
	s18 =	sadd.s32 @!p1 $0xFFFFFC80, s15  }
0x26: {  	s16 =	ssub.s32 @!p1 $0x2710, s16;
	p2 =	sgt.s32 @!p1 s17, $0x7F;
	p3 =	sgt.s32 @!p1 s18, $0x7F  }
0x27: {  	s15 =	ssub.s32 @!p1 $0x400, s15;
	p2 =	por !p2, p1;
	p3 =	por !p3, p1  }
0x28: {  	s17 =	sadd.s32 $0x200, s12;
	s16 =	simm.s32 @!p2 $0x0;
	s15 =	simm.s32 @!p3 $0x0  }
0x29: {  	p2 =	sgt.s32 s17, $0x270F;
	s15 =	smul.u32 @!p1 s15, s16;
	s16 =	sadd.s32 $0x400, s13  }
0x2a: {  	s19 =	smov.u32 @p2 s16  }
0x2b: {  	s17 =	smov.u32 @p2 s4;
	p2 =	sgt.s32 s19, $0x3FF  }
0x2c: {  	s19 =	smov.u32 @p2 s1;
	p2 =	sne.s32 s14, s8  }
.Ltmp1:
0x2d: {  	p0 =	por !p0, !p0;
	s18 =	simm.s32 @!p1 $0x2;
	(pc) =	sbr.rel @!p2 .LBB1_6-.Ltmp1, $4  }
0x2e: {  	s16 =	smov.u32 s10;
	s10 =	smov.u32 s12;
	s15 =	sand.u32 @!p1 $0x3FFFFFFF, s15  }
0x2f: {  	s12 =	smov.u32 s17;
	_ =	swait.ge @!p1 [sflag:s18], s15;
	s20 =	ssub.s32 @!p1 $0x0, s15  }
0x30: {  	s15 =	smov.u32 s11;
	s14 =	sadd.s32 $0x1, s14;
	[sflag:s18] =	ssyncset.done @!p1 $0x0  }
0x31: {  	s11 =	smov.u32 s13;
	s13 =	smov.u32 s19;
	[sflag:s18] =	ssyncadd.s32 @!p1 s20  }
.LBB1_1:
0x32: {  	p1 =	sge.u32 s14, s6  }
0x33: {  	s17 =	sshrl.u32 @!p1 s13, $0x3  }
0x34: {  	s18 =	sshll.u32 @!p1 s12, $0x3;
	s17 =	smul.u32 @!p1 $0x13C00, s17  }
0x35: {  	s19 =	sshll.u32 @!p1 s13, $0x7;
	s18 =	sand.u32 @!p1 $0xFFFFFC00, s18  }
0x36: {  	s17 =	sadd.s32 @!p1 s17, s18;
	s18 =	sand.u32 @!p1 $0x380, s19  }
0x37: {  	s19 =	sand.u32 @!p1 $0x7F, s12;
	s17 =	sor.u32 @!p1 s18, s17  }
0x38: {  	s18 =	sor.u32 @!p1 s19, s17  }
0x39: {  	s19 =	smulhi.u32 @!p1 $0xCF6474A9, s18;
	_ =	sdelay $0x1  }
0x3a: {  	s17 =	smulhi.u32 @!p1 $0xCF6474A9, s17;
	s19 =	sshrl.u32 @!p1 s19, $0xD  }
0x3b: {  	s19 =	smul.u32 @!p1 $0x2780, s19  }
0x3c: {  	s31 =	sadd.s32 $0xFFFFFFFF, s14;
	s20 =	sxor.u32 @!p1 $0xFFFFFFFF, s14;
	s17 =	sshrl.u32 @!p1 s17, $0xD  }
0x3d: {  	s20 =	sshll.u32 @!p1 s20, $0xE;
	s17 =	sand.u32 @!p1 $0x3FF, s17;
	s18 =	ssub.s32 @!p1 s18, s19  }
0x3e: {  	s17 =	smul.u32 @!p1 $0x4F0, s17;
	s19 =	sshrl.u32 @!p1 s18, $0x3;
	s18 =	sand.u32 @!p1 $0x7, s18  }
0x3f: {  	s20 =	sand.u32 @!p1 $0x4000, s20;
	s19 =	sadd.s32 @!p1 s7, s19;
	s18 =	sshll.u32 @!p1 s18, $0x12  }
0x40: {  	s17 =	sadd.s32 @!p1 s17, s19;
	s18 =	sor.u32 @!p1 $0x400, s18;
	s19 =	simm.s32 @!p1 $0x13C00  }
0x41: {  	[tilespmem:s20], [sflag:$0x1] =	stream.strided.gather @!p1 [hbm4b:s17+s18], $0x4000, s19, s18, $0x38;
	[tilespmem:$0x10100] =	vst v63  }
0x42: {  	p1 =	sge.u32 s31, s6  }
.Ltmp2:
0x43: {  	_ = 	snop;
	(pc) =	sbr.rel @p1 .LBB1_5-.Ltmp2, $1  }
0x44: {  	_ =	sdelay $0x3  }
0x45: {  	s17 =	simm.s32 $0x1  }
0x46: {  	_ =	swait.ge [sflag:s5], $0x4000;
	s17 =	simm.s32 @!p0 $0x0  }
0x47: {  	[sflag:s5] =	ssyncset.done $0x0;
	s18 =	sshll.u32 s17, $0xE  }
0x48: {  	[sflag:s5] =	ssyncadd.s32 $0xFFFFC000;
	s18 =	sor.u32 $0x40, s18  }
0x49: {  	s17 =	smul.u32 $0x10200, s17;
	v0 =	vld [tilespmem:s18+$0x30]  }
0x4a: {  	v1 =	vld [tilespmem:s18+$0xFFFFFFD0]  }
0x4b: {  	s17 =	sshrl.u32 s17, $0x2;
	v5 =	vld [tilespmem:s18+$0xFFFFFFE0]  }
0x4c: {  	v6 =	vld [tilespmem:s18+$0xFFFFFFF0];
	s20 =	sor.u32 $0x8000, s17  }
0x4d: {  	s31 =	sand.u32 $0x1, s14;
	v4 =	vld [tilespmem:s18+$0x0];
	s19 =	sadd.s32 $0x0, s20  }
0x4e: {  	v3 =	vld [tilespmem:s18+$0x10];
	s17 =	smul.u32 $0x10200, s31;
	[tilespmem:s19+$0x3870 ss:$0x81] =	vst.msk $0xffff, v0  }
0x4f: {  	v2 =	vld [tilespmem:s18+$0x20];
	[tilespmem:s19+$0x810 ss:$0x81] =	vst.msk $0xffff, v1  }
0x50: {  	s17 =	sshrl.u32 s17, $0x2;
	v1 =	vld [tilespmem:s18+$0xFFFFFFC0];
	[tilespmem:s19+$0x1020 ss:$0x81] =	vst.msk $0xffff, v5;
	s18 =	sadd.s32 $0x80, s18  }
0x51: {  	s21 =	simm.s32 $0x4;
	s22 =	simm.s32 $0x8;
	s17 =	sor.u32 $0x8000, s17;
	[tilespmem:s19+$0x1830 ss:$0x81] =	vst.msk $0xffff, v6;
	v0 =	vld [tilespmem:s18+$0x30]  }
.LBB1_3:
0x52: {  	p1 =	sne.s32 s22, $0x1FC;
	v5 =	vld [tilespmem:s18+$0xFFFFFFD0];
	[tilespmem:s19+$0x2040 ss:$0x81] =	vst.msk $0xffff, v4  }
0x53: {  	v6 =	vld [tilespmem:s18+$0xFFFFFFE0];
	[tilespmem:s19+$0x2850 ss:$0x81] =	vst.msk $0xffff, v3  }
0x54: {  	s23 =	sshra.s32 s21, $0x2;
	s21 =	smov.u32 s22;
	v7 =	vld [tilespmem:s18+$0xFFFFFFF0];
	[tilespmem:s19+$0x3060 ss:$0x81] =	vst.msk $0xffff, v2  }
.Ltmp3:
0x55: {  	v4 =	vld [tilespmem:s18+$0x0];
	[tilespmem:s19+$0x0 ss:$0x81] =	vst.msk $0xffff, v1;
	s19 =	sadd.s32 s23, s20;
	(pc) =	sbr.rel @p1 .LBB1_3-.Ltmp3, $4  }
0x56: {  	v3 =	vld [tilespmem:s18+$0x10];
	[tilespmem:s19+$0x3870 ss:$0x81] =	vst.msk $0xffff, v0  }
0x57: {  	[tilespmem:s19+$0x810 ss:$0x81] =	vst.msk $0xffff, v5;
	v2 =	vld [tilespmem:s18+$0x20]  }
0x58: {  	v1 =	vld [tilespmem:s18+$0xFFFFFFC0];
	[tilespmem:s19+$0x1020 ss:$0x81] =	vst.msk $0xffff, v6;
	s18 =	sadd.s32 $0x80, s18  }
0x59: {  	s22 =	sadd.s32 $0x4, s22;
	v0 =	vld [tilespmem:s18+$0x30];
	[tilespmem:s19+$0x1830 ss:$0x81] =	vst.msk $0xffff, v7  }
.Ltmp4:
0x5a: {  	_ = 	snop;
	(pc) =	sbr.rel .LBB1_4-.Ltmp4, $1  }
0x5b: {  	_ =	sdelay $0x3  }
.LBB1_6:
0x5c: {  	_ =	sfence.sel $0x180000  }
0x5d: {  	s1 =	simm.s32 $0x1;
	[bflag:$0x0] =	sbarrier.arrive $0xFFFF  }
0x5e: {  	s31 =	simm.s32 $0x2;
	[sflag:s1] =	ssyncpa.u1 $0x1  }
0x5f: {  	[sflag:s31] =	ssyncpa.u1 $0x1  }
0x60: {  	p0 =	sne.s32 s0, $0x0;
	_ =	strace $0x90000050  }
0x61: {  	s0 =	sadd.s32 @!p0 $0x100000, s2;
	[bflag:$0x2] =	sbarrier.arrive $0xFFFF  }
0x62: {  	[sflag:s0] =	ssyncadd.tile.s32 @!p0 $0x1;
	_ =	shalt  }
.Lfunc_end1:
_tile_overlayer_lowered:
.L_overlay_start_2:
0x63: {  	(tag) =	ssettag $0x2  }
0x64: {  	s0 =	rddreg [dreg:$0x0];
	s2 =	stileid.u32  }
0x65: {  	s1 =	rddreg [dreg:$0x1];
	p0 =	sne.s32 s2, $0x0  }
0x66: {  	s3 =	rddreg [dreg:$0x2];
	[bflag:$0x3] =	sbarrier.arrive $0xFFFF;
	s2 =	simm.s32 @!p0 $0x1C01  }
0x67: {  	[timem:s3], [sflag:s2] =	dma.local @!p0 [hbm:s0], s1  }
0x68: {  	s0 =	simm.s32 @!p0 $0x1  }
0x69: {  	_ =	swait.ge @!p0 [sflag:s0], s1  }
0x6a: {  	s1 =	ssub.s32 @!p0 $0x0, s1;
	[sflag:s0] =	ssyncset.done @!p0 $0x0  }
0x6b: {  	[sflag:s0] =	ssyncadd.s32 @!p0 s1  }
0x6c: {  	[bflag:$0x3] =	sbarrier.arrive $0xFFFF  }
0x6d: {  	_ =	shalt  }

</sc_bundles>
